<compile_context>
chip_gen: v7x
topology: tpu7x:2x2x1
jax: 0.10.2.dev20260603
libtpu: 0.0.44.dev20260713+nightly
codegen_flags: <defaults>
</compile_context>

<pallas_src>
import jax
import jax.numpy as jnp
from jax import lax
from jax.experimental import pallas as pl
from jax.experimental.pallas import tpu as pltpu
from jax.experimental.pallas import tpu_sc as plsc

NUM_CORES = 2
NUM_SUBCORES = 16
LANES = 16
NUM_WORKERS = NUM_CORES * NUM_SUBCORES

BATCH = 16384
DIM = 32
NENT = 1000000
BPW = BATCH // NUM_WORKERS
CHUNK = 128
NCHUNK = BPW // CHUNK
GROUPS = BPW // LANES

BLK = 512
NBLK = 63
EPW = NBLK * BLK
TAIL = NENT - 31 * EPW
OPAD = 33


def _transpose_body(ent_t_hbm, out_hbm,
                    in0, in1, out0, out1, tin, tout,
                    sem_i0, sem_i1, sem_o0, sem_o1):
    wid = lax.axis_index("s") * NUM_CORES + lax.axis_index("c")
    base = wid * EPW
    nf = jnp.where(wid < 31, NBLK, 0)
    iota = lax.iota(jnp.int32, LANES)

    ins = [in0, in1]
    outs = [out0, out1]
    isems = [sem_i0, sem_i1]
    osems = [sem_o0, sem_o1]

    def fire_in(b, p):
        eb = pl.multiple_of(base + b * BLK, BLK)
        pltpu.async_copy(ent_t_hbm.at[:, pl.ds(eb, BLK)], ins[p], isems[p])

    def drain_in(p):
        pltpu.make_async_copy(ent_t_hbm.at[:, pl.ds(0, BLK)], ins[p], isems[p]).wait()

    def fire_out(b, p):
        eb = pl.multiple_of(base + b * BLK, BLK)
        pltpu.async_copy(outs[p].at[:, pl.ds(0, DIM)],
                         out_hbm.at[pl.ds(eb, BLK)], osems[p])

    def drain_out(p):
        pltpu.make_async_copy(out_hbm.at[pl.ds(0, BLK)],
                              outs[p].at[:, pl.ds(0, DIM)], osems[p]).wait()

    def transpose_blk(p):
        in_v = ins[p]
        out_v = outs[p]

        def grp(g, carry):
            ent16 = g * LANES + iota
            sl = pl.ds(pl.multiple_of(g * LANES, LANES), LANES)
            for f in range(DIM):
                v = in_v[f, sl]
                fv = jnp.full((LANES,), f, jnp.int32)
                plsc.store_scatter(out_v, [ent16, fv], v)
            return carry

        lax.fori_loop(0, BLK // LANES, grp, 0)

    @pl.when(nf > 0)
    def _():
        fire_in(0, 0)
        fire_in(1, 1)

    def pair(k, carry):
        b0 = k * 2
        b1 = b0 + 1

        @pl.when(b0 < nf)
        def _():
            drain_in(0)

            @pl.when(b0 >= 2)
            def _():
                drain_out(0)

            transpose_blk(0)
            fire_out(b0, 0)

            @pl.when(b0 + 2 < nf)
            def _():
                fire_in(b0 + 2, 0)

        @pl.when(b1 < nf)
        def _():
            drain_in(1)

            @pl.when(b1 >= 2)
            def _():
                drain_out(1)

            transpose_blk(1)
            fire_out(b1, 1)

            @pl.when(b1 + 2 < nf)
            def _():
                fire_in(b1 + 2, 1)

        return carry

    lax.fori_loop(0, (NBLK + 1) // 2, pair, 0)

    @pl.when(nf > 0)
    def _():
        drain_out(0)
        drain_out(1)

    @pl.when(wid == 31)
    def _():
        def strip(s, carry):
            eb = pl.multiple_of(31 * EPW + s * LANES, LANES)
            pltpu.sync_copy(ent_t_hbm.at[:, pl.ds(eb, LANES)], tin)
            for f in range(DIM):
                v = tin[f, pl.ds(0, LANES)]
                fv = jnp.full((LANES,), f, jnp.int32)
                plsc.store_scatter(tout, [iota, fv], v)
            pltpu.sync_copy(tout.at[:, pl.ds(0, DIM)], out_hbm.at[pl.ds(eb, LANES)])
            return carry

        lax.fori_loop(0, TAIL // LANES, strip, 0)


def _score_body(h_hbm, r_hbm, t_hbm, ent_hbm, rel_hbm, out_hbm,
                h_v, r_v, t_v, he_v, re_v, te_v, out_v,
                sem_h, sem_r, sem_t):
    wid = lax.axis_index("s") * NUM_CORES + lax.axis_index("c")
    base = wid * BPW
    pltpu.sync_copy(h_hbm.at[pl.ds(base, BPW)], h_v)
    pltpu.sync_copy(r_hbm.at[pl.ds(base, BPW)], r_v)
    pltpu.sync_copy(t_hbm.at[pl.ds(base, BPW)], t_v)

    copies = []
    for c in range(NCHUNK):
        src = pl.ds(c * CHUNK, CHUNK)
        dst = pl.ds(c * CHUNK, CHUNK)
        copies.append(pltpu.async_copy(ent_hbm.at[h_v.at[src]], he_v.at[dst], sem_h))
        copies.append(pltpu.async_copy(rel_hbm.at[r_v.at[src]], re_v.at[dst], sem_r))
        copies.append(pltpu.async_copy(ent_hbm.at[t_v.at[src]], te_v.at[dst], sem_t))
    for cp in copies:
        cp.wait()

    iota = lax.iota(jnp.int32, LANES)

    def group(g, carry):
        row = iota + g * LANES
        acc = jnp.zeros((LANES,), jnp.float32)
        for j in range(DIM):
            col = lax.rem(iota + j, DIM)
            he = plsc.load_gather(he_v, [row, col])
            re = plsc.load_gather(re_v, [row, col])
            te = plsc.load_gather(te_v, [row, col])
            d = he + re - te
            acc = acc + d * d
        x = acc + 1e-12
        i = plsc.bitcast(x, jnp.int32)
        i = jnp.int32(0x5F3759DF) - (i >> 1)
        y = plsc.bitcast(i, jnp.float32)
        for _ in range(3):
            y = y * (1.5 - 0.5 * x * y * y)
        out_v[pl.ds(pl.multiple_of(g * LANES, LANES), LANES)] = -(x * y)
        return carry

    lax.fori_loop(0, GROUPS, group, 0)
    pltpu.sync_copy(out_v, out_hbm.at[pl.ds(base, BPW)])


def kernel(h, r, t, ent_emb, rel_emb):
    h = h.astype(jnp.int32)
    r = r.astype(jnp.int32)
    t = t.astype(jnp.int32)
    mesh = plsc.VectorSubcoreMesh(core_axis_name="c", subcore_axis_name="s")
    params = pltpu.CompilerParams(
        needs_layout_passes=False, use_tc_tiling_on_sc=False
    )

    transpose_fn = pl.kernel(
        _transpose_body,
        mesh=mesh,
        compiler_params=params,
        out_type=jax.ShapeDtypeStruct((NENT, DIM), jnp.float32),
        scratch_types=[
            pltpu.VMEM((DIM, BLK), jnp.float32),
            pltpu.VMEM((DIM, BLK), jnp.float32),
            pltpu.VMEM((BLK, OPAD), jnp.float32),
            pltpu.VMEM((BLK, OPAD), jnp.float32),
            pltpu.VMEM((DIM, LANES), jnp.float32),
            pltpu.VMEM((LANES, OPAD), jnp.float32),
            pltpu.SemaphoreType.DMA,
            pltpu.SemaphoreType.DMA,
            pltpu.SemaphoreType.DMA,
            pltpu.SemaphoreType.DMA,
        ],
    )
    ent_rm = transpose_fn(ent_emb.T)

    score_fn = pl.kernel(
        _score_body,
        mesh=mesh,
        compiler_params=params,
        out_type=jax.ShapeDtypeStruct((BATCH,), jnp.float32),
        scratch_types=[
            pltpu.VMEM((BPW,), jnp.int32),
            pltpu.VMEM((BPW,), jnp.int32),
            pltpu.VMEM((BPW,), jnp.int32),
            pltpu.VMEM((BPW, DIM), jnp.float32),
            pltpu.VMEM((BPW, DIM), jnp.float32),
            pltpu.VMEM((BPW, DIM), jnp.float32),
            pltpu.VMEM((BPW,), jnp.float32),
            pltpu.SemaphoreType.DMA,
            pltpu.SemaphoreType.DMA,
            pltpu.SemaphoreType.DMA,
        ],
    )
    return score_fn(h, r, t, ent_rm, rel_emb)

# --- scband reference (transcript-rebuilt; emitter-appended) ---
"""Pipeline reference for scband-base-kgemodel-54829552501199 (READ-ONLY COPY).

The authoritative reference and input builder live on the scoring server;
editing this copy changes nothing except your own understanding.
"""

import jax, jax.numpy as jnp
import numpy as np

NUM_ENTITIES = 1000000
NUM_RELATIONS = 1000
ENT_DIM = 32
REL_DIM = 32
BATCH = 16384


def setup_inputs(seed: int = 0) -> dict:
    key = jax.random.key(seed)
    k_h, k_r, k_t, k_e, k_rel = jax.random.split(key, 5)
    h = jax.random.randint(k_h, (BATCH,), 0, NUM_ENTITIES, dtype=jnp.int64 if jax.config.jax_enable_x64 else jnp.int32)
    r = jax.random.randint(k_r, (BATCH,), 0, NUM_RELATIONS, dtype=jnp.int64 if jax.config.jax_enable_x64 else jnp.int32)
    t = jax.random.randint(k_t, (BATCH,), 0, NUM_ENTITIES, dtype=jnp.int64 if jax.config.jax_enable_x64 else jnp.int32)
    bound_e = 6.0 / (ENT_DIM ** 0.5)
    bound_r = 6.0 / (REL_DIM ** 0.5)
    ent_emb = jax.random.uniform(k_e, (NUM_ENTITIES, ENT_DIM), minval=-bound_e, maxval=bound_e, dtype=jnp.float32)
    rel_emb = jax.random.uniform(k_rel, (NUM_RELATIONS, REL_DIM), minval=-bound_r, maxval=bound_r, dtype=jnp.float32)
    return {"h": h, "r": r, "t": t, "ent_emb": ent_emb, "rel_emb": rel_emb}


def reference(h, r, t, ent_emb, rel_emb):
    # Embedding lookups (the core memory-bound gathers of BaseKGEModel)
    he = jnp.take(ent_emb, h, axis=0)
    re = jnp.take(rel_emb, r, axis=0)
    te = jnp.take(ent_emb, t, axis=0)
    # TransE-style score (canonical concrete implementation of abstract score_triples):
    # higher is better -> negative L2 distance
    diff = he + re - te
    score = -jnp.sqrt(jnp.sum(diff * diff, axis=-1) + 1e-12)
    return score

if __name__ == "__main__":
    import jax
    _d = setup_inputs()
    print(jax.jit(kernel)(*tuple(_d.values())))

</pallas_src>

<mosaic_0001>
#map = affine_map<(d0, d1) -> (0)>
#map1 = affine_map<(d0, d1) -> (0, 0)>
module attributes {stable_mosaic.version = 14 : i64} {
  func.func @_score_body(%arg0: i32, %arg1: i32, %arg2: memref<16384xi32, #tpu.memory_space<hbm>>, %arg3: memref<16384xi32, #tpu.memory_space<hbm>>, %arg4: memref<16384xi32, #tpu.memory_space<hbm>>, %arg5: memref<1000000x32xf32, #tpu.memory_space<hbm>>, %arg6: memref<1000x32xf32, #tpu.memory_space<hbm>>, %arg7: memref<16384xf32, #tpu.memory_space<hbm>>, %arg8: memref<512xi32, #tpu.memory_space<vmem>>, %arg9: memref<512xi32, #tpu.memory_space<vmem>>, %arg10: memref<512xi32, #tpu.memory_space<vmem>>, %arg11: memref<512x32xf32, #tpu.memory_space<vmem>>, %arg12: memref<512x32xf32, #tpu.memory_space<vmem>>, %arg13: memref<512x32xf32, #tpu.memory_space<vmem>>, %arg14: memref<512xf32, #tpu.memory_space<vmem>>, %arg15: memref<!tpu.dma_semaphore, #tpu.memory_space<semaphore_mem>>, %arg16: memref<!tpu.dma_semaphore, #tpu.memory_space<semaphore_mem>>, %arg17: memref<!tpu.dma_semaphore, #tpu.memory_space<semaphore_mem>>) attributes {dimension_semantics = [#tpu.dimension_semantics<core_parallel>, #tpu.dimension_semantics<subcore_parallel>], iteration_bounds = array<i64: 2, 16>, scalar_prefetch = 0 : i64, scratch_operands = 10 : i64, tpu.core_type = #tpu.core_type<sc_vector_subcore>, window_params = [{transform_indices = #map}, {transform_indices = #map}, {transform_indices = #map}, {transform_indices = #map1}, {transform_indices = #map1}, {transform_indices = #map}]} {
    %mul3A = arith.constant 2 : i32
    %mul3A_0 = arith.muli %arg1, %mul3A : i32
    %add3A = arith.addi %mul3A_0, %arg0 : i32
    %mul3A_1 = arith.constant 512 : i32
    %mul3A_2 = arith.muli %add3A, %mul3A_1 : i32
    "tpu.region"() ({
      %run_scoped3A = tpu.sem_alloc : memref<!tpu.dma_semaphore, #tpu.memory_space<semaphore_mem>>
      %dma_start3A_198 = tpu.memref_slice %arg2[%mul3A_2] : memref<16384xi32, #tpu.memory_space<hbm>> -> memref<512xi32, #tpu.memory_space<hbm>>
      %dma_start3A_199 = tpu.memref_slice %arg2[%mul3A_2] : memref<16384xi32, #tpu.memory_space<hbm>> -> memref<512xi32, #tpu.memory_space<hbm>>
      tpu.enqueue_dma source(%dma_start3A_199 : memref<512xi32, #tpu.memory_space<hbm>>) target(%arg8 : memref<512xi32, #tpu.memory_space<vmem>>) target_semaphore(%run_scoped3A : memref<!tpu.dma_semaphore, #tpu.memory_space<semaphore_mem>>)
      %dma_wait3A_200 = tpu.memref_slice %arg2[%mul3A_2] : memref<16384xi32, #tpu.memory_space<hbm>> -> memref<512xi32, #tpu.memory_space<hbm>>
      %dma_wait3A_201 = tpu.memref_slice %arg2[%mul3A_2] : memref<16384xi32, #tpu.memory_space<hbm>> -> memref<512xi32, #tpu.memory_space<hbm>>
      tpu.wait_dma2 semaphore(%run_scoped3A : memref<!tpu.dma_semaphore, #tpu.memory_space<semaphore_mem>>) src(%dma_wait3A_201 : memref<512xi32, #tpu.memory_space<hbm>>) dst(%arg8 : memref<512xi32, #tpu.memory_space<vmem>>)
      tpu.yield
    }) : () -> ()
    "tpu.region"() ({
      %run_scoped3A = tpu.sem_alloc : memref<!tpu.dma_semaphore, #tpu.memory_space<semaphore_mem>>
      %dma_start3A_198 = tpu.memref_slice %arg3[%mul3A_2] : memref<16384xi32, #tpu.memory_space<hbm>> -> memref<512xi32, #tpu.memory_space<hbm>>
      %dma_start3A_199 = tpu.memref_slice %arg3[%mul3A_2] : memref<16384xi32, #tpu.memory_space<hbm>> -> memref<512xi32, #tpu.memory_space<hbm>>
      tpu.enqueue_dma source(%dma_start3A_199 : memref<512xi32, #tpu.memory_space<hbm>>) target(%arg9 : memref<512xi32, #tpu.memory_space<vmem>>) target_semaphore(%run_scoped3A : memref<!tpu.dma_semaphore, #tpu.memory_space<semaphore_mem>>)
      %dma_wait3A_200 = tpu.memref_slice %arg3[%mul3A_2] : memref<16384xi32, #tpu.memory_space<hbm>> -> memref<512xi32, #tpu.memory_space<hbm>>
      %dma_wait3A_201 = tpu.memref_slice %arg3[%mul3A_2] : memref<16384xi32, #tpu.memory_space<hbm>> -> memref<512xi32, #tpu.memory_space<hbm>>
      tpu.wait_dma2 semaphore(%run_scoped3A : memref<!tpu.dma_semaphore, #tpu.memory_space<semaphore_mem>>) src(%dma_wait3A_201 : memref<512xi32, #tpu.memory_space<hbm>>) dst(%arg9 : memref<512xi32, #tpu.memory_space<vmem>>)
      tpu.yield
    }) : () -> ()
    "tpu.region"() ({
      %run_scoped3A = tpu.sem_alloc : memref<!tpu.dma_semaphore, #tpu.memory_space<semaphore_mem>>
      %dma_start3A_198 = tpu.memref_slice %arg4[%mul3A_2] : memref<16384xi32, #tpu.memory_space<hbm>> -> memref<512xi32, #tpu.memory_space<hbm>>
      %dma_start3A_199 = tpu.memref_slice %arg4[%mul3A_2] : memref<16384xi32, #tpu.memory_space<hbm>> -> memref<512xi32, #tpu.memory_space<hbm>>
      tpu.enqueue_dma source(%dma_start3A_199 : memref<512xi32, #tpu.memory_space<hbm>>) target(%arg10 : memref<512xi32, #tpu.memory_space<vmem>>) target_semaphore(%run_scoped3A : memref<!tpu.dma_semaphore, #tpu.memory_space<semaphore_mem>>)
      %dma_wait3A_200 = tpu.memref_slice %arg4[%mul3A_2] : memref<16384xi32, #tpu.memory_space<hbm>> -> memref<512xi32, #tpu.memory_space<hbm>>
      %dma_wait3A_201 = tpu.memref_slice %arg4[%mul3A_2] : memref<16384xi32, #tpu.memory_space<hbm>> -> memref<512xi32, #tpu.memory_space<hbm>>
      tpu.wait_dma2 semaphore(%run_scoped3A : memref<!tpu.dma_semaphore, #tpu.memory_space<semaphore_mem>>) src(%dma_wait3A_201 : memref<512xi32, #tpu.memory_space<hbm>>) dst(%arg10 : memref<512xi32, #tpu.memory_space<vmem>>)
      tpu.yield
    }) : () -> ()
    %dma_start3A = arith.constant 0 : i32
    %dma_start3A_3 = arith.constant 0 : i32
    %dma_start3A_4 = tpu.memref_slice %arg11[%dma_start3A, %dma_start3A_3] : memref<512x32xf32, #tpu.memory_space<vmem>> -> memref<128x32xf32, #tpu.memory_space<vmem>>
    %dma_start3A_5 = arith.constant 0 : i32
    %dma_start3A_6 = tpu.memref_slice %arg8[%dma_start3A_5] : memref<512xi32, #tpu.memory_space<vmem>> -> memref<128xi32, #tpu.memory_space<vmem>>
    %dma_start3A_7 = arith.constant 0 : i32
    %dma_start3A_8 = arith.constant 0 : i32
    %dma_start3A_9 = tpu.memref_slice %arg5[%dma_start3A_7, %dma_start3A_8] : memref<1000000x32xf32, #tpu.memory_space<hbm>> -> memref<1000000x32xf32, #tpu.memory_space<hbm>>
    tpu.enqueue_indirect_dma source(%dma_start3A_9 : memref<1000000x32xf32, #tpu.memory_space<hbm>>) target(%dma_start3A_4 : memref<128x32xf32, #tpu.memory_space<vmem>>) offsets(%dma_start3A_6 : memref<128xi32, #tpu.memory_space<vmem>>) semaphore(%arg15 : memref<!tpu.dma_semaphore, #tpu.memory_space<semaphore_mem>>)
    %dma_start3A_10 = arith.constant 0 : i32
    %dma_start3A_11 = arith.constant 0 : i32
    %dma_start3A_12 = tpu.memref_slice %arg12[%dma_start3A_10, %dma_start3A_11] : memref<512x32xf32, #tpu.memory_space<vmem>> -> memref<128x32xf32, #tpu.memory_space<vmem>>
    %dma_start3A_13 = arith.constant 0 : i32
    %dma_start3A_14 = tpu.memref_slice %arg9[%dma_start3A_13] : memref<512xi32, #tpu.memory_space<vmem>> -> memref<128xi32, #tpu.memory_space<vmem>>
    %dma_start3A_15 = arith.constant 0 : i32
    %dma_start3A_16 = arith.constant 0 : i32
    %dma_start3A_17 = tpu.memref_slice %arg6[%dma_start3A_15, %dma_start3A_16] : memref<1000x32xf32, #tpu.memory_space<hbm>> -> memref<1000x32xf32, #tpu.memory_space<hbm>>
    tpu.enqueue_indirect_dma source(%dma_start3A_17 : memref<1000x32xf32, #tpu.memory_space<hbm>>) target(%dma_start3A_12 : memref<128x32xf32, #tpu.memory_space<vmem>>) offsets(%dma_start3A_14 : memref<128xi32, #tpu.memory_space<vmem>>) semaphore(%arg16 : memref<!tpu.dma_semaphore, #tpu.memory_space<semaphore_mem>>)
    %dma_start3A_18 = arith.constant 0 : i32
    %dma_start3A_19 = arith.constant 0 : i32
    %dma_start3A_20 = tpu.memref_slice %arg13[%dma_start3A_18, %dma_start3A_19] : memref<512x32xf32, #tpu.memory_space<vmem>> -> memref<128x32xf32, #tpu.memory_space<vmem>>
    %dma_start3A_21 = arith.constant 0 : i32
    %dma_start3A_22 = tpu.memref_slice %arg10[%dma_start3A_21] : memref<512xi32, #tpu.memory_space<vmem>> -> memref<128xi32, #tpu.memory_space<vmem>>
    %dma_start3A_23 = arith.constant 0 : i32
    %dma_start3A_24 = arith.constant 0 : i32
    %dma_start3A_25 = tpu.memref_slice %arg5[%dma_start3A_23, %dma_start3A_24] : memref<1000000x32xf32, #tpu.memory_space<hbm>> -> memref<1000000x32xf32, #tpu.memory_space<hbm>>
    tpu.enqueue_indirect_dma source(%dma_start3A_25 : memref<1000000x32xf32, #tpu.memory_space<hbm>>) target(%dma_start3A_20 : memref<128x32xf32, #tpu.memory_space<vmem>>) offsets(%dma_start3A_22 : memref<128xi32, #tpu.memory_space<vmem>>) semaphore(%arg17 : memref<!tpu.dma_semaphore, #tpu.memory_space<semaphore_mem>>)
    %dma_start3A_26 = arith.constant 128 : i32
    %dma_start3A_27 = arith.constant 0 : i32
    %dma_start3A_28 = tpu.memref_slice %arg11[%dma_start3A_26, %dma_start3A_27] : memref<512x32xf32, #tpu.memory_space<vmem>> -> memref<128x32xf32, #tpu.memory_space<vmem>>
    %dma_start3A_29 = arith.constant 128 : i32
    %dma_start3A_30 = tpu.memref_slice %arg8[%dma_start3A_29] : memref<512xi32, #tpu.memory_space<vmem>> -> memref<128xi32, #tpu.memory_space<vmem>>
    %dma_start3A_31 = arith.constant 0 : i32
    %dma_start3A_32 = arith.constant 0 : i32
    %dma_start3A_33 = tpu.memref_slice %arg5[%dma_start3A_31, %dma_start3A_32] : memref<1000000x32xf32, #tpu.memory_space<hbm>> -> memref<1000000x32xf32, #tpu.memory_space<hbm>>
    tpu.enqueue_indirect_dma source(%dma_start3A_33 : memref<1000000x32xf32, #tpu.memory_space<hbm>>) target(%dma_start3A_28 : memref<128x32xf32, #tpu.memory_space<vmem>>) offsets(%dma_start3A_30 : memref<128xi32, #tpu.memory_space<vmem>>) semaphore(%arg15 : memref<!tpu.dma_semaphore, #tpu.memory_space<semaphore_mem>>)
    %dma_start3A_34 = arith.constant 128 : i32
    %dma_start3A_35 = arith.constant 0 : i32
    %dma_start3A_36 = tpu.memref_slice %arg12[%dma_start3A_34, %dma_start3A_35] : memref<512x32xf32, #tpu.memory_space<vmem>> -> memref<128x32xf32, #tpu.memory_space<vmem>>
    %dma_start3A_37 = arith.constant 128 : i32
    %dma_start3A_38 = tpu.memref_slice %arg9[%dma_start3A_37] : memref<512xi32, #tpu.memory_space<vmem>> -> memref<128xi32, #tpu.memory_space<vmem>>
    %dma_start3A_39 = arith.constant 0 : i32
    %dma_start3A_40 = arith.constant 0 : i32
    %dma_start3A_41 = tpu.memref_slice %arg6[%dma_start3A_39, %dma_start3A_40] : memref<1000x32xf32, #tpu.memory_space<hbm>> -> memref<1000x32xf32, #tpu.memory_space<hbm>>
    tpu.enqueue_indirect_dma source(%dma_start3A_41 : memref<1000x32xf32, #tpu.memory_space<hbm>>) target(%dma_start3A_36 : memref<128x32xf32, #tpu.memory_space<vmem>>) offsets(%dma_start3A_38 : memref<128xi32, #tpu.memory_space<vmem>>) semaphore(%arg16 : memref<!tpu.dma_semaphore, #tpu.memory_space<semaphore_mem>>)
    %dma_start3A_42 = arith.constant 128 : i32
    %dma_start3A_43 = arith.constant 0 : i32
    %dma_start3A_44 = tpu.memref_slice %arg13[%dma_start3A_42, %dma_start3A_43] : memref<512x32xf32, #tpu.memory_space<vmem>> -> memref<128x32xf32, #tpu.memory_space<vmem>>
    %dma_start3A_45 = arith.constant 128 : i32
    %dma_start3A_46 = tpu.memref_slice %arg10[%dma_start3A_45] : memref<512xi32, #tpu.memory_space<vmem>> -> memref<128xi32, #tpu.memory_space<vmem>>
    %dma_start3A_47 = arith.constant 0 : i32
    %dma_start3A_48 = arith.constant 0 : i32
    %dma_start3A_49 = tpu.memref_slice %arg5[%dma_start3A_47, %dma_start3A_48] : memref<1000000x32xf32, #tpu.memory_space<hbm>> -> memref<1000000x32xf32, #tpu.memory_space<hbm>>
    tpu.enqueue_indirect_dma source(%dma_start3A_49 : memref<1000000x32xf32, #tpu.memory_space<hbm>>) target(%dma_start3A_44 : memref<128x32xf32, #tpu.memory_space<vmem>>) offsets(%dma_start3A_46 : memref<128xi32, #tpu.memory_space<vmem>>) semaphore(%arg17 : memref<!tpu.dma_semaphore, #tpu.memory_space<semaphore_mem>>)
    %dma_start3A_50 = arith.constant 256 : i32
    %dma_start3A_51 = arith.constant 0 : i32
    %dma_start3A_52 = tpu.memref_slice %arg11[%dma_start3A_50, %dma_start3A_51] : memref<512x32xf32, #tpu.memory_space<vmem>> -> memref<128x32xf32, #tpu.memory_space<vmem>>
    %dma_start3A_53 = arith.constant 256 : i32
    %dma_start3A_54 = tpu.memref_slice %arg8[%dma_start3A_53] : memref<512xi32, #tpu.memory_space<vmem>> -> memref<128xi32, #tpu.memory_space<vmem>>
    %dma_start3A_55 = arith.constant 0 : i32
    %dma_start3A_56 = arith.constant 0 : i32
    %dma_start3A_57 = tpu.memref_slice %arg5[%dma_start3A_55, %dma_start3A_56] : memref<1000000x32xf32, #tpu.memory_space<hbm>> -> memref<1000000x32xf32, #tpu.memory_space<hbm>>
    tpu.enqueue_indirect_dma source(%dma_start3A_57 : memref<1000000x32xf32, #tpu.memory_space<hbm>>) target(%dma_start3A_52 : memref<128x32xf32, #tpu.memory_space<vmem>>) offsets(%dma_start3A_54 : memref<128xi32, #tpu.memory_space<vmem>>) semaphore(%arg15 : memref<!tpu.dma_semaphore, #tpu.memory_space<semaphore_mem>>)
    %dma_start3A_58 = arith.constant 256 : i32
    %dma_start3A_59 = arith.constant 0 : i32
    %dma_start3A_60 = tpu.memref_slice %arg12[%dma_start3A_58, %dma_start3A_59] : memref<512x32xf32, #tpu.memory_space<vmem>> -> memref<128x32xf32, #tpu.memory_space<vmem>>
    %dma_start3A_61 = arith.constant 256 : i32
    %dma_start3A_62 = tpu.memref_slice %arg9[%dma_start3A_61] : memref<512xi32, #tpu.memory_space<vmem>> -> memref<128xi32, #tpu.memory_space<vmem>>
    %dma_start3A_63 = arith.constant 0 : i32
    %dma_start3A_64 = arith.constant 0 : i32
    %dma_start3A_65 = tpu.memref_slice %arg6[%dma_start3A_63, %dma_start3A_64] : memref<1000x32xf32, #tpu.memory_space<hbm>> -> memref<1000x32xf32, #tpu.memory_space<hbm>>
    tpu.enqueue_indirect_dma source(%dma_start3A_65 : memref<1000x32xf32, #tpu.memory_space<hbm>>) target(%dma_start3A_60 : memref<128x32xf32, #tpu.memory_space<vmem>>) offsets(%dma_start3A_62 : memref<128xi32, #tpu.memory_space<vmem>>) semaphore(%arg16 : memref<!tpu.dma_semaphore, #tpu.memory_space<semaphore_mem>>)
    %dma_start3A_66 = arith.constant 256 : i32
    %dma_start3A_67 = arith.constant 0 : i32
    %dma_start3A_68 = tpu.memref_slice %arg13[%dma_start3A_66, %dma_start3A_67] : memref<512x32xf32, #tpu.memory_space<vmem>> -> memref<128x32xf32, #tpu.memory_space<vmem>>
    %dma_start3A_69 = arith.constant 256 : i32
    %dma_start3A_70 = tpu.memref_slice %arg10[%dma_start3A_69] : memref<512xi32, #tpu.memory_space<vmem>> -> memref<128xi32, #tpu.memory_space<vmem>>
    %dma_start3A_71 = arith.constant 0 : i32
    %dma_start3A_72 = arith.constant 0 : i32
    %dma_start3A_73 = tpu.memref_slice %arg5[%dma_start3A_71, %dma_start3A_72] : memref<1000000x32xf32, #tpu.memory_space<hbm>> -> memref<1000000x32xf32, #tpu.memory_space<hbm>>
    tpu.enqueue_indirect_dma source(%dma_start3A_73 : memref<1000000x32xf32, #tpu.memory_space<hbm>>) target(%dma_start3A_68 : memref<128x32xf32, #tpu.memory_space<vmem>>) offsets(%dma_start3A_70 : memref<128xi32, #tpu.memory_space<vmem>>) semaphore(%arg17 : memref<!tpu.dma_semaphore, #tpu.memory_space<semaphore_mem>>)
    %dma_start3A_74 = arith.constant 384 : i32
    %dma_start3A_75 = arith.constant 0 : i32
    %dma_start3A_76 = tpu.memref_slice %arg11[%dma_start3A_74, %dma_start3A_75] : memref<512x32xf32, #tpu.memory_space<vmem>> -> memref<128x32xf32, #tpu.memory_space<vmem>>
    %dma_start3A_77 = arith.constant 384 : i32
    %dma_start3A_78 = tpu.memref_slice %arg8[%dma_start3A_77] : memref<512xi32, #tpu.memory_space<vmem>> -> memref<128xi32, #tpu.memory_space<vmem>>
    %dma_start3A_79 = arith.constant 0 : i32
    %dma_start3A_80 = arith.constant 0 : i32
    %dma_start3A_81 = tpu.memref_slice %arg5[%dma_start3A_79, %dma_start3A_80] : memref<1000000x32xf32, #tpu.memory_space<hbm>> -> memref<1000000x32xf32, #tpu.memory_space<hbm>>
    tpu.enqueue_indirect_dma source(%dma_start3A_81 : memref<1000000x32xf32, #tpu.memory_space<hbm>>) target(%dma_start3A_76 : memref<128x32xf32, #tpu.memory_space<vmem>>) offsets(%dma_start3A_78 : memref<128xi32, #tpu.memory_space<vmem>>) semaphore(%arg15 : memref<!tpu.dma_semaphore, #tpu.memory_space<semaphore_mem>>)
    %dma_start3A_82 = arith.constant 384 : i32
    %dma_start3A_83 = arith.constant 0 : i32
    %dma_start3A_84 = tpu.memref_slice %arg12[%dma_start3A_82, %dma_start3A_83] : memref<512x32xf32, #tpu.memory_space<vmem>> -> memref<128x32xf32, #tpu.memory_space<vmem>>
    %dma_start3A_85 = arith.constant 384 : i32
    %dma_start3A_86 = tpu.memref_slice %arg9[%dma_start3A_85] : memref<512xi32, #tpu.memory_space<vmem>> -> memref<128xi32, #tpu.memory_space<vmem>>
    %dma_start3A_87 = arith.constant 0 : i32
    %dma_start3A_88 = arith.constant 0 : i32
    %dma_start3A_89 = tpu.memref_slice %arg6[%dma_start3A_87, %dma_start3A_88] : memref<1000x32xf32, #tpu.memory_space<hbm>> -> memref<1000x32xf32, #tpu.memory_space<hbm>>
    tpu.enqueue_indirect_dma source(%dma_start3A_89 : memref<1000x32xf32, #tpu.memory_space<hbm>>) target(%dma_start3A_84 : memref<128x32xf32, #tpu.memory_space<vmem>>) offsets(%dma_start3A_86 : memref<128xi32, #tpu.memory_space<vmem>>) semaphore(%arg16 : memref<!tpu.dma_semaphore, #tpu.memory_space<semaphore_mem>>)
    %dma_start3A_90 = arith.constant 384 : i32
    %dma_start3A_91 = arith.constant 0 : i32
    %dma_start3A_92 = tpu.memref_slice %arg13[%dma_start3A_90, %dma_start3A_91] : memref<512x32xf32, #tpu.memory_space<vmem>> -> memref<128x32xf32, #tpu.memory_space<vmem>>
    %dma_start3A_93 = arith.constant 384 : i32
    %dma_start3A_94 = tpu.memref_slice %arg10[%dma_start3A_93] : memref<512xi32, #tpu.memory_space<vmem>> -> memref<128xi32, #tpu.memory_space<vmem>>
    %dma_start3A_95 = arith.constant 0 : i32
    %dma_start3A_96 = arith.constant 0 : i32
    %dma_start3A_97 = tpu.memref_slice %arg5[%dma_start3A_95, %dma_start3A_96] : memref<1000000x32xf32, #tpu.memory_space<hbm>> -> memref<1000000x32xf32, #tpu.memory_space<hbm>>
    tpu.enqueue_indirect_dma source(%dma_start3A_97 : memref<1000000x32xf32, #tpu.memory_space<hbm>>) target(%dma_start3A_92 : memref<128x32xf32, #tpu.memory_space<vmem>>) offsets(%dma_start3A_94 : memref<128xi32, #tpu.memory_space<vmem>>) semaphore(%arg17 : memref<!tpu.dma_semaphore, #tpu.memory_space<semaphore_mem>>)
    %dma_wait3A = arith.constant 0 : i32
    %dma_wait3A_98 = arith.constant 0 : i32
    %dma_wait3A_99 = tpu.memref_slice %arg11[%dma_wait3A, %dma_wait3A_98] : memref<512x32xf32, #tpu.memory_space<vmem>> -> memref<128x32xf32, #tpu.memory_space<vmem>>
    %dma_wait3A_100 = arith.constant 0 : i32
    %dma_wait3A_101 = tpu.memref_slice %arg8[%dma_wait3A_100] : memref<512xi32, #tpu.memory_space<vmem>> -> memref<128xi32, #tpu.memory_space<vmem>>
    %dma_wait3A_102 = arith.constant 0 : i32
    %dma_wait3A_103 = arith.constant 0 : i32
    %dma_wait3A_104 = tpu.memref_slice %arg5[%dma_wait3A_102, %dma_wait3A_103] : memref<1000000x32xf32, #tpu.memory_space<hbm>> -> memref<1000000x32xf32, #tpu.memory_space<hbm>>
    tpu.wait_indirect_dma semaphore(%arg15 : memref<!tpu.dma_semaphore, #tpu.memory_space<semaphore_mem>>) src(%dma_wait3A_104 : memref<1000000x32xf32, #tpu.memory_space<hbm>>) dst(%dma_wait3A_99 : memref<128x32xf32, #tpu.memory_space<vmem>>)
    %dma_wait3A_105 = arith.constant 0 : i32
    %dma_wait3A_106 = arith.constant 0 : i32
    %dma_wait3A_107 = tpu.memref_slice %arg12[%dma_wait3A_105, %dma_wait3A_106] : memref<512x32xf32, #tpu.memory_space<vmem>> -> memref<128x32xf32, #tpu.memory_space<vmem>>
    %dma_wait3A_108 = arith.constant 0 : i32
    %dma_wait3A_109 = tpu.memref_slice %arg9[%dma_wait3A_108] : memref<512xi32, #tpu.memory_space<vmem>> -> memref<128xi32, #tpu.memory_space<vmem>>
    %dma_wait3A_110 = arith.constant 0 : i32
    %dma_wait3A_111 = arith.constant 0 : i32
    %dma_wait3A_112 = tpu.memref_slice %arg6[%dma_wait3A_110, %dma_wait3A_111] : memref<1000x32xf32, #tpu.memory_space<hbm>> -> memref<1000x32xf32, #tpu.memory_space<hbm>>
    tpu.wait_indirect_dma semaphore(%arg16 : memref<!tpu.dma_semaphore, #tpu.memory_space<semaphore_mem>>) src(%dma_wait3A_112 : memref<1000x32xf32, #tpu.memory_space<hbm>>) dst(%dma_wait3A_107 : memref<128x32xf32, #tpu.memory_space<vmem>>)
    %dma_wait3A_113 = arith.constant 0 : i32
    %dma_wait3A_114 = arith.constant 0 : i32
    %dma_wait3A_115 = tpu.memref_slice %arg13[%dma_wait3A_113, %dma_wait3A_114] : memref<512x32xf32, #tpu.memory_space<vmem>> -> memref<128x32xf32, #tpu.memory_space<vmem>>
    %dma_wait3A_116 = arith.constant 0 : i32
    %dma_wait3A_117 = tpu.memref_slice %arg10[%dma_wait3A_116] : memref<512xi32, #tpu.memory_space<vmem>> -> memref<128xi32, #tpu.memory_space<vmem>>
    %dma_wait3A_118 = arith.constant 0 : i32
    %dma_wait3A_119 = arith.constant 0 : i32
    %dma_wait3A_120 = tpu.memref_slice %arg5[%dma_wait3A_118, %dma_wait3A_119] : memref<1000000x32xf32, #tpu.memory_space<hbm>> -> memref<1000000x32xf32, #tpu.memory_space<hbm>>
    tpu.wait_indirect_dma semaphore(%arg17 : memref<!tpu.dma_semaphore, #tpu.memory_space<semaphore_mem>>) src(%dma_wait3A_120 : memref<1000000x32xf32, #tpu.memory_space<hbm>>) dst(%dma_wait3A_115 : memref<128x32xf32, #tpu.memory_space<vmem>>)
    %dma_wait3A_121 = arith.constant 128 : i32
    %dma_wait3A_122 = arith.constant 0 : i32
    %dma_wait3A_123 = tpu.memref_slice %arg11[%dma_wait3A_121, %dma_wait3A_122] : memref<512x32xf32, #tpu.memory_space<vmem>> -> memref<128x32xf32, #tpu.memory_space<vmem>>
    %dma_wait3A_124 = arith.constant 128 : i32
    %dma_wait3A_125 = tpu.memref_slice %arg8[%dma_wait3A_124] : memref<512xi32, #tpu.memory_space<vmem>> -> memref<128xi32, #tpu.memory_space<vmem>>
    %dma_wait3A_126 = arith.constant 0 : i32
    %dma_wait3A_127 = arith.constant 0 : i32
    %dma_wait3A_128 = tpu.memref_slice %arg5[%dma_wait3A_126, %dma_wait3A_127] : memref<1000000x32xf32, #tpu.memory_space<hbm>> -> memref<1000000x32xf32, #tpu.memory_space<hbm>>
    tpu.wait_indirect_dma semaphore(%arg15 : memref<!tpu.dma_semaphore, #tpu.memory_space<semaphore_mem>>) src(%dma_wait3A_128 : memref<1000000x32xf32, #tpu.memory_space<hbm>>) dst(%dma_wait3A_123 : memref<128x32xf32, #tpu.memory_space<vmem>>)
    %dma_wait3A_129 = arith.constant 128 : i32
    %dma_wait3A_130 = arith.constant 0 : i32
    %dma_wait3A_131 = tpu.memref_slice %arg12[%dma_wait3A_129, %dma_wait3A_130] : memref<512x32xf32, #tpu.memory_space<vmem>> -> memref<128x32xf32, #tpu.memory_space<vmem>>
    %dma_wait3A_132 = arith.constant 128 : i32
    %dma_wait3A_133 = tpu.memref_slice %arg9[%dma_wait3A_132] : memref<512xi32, #tpu.memory_space<vmem>> -> memref<128xi32, #tpu.memory_space<vmem>>
    %dma_wait3A_134 = arith.constant 0 : i32
    %dma_wait3A_135 = arith.constant 0 : i32
    %dma_wait3A_136 = tpu.memref_slice %arg6[%dma_wait3A_134, %dma_wait3A_135] : memref<1000x32xf32, #tpu.memory_space<hbm>> -> memref<1000x32xf32, #tpu.memory_space<hbm>>
    tpu.wait_indirect_dma semaphore(%arg16 : memref<!tpu.dma_semaphore, #tpu.memory_space<semaphore_mem>>) src(%dma_wait3A_136 : memref<1000x32xf32, #tpu.memory_space<hbm>>) dst(%dma_wait3A_131 : memref<128x32xf32, #tpu.memory_space<vmem>>)
    %dma_wait3A_137 = arith.constant 128 : i32
    %dma_wait3A_138 = arith.constant 0 : i32
    %dma_wait3A_139 = tpu.memref_slice %arg13[%dma_wait3A_137, %dma_wait3A_138] : memref<512x32xf32, #tpu.memory_space<vmem>> -> memref<128x32xf32, #tpu.memory_space<vmem>>
    %dma_wait3A_140 = arith.constant 128 : i32
    %dma_wait3A_141 = tpu.memref_slice %arg10[%dma_wait3A_140] : memref<512xi32, #tpu.memory_space<vmem>> -> memref<128xi32, #tpu.memory_space<vmem>>
    %dma_wait3A_142 = arith.constant 0 : i32
    %dma_wait3A_143 = arith.constant 0 : i32
    %dma_wait3A_144 = tpu.memref_slice %arg5[%dma_wait3A_142, %dma_wait3A_143] : memref<1000000x32xf32, #tpu.memory_space<hbm>> -> memref<1000000x32xf32, #tpu.memory_space<hbm>>
    tpu.wait_indirect_dma semaphore(%arg17 : memref<!tpu.dma_semaphore, #tpu.memory_space<semaphore_mem>>) src(%dma_wait3A_144 : memref<1000000x32xf32, #tpu.memory_space<hbm>>) dst(%dma_wait3A_139 : memref<128x32xf32, #tpu.memory_space<vmem>>)
    %dma_wait3A_145 = arith.constant 256 : i32
    %dma_wait3A_146 = arith.constant 0 : i32
    %dma_wait3A_147 = tpu.memref_slice %arg11[%dma_wait3A_145, %dma_wait3A_146] : memref<512x32xf32, #tpu.memory_space<vmem>> -> memref<128x32xf32, #tpu.memory_space<vmem>>
    %dma_wait3A_148 = arith.constant 256 : i32
    %dma_wait3A_149 = tpu.memref_slice %arg8[%dma_wait3A_148] : memref<512xi32, #tpu.memory_space<vmem>> -> memref<128xi32, #tpu.memory_space<vmem>>
    %dma_wait3A_150 = arith.constant 0 : i32
    %dma_wait3A_151 = arith.constant 0 : i32
    %dma_wait3A_152 = tpu.memref_slice %arg5[%dma_wait3A_150, %dma_wait3A_151] : memref<1000000x32xf32, #tpu.memory_space<hbm>> -> memref<1000000x32xf32, #tpu.memory_space<hbm>>
    tpu.wait_indirect_dma semaphore(%arg15 : memref<!tpu.dma_semaphore, #tpu.memory_space<semaphore_mem>>) src(%dma_wait3A_152 : memref<1000000x32xf32, #tpu.memory_space<hbm>>) dst(%dma_wait3A_147 : memref<128x32xf32, #tpu.memory_space<vmem>>)
    %dma_wait3A_153 = arith.constant 256 : i32
    %dma_wait3A_154 = arith.constant 0 : i32
    %dma_wait3A_155 = tpu.memref_slice %arg12[%dma_wait3A_153, %dma_wait3A_154] : memref<512x32xf32, #tpu.memory_space<vmem>> -> memref<128x32xf32, #tpu.memory_space<vmem>>
    %dma_wait3A_156 = arith.constant 256 : i32
    %dma_wait3A_157 = tpu.memref_slice %arg9[%dma_wait3A_156] : memref<512xi32, #tpu.memory_space<vmem>> -> memref<128xi32, #tpu.memory_space<vmem>>
    %dma_wait3A_158 = arith.constant 0 : i32
    %dma_wait3A_159 = arith.constant 0 : i32
    %dma_wait3A_160 = tpu.memref_slice %arg6[%dma_wait3A_158, %dma_wait3A_159] : memref<1000x32xf32, #tpu.memory_space<hbm>> -> memref<1000x32xf32, #tpu.memory_space<hbm>>
    tpu.wait_indirect_dma semaphore(%arg16 : memref<!tpu.dma_semaphore, #tpu.memory_space<semaphore_mem>>) src(%dma_wait3A_160 : memref<1000x32xf32, #tpu.memory_space<hbm>>) dst(%dma_wait3A_155 : memref<128x32xf32, #tpu.memory_space<vmem>>)
    %dma_wait3A_161 = arith.constant 256 : i32
    %dma_wait3A_162 = arith.constant 0 : i32
    %dma_wait3A_163 = tpu.memref_slice %arg13[%dma_wait3A_161, %dma_wait3A_162] : memref<512x32xf32, #tpu.memory_space<vmem>> -> memref<128x32xf32, #tpu.memory_space<vmem>>
    %dma_wait3A_164 = arith.constant 256 : i32
    %dma_wait3A_165 = tpu.memref_slice %arg10[%dma_wait3A_164] : memref<512xi32, #tpu.memory_space<vmem>> -> memref<128xi32, #tpu.memory_space<vmem>>
    %dma_wait3A_166 = arith.constant 0 : i32
    %dma_wait3A_167 = arith.constant 0 : i32
    %dma_wait3A_168 = tpu.memref_slice %arg5[%dma_wait3A_166, %dma_wait3A_167] : memref<1000000x32xf32, #tpu.memory_space<hbm>> -> memref<1000000x32xf32, #tpu.memory_space<hbm>>
    tpu.wait_indirect_dma semaphore(%arg17 : memref<!tpu.dma_semaphore, #tpu.memory_space<semaphore_mem>>) src(%dma_wait3A_168 : memref<1000000x32xf32, #tpu.memory_space<hbm>>) dst(%dma_wait3A_163 : memref<128x32xf32, #tpu.memory_space<vmem>>)
    %dma_wait3A_169 = arith.constant 384 : i32
    %dma_wait3A_170 = arith.constant 0 : i32
    %dma_wait3A_171 = tpu.memref_slice %arg11[%dma_wait3A_169, %dma_wait3A_170] : memref<512x32xf32, #tpu.memory_space<vmem>> -> memref<128x32xf32, #tpu.memory_space<vmem>>
    %dma_wait3A_172 = arith.constant 384 : i32
    %dma_wait3A_173 = tpu.memref_slice %arg8[%dma_wait3A_172] : memref<512xi32, #tpu.memory_space<vmem>> -> memref<128xi32, #tpu.memory_space<vmem>>
    %dma_wait3A_174 = arith.constant 0 : i32
    %dma_wait3A_175 = arith.constant 0 : i32
    %dma_wait3A_176 = tpu.memref_slice %arg5[%dma_wait3A_174, %dma_wait3A_175] : memref<1000000x32xf32, #tpu.memory_space<hbm>> -> memref<1000000x32xf32, #tpu.memory_space<hbm>>
    tpu.wait_indirect_dma semaphore(%arg15 : memref<!tpu.dma_semaphore, #tpu.memory_space<semaphore_mem>>) src(%dma_wait3A_176 : memref<1000000x32xf32, #tpu.memory_space<hbm>>) dst(%dma_wait3A_171 : memref<128x32xf32, #tpu.memory_space<vmem>>)
    %dma_wait3A_177 = arith.constant 384 : i32
    %dma_wait3A_178 = arith.constant 0 : i32
    %dma_wait3A_179 = tpu.memref_slice %arg12[%dma_wait3A_177, %dma_wait3A_178] : memref<512x32xf32, #tpu.memory_space<vmem>> -> memref<128x32xf32, #tpu.memory_space<vmem>>
    %dma_wait3A_180 = arith.constant 384 : i32
    %dma_wait3A_181 = tpu.memref_slice %arg9[%dma_wait3A_180] : memref<512xi32, #tpu.memory_space<vmem>> -> memref<128xi32, #tpu.memory_space<vmem>>
    %dma_wait3A_182 = arith.constant 0 : i32
    %dma_wait3A_183 = arith.constant 0 : i32
    %dma_wait3A_184 = tpu.memref_slice %arg6[%dma_wait3A_182, %dma_wait3A_183] : memref<1000x32xf32, #tpu.memory_space<hbm>> -> memref<1000x32xf32, #tpu.memory_space<hbm>>
    tpu.wait_indirect_dma semaphore(%arg16 : memref<!tpu.dma_semaphore, #tpu.memory_space<semaphore_mem>>) src(%dma_wait3A_184 : memref<1000x32xf32, #tpu.memory_space<hbm>>) dst(%dma_wait3A_179 : memref<128x32xf32, #tpu.memory_space<vmem>>)
    %dma_wait3A_185 = arith.constant 384 : i32
    %dma_wait3A_186 = arith.constant 0 : i32
    %dma_wait3A_187 = tpu.memref_slice %arg13[%dma_wait3A_185, %dma_wait3A_186] : memref<512x32xf32, #tpu.memory_space<vmem>> -> memref<128x32xf32, #tpu.memory_space<vmem>>
    %dma_wait3A_188 = arith.constant 384 : i32
    %dma_wait3A_189 = tpu.memref_slice %arg10[%dma_wait3A_188] : memref<512xi32, #tpu.memory_space<vmem>> -> memref<128xi32, #tpu.memory_space<vmem>>
    %dma_wait3A_190 = arith.constant 0 : i32
    %dma_wait3A_191 = arith.constant 0 : i32
    %dma_wait3A_192 = tpu.memref_slice %arg5[%dma_wait3A_190, %dma_wait3A_191] : memref<1000000x32xf32, #tpu.memory_space<hbm>> -> memref<1000000x32xf32, #tpu.memory_space<hbm>>
    tpu.wait_indirect_dma semaphore(%arg17 : memref<!tpu.dma_semaphore, #tpu.memory_space<semaphore_mem>>) src(%dma_wait3A_192 : memref<1000000x32xf32, #tpu.memory_space<hbm>>) dst(%dma_wait3A_187 : memref<128x32xf32, #tpu.memory_space<vmem>>)
    %iota3A = tpu.iota {dimensions = array<i32: 0>} : vector<16xi32>
    %scan3A = arith.constant 0 : i32
    %scan3A_193 = arith.constant 0 : i32
    %scan3A_194 = arith.constant 32 : i32
    %scan3A_195 = arith.addi %scan3A_193, %scan3A_194 : i32
    %scan3A_196 = arith.constant 1 : i32
    scf.for %scan3A_198 = %scan3A_193 to %scan3A_195 step %scan3A_196  : i32 {
      %mul3A_199 = arith.constant 16 : i32
      %mul3A_200 = arith.muli %scan3A_198, %mul3A_199 : i32
      %add3A_201 = vector.broadcast %mul3A_200 : i32 to vector<16xi32>
      %add3A_202 = arith.addi %iota3A, %add3A_201 : vector<16xi32>
      %broadcast_in_dim3A = arith.constant 0.000000e+00 : f32
      %broadcast_in_dim3A_203 = vector.broadcast %broadcast_in_dim3A : f32 to vector<16xf32>
      %add3A_204 = arith.constant 0 : i32
      %add3A_205 = vector.broadcast %add3A_204 : i32 to vector<16xi32>
      %add3A_206 = arith.addi %iota3A, %add3A_205 : vector<16xi32>
      %rem3A = arith.constant 32 : i32
      %rem3A_207 = vector.broadcast %rem3A : i32 to vector<16xi32>
      %rem3A_208 = arith.remsi %add3A_206, %rem3A_207 : vector<16xi32>
      %gather3A = tpu.vector_load_idx %arg11[%add3A_202, %rem3A_208] : memref<512x32xf32, #tpu.memory_space<vmem>>[vector<16xi32>, vector<16xi32>], vector<16xf32>,
      %gather3A_209 = tpu.vector_load_idx %arg12[%add3A_202, %rem3A_208] : memref<512x32xf32, #tpu.memory_space<vmem>>[vector<16xi32>, vector<16xi32>], vector<16xf32>,
      %gather3A_210 = tpu.vector_load_idx %arg13[%add3A_202, %rem3A_208] : memref<512x32xf32, #tpu.memory_space<vmem>>[vector<16xi32>, vector<16xi32>], vector<16xf32>,
      %add3A_211 = arith.addf %gather3A, %gather3A_209 : vector<16xf32>
      %sub3A = arith.subf %add3A_211, %gather3A_210 : vector<16xf32>
      %mul3A_212 = arith.mulf %sub3A, %sub3A : vector<16xf32>
      %add3A_213 = arith.addf %broadcast_in_dim3A_203, %mul3A_212 : vector<16xf32>
      %add3A_214 = arith.constant 1 : i32
      %add3A_215 = vector.broadcast %add3A_214 : i32 to vector<16xi32>
      %add3A_216 = arith.addi %iota3A, %add3A_215 : vector<16xi32>
      %rem3A_217 = arith.constant 32 : i32
      %rem3A_218 = vector.broadcast %rem3A_217 : i32 to vector<16xi32>
      %rem3A_219 = arith.remsi %add3A_216, %rem3A_218 : vector<16xi32>
      %gather3A_220 = tpu.vector_load_idx %arg11[%add3A_202, %rem3A_219] : memref<512x32xf32, #tpu.memory_space<vmem>>[vector<16xi32>, vector<16xi32>], vector<16xf32>,
      %gather3A_221 = tpu.vector_load_idx %arg12[%add3A_202, %rem3A_219] : memref<512x32xf32, #tpu.memory_space<vmem>>[vector<16xi32>, vector<16xi32>], vector<16xf32>,
      %gather3A_222 = tpu.vector_load_idx %arg13[%add3A_202, %rem3A_219] : memref<512x32xf32, #tpu.memory_space<vmem>>[vector<16xi32>, vector<16xi32>], vector<16xf32>,
      %add3A_223 = arith.addf %gather3A_220, %gather3A_221 : vector<16xf32>
      %sub3A_224 = arith.subf %add3A_223, %gather3A_222 : vector<16xf32>
      %mul3A_225 = arith.mulf %sub3A_224, %sub3A_224 : vector<16xf32>
      %add3A_226 = arith.addf %add3A_213, %mul3A_225 : vector<16xf32>
      %add3A_227 = arith.constant 2 : i32
      %add3A_228 = vector.broadcast %add3A_227 : i32 to vector<16xi32>
      %add3A_229 = arith.addi %iota3A, %add3A_228 : vector<16xi32>
      %rem3A_230 = arith.constant 32 : i32
      %rem3A_231 = vector.broadcast %rem3A_230 : i32 to vector<16xi32>
      %rem3A_232 = arith.remsi %add3A_229, %rem3A_231 : vector<16xi32>
      %gather3A_233 = tpu.vector_load_idx %arg11[%add3A_202, %rem3A_232] : memref<512x32xf32, #tpu.memory_space<vmem>>[vector<16xi32>, vector<16xi32>], vector<16xf32>,
      %gather3A_234 = tpu.vector_load_idx %arg12[%add3A_202, %rem3A_232] : memref<512x32xf32, #tpu.memory_space<vmem>>[vector<16xi32>, vector<16xi32>], vector<16xf32>,
      %gather3A_235 = tpu.vector_load_idx %arg13[%add3A_202, %rem3A_232] : memref<512x32xf32, #tpu.memory_space<vmem>>[vector<16xi32>, vector<16xi32>], vector<16xf32>,
      %add3A_236 = arith.addf %gather3A_233, %gather3A_234 : vector<16xf32>
      %sub3A_237 = arith.subf %add3A_236, %gather3A_235 : vector<16xf32>
      %mul3A_238 = arith.mulf %sub3A_237, %sub3A_237 : vector<16xf32>
      %add3A_239 = arith.addf %add3A_226, %mul3A_238 : vector<16xf32>
      %add3A_240 = arith.constant 3 : i32
      %add3A_241 = vector.broadcast %add3A_240 : i32 to vector<16xi32>
      %add3A_242 = arith.addi %iota3A, %add3A_241 : vector<16xi32>
      %rem3A_243 = arith.constant 32 : i32
      %rem3A_244 = vector.broadcast %rem3A_243 : i32 to vector<16xi32>
      %rem3A_245 = arith.remsi %add3A_242, %rem3A_244 : vector<16xi32>
      %gather3A_246 = tpu.vector_load_idx %arg11[%add3A_202, %rem3A_245] : memref<512x32xf32, #tpu.memory_space<vmem>>[vector<16xi32>, vector<16xi32>], vector<16xf32>,
      %gather3A_247 = tpu.vector_load_idx %arg12[%add3A_202, %rem3A_245] : memref<512x32xf32, #tpu.memory_space<vmem>>[vector<16xi32>, vector<16xi32>], vector<16xf32>,
      %gather3A_248 = tpu.vector_load_idx %arg13[%add3A_202, %rem3A_245] : memref<512x32xf32, #tpu.memory_space<vmem>>[vector<16xi32>, vector<16xi32>], vector<16xf32>,
      %add3A_249 = arith.addf %gather3A_246, %gather3A_247 : vector<16xf32>
      %sub3A_250 = arith.subf %add3A_249, %gather3A_248 : vector<16xf32>
      %mul3A_251 = arith.mulf %sub3A_250, %sub3A_250 : vector<16xf32>
      %add3A_252 = arith.addf %add3A_239, %mul3A_251 : vector<16xf32>
      %add3A_253 = arith.constant 4 : i32
      %add3A_254 = vector.broadcast %add3A_253 : i32 to vector<16xi32>
      %add3A_255 = arith.addi %iota3A, %add3A_254 : vector<16xi32>
      %rem3A_256 = arith.constant 32 : i32
      %rem3A_257 = vector.broadcast %rem3A_256 : i32 to vector<16xi32>
      %rem3A_258 = arith.remsi %add3A_255, %rem3A_257 : vector<16xi32>
      %gather3A_259 = tpu.vector_load_idx %arg11[%add3A_202, %rem3A_258] : memref<512x32xf32, #tpu.memory_space<vmem>>[vector<16xi32>, vector<16xi32>], vector<16xf32>,
      %gather3A_260 = tpu.vector_load_idx %arg12[%add3A_202, %rem3A_258] : memref<512x32xf32, #tpu.memory_space<vmem>>[vector<16xi32>, vector<16xi32>], vector<16xf32>,
      %gather3A_261 = tpu.vector_load_idx %arg13[%add3A_202, %rem3A_258] : memref<512x32xf32, #tpu.memory_space<vmem>>[vector<16xi32>, vector<16xi32>], vector<16xf32>,
      %add3A_262 = arith.addf %gather3A_259, %gather3A_260 : vector<16xf32>
      %sub3A_263 = arith.subf %add3A_262, %gather3A_261 : vector<16xf32>
      %mul3A_264 = arith.mulf %sub3A_263, %sub3A_263 : vector<16xf32>
      %add3A_265 = arith.addf %add3A_252, %mul3A_264 : vector<16xf32>
      %add3A_266 = arith.constant 5 : i32
      %add3A_267 = vector.broadcast %add3A_266 : i32 to vector<16xi32>
      %add3A_268 = arith.addi %iota3A, %add3A_267 : vector<16xi32>
      %rem3A_269 = arith.constant 32 : i32
      %rem3A_270 = vector.broadcast %rem3A_269 : i32 to vector<16xi32>
      %rem3A_271 = arith.remsi %add3A_268, %rem3A_270 : vector<16xi32>
      %gather3A_272 = tpu.vector_load_idx %arg11[%add3A_202, %rem3A_271] : memref<512x32xf32, #tpu.memory_space<vmem>>[vector<16xi32>, vector<16xi32>], vector<16xf32>,
      %gather3A_273 = tpu.vector_load_idx %arg12[%add3A_202, %rem3A_271] : memref<512x32xf32, #tpu.memory_space<vmem>>[vector<16xi32>, vector<16xi32>], vector<16xf32>,
      %gather3A_274 = tpu.vector_load_idx %arg13[%add3A_202, %rem3A_271] : memref<512x32xf32, #tpu.memory_space<vmem>>[vector<16xi32>, vector<16xi32>], vector<16xf32>,
      %add3A_275 = arith.addf %gather3A_272, %gather3A_273 : vector<16xf32>
      %sub3A_276 = arith.subf %add3A_275, %gather3A_274 : vector<16xf32>
      %mul3A_277 = arith.mulf %sub3A_276, %sub3A_276 : vector<16xf32>
      %add3A_278 = arith.addf %add3A_265, %mul3A_277 : vector<16xf32>
      %add3A_279 = arith.constant 6 : i32
      %add3A_280 = vector.broadcast %add3A_279 : i32 to vector<16xi32>
      %add3A_281 = arith.addi %iota3A, %add3A_280 : vector<16xi32>
      %rem3A_282 = arith.constant 32 : i32
      %rem3A_283 = vector.broadcast %rem3A_282 : i32 to vector<16xi32>
      %rem3A_284 = arith.remsi %add3A_281, %rem3A_283 : vector<16xi32>
      %gather3A_285 = tpu.vector_load_idx %arg11[%add3A_202, %rem3A_284] : memref<512x32xf32, #tpu.memory_space<vmem>>[vector<16xi32>, vector<16xi32>], vector<16xf32>,
      %gather3A_286 = tpu.vector_load_idx %arg12[%add3A_202, %rem3A_284] : memref<512x32xf32, #tpu.memory_space<vmem>>[vector<16xi32>, vector<16xi32>], vector<16xf32>,
      %gather3A_287 = tpu.vector_load_idx %arg13[%add3A_202, %rem3A_284] : memref<512x32xf32, #tpu.memory_space<vmem>>[vector<16xi32>, vector<16xi32>], vector<16xf32>,
      %add3A_288 = arith.addf %gather3A_285, %gather3A_286 : vector<16xf32>
      %sub3A_289 = arith.subf %add3A_288, %gather3A_287 : vector<16xf32>
      %mul3A_290 = arith.mulf %sub3A_289, %sub3A_289 : vector<16xf32>
      %add3A_291 = arith.addf %add3A_278, %mul3A_290 : vector<16xf32>
      %add3A_292 = arith.constant 7 : i32
      %add3A_293 = vector.broadcast %add3A_292 : i32 to vector<16xi32>
      %add3A_294 = arith.addi %iota3A, %add3A_293 : vector<16xi32>
      %rem3A_295 = arith.constant 32 : i32
      %rem3A_296 = vector.broadcast %rem3A_295 : i32 to vector<16xi32>
      %rem3A_297 = arith.remsi %add3A_294, %rem3A_296 : vector<16xi32>
      %gather3A_298 = tpu.vector_load_idx %arg11[%add3A_202, %rem3A_297] : memref<512x32xf32, #tpu.memory_space<vmem>>[vector<16xi32>, vector<16xi32>], vector<16xf32>,
      %gather3A_299 = tpu.vector_load_idx %arg12[%add3A_202, %rem3A_297] : memref<512x32xf32, #tpu.memory_space<vmem>>[vector<16xi32>, vector<16xi32>], vector<16xf32>,
      %gather3A_300 = tpu.vector_load_idx %arg13[%add3A_202, %rem3A_297] : memref<512x32xf32, #tpu.memory_space<vmem>>[vector<16xi32>, vector<16xi32>], vector<16xf32>,
      %add3A_301 = arith.addf %gather3A_298, %gather3A_299 : vector<16xf32>
      %sub3A_302 = arith.subf %add3A_301, %gather3A_300 : vector<16xf32>
      %mul3A_303 = arith.mulf %sub3A_302, %sub3A_302 : vector<16xf32>
      %add3A_304 = arith.addf %add3A_291, %mul3A_303 : vector<16xf32>
      %add3A_305 = arith.constant 8 : i32
      %add3A_306 = vector.broadcast %add3A_305 : i32 to vector<16xi32>
      %add3A_307 = arith.addi %iota3A, %add3A_306 : vector<16xi32>
      %rem3A_308 = arith.constant 32 : i32
      %rem3A_309 = vector.broadcast %rem3A_308 : i32 to vector<16xi32>
      %rem3A_310 = arith.remsi %add3A_307, %rem3A_309 : vector<16xi32>
      %gather3A_311 = tpu.vector_load_idx %arg11[%add3A_202, %rem3A_310] : memref<512x32xf32, #tpu.memory_space<vmem>>[vector<16xi32>, vector<16xi32>], vector<16xf32>,
      %gather3A_312 = tpu.vector_load_idx %arg12[%add3A_202, %rem3A_310] : memref<512x32xf32, #tpu.memory_space<vmem>>[vector<16xi32>, vector<16xi32>], vector<16xf32>,
      %gather3A_313 = tpu.vector_load_idx %arg13[%add3A_202, %rem3A_310] : memref<512x32xf32, #tpu.memory_space<vmem>>[vector<16xi32>, vector<16xi32>], vector<16xf32>,
      %add3A_314 = arith.addf %gather3A_311, %gather3A_312 : vector<16xf32>
      %sub3A_315 = arith.subf %add3A_314, %gather3A_313 : vector<16xf32>
      %mul3A_316 = arith.mulf %sub3A_315, %sub3A_315 : vector<16xf32>
      %add3A_317 = arith.addf %add3A_304, %mul3A_316 : vector<16xf32>
      %add3A_318 = arith.constant 9 : i32
      %add3A_319 = vector.broadcast %add3A_318 : i32 to vector<16xi32>
      %add3A_320 = arith.addi %iota3A, %add3A_319 : vector<16xi32>
      %rem3A_321 = arith.constant 32 : i32
      %rem3A_322 = vector.broadcast %rem3A_321 : i32 to vector<16xi32>
      %rem3A_323 = arith.remsi %add3A_320, %rem3A_322 : vector<16xi32>
      %gather3A_324 = tpu.vector_load_idx %arg11[%add3A_202, %rem3A_323] : memref<512x32xf32, #tpu.memory_space<vmem>>[vector<16xi32>, vector<16xi32>], vector<16xf32>,
      %gather3A_325 = tpu.vector_load_idx %arg12[%add3A_202, %rem3A_323] : memref<512x32xf32, #tpu.memory_space<vmem>>[vector<16xi32>, vector<16xi32>], vector<16xf32>,
      %gather3A_326 = tpu.vector_load_idx %arg13[%add3A_202, %rem3A_323] : memref<512x32xf32, #tpu.memory_space<vmem>>[vector<16xi32>, vector<16xi32>], vector<16xf32>,
      %add3A_327 = arith.addf %gather3A_324, %gather3A_325 : vector<16xf32>
      %sub3A_328 = arith.subf %add3A_327, %gather3A_326 : vector<16xf32>
      %mul3A_329 = arith.mulf %sub3A_328, %sub3A_328 : vector<16xf32>
      %add3A_330 = arith.addf %add3A_317, %mul3A_329 : vector<16xf32>
      %add3A_331 = arith.constant 10 : i32
      %add3A_332 = vector.broadcast %add3A_331 : i32 to vector<16xi32>
      %add3A_333 = arith.addi %iota3A, %add3A_332 : vector<16xi32>
      %rem3A_334 = arith.constant 32 : i32
      %rem3A_335 = vector.broadcast %rem3A_334 : i32 to vector<16xi32>
      %rem3A_336 = arith.remsi %add3A_333, %rem3A_335 : vector<16xi32>
      %gather3A_337 = tpu.vector_load_idx %arg11[%add3A_202, %rem3A_336] : memref<512x32xf32, #tpu.memory_space<vmem>>[vector<16xi32>, vector<16xi32>], vector<16xf32>,
      %gather3A_338 = tpu.vector_load_idx %arg12[%add3A_202, %rem3A_336] : memref<512x32xf32, #tpu.memory_space<vmem>>[vector<16xi32>, vector<16xi32>], vector<16xf32>,
      %gather3A_339 = tpu.vector_load_idx %arg13[%add3A_202, %rem3A_336] : memref<512x32xf32, #tpu.memory_space<vmem>>[vector<16xi32>, vector<16xi32>], vector<16xf32>,
      %add3A_340 = arith.addf %gather3A_337, %gather3A_338 : vector<16xf32>
      %sub3A_341 = arith.subf %add3A_340, %gather3A_339 : vector<16xf32>
      %mul3A_342 = arith.mulf %sub3A_341, %sub3A_341 : vector<16xf32>
      %add3A_343 = arith.addf %add3A_330, %mul3A_342 : vector<16xf32>
      %add3A_344 = arith.constant 11 : i32
      %add3A_345 = vector.broadcast %add3A_344 : i32 to vector<16xi32>
      %add3A_346 = arith.addi %iota3A, %add3A_345 : vector<16xi32>
      %rem3A_347 = arith.constant 32 : i32
      %rem3A_348 = vector.broadcast %rem3A_347 : i32 to vector<16xi32>
      %rem3A_349 = arith.remsi %add3A_346, %rem3A_348 : vector<16xi32>
      %gather3A_350 = tpu.vector_load_idx %arg11[%add3A_202, %rem3A_349] : memref<512x32xf32, #tpu.memory_space<vmem>>[vector<16xi32>, vector<16xi32>], vector<16xf32>,
      %gather3A_351 = tpu.vector_load_idx %arg12[%add3A_202, %rem3A_349] : memref<512x32xf32, #tpu.memory_space<vmem>>[vector<16xi32>, vector<16xi32>], vector<16xf32>,
      %gather3A_352 = tpu.vector_load_idx %arg13[%add3A_202, %rem3A_349] : memref<512x32xf32, #tpu.memory_space<vmem>>[vector<16xi32>, vector<16xi32>], vector<16xf32>,
      %add3A_353 = arith.addf %gather3A_350, %gather3A_351 : vector<16xf32>
      %sub3A_354 = arith.subf %add3A_353, %gather3A_352 : vector<16xf32>
      %mul3A_355 = arith.mulf %sub3A_354, %sub3A_354 : vector<16xf32>
      %add3A_356 = arith.addf %add3A_343, %mul3A_355 : vector<16xf32>
      %add3A_357 = arith.constant 12 : i32
      %add3A_358 = vector.broadcast %add3A_357 : i32 to vector<16xi32>
      %add3A_359 = arith.addi %iota3A, %add3A_358 : vector<16xi32>
      %rem3A_360 = arith.constant 32 : i32
      %rem3A_361 = vector.broadcast %rem3A_360 : i32 to vector<16xi32>
      %rem3A_362 = arith.remsi %add3A_359, %rem3A_361 : vector<16xi32>
      %gather3A_363 = tpu.vector_load_idx %arg11[%add3A_202, %rem3A_362] : memref<512x32xf32, #tpu.memory_space<vmem>>[vector<16xi32>, vector<16xi32>], vector<16xf32>,
      %gather3A_364 = tpu.vector_load_idx %arg12[%add3A_202, %rem3A_362] : memref<512x32xf32, #tpu.memory_space<vmem>>[vector<16xi32>, vector<16xi32>], vector<16xf32>,
      %gather3A_365 = tpu.vector_load_idx %arg13[%add3A_202, %rem3A_362] : memref<512x32xf32, #tpu.memory_space<vmem>>[vector<16xi32>, vector<16xi32>], vector<16xf32>,
      %add3A_366 = arith.addf %gather3A_363, %gather3A_364 : vector<16xf32>
      %sub3A_367 = arith.subf %add3A_366, %gather3A_365 : vector<16xf32>
      %mul3A_368 = arith.mulf %sub3A_367, %sub3A_367 : vector<16xf32>
      %add3A_369 = arith.addf %add3A_356, %mul3A_368 : vector<16xf32>
      %add3A_370 = arith.constant 13 : i32
      %add3A_371 = vector.broadcast %add3A_370 : i32 to vector<16xi32>
      %add3A_372 = arith.addi %iota3A, %add3A_371 : vector<16xi32>
      %rem3A_373 = arith.constant 32 : i32
      %rem3A_374 = vector.broadcast %rem3A_373 : i32 to vector<16xi32>
      %rem3A_375 = arith.remsi %add3A_372, %rem3A_374 : vector<16xi32>
      %gather3A_376 = tpu.vector_load_idx %arg11[%add3A_202, %rem3A_375] : memref<512x32xf32, #tpu.memory_space<vmem>>[vector<16xi32>, vector<16xi32>], vector<16xf32>,
      %gather3A_377 = tpu.vector_load_idx %arg12[%add3A_202, %rem3A_375] : memref<512x32xf32, #tpu.memory_space<vmem>>[vector<16xi32>, vector<16xi32>], vector<16xf32>,
      %gather3A_378 = tpu.vector_load_idx %arg13[%add3A_202, %rem3A_375] : memref<512x32xf32, #tpu.memory_space<vmem>>[vector<16xi32>, vector<16xi32>], vector<16xf32>,
      %add3A_379 = arith.addf %gather3A_376, %gather3A_377 : vector<16xf32>
      %sub3A_380 = arith.subf %add3A_379, %gather3A_378 : vector<16xf32>
      %mul3A_381 = arith.mulf %sub3A_380, %sub3A_380 : vector<16xf32>
      %add3A_382 = arith.addf %add3A_369, %mul3A_381 : vector<16xf32>
      %add3A_383 = arith.constant 14 : i32
      %add3A_384 = vector.broadcast %add3A_383 : i32 to vector<16xi32>
      %add3A_385 = arith.addi %iota3A, %add3A_384 : vector<16xi32>
      %rem3A_386 = arith.constant 32 : i32
      %rem3A_387 = vector.broadcast %rem3A_386 : i32 to vector<16xi32>
      %rem3A_388 = arith.remsi %add3A_385, %rem3A_387 : vector<16xi32>
      %gather3A_389 = tpu.vector_load_idx %arg11[%add3A_202, %rem3A_388] : memref<512x32xf32, #tpu.memory_space<vmem>>[vector<16xi32>, vector<16xi32>], vector<16xf32>,
      %gather3A_390 = tpu.vector_load_idx %arg12[%add3A_202, %rem3A_388] : memref<512x32xf32, #tpu.memory_space<vmem>>[vector<16xi32>, vector<16xi32>], vector<16xf32>,
      %gather3A_391 = tpu.vector_load_idx %arg13[%add3A_202, %rem3A_388] : memref<512x32xf32, #tpu.memory_space<vmem>>[vector<16xi32>, vector<16xi32>], vector<16xf32>,
      %add3A_392 = arith.addf %gather3A_389, %gather3A_390 : vector<16xf32>
      %sub3A_393 = arith.subf %add3A_392, %gather3A_391 : vector<16xf32>
      %mul3A_394 = arith.mulf %sub3A_393, %sub3A_393 : vector<16xf32>
      %add3A_395 = arith.addf %add3A_382, %mul3A_394 : vector<16xf32>
      %add3A_396 = arith.constant 15 : i32
      %add3A_397 = vector.broadcast %add3A_396 : i32 to vector<16xi32>
      %add3A_398 = arith.addi %iota3A, %add3A_397 : vector<16xi32>
      %rem3A_399 = arith.constant 32 : i32
      %rem3A_400 = vector.broadcast %rem3A_399 : i32 to vector<16xi32>
      %rem3A_401 = arith.remsi %add3A_398, %rem3A_400 : vector<16xi32>
      %gather3A_402 = tpu.vector_load_idx %arg11[%add3A_202, %rem3A_401] : memref<512x32xf32, #tpu.memory_space<vmem>>[vector<16xi32>, vector<16xi32>], vector<16xf32>,
      %gather3A_403 = tpu.vector_load_idx %arg12[%add3A_202, %rem3A_401] : memref<512x32xf32, #tpu.memory_space<vmem>>[vector<16xi32>, vector<16xi32>], vector<16xf32>,
      %gather3A_404 = tpu.vector_load_idx %arg13[%add3A_202, %rem3A_401] : memref<512x32xf32, #tpu.memory_space<vmem>>[vector<16xi32>, vector<16xi32>], vector<16xf32>,
      %add3A_405 = arith.addf %gather3A_402, %gather3A_403 : vector<16xf32>
      %sub3A_406 = arith.subf %add3A_405, %gather3A_404 : vector<16xf32>
      %mul3A_407 = arith.mulf %sub3A_406, %sub3A_406 : vector<16xf32>
      %add3A_408 = arith.addf %add3A_395, %mul3A_407 : vector<16xf32>
      %add3A_409 = arith.constant 16 : i32
      %add3A_410 = vector.broadcast %add3A_409 : i32 to vector<16xi32>
      %add3A_411 = arith.addi %iota3A, %add3A_410 : vector<16xi32>
      %rem3A_412 = arith.constant 32 : i32
      %rem3A_413 = vector.broadcast %rem3A_412 : i32 to vector<16xi32>
      %rem3A_414 = arith.remsi %add3A_411, %rem3A_413 : vector<16xi32>
      %gather3A_415 = tpu.vector_load_idx %arg11[%add3A_202, %rem3A_414] : memref<512x32xf32, #tpu.memory_space<vmem>>[vector<16xi32>, vector<16xi32>], vector<16xf32>,
      %gather3A_416 = tpu.vector_load_idx %arg12[%add3A_202, %rem3A_414] : memref<512x32xf32, #tpu.memory_space<vmem>>[vector<16xi32>, vector<16xi32>], vector<16xf32>,
      %gather3A_417 = tpu.vector_load_idx %arg13[%add3A_202, %rem3A_414] : memref<512x32xf32, #tpu.memory_space<vmem>>[vector<16xi32>, vector<16xi32>], vector<16xf32>,
      %add3A_418 = arith.addf %gather3A_415, %gather3A_416 : vector<16xf32>
      %sub3A_419 = arith.subf %add3A_418, %gather3A_417 : vector<16xf32>
      %mul3A_420 = arith.mulf %sub3A_419, %sub3A_419 : vector<16xf32>
      %add3A_421 = arith.addf %add3A_408, %mul3A_420 : vector<16xf32>
      %add3A_422 = arith.constant 17 : i32
      %add3A_423 = vector.broadcast %add3A_422 : i32 to vector<16xi32>
      %add3A_424 = arith.addi %iota3A, %add3A_423 : vector<16xi32>
      %rem3A_425 = arith.constant 32 : i32
      %rem3A_426 = vector.broadcast %rem3A_425 : i32 to vector<16xi32>
      %rem3A_427 = arith.remsi %add3A_424, %rem3A_426 : vector<16xi32>
      %gather3A_428 = tpu.vector_load_idx %arg11[%add3A_202, %rem3A_427] : memref<512x32xf32, #tpu.memory_space<vmem>>[vector<16xi32>, vector<16xi32>], vector<16xf32>,
      %gather3A_429 = tpu.vector_load_idx %arg12[%add3A_202, %rem3A_427] : memref<512x32xf32, #tpu.memory_space<vmem>>[vector<16xi32>, vector<16xi32>], vector<16xf32>,
      %gather3A_430 = tpu.vector_load_idx %arg13[%add3A_202, %rem3A_427] : memref<512x32xf32, #tpu.memory_space<vmem>>[vector<16xi32>, vector<16xi32>], vector<16xf32>,
      %add3A_431 = arith.addf %gather3A_428, %gather3A_429 : vector<16xf32>
      %sub3A_432 = arith.subf %add3A_431, %gather3A_430 : vector<16xf32>
      %mul3A_433 = arith.mulf %sub3A_432, %sub3A_432 : vector<16xf32>
      %add3A_434 = arith.addf %add3A_421, %mul3A_433 : vector<16xf32>
      %add3A_435 = arith.constant 18 : i32
      %add3A_436 = vector.broadcast %add3A_435 : i32 to vector<16xi32>
      %add3A_437 = arith.addi %iota3A, %add3A_436 : vector<16xi32>
      %rem3A_438 = arith.constant 32 : i32
      %rem3A_439 = vector.broadcast %rem3A_438 : i32 to vector<16xi32>
      %rem3A_440 = arith.remsi %add3A_437, %rem3A_439 : vector<16xi32>
      %gather3A_441 = tpu.vector_load_idx %arg11[%add3A_202, %rem3A_440] : memref<512x32xf32, #tpu.memory_space<vmem>>[vector<16xi32>, vector<16xi32>], vector<16xf32>,
      %gather3A_442 = tpu.vector_load_idx %arg12[%add3A_202, %rem3A_440] : memref<512x32xf32, #tpu.memory_space<vmem>>[vector<16xi32>, vector<16xi32>], vector<16xf32>,
      %gather3A_443 = tpu.vector_load_idx %arg13[%add3A_202, %rem3A_440] : memref<512x32xf32, #tpu.memory_space<vmem>>[vector<16xi32>, vector<16xi32>], vector<16xf32>,
      %add3A_444 = arith.addf %gather3A_441, %gather3A_442 : vector<16xf32>
      %sub3A_445 = arith.subf %add3A_444, %gather3A_443 : vector<16xf32>
      %mul3A_446 = arith.mulf %sub3A_445, %sub3A_445 : vector<16xf32>
      %add3A_447 = arith.addf %add3A_434, %mul3A_446 : vector<16xf32>
      %add3A_448 = arith.constant 19 : i32
      %add3A_449 = vector.broadcast %add3A_448 : i32 to vector<16xi32>
      %add3A_450 = arith.addi %iota3A, %add3A_449 : vector<16xi32>
      %rem3A_451 = arith.constant 32 : i32
      %rem3A_452 = vector.broadcast %rem3A_451 : i32 to vector<16xi32>
      %rem3A_453 = arith.remsi %add3A_450, %rem3A_452 : vector<16xi32>
      %gather3A_454 = tpu.vector_load_idx %arg11[%add3A_202, %rem3A_453] : memref<512x32xf32, #tpu.memory_space<vmem>>[vector<16xi32>, vector<16xi32>], vector<16xf32>,
      %gather3A_455 = tpu.vector_load_idx %arg12[%add3A_202, %rem3A_453] : memref<512x32xf32, #tpu.memory_space<vmem>>[vector<16xi32>, vector<16xi32>], vector<16xf32>,
      %gather3A_456 = tpu.vector_load_idx %arg13[%add3A_202, %rem3A_453] : memref<512x32xf32, #tpu.memory_space<vmem>>[vector<16xi32>, vector<16xi32>], vector<16xf32>,
      %add3A_457 = arith.addf %gather3A_454, %gather3A_455 : vector<16xf32>
      %sub3A_458 = arith.subf %add3A_457, %gather3A_456 : vector<16xf32>
      %mul3A_459 = arith.mulf %sub3A_458, %sub3A_458 : vector<16xf32>
      %add3A_460 = arith.addf %add3A_447, %mul3A_459 : vector<16xf32>
      %add3A_461 = arith.constant 20 : i32
      %add3A_462 = vector.broadcast %add3A_461 : i32 to vector<16xi32>
      %add3A_463 = arith.addi %iota3A, %add3A_462 : vector<16xi32>
      %rem3A_464 = arith.constant 32 : i32
      %rem3A_465 = vector.broadcast %rem3A_464 : i32 to vector<16xi32>
      %rem3A_466 = arith.remsi %add3A_463, %rem3A_465 : vector<16xi32>
      %gather3A_467 = tpu.vector_load_idx %arg11[%add3A_202, %rem3A_466] : memref<512x32xf32, #tpu.memory_space<vmem>>[vector<16xi32>, vector<16xi32>], vector<16xf32>,
      %gather3A_468 = tpu.vector_load_idx %arg12[%add3A_202, %rem3A_466] : memref<512x32xf32, #tpu.memory_space<vmem>>[vector<16xi32>, vector<16xi32>], vector<16xf32>,
      %gather3A_469 = tpu.vector_load_idx %arg13[%add3A_202, %rem3A_466] : memref<512x32xf32, #tpu.memory_space<vmem>>[vector<16xi32>, vector<16xi32>], vector<16xf32>,
      %add3A_470 = arith.addf %gather3A_467, %gather3A_468 : vector<16xf32>
      %sub3A_471 = arith.subf %add3A_470, %gather3A_469 : vector<16xf32>
      %mul3A_472 = arith.mulf %sub3A_471, %sub3A_471 : vector<16xf32>
      %add3A_473 = arith.addf %add3A_460, %mul3A_472 : vector<16xf32>
      %add3A_474 = arith.constant 21 : i32
      %add3A_475 = vector.broadcast %add3A_474 : i32 to vector<16xi32>
      %add3A_476 = arith.addi %iota3A, %add3A_475 : vector<16xi32>
      %rem3A_477 = arith.constant 32 : i32
      %rem3A_478 = vector.broadcast %rem3A_477 : i32 to vector<16xi32>
      %rem3A_479 = arith.remsi %add3A_476, %rem3A_478 : vector<16xi32>
      %gather3A_480 = tpu.vector_load_idx %arg11[%add3A_202, %rem3A_479] : memref<512x32xf32, #tpu.memory_space<vmem>>[vector<16xi32>, vector<16xi32>], vector<16xf32>,
      %gather3A_481 = tpu.vector_load_idx %arg12[%add3A_202, %rem3A_479] : memref<512x32xf32, #tpu.memory_space<vmem>>[vector<16xi32>, vector<16xi32>], vector<16xf32>,
      %gather3A_482 = tpu.vector_load_idx %arg13[%add3A_202, %rem3A_479] : memref<512x32xf32, #tpu.memory_space<vmem>>[vector<16xi32>, vector<16xi32>], vector<16xf32>,
      %add3A_483 = arith.addf %gather3A_480, %gather3A_481 : vector<16xf32>
      %sub3A_484 = arith.subf %add3A_483, %gather3A_482 : vector<16xf32>
      %mul3A_485 = arith.mulf %sub3A_484, %sub3A_484 : vector<16xf32>
      %add3A_486 = arith.addf %add3A_473, %mul3A_485 : vector<16xf32>
      %add3A_487 = arith.constant 22 : i32
      %add3A_488 = vector.broadcast %add3A_487 : i32 to vector<16xi32>
      %add3A_489 = arith.addi %iota3A, %add3A_488 : vector<16xi32>
      %rem3A_490 = arith.constant 32 : i32
      %rem3A_491 = vector.broadcast %rem3A_490 : i32 to vector<16xi32>
      %rem3A_492 = arith.remsi %add3A_489, %rem3A_491 : vector<16xi32>
      %gather3A_493 = tpu.vector_load_idx %arg11[%add3A_202, %rem3A_492] : memref<512x32xf32, #tpu.memory_space<vmem>>[vector<16xi32>, vector<16xi32>], vector<16xf32>,
      %gather3A_494 = tpu.vector_load_idx %arg12[%add3A_202, %rem3A_492] : memref<512x32xf32, #tpu.memory_space<vmem>>[vector<16xi32>, vector<16xi32>], vector<16xf32>,
      %gather3A_495 = tpu.vector_load_idx %arg13[%add3A_202, %rem3A_492] : memref<512x32xf32, #tpu.memory_space<vmem>>[vector<16xi32>, vector<16xi32>], vector<16xf32>,
      %add3A_496 = arith.addf %gather3A_493, %gather3A_494 : vector<16xf32>
      %sub3A_497 = arith.subf %add3A_496, %gather3A_495 : vector<16xf32>
      %mul3A_498 = arith.mulf %sub3A_497, %sub3A_497 : vector<16xf32>
      %add3A_499 = arith.addf %add3A_486, %mul3A_498 : vector<16xf32>
      %add3A_500 = arith.constant 23 : i32
      %add3A_501 = vector.broadcast %add3A_500 : i32 to vector<16xi32>
      %add3A_502 = arith.addi %iota3A, %add3A_501 : vector<16xi32>
      %rem3A_503 = arith.constant 32 : i32
      %rem3A_504 = vector.broadcast %rem3A_503 : i32 to vector<16xi32>
      %rem3A_505 = arith.remsi %add3A_502, %rem3A_504 : vector<16xi32>
      %gather3A_506 = tpu.vector_load_idx %arg11[%add3A_202, %rem3A_505] : memref<512x32xf32, #tpu.memory_space<vmem>>[vector<16xi32>, vector<16xi32>], vector<16xf32>,
      %gather3A_507 = tpu.vector_load_idx %arg12[%add3A_202, %rem3A_505] : memref<512x32xf32, #tpu.memory_space<vmem>>[vector<16xi32>, vector<16xi32>], vector<16xf32>,
      %gather3A_508 = tpu.vector_load_idx %arg13[%add3A_202, %rem3A_505] : memref<512x32xf32, #tpu.memory_space<vmem>>[vector<16xi32>, vector<16xi32>], vector<16xf32>,
      %add3A_509 = arith.addf %gather3A_506, %gather3A_507 : vector<16xf32>
      %sub3A_510 = arith.subf %add3A_509, %gather3A_508 : vector<16xf32>
      %mul3A_511 = arith.mulf %sub3A_510, %sub3A_510 : vector<16xf32>
      %add3A_512 = arith.addf %add3A_499, %mul3A_511 : vector<16xf32>
      %add3A_513 = arith.constant 24 : i32
      %add3A_514 = vector.broadcast %add3A_513 : i32 to vector<16xi32>
      %add3A_515 = arith.addi %iota3A, %add3A_514 : vector<16xi32>
      %rem3A_516 = arith.constant 32 : i32
      %rem3A_517 = vector.broadcast %rem3A_516 : i32 to vector<16xi32>
      %rem3A_518 = arith.remsi %add3A_515, %rem3A_517 : vector<16xi32>
      %gather3A_519 = tpu.vector_load_idx %arg11[%add3A_202, %rem3A_518] : memref<512x32xf32, #tpu.memory_space<vmem>>[vector<16xi32>, vector<16xi32>], vector<16xf32>,
      %gather3A_520 = tpu.vector_load_idx %arg12[%add3A_202, %rem3A_518] : memref<512x32xf32, #tpu.memory_space<vmem>>[vector<16xi32>, vector<16xi32>], vector<16xf32>,
      %gather3A_521 = tpu.vector_load_idx %arg13[%add3A_202, %rem3A_518] : memref<512x32xf32, #tpu.memory_space<vmem>>[vector<16xi32>, vector<16xi32>], vector<16xf32>,
      %add3A_522 = arith.addf %gather3A_519, %gather3A_520 : vector<16xf32>
      %sub3A_523 = arith.subf %add3A_522, %gather3A_521 : vector<16xf32>
      %mul3A_524 = arith.mulf %sub3A_523, %sub3A_523 : vector<16xf32>
      %add3A_525 = arith.addf %add3A_512, %mul3A_524 : vector<16xf32>
      %add3A_526 = arith.constant 25 : i32
      %add3A_527 = vector.broadcast %add3A_526 : i32 to vector<16xi32>
      %add3A_528 = arith.addi %iota3A, %add3A_527 : vector<16xi32>
      %rem3A_529 = arith.constant 32 : i32
      %rem3A_530 = vector.broadcast %rem3A_529 : i32 to vector<16xi32>
      %rem3A_531 = arith.remsi %add3A_528, %rem3A_530 : vector<16xi32>
      %gather3A_532 = tpu.vector_load_idx %arg11[%add3A_202, %rem3A_531] : memref<512x32xf32, #tpu.memory_space<vmem>>[vector<16xi32>, vector<16xi32>], vector<16xf32>,
      %gather3A_533 = tpu.vector_load_idx %arg12[%add3A_202, %rem3A_531] : memref<512x32xf32, #tpu.memory_space<vmem>>[vector<16xi32>, vector<16xi32>], vector<16xf32>,
      %gather3A_534 = tpu.vector_load_idx %arg13[%add3A_202, %rem3A_531] : memref<512x32xf32, #tpu.memory_space<vmem>>[vector<16xi32>, vector<16xi32>], vector<16xf32>,
      %add3A_535 = arith.addf %gather3A_532, %gather3A_533 : vector<16xf32>
      %sub3A_536 = arith.subf %add3A_535, %gather3A_534 : vector<16xf32>
      %mul3A_537 = arith.mulf %sub3A_536, %sub3A_536 : vector<16xf32>
      %add3A_538 = arith.addf %add3A_525, %mul3A_537 : vector<16xf32>
      %add3A_539 = arith.constant 26 : i32
      %add3A_540 = vector.broadcast %add3A_539 : i32 to vector<16xi32>
      %add3A_541 = arith.addi %iota3A, %add3A_540 : vector<16xi32>
      %rem3A_542 = arith.constant 32 : i32
      %rem3A_543 = vector.broadcast %rem3A_542 : i32 to vector<16xi32>
      %rem3A_544 = arith.remsi %add3A_541, %rem3A_543 : vector<16xi32>
      %gather3A_545 = tpu.vector_load_idx %arg11[%add3A_202, %rem3A_544] : memref<512x32xf32, #tpu.memory_space<vmem>>[vector<16xi32>, vector<16xi32>], vector<16xf32>,
      %gather3A_546 = tpu.vector_load_idx %arg12[%add3A_202, %rem3A_544] : memref<512x32xf32, #tpu.memory_space<vmem>>[vector<16xi32>, vector<16xi32>], vector<16xf32>,
      %gather3A_547 = tpu.vector_load_idx %arg13[%add3A_202, %rem3A_544] : memref<512x32xf32, #tpu.memory_space<vmem>>[vector<16xi32>, vector<16xi32>], vector<16xf32>,
      %add3A_548 = arith.addf %gather3A_545, %gather3A_546 : vector<16xf32>
      %sub3A_549 = arith.subf %add3A_548, %gather3A_547 : vector<16xf32>
      %mul3A_550 = arith.mulf %sub3A_549, %sub3A_549 : vector<16xf32>
      %add3A_551 = arith.addf %add3A_538, %mul3A_550 : vector<16xf32>
      %add3A_552 = arith.constant 27 : i32
      %add3A_553 = vector.broadcast %add3A_552 : i32 to vector<16xi32>
      %add3A_554 = arith.addi %iota3A, %add3A_553 : vector<16xi32>
      %rem3A_555 = arith.constant 32 : i32
      %rem3A_556 = vector.broadcast %rem3A_555 : i32 to vector<16xi32>
      %rem3A_557 = arith.remsi %add3A_554, %rem3A_556 : vector<16xi32>
      %gather3A_558 = tpu.vector_load_idx %arg11[%add3A_202, %rem3A_557] : memref<512x32xf32, #tpu.memory_space<vmem>>[vector<16xi32>, vector<16xi32>], vector<16xf32>,
      %gather3A_559 = tpu.vector_load_idx %arg12[%add3A_202, %rem3A_557] : memref<512x32xf32, #tpu.memory_space<vmem>>[vector<16xi32>, vector<16xi32>], vector<16xf32>,
      %gather3A_560 = tpu.vector_load_idx %arg13[%add3A_202, %rem3A_557] : memref<512x32xf32, #tpu.memory_space<vmem>>[vector<16xi32>, vector<16xi32>], vector<16xf32>,
      %add3A_561 = arith.addf %gather3A_558, %gather3A_559 : vector<16xf32>
      %sub3A_562 = arith.subf %add3A_561, %gather3A_560 : vector<16xf32>
      %mul3A_563 = arith.mulf %sub3A_562, %sub3A_562 : vector<16xf32>
      %add3A_564 = arith.addf %add3A_551, %mul3A_563 : vector<16xf32>
      %add3A_565 = arith.constant 28 : i32
      %add3A_566 = vector.broadcast %add3A_565 : i32 to vector<16xi32>
      %add3A_567 = arith.addi %iota3A, %add3A_566 : vector<16xi32>
      %rem3A_568 = arith.constant 32 : i32
      %rem3A_569 = vector.broadcast %rem3A_568 : i32 to vector<16xi32>
      %rem3A_570 = arith.remsi %add3A_567, %rem3A_569 : vector<16xi32>
      %gather3A_571 = tpu.vector_load_idx %arg11[%add3A_202, %rem3A_570] : memref<512x32xf32, #tpu.memory_space<vmem>>[vector<16xi32>, vector<16xi32>], vector<16xf32>,
      %gather3A_572 = tpu.vector_load_idx %arg12[%add3A_202, %rem3A_570] : memref<512x32xf32, #tpu.memory_space<vmem>>[vector<16xi32>, vector<16xi32>], vector<16xf32>,
      %gather3A_573 = tpu.vector_load_idx %arg13[%add3A_202, %rem3A_570] : memref<512x32xf32, #tpu.memory_space<vmem>>[vector<16xi32>, vector<16xi32>], vector<16xf32>,
      %add3A_574 = arith.addf %gather3A_571, %gather3A_572 : vector<16xf32>
      %sub3A_575 = arith.subf %add3A_574, %gather3A_573 : vector<16xf32>
      %mul3A_576 = arith.mulf %sub3A_575, %sub3A_575 : vector<16xf32>
      %add3A_577 = arith.addf %add3A_564, %mul3A_576 : vector<16xf32>
      %add3A_578 = arith.constant 29 : i32
      %add3A_579 = vector.broadcast %add3A_578 : i32 to vector<16xi32>
      %add3A_580 = arith.addi %iota3A, %add3A_579 : vector<16xi32>
      %rem3A_581 = arith.constant 32 : i32
      %rem3A_582 = vector.broadcast %rem3A_581 : i32 to vector<16xi32>
      %rem3A_583 = arith.remsi %add3A_580, %rem3A_582 : vector<16xi32>
      %gather3A_584 = tpu.vector_load_idx %arg11[%add3A_202, %rem3A_583] : memref<512x32xf32, #tpu.memory_space<vmem>>[vector<16xi32>, vector<16xi32>], vector<16xf32>,
      %gather3A_585 = tpu.vector_load_idx %arg12[%add3A_202, %rem3A_583] : memref<512x32xf32, #tpu.memory_space<vmem>>[vector<16xi32>, vector<16xi32>], vector<16xf32>,
      %gather3A_586 = tpu.vector_load_idx %arg13[%add3A_202, %rem3A_583] : memref<512x32xf32, #tpu.memory_space<vmem>>[vector<16xi32>, vector<16xi32>], vector<16xf32>,
      %add3A_587 = arith.addf %gather3A_584, %gather3A_585 : vector<16xf32>
      %sub3A_588 = arith.subf %add3A_587, %gather3A_586 : vector<16xf32>
      %mul3A_589 = arith.mulf %sub3A_588, %sub3A_588 : vector<16xf32>
      %add3A_590 = arith.addf %add3A_577, %mul3A_589 : vector<16xf32>
      %add3A_591 = arith.constant 30 : i32
      %add3A_592 = vector.broadcast %add3A_591 : i32 to vector<16xi32>
      %add3A_593 = arith.addi %iota3A, %add3A_592 : vector<16xi32>
      %rem3A_594 = arith.constant 32 : i32
      %rem3A_595 = vector.broadcast %rem3A_594 : i32 to vector<16xi32>
      %rem3A_596 = arith.remsi %add3A_593, %rem3A_595 : vector<16xi32>
      %gather3A_597 = tpu.vector_load_idx %arg11[%add3A_202, %rem3A_596] : memref<512x32xf32, #tpu.memory_space<vmem>>[vector<16xi32>, vector<16xi32>], vector<16xf32>,
      %gather3A_598 = tpu.vector_load_idx %arg12[%add3A_202, %rem3A_596] : memref<512x32xf32, #tpu.memory_space<vmem>>[vector<16xi32>, vector<16xi32>], vector<16xf32>,
      %gather3A_599 = tpu.vector_load_idx %arg13[%add3A_202, %rem3A_596] : memref<512x32xf32, #tpu.memory_space<vmem>>[vector<16xi32>, vector<16xi32>], vector<16xf32>,
      %add3A_600 = arith.addf %gather3A_597, %gather3A_598 : vector<16xf32>
      %sub3A_601 = arith.subf %add3A_600, %gather3A_599 : vector<16xf32>
      %mul3A_602 = arith.mulf %sub3A_601, %sub3A_601 : vector<16xf32>
      %add3A_603 = arith.addf %add3A_590, %mul3A_602 : vector<16xf32>
      %add3A_604 = arith.constant 31 : i32
      %add3A_605 = vector.broadcast %add3A_604 : i32 to vector<16xi32>
      %add3A_606 = arith.addi %iota3A, %add3A_605 : vector<16xi32>
      %rem3A_607 = arith.constant 32 : i32
      %rem3A_608 = vector.broadcast %rem3A_607 : i32 to vector<16xi32>
      %rem3A_609 = arith.remsi %add3A_606, %rem3A_608 : vector<16xi32>
      %gather3A_610 = tpu.vector_load_idx %arg11[%add3A_202, %rem3A_609] : memref<512x32xf32, #tpu.memory_space<vmem>>[vector<16xi32>, vector<16xi32>], vector<16xf32>,
      %gather3A_611 = tpu.vector_load_idx %arg12[%add3A_202, %rem3A_609] : memref<512x32xf32, #tpu.memory_space<vmem>>[vector<16xi32>, vector<16xi32>], vector<16xf32>,
      %gather3A_612 = tpu.vector_load_idx %arg13[%add3A_202, %rem3A_609] : memref<512x32xf32, #tpu.memory_space<vmem>>[vector<16xi32>, vector<16xi32>], vector<16xf32>,
      %add3A_613 = arith.addf %gather3A_610, %gather3A_611 : vector<16xf32>
      %sub3A_614 = arith.subf %add3A_613, %gather3A_612 : vector<16xf32>
      %mul3A_615 = arith.mulf %sub3A_614, %sub3A_614 : vector<16xf32>
      %add3A_616 = arith.addf %add3A_603, %mul3A_615 : vector<16xf32>
      %add3A_617 = arith.constant 9.99999996E-13 : f32
      %add3A_618 = vector.broadcast %add3A_617 : f32 to vector<16xf32>
      %add3A_619 = arith.addf %add3A_616, %add3A_618 : vector<16xf32>
      %bitcast3A = vector.bitcast %add3A_619 : vector<16xf32> to vector<16xi32>
      %shift_right_arithmetic3A = arith.constant 1 : i32
      %shift_right_arithmetic3A_620 = vector.broadcast %shift_right_arithmetic3A : i32 to vector<16xi32>
      %shift_right_arithmetic3A_621 = arith.shrsi %bitcast3A, %shift_right_arithmetic3A_620 : vector<16xi32>
      %sub3A_622 = arith.constant 1597463007 : i32
      %sub3A_623 = vector.broadcast %sub3A_622 : i32 to vector<16xi32>
      %sub3A_624 = arith.subi %sub3A_623, %shift_right_arithmetic3A_621 : vector<16xi32>
      %bitcast3A_625 = vector.bitcast %sub3A_624 : vector<16xi32> to vector<16xf32>
      %mul3A_626 = arith.constant 5.000000e-01 : f32
      %mul3A_627 = vector.broadcast %mul3A_626 : f32 to vector<16xf32>
      %mul3A_628 = arith.mulf %mul3A_627, %add3A_619 : vector<16xf32>
      %mul3A_629 = arith.mulf %mul3A_628, %bitcast3A_625 : vector<16xf32>
      %mul3A_630 = arith.mulf %mul3A_629, %bitcast3A_625 : vector<16xf32>
      %sub3A_631 = arith.constant 1.500000e+00 : f32
      %sub3A_632 = vector.broadcast %sub3A_631 : f32 to vector<16xf32>
      %sub3A_633 = arith.subf %sub3A_632, %mul3A_630 : vector<16xf32>
      %mul3A_634 = arith.mulf %bitcast3A_625, %sub3A_633 : vector<16xf32>
      %mul3A_635 = arith.constant 5.000000e-01 : f32
      %mul3A_636 = vector.broadcast %mul3A_635 : f32 to vector<16xf32>
      %mul3A_637 = arith.mulf %mul3A_636, %add3A_619 : vector<16xf32>
      %mul3A_638 = arith.mulf %mul3A_637, %mul3A_634 : vector<16xf32>
      %mul3A_639 = arith.mulf %mul3A_638, %mul3A_634 : vector<16xf32>
      %sub3A_640 = arith.constant 1.500000e+00 : f32
      %sub3A_641 = vector.broadcast %sub3A_640 : f32 to vector<16xf32>
      %sub3A_642 = arith.subf %sub3A_641, %mul3A_639 : vector<16xf32>
      %mul3A_643 = arith.mulf %mul3A_634, %sub3A_642 : vector<16xf32>
      %mul3A_644 = arith.constant 5.000000e-01 : f32
      %mul3A_645 = vector.broadcast %mul3A_644 : f32 to vector<16xf32>
      %mul3A_646 = arith.mulf %mul3A_645, %add3A_619 : vector<16xf32>
      %mul3A_647 = arith.mulf %mul3A_646, %mul3A_643 : vector<16xf32>
      %mul3A_648 = arith.mulf %mul3A_647, %mul3A_643 : vector<16xf32>
      %sub3A_649 = arith.constant 1.500000e+00 : f32
      %sub3A_650 = vector.broadcast %sub3A_649 : f32 to vector<16xf32>
      %sub3A_651 = arith.subf %sub3A_650, %mul3A_648 : vector<16xf32>
      %mul3A_652 = arith.mulf %mul3A_643, %sub3A_651 : vector<16xf32>
      %mul3A_653 = arith.mulf %add3A_619, %mul3A_652 : vector<16xf32>
      %neg3A = arith.constant 0.000000e+00 : f32
      %neg3A_654 = vector.broadcast %neg3A : f32 to vector<16xf32>
      %neg3A_655 = arith.subf %neg3A_654, %mul3A_653 : vector<16xf32>
      %mul3A_656 = arith.constant 16 : i32
      %mul3A_657 = arith.muli %scan3A_198, %mul3A_656 : i32
      %multiple_of3A = tpu.assume_multiple %mul3A_657, 16 : i32
      %swap3A = arith.index_cast %multiple_of3A : i32 to index
      %swap3A_658 = tpu.vector_load %arg14[%swap3A] {strides = array<i32>} : memref<512xf32, #tpu.memory_space<vmem>>, vector<16xf32>,
      tpu.vector_store %arg14[%swap3A], %neg3A_655 {strides = array<i32>} : memref<512xf32, #tpu.memory_space<vmem>>, vector<16xf32>,
    }
    %scan3A_197 = arith.constant 32 : i32
    "tpu.region"() ({
      %run_scoped3A = tpu.sem_alloc : memref<!tpu.dma_semaphore, #tpu.memory_space<semaphore_mem>>
      %dma_start3A_198 = tpu.memref_slice %arg7[%mul3A_2] : memref<16384xf32, #tpu.memory_space<hbm>> -> memref<512xf32, #tpu.memory_space<hbm>>
      %dma_start3A_199 = tpu.memref_slice %arg7[%mul3A_2] : memref<16384xf32, #tpu.memory_space<hbm>> -> memref<512xf32, #tpu.memory_space<hbm>>
      tpu.enqueue_dma source(%arg14 : memref<512xf32, #tpu.memory_space<vmem>>) target(%dma_start3A_199 : memref<512xf32, #tpu.memory_space<hbm>>) target_semaphore(%run_scoped3A : memref<!tpu.dma_semaphore, #tpu.memory_space<semaphore_mem>>)
      %dma_wait3A_200 = tpu.memref_slice %arg7[%mul3A_2] : memref<16384xf32, #tpu.memory_space<hbm>> -> memref<512xf32, #tpu.memory_space<hbm>>
      %dma_wait3A_201 = tpu.memref_slice %arg7[%mul3A_2] : memref<16384xf32, #tpu.memory_space<hbm>> -> memref<512xf32, #tpu.memory_space<hbm>>
      tpu.wait_dma2 semaphore(%run_scoped3A : memref<!tpu.dma_semaphore, #tpu.memory_space<semaphore_mem>>) src(%arg14 : memref<512xf32, #tpu.memory_space<vmem>>) dst(%dma_wait3A_201 : memref<512xf32, #tpu.memory_space<hbm>>)
      tpu.yield
    }) : () -> ()
    return
  }
}

#map = affine_map<(d0, d1) -> (0, 0)>
module attributes {stable_mosaic.version = 14 : i64} {
  func.func @_transpose_body(%arg0: i32, %arg1: i32, %arg2: memref<32x1000000xf32, #tpu.memory_space<hbm>>, %arg3: memref<1000000x32xf32, #tpu.memory_space<hbm>>, %arg4: memref<32x512xf32, #tpu.memory_space<vmem>>, %arg5: memref<32x512xf32, #tpu.memory_space<vmem>>, %arg6: memref<512x33xf32, #tpu.memory_space<vmem>>, %arg7: memref<512x33xf32, #tpu.memory_space<vmem>>, %arg8: memref<32x16xf32, #tpu.memory_space<vmem>>, %arg9: memref<16x33xf32, #tpu.memory_space<vmem>>, %arg10: memref<!tpu.dma_semaphore, #tpu.memory_space<semaphore_mem>>, %arg11: memref<!tpu.dma_semaphore, #tpu.memory_space<semaphore_mem>>, %arg12: memref<!tpu.dma_semaphore, #tpu.memory_space<semaphore_mem>>, %arg13: memref<!tpu.dma_semaphore, #tpu.memory_space<semaphore_mem>>) attributes {dimension_semantics = [#tpu.dimension_semantics<core_parallel>, #tpu.dimension_semantics<subcore_parallel>], iteration_bounds = array<i64: 2, 16>, scalar_prefetch = 0 : i64, scratch_operands = 10 : i64, tpu.core_type = #tpu.core_type<sc_vector_subcore>, window_params = [{transform_indices = #map}, {transform_indices = #map}]} {
    %mul3A = arith.constant 2 : i32
    %mul3A_0 = arith.muli %arg1, %mul3A : i32
    %add3A = arith.addi %mul3A_0, %arg0 : i32
    %mul3A_1 = arith.constant 32256 : i32
    %mul3A_2 = arith.muli %add3A, %mul3A_1 : i32
    %lt3A = arith.constant 31 : i32
    %lt3A_3 = arith.cmpi slt, %add3A, %lt3A : i32
    %jit3A = arith.constant 63 : i32
    %jit3A_4 = arith.constant 0 : i32
    %select_n3A = arith.select %lt3A_3, %jit3A, %jit3A_4 : i32
    %iota3A = tpu.iota {dimensions = array<i32: 0>} : vector<16xi32>
    %gt3A = arith.constant 0 : i32
    %gt3A_5 = arith.cmpi sgt, %select_n3A, %gt3A : i32
    %convert_element_type3A = arith.extui %gt3A_5 : i1 to i32
    %cond3A = arith.constant 0 : i32
    %cond3A_6 = arith.cmpi ne, %convert_element_type3A, %cond3A : i32
    scf.if %cond3A_6 {
      %add3A_21 = arith.constant 0 : i32
      %add3A_22 = arith.addi %mul3A_2, %add3A_21 : i32
      %multiple_of3A = tpu.assume_multiple %add3A_22, 512 : i32
      %dma_start3A = arith.constant 0 : i32
      %dma_start3A_23 = tpu.memref_slice %arg2[%dma_start3A, %multiple_of3A] : memref<32x1000000xf32, #tpu.memory_space<hbm>> -> memref<32x512xf32, #tpu.memory_space<hbm>>
      %dma_start3A_24 = arith.constant 0 : i32
      %dma_start3A_25 = tpu.memref_slice %arg2[%dma_start3A_24, %multiple_of3A] : memref<32x1000000xf32, #tpu.memory_space<hbm>> -> memref<32x512xf32, #tpu.memory_space<hbm>>
      tpu.enqueue_dma source(%dma_start3A_25 : memref<32x512xf32, #tpu.memory_space<hbm>>) target(%arg4 : memref<32x512xf32, #tpu.memory_space<vmem>>) target_semaphore(%arg10 : memref<!tpu.dma_semaphore, #tpu.memory_space<semaphore_mem>>)
      %add3A_26 = arith.constant 512 : i32
      %add3A_27 = arith.addi %mul3A_2, %add3A_26 : i32
      %multiple_of3A_28 = tpu.assume_multiple %add3A_27, 512 : i32
      %dma_start3A_29 = arith.constant 0 : i32
      %dma_start3A_30 = tpu.memref_slice %arg2[%dma_start3A_29, %multiple_of3A_28] : memref<32x1000000xf32, #tpu.memory_space<hbm>> -> memref<32x512xf32, #tpu.memory_space<hbm>>
      %dma_start3A_31 = arith.constant 0 : i32
      %dma_start3A_32 = tpu.memref_slice %arg2[%dma_start3A_31, %multiple_of3A_28] : memref<32x1000000xf32, #tpu.memory_space<hbm>> -> memref<32x512xf32, #tpu.memory_space<hbm>>
      tpu.enqueue_dma source(%dma_start3A_32 : memref<32x512xf32, #tpu.memory_space<hbm>>) target(%arg5 : memref<32x512xf32, #tpu.memory_space<vmem>>) target_semaphore(%arg11 : memref<!tpu.dma_semaphore, #tpu.memory_space<semaphore_mem>>)
    } else {
    }
    %scan3A = arith.constant 0 : i32
    %scan3A_7 = arith.constant 0 : i32
    %scan3A_8 = arith.constant 32 : i32
    %scan3A_9 = arith.addi %scan3A_7, %scan3A_8 : i32
    %scan3A_10 = arith.constant 1 : i32
    scf.for %scan3A_21 = %scan3A_7 to %scan3A_9 step %scan3A_10  : i32 {
      %mul3A_22 = arith.constant 2 : i32
      %mul3A_23 = arith.muli %scan3A_21, %mul3A_22 : i32
      %add3A_24 = arith.constant 1 : i32
      %add3A_25 = arith.addi %mul3A_23, %add3A_24 : i32
      %lt3A_26 = arith.cmpi slt, %mul3A_23, %select_n3A : i32
      %convert_element_type3A_27 = arith.extui %lt3A_26 : i1 to i32
      %cond3A_28 = arith.constant 0 : i32
      %cond3A_29 = arith.cmpi ne, %convert_element_type3A_27, %cond3A_28 : i32
      scf.if %cond3A_29 {
        %dma_wait3A = arith.constant 0 : i32
        %dma_wait3A_34 = arith.constant 0 : i32
        %dma_wait3A_35 = tpu.memref_slice %arg2[%dma_wait3A, %dma_wait3A_34] : memref<32x1000000xf32, #tpu.memory_space<hbm>> -> memref<32x512xf32, #tpu.memory_space<hbm>>
        %dma_wait3A_36 = arith.constant 0 : i32
        %dma_wait3A_37 = arith.constant 0 : i32
        %dma_wait3A_38 = tpu.memref_slice %arg2[%dma_wait3A_36, %dma_wait3A_37] : memref<32x1000000xf32, #tpu.memory_space<hbm>> -> memref<32x512xf32, #tpu.memory_space<hbm>>
        tpu.wait_dma2 semaphore(%arg10 : memref<!tpu.dma_semaphore, #tpu.memory_space<semaphore_mem>>) src(%dma_wait3A_38 : memref<32x512xf32, #tpu.memory_space<hbm>>) dst(%arg4 : memref<32x512xf32, #tpu.memory_space<vmem>>)
        %ge3A = arith.constant 2 : i32
        %ge3A_39 = arith.cmpi sge, %mul3A_23, %ge3A : i32
        %convert_element_type3A_40 = arith.extui %ge3A_39 : i1 to i32
        %cond3A_41 = arith.constant 0 : i32
        %cond3A_42 = arith.cmpi ne, %convert_element_type3A_40, %cond3A_41 : i32
        scf.if %cond3A_42 {
          %dma_wait3A_67 = arith.constant 0 : i32
          %dma_wait3A_68 = arith.constant 0 : i32
          %dma_wait3A_69 = tpu.memref_slice %arg6[%dma_wait3A_67, %dma_wait3A_68] : memref<512x33xf32, #tpu.memory_space<vmem>> -> memref<512x32xf32, #tpu.memory_space<vmem>>
          %dma_wait3A_70 = arith.constant 0 : i32
          %dma_wait3A_71 = arith.constant 0 : i32
          %dma_wait3A_72 = tpu.memref_slice %arg3[%dma_wait3A_70, %dma_wait3A_71] : memref<1000000x32xf32, #tpu.memory_space<hbm>> -> memref<512x32xf32, #tpu.memory_space<hbm>>
          %dma_wait3A_73 = arith.constant 0 : i32
          %dma_wait3A_74 = arith.constant 0 : i32
          %dma_wait3A_75 = tpu.memref_slice %arg6[%dma_wait3A_73, %dma_wait3A_74] : memref<512x33xf32, #tpu.memory_space<vmem>> -> memref<512x32xf32, #tpu.memory_space<vmem>>
          %dma_wait3A_76 = arith.constant 0 : i32
          %dma_wait3A_77 = arith.constant 0 : i32
          %dma_wait3A_78 = tpu.memref_slice %arg3[%dma_wait3A_76, %dma_wait3A_77] : memref<1000000x32xf32, #tpu.memory_space<hbm>> -> memref<512x32xf32, #tpu.memory_space<hbm>>
          tpu.wait_dma2 semaphore(%arg12 : memref<!tpu.dma_semaphore, #tpu.memory_space<semaphore_mem>>) src(%dma_wait3A_78 : memref<512x32xf32, #tpu.memory_space<hbm>>) dst(%dma_wait3A_75 : memref<512x32xf32, #tpu.memory_space<vmem>>)
        } else {
        }
        %scan3A_43 = arith.constant 0 : i32
        %scan3A_44 = arith.constant 0 : i32
        %scan3A_45 = arith.constant 32 : i32
        %scan3A_46 = arith.addi %scan3A_44, %scan3A_45 : i32
        %scan3A_47 = arith.constant 1 : i32
        scf.for %scan3A_67 = %scan3A_44 to %scan3A_46 step %scan3A_47  : i32 {
          %mul3A_68 = arith.constant 16 : i32
          %mul3A_69 = arith.muli %scan3A_67, %mul3A_68 : i32
          %add3A_70 = vector.broadcast %mul3A_69 : i32 to vector<16xi32>
          %add3A_71 = arith.addi %add3A_70, %iota3A : vector<16xi32>
          %mul3A_72 = arith.constant 16 : i32
          %mul3A_73 = arith.muli %scan3A_67, %mul3A_72 : i32
          %multiple_of3A_74 = tpu.assume_multiple %mul3A_73, 16 : i32
          %get3A = arith.constant 0 : i32
          %get3A_75 = arith.index_cast %get3A : i32 to index
          %get3A_76 = arith.index_cast %multiple_of3A_74 : i32 to index
          %get3A_77 = tpu.vector_load %arg4[%get3A_75, %get3A_76] {strides = array<i32>} : memref<32x512xf32, #tpu.memory_space<vmem>>, vector<16xf32>,
          %broadcast_in_dim3A = arith.constant 0 : i32
          %broadcast_in_dim3A_78 = vector.broadcast %broadcast_in_dim3A : i32 to vector<16xi32>
          tpu.vector_store_idx %arg6[%add3A_71, %broadcast_in_dim3A_78], %get3A_77 : memref<512x33xf32, #tpu.memory_space<vmem>>[vector<16xi32>, vector<16xi32>], vector<16xf32>,
          %get3A_79 = arith.constant 1 : i32
          %get3A_80 = arith.index_cast %get3A_79 : i32 to index
          %get3A_81 = arith.index_cast %multiple_of3A_74 : i32 to index
          %get3A_82 = tpu.vector_load %arg4[%get3A_80, %get3A_81] {strides = array<i32>} : memref<32x512xf32, #tpu.memory_space<vmem>>, vector<16xf32>,
          %broadcast_in_dim3A_83 = arith.constant 1 : i32
          %broadcast_in_dim3A_84 = vector.broadcast %broadcast_in_dim3A_83 : i32 to vector<16xi32>
          tpu.vector_store_idx %arg6[%add3A_71, %broadcast_in_dim3A_84], %get3A_82 : memref<512x33xf32, #tpu.memory_space<vmem>>[vector<16xi32>, vector<16xi32>], vector<16xf32>,
          %get3A_85 = arith.constant 2 : i32
          %get3A_86 = arith.index_cast %get3A_85 : i32 to index
          %get3A_87 = arith.index_cast %multiple_of3A_74 : i32 to index
          %get3A_88 = tpu.vector_load %arg4[%get3A_86, %get3A_87] {strides = array<i32>} : memref<32x512xf32, #tpu.memory_space<vmem>>, vector<16xf32>,
          %broadcast_in_dim3A_89 = arith.constant 2 : i32
          %broadcast_in_dim3A_90 = vector.broadcast %broadcast_in_dim3A_89 : i32 to vector<16xi32>
          tpu.vector_store_idx %arg6[%add3A_71, %broadcast_in_dim3A_90], %get3A_88 : memref<512x33xf32, #tpu.memory_space<vmem>>[vector<16xi32>, vector<16xi32>], vector<16xf32>,
          %get3A_91 = arith.constant 3 : i32
          %get3A_92 = arith.index_cast %get3A_91 : i32 to index
          %get3A_93 = arith.index_cast %multiple_of3A_74 : i32 to index
          %get3A_94 = tpu.vector_load %arg4[%get3A_92, %get3A_93] {strides = array<i32>} : memref<32x512xf32, #tpu.memory_space<vmem>>, vector<16xf32>,
          %broadcast_in_dim3A_95 = arith.constant 3 : i32
          %broadcast_in_dim3A_96 = vector.broadcast %broadcast_in_dim3A_95 : i32 to vector<16xi32>
          tpu.vector_store_idx %arg6[%add3A_71, %broadcast_in_dim3A_96], %get3A_94 : memref<512x33xf32, #tpu.memory_space<vmem>>[vector<16xi32>, vector<16xi32>], vector<16xf32>,
          %get3A_97 = arith.constant 4 : i32
          %get3A_98 = arith.index_cast %get3A_97 : i32 to index
          %get3A_99 = arith.index_cast %multiple_of3A_74 : i32 to index
          %get3A_100 = tpu.vector_load %arg4[%get3A_98, %get3A_99] {strides = array<i32>} : memref<32x512xf32, #tpu.memory_space<vmem>>, vector<16xf32>,
          %broadcast_in_dim3A_101 = arith.constant 4 : i32
          %broadcast_in_dim3A_102 = vector.broadcast %broadcast_in_dim3A_101 : i32 to vector<16xi32>
          tpu.vector_store_idx %arg6[%add3A_71, %broadcast_in_dim3A_102], %get3A_100 : memref<512x33xf32, #tpu.memory_space<vmem>>[vector<16xi32>, vector<16xi32>], vector<16xf32>,
          %get3A_103 = arith.constant 5 : i32
          %get3A_104 = arith.index_cast %get3A_103 : i32 to index
          %get3A_105 = arith.index_cast %multiple_of3A_74 : i32 to index
          %get3A_106 = tpu.vector_load %arg4[%get3A_104, %get3A_105] {strides = array<i32>} : memref<32x512xf32, #tpu.memory_space<vmem>>, vector<16xf32>,
          %broadcast_in_dim3A_107 = arith.constant 5 : i32
          %broadcast_in_dim3A_108 = vector.broadcast %broadcast_in_dim3A_107 : i32 to vector<16xi32>
          tpu.vector_store_idx %arg6[%add3A_71, %broadcast_in_dim3A_108], %get3A_106 : memref<512x33xf32, #tpu.memory_space<vmem>>[vector<16xi32>, vector<16xi32>], vector<16xf32>,
          %get3A_109 = arith.constant 6 : i32
          %get3A_110 = arith.index_cast %get3A_109 : i32 to index
          %get3A_111 = arith.index_cast %multiple_of3A_74 : i32 to index
          %get3A_112 = tpu.vector_load %arg4[%get3A_110, %get3A_111] {strides = array<i32>} : memref<32x512xf32, #tpu.memory_space<vmem>>, vector<16xf32>,
          %broadcast_in_dim3A_113 = arith.constant 6 : i32
          %broadcast_in_dim3A_114 = vector.broadcast %broadcast_in_dim3A_113 : i32 to vector<16xi32>
          tpu.vector_store_idx %arg6[%add3A_71, %broadcast_in_dim3A_114], %get3A_112 : memref<512x33xf32, #tpu.memory_space<vmem>>[vector<16xi32>, vector<16xi32>], vector<16xf32>,
          %get3A_115 = arith.constant 7 : i32
          %get3A_116 = arith.index_cast %get3A_115 : i32 to index
          %get3A_117 = arith.index_cast %multiple_of3A_74 : i32 to index
          %get3A_118 = tpu.vector_load %arg4[%get3A_116, %get3A_117] {strides = array<i32>} : memref<32x512xf32, #tpu.memory_space<vmem>>, vector<16xf32>,
          %broadcast_in_dim3A_119 = arith.constant 7 : i32
          %broadcast_in_dim3A_120 = vector.broadcast %broadcast_in_dim3A_119 : i32 to vector<16xi32>
          tpu.vector_store_idx %arg6[%add3A_71, %broadcast_in_dim3A_120], %get3A_118 : memref<512x33xf32, #tpu.memory_space<vmem>>[vector<16xi32>, vector<16xi32>], vector<16xf32>,
          %get3A_121 = arith.constant 8 : i32
          %get3A_122 = arith.index_cast %get3A_121 : i32 to index
          %get3A_123 = arith.index_cast %multiple_of3A_74 : i32 to index
          %get3A_124 = tpu.vector_load %arg4[%get3A_122, %get3A_123] {strides = array<i32>} : memref<32x512xf32, #tpu.memory_space<vmem>>, vector<16xf32>,
          %broadcast_in_dim3A_125 = arith.constant 8 : i32
          %broadcast_in_dim3A_126 = vector.broadcast %broadcast_in_dim3A_125 : i32 to vector<16xi32>
          tpu.vector_store_idx %arg6[%add3A_71, %broadcast_in_dim3A_126], %get3A_124 : memref<512x33xf32, #tpu.memory_space<vmem>>[vector<16xi32>, vector<16xi32>], vector<16xf32>,
          %get3A_127 = arith.constant 9 : i32
          %get3A_128 = arith.index_cast %get3A_127 : i32 to index
          %get3A_129 = arith.index_cast %multiple_of3A_74 : i32 to index
          %get3A_130 = tpu.vector_load %arg4[%get3A_128, %get3A_129] {strides = array<i32>} : memref<32x512xf32, #tpu.memory_space<vmem>>, vector<16xf32>,
          %broadcast_in_dim3A_131 = arith.constant 9 : i32
          %broadcast_in_dim3A_132 = vector.broadcast %broadcast_in_dim3A_131 : i32 to vector<16xi32>
          tpu.vector_store_idx %arg6[%add3A_71, %broadcast_in_dim3A_132], %get3A_130 : memref<512x33xf32, #tpu.memory_space<vmem>>[vector<16xi32>, vector<16xi32>], vector<16xf32>,
          %get3A_133 = arith.constant 10 : i32
          %get3A_134 = arith.index_cast %get3A_133 : i32 to index
          %get3A_135 = arith.index_cast %multiple_of3A_74 : i32 to index
          %get3A_136 = tpu.vector_load %arg4[%get3A_134, %get3A_135] {strides = array<i32>} : memref<32x512xf32, #tpu.memory_space<vmem>>, vector<16xf32>,
          %broadcast_in_dim3A_137 = arith.constant 10 : i32
          %broadcast_in_dim3A_138 = vector.broadcast %broadcast_in_dim3A_137 : i32 to vector<16xi32>
          tpu.vector_store_idx %arg6[%add3A_71, %broadcast_in_dim3A_138], %get3A_136 : memref<512x33xf32, #tpu.memory_space<vmem>>[vector<16xi32>, vector<16xi32>], vector<16xf32>,
          %get3A_139 = arith.constant 11 : i32
          %get3A_140 = arith.index_cast %get3A_139 : i32 to index
          %get3A_141 = arith.index_cast %multiple_of3A_74 : i32 to index
          %get3A_142 = tpu.vector_load %arg4[%get3A_140, %get3A_141] {strides = array<i32>} : memref<32x512xf32, #tpu.memory_space<vmem>>, vector<16xf32>,
          %broadcast_in_dim3A_143 = arith.constant 11 : i32
          %broadcast_in_dim3A_144 = vector.broadcast %broadcast_in_dim3A_143 : i32 to vector<16xi32>
          tpu.vector_store_idx %arg6[%add3A_71, %broadcast_in_dim3A_144], %get3A_142 : memref<512x33xf32, #tpu.memory_space<vmem>>[vector<16xi32>, vector<16xi32>], vector<16xf32>,
          %get3A_145 = arith.constant 12 : i32
          %get3A_146 = arith.index_cast %get3A_145 : i32 to index
          %get3A_147 = arith.index_cast %multiple_of3A_74 : i32 to index
          %get3A_148 = tpu.vector_load %arg4[%get3A_146, %get3A_147] {strides = array<i32>} : memref<32x512xf32, #tpu.memory_space<vmem>>, vector<16xf32>,
          %broadcast_in_dim3A_149 = arith.constant 12 : i32
          %broadcast_in_dim3A_150 = vector.broadcast %broadcast_in_dim3A_149 : i32 to vector<16xi32>
          tpu.vector_store_idx %arg6[%add3A_71, %broadcast_in_dim3A_150], %get3A_148 : memref<512x33xf32, #tpu.memory_space<vmem>>[vector<16xi32>, vector<16xi32>], vector<16xf32>,
          %get3A_151 = arith.constant 13 : i32
          %get3A_152 = arith.index_cast %get3A_151 : i32 to index
          %get3A_153 = arith.index_cast %multiple_of3A_74 : i32 to index
          %get3A_154 = tpu.vector_load %arg4[%get3A_152, %get3A_153] {strides = array<i32>} : memref<32x512xf32, #tpu.memory_space<vmem>>, vector<16xf32>,
          %broadcast_in_dim3A_155 = arith.constant 13 : i32
          %broadcast_in_dim3A_156 = vector.broadcast %broadcast_in_dim3A_155 : i32 to vector<16xi32>
          tpu.vector_store_idx %arg6[%add3A_71, %broadcast_in_dim3A_156], %get3A_154 : memref<512x33xf32, #tpu.memory_space<vmem>>[vector<16xi32>, vector<16xi32>], vector<16xf32>,
          %get3A_157 = arith.constant 14 : i32
          %get3A_158 = arith.index_cast %get3A_157 : i32 to index
          %get3A_159 = arith.index_cast %multiple_of3A_74 : i32 to index
          %get3A_160 = tpu.vector_load %arg4[%get3A_158, %get3A_159] {strides = array<i32>} : memref<32x512xf32, #tpu.memory_space<vmem>>, vector<16xf32>,
          %broadcast_in_dim3A_161 = arith.constant 14 : i32
          %broadcast_in_dim3A_162 = vector.broadcast %broadcast_in_dim3A_161 : i32 to vector<16xi32>
          tpu.vector_store_idx %arg6[%add3A_71, %broadcast_in_dim3A_162], %get3A_160 : memref<512x33xf32, #tpu.memory_space<vmem>>[vector<16xi32>, vector<16xi32>], vector<16xf32>,
          %get3A_163 = arith.constant 15 : i32
          %get3A_164 = arith.index_cast %get3A_163 : i32 to index
          %get3A_165 = arith.index_cast %multiple_of3A_74 : i32 to index
          %get3A_166 = tpu.vector_load %arg4[%get3A_164, %get3A_165] {strides = array<i32>} : memref<32x512xf32, #tpu.memory_space<vmem>>, vector<16xf32>,
          %broadcast_in_dim3A_167 = arith.constant 15 : i32
          %broadcast_in_dim3A_168 = vector.broadcast %broadcast_in_dim3A_167 : i32 to vector<16xi32>
          tpu.vector_store_idx %arg6[%add3A_71, %broadcast_in_dim3A_168], %get3A_166 : memref<512x33xf32, #tpu.memory_space<vmem>>[vector<16xi32>, vector<16xi32>], vector<16xf32>,
          %get3A_169 = arith.constant 16 : i32
          %get3A_170 = arith.index_cast %get3A_169 : i32 to index
          %get3A_171 = arith.index_cast %multiple_of3A_74 : i32 to index
          %get3A_172 = tpu.vector_load %arg4[%get3A_170, %get3A_171] {strides = array<i32>} : memref<32x512xf32, #tpu.memory_space<vmem>>, vector<16xf32>,
          %broadcast_in_dim3A_173 = arith.constant 16 : i32
          %broadcast_in_dim3A_174 = vector.broadcast %broadcast_in_dim3A_173 : i32 to vector<16xi32>
          tpu.vector_store_idx %arg6[%add3A_71, %broadcast_in_dim3A_174], %get3A_172 : memref<512x33xf32, #tpu.memory_space<vmem>>[vector<16xi32>, vector<16xi32>], vector<16xf32>,
          %get3A_175 = arith.constant 17 : i32
          %get3A_176 = arith.index_cast %get3A_175 : i32 to index
          %get3A_177 = arith.index_cast %multiple_of3A_74 : i32 to index
          %get3A_178 = tpu.vector_load %arg4[%get3A_176, %get3A_177] {strides = array<i32>} : memref<32x512xf32, #tpu.memory_space<vmem>>, vector<16xf32>,
          %broadcast_in_dim3A_179 = arith.constant 17 : i32
          %broadcast_in_dim3A_180 = vector.broadcast %broadcast_in_dim3A_179 : i32 to vector<16xi32>
          tpu.vector_store_idx %arg6[%add3A_71, %broadcast_in_dim3A_180], %get3A_178 : memref<512x33xf32, #tpu.memory_space<vmem>>[vector<16xi32>, vector<16xi32>], vector<16xf32>,
          %get3A_181 = arith.constant 18 : i32
          %get3A_182 = arith.index_cast %get3A_181 : i32 to index
          %get3A_183 = arith.index_cast %multiple_of3A_74 : i32 to index
          %get3A_184 = tpu.vector_load %arg4[%get3A_182, %get3A_183] {strides = array<i32>} : memref<32x512xf32, #tpu.memory_space<vmem>>, vector<16xf32>,
          %broadcast_in_dim3A_185 = arith.constant 18 : i32
          %broadcast_in_dim3A_186 = vector.broadcast %broadcast_in_dim3A_185 : i32 to vector<16xi32>
          tpu.vector_store_idx %arg6[%add3A_71, %broadcast_in_dim3A_186], %get3A_184 : memref<512x33xf32, #tpu.memory_space<vmem>>[vector<16xi32>, vector<16xi32>], vector<16xf32>,
          %get3A_187 = arith.constant 19 : i32
          %get3A_188 = arith.index_cast %get3A_187 : i32 to index
          %get3A_189 = arith.index_cast %multiple_of3A_74 : i32 to index
          %get3A_190 = tpu.vector_load %arg4[%get3A_188, %get3A_189] {strides = array<i32>} : memref<32x512xf32, #tpu.memory_space<vmem>>, vector<16xf32>,
          %broadcast_in_dim3A_191 = arith.constant 19 : i32
          %broadcast_in_dim3A_192 = vector.broadcast %broadcast_in_dim3A_191 : i32 to vector<16xi32>
          tpu.vector_store_idx %arg6[%add3A_71, %broadcast_in_dim3A_192], %get3A_190 : memref<512x33xf32, #tpu.memory_space<vmem>>[vector<16xi32>, vector<16xi32>], vector<16xf32>,
          %get3A_193 = arith.constant 20 : i32
          %get3A_194 = arith.index_cast %get3A_193 : i32 to index
          %get3A_195 = arith.index_cast %multiple_of3A_74 : i32 to index
          %get3A_196 = tpu.vector_load %arg4[%get3A_194, %get3A_195] {strides = array<i32>} : memref<32x512xf32, #tpu.memory_space<vmem>>, vector<16xf32>,
          %broadcast_in_dim3A_197 = arith.constant 20 : i32
          %broadcast_in_dim3A_198 = vector.broadcast %broadcast_in_dim3A_197 : i32 to vector<16xi32>
          tpu.vector_store_idx %arg6[%add3A_71, %broadcast_in_dim3A_198], %get3A_196 : memref<512x33xf32, #tpu.memory_space<vmem>>[vector<16xi32>, vector<16xi32>], vector<16xf32>,
          %get3A_199 = arith.constant 21 : i32
          %get3A_200 = arith.index_cast %get3A_199 : i32 to index
          %get3A_201 = arith.index_cast %multiple_of3A_74 : i32 to index
          %get3A_202 = tpu.vector_load %arg4[%get3A_200, %get3A_201] {strides = array<i32>} : memref<32x512xf32, #tpu.memory_space<vmem>>, vector<16xf32>,
          %broadcast_in_dim3A_203 = arith.constant 21 : i32
          %broadcast_in_dim3A_204 = vector.broadcast %broadcast_in_dim3A_203 : i32 to vector<16xi32>
          tpu.vector_store_idx %arg6[%add3A_71, %broadcast_in_dim3A_204], %get3A_202 : memref<512x33xf32, #tpu.memory_space<vmem>>[vector<16xi32>, vector<16xi32>], vector<16xf32>,
          %get3A_205 = arith.constant 22 : i32
          %get3A_206 = arith.index_cast %get3A_205 : i32 to index
          %get3A_207 = arith.index_cast %multiple_of3A_74 : i32 to index
          %get3A_208 = tpu.vector_load %arg4[%get3A_206, %get3A_207] {strides = array<i32>} : memref<32x512xf32, #tpu.memory_space<vmem>>, vector<16xf32>,
          %broadcast_in_dim3A_209 = arith.constant 22 : i32
          %broadcast_in_dim3A_210 = vector.broadcast %broadcast_in_dim3A_209 : i32 to vector<16xi32>
          tpu.vector_store_idx %arg6[%add3A_71, %broadcast_in_dim3A_210], %get3A_208 : memref<512x33xf32, #tpu.memory_space<vmem>>[vector<16xi32>, vector<16xi32>], vector<16xf32>,
          %get3A_211 = arith.constant 23 : i32
          %get3A_212 = arith.index_cast %get3A_211 : i32 to index
          %get3A_213 = arith.index_cast %multiple_of3A_74 : i32 to index
          %get3A_214 = tpu.vector_load %arg4[%get3A_212, %get3A_213] {strides = array<i32>} : memref<32x512xf32, #tpu.memory_space<vmem>>, vector<16xf32>,
          %broadcast_in_dim3A_215 = arith.constant 23 : i32
          %broadcast_in_dim3A_216 = vector.broadcast %broadcast_in_dim3A_215 : i32 to vector<16xi32>
          tpu.vector_store_idx %arg6[%add3A_71, %broadcast_in_dim3A_216], %get3A_214 : memref<512x33xf32, #tpu.memory_space<vmem>>[vector<16xi32>, vector<16xi32>], vector<16xf32>,
          %get3A_217 = arith.constant 24 : i32
          %get3A_218 = arith.index_cast %get3A_217 : i32 to index
          %get3A_219 = arith.index_cast %multiple_of3A_74 : i32 to index
          %get3A_220 = tpu.vector_load %arg4[%get3A_218, %get3A_219] {strides = array<i32>} : memref<32x512xf32, #tpu.memory_space<vmem>>, vector<16xf32>,
          %broadcast_in_dim3A_221 = arith.constant 24 : i32
          %broadcast_in_dim3A_222 = vector.broadcast %broadcast_in_dim3A_221 : i32 to vector<16xi32>
          tpu.vector_store_idx %arg6[%add3A_71, %broadcast_in_dim3A_222], %get3A_220 : memref<512x33xf32, #tpu.memory_space<vmem>>[vector<16xi32>, vector<16xi32>], vector<16xf32>,
          %get3A_223 = arith.constant 25 : i32
          %get3A_224 = arith.index_cast %get3A_223 : i32 to index
          %get3A_225 = arith.index_cast %multiple_of3A_74 : i32 to index
          %get3A_226 = tpu.vector_load %arg4[%get3A_224, %get3A_225] {strides = array<i32>} : memref<32x512xf32, #tpu.memory_space<vmem>>, vector<16xf32>,
          %broadcast_in_dim3A_227 = arith.constant 25 : i32
          %broadcast_in_dim3A_228 = vector.broadcast %broadcast_in_dim3A_227 : i32 to vector<16xi32>
          tpu.vector_store_idx %arg6[%add3A_71, %broadcast_in_dim3A_228], %get3A_226 : memref<512x33xf32, #tpu.memory_space<vmem>>[vector<16xi32>, vector<16xi32>], vector<16xf32>,
          %get3A_229 = arith.constant 26 : i32
          %get3A_230 = arith.index_cast %get3A_229 : i32 to index
          %get3A_231 = arith.index_cast %multiple_of3A_74 : i32 to index
          %get3A_232 = tpu.vector_load %arg4[%get3A_230, %get3A_231] {strides = array<i32>} : memref<32x512xf32, #tpu.memory_space<vmem>>, vector<16xf32>,
          %broadcast_in_dim3A_233 = arith.constant 26 : i32
          %broadcast_in_dim3A_234 = vector.broadcast %broadcast_in_dim3A_233 : i32 to vector<16xi32>
          tpu.vector_store_idx %arg6[%add3A_71, %broadcast_in_dim3A_234], %get3A_232 : memref<512x33xf32, #tpu.memory_space<vmem>>[vector<16xi32>, vector<16xi32>], vector<16xf32>,
          %get3A_235 = arith.constant 27 : i32
          %get3A_236 = arith.index_cast %get3A_235 : i32 to index
          %get3A_237 = arith.index_cast %multiple_of3A_74 : i32 to index
          %get3A_238 = tpu.vector_load %arg4[%get3A_236, %get3A_237] {strides = array<i32>} : memref<32x512xf32, #tpu.memory_space<vmem>>, vector<16xf32>,
          %broadcast_in_dim3A_239 = arith.constant 27 : i32
          %broadcast_in_dim3A_240 = vector.broadcast %broadcast_in_dim3A_239 : i32 to vector<16xi32>
          tpu.vector_store_idx %arg6[%add3A_71, %broadcast_in_dim3A_240], %get3A_238 : memref<512x33xf32, #tpu.memory_space<vmem>>[vector<16xi32>, vector<16xi32>], vector<16xf32>,
          %get3A_241 = arith.constant 28 : i32
          %get3A_242 = arith.index_cast %get3A_241 : i32 to index
          %get3A_243 = arith.index_cast %multiple_of3A_74 : i32 to index
          %get3A_244 = tpu.vector_load %arg4[%get3A_242, %get3A_243] {strides = array<i32>} : memref<32x512xf32, #tpu.memory_space<vmem>>, vector<16xf32>,
          %broadcast_in_dim3A_245 = arith.constant 28 : i32
          %broadcast_in_dim3A_246 = vector.broadcast %broadcast_in_dim3A_245 : i32 to vector<16xi32>
          tpu.vector_store_idx %arg6[%add3A_71, %broadcast_in_dim3A_246], %get3A_244 : memref<512x33xf32, #tpu.memory_space<vmem>>[vector<16xi32>, vector<16xi32>], vector<16xf32>,
          %get3A_247 = arith.constant 29 : i32
          %get3A_248 = arith.index_cast %get3A_247 : i32 to index
          %get3A_249 = arith.index_cast %multiple_of3A_74 : i32 to index
          %get3A_250 = tpu.vector_load %arg4[%get3A_248, %get3A_249] {strides = array<i32>} : memref<32x512xf32, #tpu.memory_space<vmem>>, vector<16xf32>,
          %broadcast_in_dim3A_251 = arith.constant 29 : i32
          %broadcast_in_dim3A_252 = vector.broadcast %broadcast_in_dim3A_251 : i32 to vector<16xi32>
          tpu.vector_store_idx %arg6[%add3A_71, %broadcast_in_dim3A_252], %get3A_250 : memref<512x33xf32, #tpu.memory_space<vmem>>[vector<16xi32>, vector<16xi32>], vector<16xf32>,
          %get3A_253 = arith.constant 30 : i32
          %get3A_254 = arith.index_cast %get3A_253 : i32 to index
          %get3A_255 = arith.index_cast %multiple_of3A_74 : i32 to index
          %get3A_256 = tpu.vector_load %arg4[%get3A_254, %get3A_255] {strides = array<i32>} : memref<32x512xf32, #tpu.memory_space<vmem>>, vector<16xf32>,
          %broadcast_in_dim3A_257 = arith.constant 30 : i32
          %broadcast_in_dim3A_258 = vector.broadcast %broadcast_in_dim3A_257 : i32 to vector<16xi32>
          tpu.vector_store_idx %arg6[%add3A_71, %broadcast_in_dim3A_258], %get3A_256 : memref<512x33xf32, #tpu.memory_space<vmem>>[vector<16xi32>, vector<16xi32>], vector<16xf32>,
          %get3A_259 = arith.constant 31 : i32
          %get3A_260 = arith.index_cast %get3A_259 : i32 to index
          %get3A_261 = arith.index_cast %multiple_of3A_74 : i32 to index
          %get3A_262 = tpu.vector_load %arg4[%get3A_260, %get3A_261] {strides = array<i32>} : memref<32x512xf32, #tpu.memory_space<vmem>>, vector<16xf32>,
          %broadcast_in_dim3A_263 = arith.constant 31 : i32
          %broadcast_in_dim3A_264 = vector.broadcast %broadcast_in_dim3A_263 : i32 to vector<16xi32>
          tpu.vector_store_idx %arg6[%add3A_71, %broadcast_in_dim3A_264], %get3A_262 : memref<512x33xf32, #tpu.memory_space<vmem>>[vector<16xi32>, vector<16xi32>], vector<16xf32>,
        }
        %scan3A_48 = arith.constant 32 : i32
        %mul3A_49 = arith.constant 512 : i32
        %mul3A_50 = arith.muli %mul3A_23, %mul3A_49 : i32
        %add3A_51 = arith.addi %mul3A_2, %mul3A_50 : i32
        %multiple_of3A = tpu.assume_multiple %add3A_51, 512 : i32
        %dma_start3A = arith.constant 0 : i32
        %dma_start3A_52 = arith.constant 0 : i32
        %dma_start3A_53 = tpu.memref_slice %arg6[%dma_start3A, %dma_start3A_52] : memref<512x33xf32, #tpu.memory_space<vmem>> -> memref<512x32xf32, #tpu.memory_space<vmem>>
        %dma_start3A_54 = arith.constant 0 : i32
        %dma_start3A_55 = tpu.memref_slice %arg3[%multiple_of3A, %dma_start3A_54] : memref<1000000x32xf32, #tpu.memory_space<hbm>> -> memref<512x32xf32, #tpu.memory_space<hbm>>
        %dma_start3A_56 = arith.constant 0 : i32
        %dma_start3A_57 = tpu.memref_slice %arg3[%multiple_of3A, %dma_start3A_56] : memref<1000000x32xf32, #tpu.memory_space<hbm>> -> memref<512x32xf32, #tpu.memory_space<hbm>>
        %dma_start3A_58 = arith.constant 0 : i32
        %dma_start3A_59 = arith.constant 0 : i32
        %dma_start3A_60 = tpu.memref_slice %arg6[%dma_start3A_58, %dma_start3A_59] : memref<512x33xf32, #tpu.memory_space<vmem>> -> memref<512x32xf32, #tpu.memory_space<vmem>>
        tpu.enqueue_dma source(%dma_start3A_60 : memref<512x32xf32, #tpu.memory_space<vmem>>) target(%dma_start3A_57 : memref<512x32xf32, #tpu.memory_space<hbm>>) target_semaphore(%arg12 : memref<!tpu.dma_semaphore, #tpu.memory_space<semaphore_mem>>)
        %add3A_61 = arith.constant 2 : i32
        %add3A_62 = arith.addi %mul3A_23, %add3A_61 : i32
        %lt3A_63 = arith.cmpi slt, %add3A_62, %select_n3A : i32
        %convert_element_type3A_64 = arith.extui %lt3A_63 : i1 to i32
        %cond3A_65 = arith.constant 0 : i32
        %cond3A_66 = arith.cmpi ne, %convert_element_type3A_64, %cond3A_65 : i32
        scf.if %cond3A_66 {
          %add3A_67 = arith.constant 2 : i32
          %add3A_68 = arith.addi %mul3A_23, %add3A_67 : i32
          %mul3A_69 = arith.constant 512 : i32
          %mul3A_70 = arith.muli %add3A_68, %mul3A_69 : i32
          %add3A_71 = arith.addi %mul3A_2, %mul3A_70 : i32
          %multiple_of3A_72 = tpu.assume_multiple %add3A_71, 512 : i32
          %dma_start3A_73 = arith.constant 0 : i32
          %dma_start3A_74 = tpu.memref_slice %arg2[%dma_start3A_73, %multiple_of3A_72] : memref<32x1000000xf32, #tpu.memory_space<hbm>> -> memref<32x512xf32, #tpu.memory_space<hbm>>
          %dma_start3A_75 = arith.constant 0 : i32
          %dma_start3A_76 = tpu.memref_slice %arg2[%dma_start3A_75, %multiple_of3A_72] : memref<32x1000000xf32, #tpu.memory_space<hbm>> -> memref<32x512xf32, #tpu.memory_space<hbm>>
          tpu.enqueue_dma source(%dma_start3A_76 : memref<32x512xf32, #tpu.memory_space<hbm>>) target(%arg4 : memref<32x512xf32, #tpu.memory_space<vmem>>) target_semaphore(%arg10 : memref<!tpu.dma_semaphore, #tpu.memory_space<semaphore_mem>>)
        } else {
        }
      } else {
      }
      %lt3A_30 = arith.cmpi slt, %add3A_25, %select_n3A : i32
      %convert_element_type3A_31 = arith.extui %lt3A_30 : i1 to i32
      %cond3A_32 = arith.constant 0 : i32
      %cond3A_33 = arith.cmpi ne, %convert_element_type3A_31, %cond3A_32 : i32
      scf.if %cond3A_33 {
        %dma_wait3A = arith.constant 0 : i32
        %dma_wait3A_34 = arith.constant 0 : i32
        %dma_wait3A_35 = tpu.memref_slice %arg2[%dma_wait3A, %dma_wait3A_34] : memref<32x1000000xf32, #tpu.memory_space<hbm>> -> memref<32x512xf32, #tpu.memory_space<hbm>>
        %dma_wait3A_36 = arith.constant 0 : i32
        %dma_wait3A_37 = arith.constant 0 : i32
        %dma_wait3A_38 = tpu.memref_slice %arg2[%dma_wait3A_36, %dma_wait3A_37] : memref<32x1000000xf32, #tpu.memory_space<hbm>> -> memref<32x512xf32, #tpu.memory_space<hbm>>
        tpu.wait_dma2 semaphore(%arg11 : memref<!tpu.dma_semaphore, #tpu.memory_space<semaphore_mem>>) src(%dma_wait3A_38 : memref<32x512xf32, #tpu.memory_space<hbm>>) dst(%arg5 : memref<32x512xf32, #tpu.memory_space<vmem>>)
        %ge3A = arith.constant 2 : i32
        %ge3A_39 = arith.cmpi sge, %add3A_25, %ge3A : i32
        %convert_element_type3A_40 = arith.extui %ge3A_39 : i1 to i32
        %cond3A_41 = arith.constant 0 : i32
        %cond3A_42 = arith.cmpi ne, %convert_element_type3A_40, %cond3A_41 : i32
        scf.if %cond3A_42 {
          %dma_wait3A_67 = arith.constant 0 : i32
          %dma_wait3A_68 = arith.constant 0 : i32
          %dma_wait3A_69 = tpu.memref_slice %arg7[%dma_wait3A_67, %dma_wait3A_68] : memref<512x33xf32, #tpu.memory_space<vmem>> -> memref<512x32xf32, #tpu.memory_space<vmem>>
          %dma_wait3A_70 = arith.constant 0 : i32
          %dma_wait3A_71 = arith.constant 0 : i32
          %dma_wait3A_72 = tpu.memref_slice %arg3[%dma_wait3A_70, %dma_wait3A_71] : memref<1000000x32xf32, #tpu.memory_space<hbm>> -> memref<512x32xf32, #tpu.memory_space<hbm>>
          %dma_wait3A_73 = arith.constant 0 : i32
          %dma_wait3A_74 = arith.constant 0 : i32
          %dma_wait3A_75 = tpu.memref_slice %arg7[%dma_wait3A_73, %dma_wait3A_74] : memref<512x33xf32, #tpu.memory_space<vmem>> -> memref<512x32xf32, #tpu.memory_space<vmem>>
          %dma_wait3A_76 = arith.constant 0 : i32
          %dma_wait3A_77 = arith.constant 0 : i32
          %dma_wait3A_78 = tpu.memref_slice %arg3[%dma_wait3A_76, %dma_wait3A_77] : memref<1000000x32xf32, #tpu.memory_space<hbm>> -> memref<512x32xf32, #tpu.memory_space<hbm>>
          tpu.wait_dma2 semaphore(%arg13 : memref<!tpu.dma_semaphore, #tpu.memory_space<semaphore_mem>>) src(%dma_wait3A_78 : memref<512x32xf32, #tpu.memory_space<hbm>>) dst(%dma_wait3A_75 : memref<512x32xf32, #tpu.memory_space<vmem>>)
        } else {
        }
        %scan3A_43 = arith.constant 0 : i32
        %scan3A_44 = arith.constant 0 : i32
        %scan3A_45 = arith.constant 32 : i32
        %scan3A_46 = arith.addi %scan3A_44, %scan3A_45 : i32
        %scan3A_47 = arith.constant 1 : i32
        scf.for %scan3A_67 = %scan3A_44 to %scan3A_46 step %scan3A_47  : i32 {
          %mul3A_68 = arith.constant 16 : i32
          %mul3A_69 = arith.muli %scan3A_67, %mul3A_68 : i32
          %add3A_70 = vector.broadcast %mul3A_69 : i32 to vector<16xi32>
          %add3A_71 = arith.addi %add3A_70, %iota3A : vector<16xi32>
          %mul3A_72 = arith.constant 16 : i32
          %mul3A_73 = arith.muli %scan3A_67, %mul3A_72 : i32
          %multiple_of3A_74 = tpu.assume_multiple %mul3A_73, 16 : i32
          %get3A = arith.constant 0 : i32
          %get3A_75 = arith.index_cast %get3A : i32 to index
          %get3A_76 = arith.index_cast %multiple_of3A_74 : i32 to index
          %get3A_77 = tpu.vector_load %arg5[%get3A_75, %get3A_76] {strides = array<i32>} : memref<32x512xf32, #tpu.memory_space<vmem>>, vector<16xf32>,
          %broadcast_in_dim3A = arith.constant 0 : i32
          %broadcast_in_dim3A_78 = vector.broadcast %broadcast_in_dim3A : i32 to vector<16xi32>
          tpu.vector_store_idx %arg7[%add3A_71, %broadcast_in_dim3A_78], %get3A_77 : memref<512x33xf32, #tpu.memory_space<vmem>>[vector<16xi32>, vector<16xi32>], vector<16xf32>,
          %get3A_79 = arith.constant 1 : i32
          %get3A_80 = arith.index_cast %get3A_79 : i32 to index
          %get3A_81 = arith.index_cast %multiple_of3A_74 : i32 to index
          %get3A_82 = tpu.vector_load %arg5[%get3A_80, %get3A_81] {strides = array<i32>} : memref<32x512xf32, #tpu.memory_space<vmem>>, vector<16xf32>,
          %broadcast_in_dim3A_83 = arith.constant 1 : i32
          %broadcast_in_dim3A_84 = vector.broadcast %broadcast_in_dim3A_83 : i32 to vector<16xi32>
          tpu.vector_store_idx %arg7[%add3A_71, %broadcast_in_dim3A_84], %get3A_82 : memref<512x33xf32, #tpu.memory_space<vmem>>[vector<16xi32>, vector<16xi32>], vector<16xf32>,
          %get3A_85 = arith.constant 2 : i32
          %get3A_86 = arith.index_cast %get3A_85 : i32 to index
          %get3A_87 = arith.index_cast %multiple_of3A_74 : i32 to index
          %get3A_88 = tpu.vector_load %arg5[%get3A_86, %get3A_87] {strides = array<i32>} : memref<32x512xf32, #tpu.memory_space<vmem>>, vector<16xf32>,
          %broadcast_in_dim3A_89 = arith.constant 2 : i32
          %broadcast_in_dim3A_90 = vector.broadcast %broadcast_in_dim3A_89 : i32 to vector<16xi32>
          tpu.vector_store_idx %arg7[%add3A_71, %broadcast_in_dim3A_90], %get3A_88 : memref<512x33xf32, #tpu.memory_space<vmem>>[vector<16xi32>, vector<16xi32>], vector<16xf32>,
          %get3A_91 = arith.constant 3 : i32
          %get3A_92 = arith.index_cast %get3A_91 : i32 to index
          %get3A_93 = arith.index_cast %multiple_of3A_74 : i32 to index
          %get3A_94 = tpu.vector_load %arg5[%get3A_92, %get3A_93] {strides = array<i32>} : memref<32x512xf32, #tpu.memory_space<vmem>>, vector<16xf32>,
          %broadcast_in_dim3A_95 = arith.constant 3 : i32
          %broadcast_in_dim3A_96 = vector.broadcast %broadcast_in_dim3A_95 : i32 to vector<16xi32>
          tpu.vector_store_idx %arg7[%add3A_71, %broadcast_in_dim3A_96], %get3A_94 : memref<512x33xf32, #tpu.memory_space<vmem>>[vector<16xi32>, vector<16xi32>], vector<16xf32>,
          %get3A_97 = arith.constant 4 : i32
          %get3A_98 = arith.index_cast %get3A_97 : i32 to index
          %get3A_99 = arith.index_cast %multiple_of3A_74 : i32 to index
          %get3A_100 = tpu.vector_load %arg5[%get3A_98, %get3A_99] {strides = array<i32>} : memref<32x512xf32, #tpu.memory_space<vmem>>, vector<16xf32>,
          %broadcast_in_dim3A_101 = arith.constant 4 : i32
          %broadcast_in_dim3A_102 = vector.broadcast %broadcast_in_dim3A_101 : i32 to vector<16xi32>
          tpu.vector_store_idx %arg7[%add3A_71, %broadcast_in_dim3A_102], %get3A_100 : memref<512x33xf32, #tpu.memory_space<vmem>>[vector<16xi32>, vector<16xi32>], vector<16xf32>,
          %get3A_103 = arith.constant 5 : i32
          %get3A_104 = arith.index_cast %get3A_103 : i32 to index
          %get3A_105 = arith.index_cast %multiple_of3A_74 : i32 to index
          %get3A_106 = tpu.vector_load %arg5[%get3A_104, %get3A_105] {strides = array<i32>} : memref<32x512xf32, #tpu.memory_space<vmem>>, vector<16xf32>,
          %broadcast_in_dim3A_107 = arith.constant 5 : i32
          %broadcast_in_dim3A_108 = vector.broadcast %broadcast_in_dim3A_107 : i32 to vector<16xi32>
          tpu.vector_store_idx %arg7[%add3A_71, %broadcast_in_dim3A_108], %get3A_106 : memref<512x33xf32, #tpu.memory_space<vmem>>[vector<16xi32>, vector<16xi32>], vector<16xf32>,
          %get3A_109 = arith.constant 6 : i32
          %get3A_110 = arith.index_cast %get3A_109 : i32 to index
          %get3A_111 = arith.index_cast %multiple_of3A_74 : i32 to index
          %get3A_112 = tpu.vector_load %arg5[%get3A_110, %get3A_111] {strides = array<i32>} : memref<32x512xf32, #tpu.memory_space<vmem>>, vector<16xf32>,
          %broadcast_in_dim3A_113 = arith.constant 6 : i32
          %broadcast_in_dim3A_114 = vector.broadcast %broadcast_in_dim3A_113 : i32 to vector<16xi32>
          tpu.vector_store_idx %arg7[%add3A_71, %broadcast_in_dim3A_114], %get3A_112 : memref<512x33xf32, #tpu.memory_space<vmem>>[vector<16xi32>, vector<16xi32>], vector<16xf32>,
          %get3A_115 = arith.constant 7 : i32
          %get3A_116 = arith.index_cast %get3A_115 : i32 to index
          %get3A_117 = arith.index_cast %multiple_of3A_74 : i32 to index
          %get3A_118 = tpu.vector_load %arg5[%get3A_116, %get3A_117] {strides = array<i32>} : memref<32x512xf32, #tpu.memory_space<vmem>>, vector<16xf32>,
          %broadcast_in_dim3A_119 = arith.constant 7 : i32
          %broadcast_in_dim3A_120 = vector.broadcast %broadcast_in_dim3A_119 : i32 to vector<16xi32>
          tpu.vector_store_idx %arg7[%add3A_71, %broadcast_in_dim3A_120], %get3A_118 : memref<512x33xf32, #tpu.memory_space<vmem>>[vector<16xi32>, vector<16xi32>], vector<16xf32>,
          %get3A_121 = arith.constant 8 : i32
          %get3A_122 = arith.index_cast %get3A_121 : i32 to index
          %get3A_123 = arith.index_cast %multiple_of3A_74 : i32 to index
          %get3A_124 = tpu.vector_load %arg5[%get3A_122, %get3A_123] {strides = array<i32>} : memref<32x512xf32, #tpu.memory_space<vmem>>, vector<16xf32>,
          %broadcast_in_dim3A_125 = arith.constant 8 : i32
          %broadcast_in_dim3A_126 = vector.broadcast %broadcast_in_dim3A_125 : i32 to vector<16xi32>
          tpu.vector_store_idx %arg7[%add3A_71, %broadcast_in_dim3A_126], %get3A_124 : memref<512x33xf32, #tpu.memory_space<vmem>>[vector<16xi32>, vector<16xi32>], vector<16xf32>,
          %get3A_127 = arith.constant 9 : i32
          %get3A_128 = arith.index_cast %get3A_127 : i32 to index
          %get3A_129 = arith.index_cast %multiple_of3A_74 : i32 to index
          %get3A_130 = tpu.vector_load %arg5[%get3A_128, %get3A_129] {strides = array<i32>} : memref<32x512xf32, #tpu.memory_space<vmem>>, vector<16xf32>,
          %broadcast_in_dim3A_131 = arith.constant 9 : i32
          %broadcast_in_dim3A_132 = vector.broadcast %broadcast_in_dim3A_131 : i32 to vector<16xi32>
          tpu.vector_store_idx %arg7[%add3A_71, %broadcast_in_dim3A_132], %get3A_130 : memref<512x33xf32, #tpu.memory_space<vmem>>[vector<16xi32>, vector<16xi32>], vector<16xf32>,
          %get3A_133 = arith.constant 10 : i32
          %get3A_134 = arith.index_cast %get3A_133 : i32 to index
          %get3A_135 = arith.index_cast %multiple_of3A_74 : i32 to index
          %get3A_136 = tpu.vector_load %arg5[%get3A_134, %get3A_135] {strides = array<i32>} : memref<32x512xf32, #tpu.memory_space<vmem>>, vector<16xf32>,
          %broadcast_in_dim3A_137 = arith.constant 10 : i32
          %broadcast_in_dim3A_138 = vector.broadcast %broadcast_in_dim3A_137 : i32 to vector<16xi32>
          tpu.vector_store_idx %arg7[%add3A_71, %broadcast_in_dim3A_138], %get3A_136 : memref<512x33xf32, #tpu.memory_space<vmem>>[vector<16xi32>, vector<16xi32>], vector<16xf32>,
          %get3A_139 = arith.constant 11 : i32
          %get3A_140 = arith.index_cast %get3A_139 : i32 to index
          %get3A_141 = arith.index_cast %multiple_of3A_74 : i32 to index
          %get3A_142 = tpu.vector_load %arg5[%get3A_140, %get3A_141] {strides = array<i32>} : memref<32x512xf32, #tpu.memory_space<vmem>>, vector<16xf32>,
          %broadcast_in_dim3A_143 = arith.constant 11 : i32
          %broadcast_in_dim3A_144 = vector.broadcast %broadcast_in_dim3A_143 : i32 to vector<16xi32>
          tpu.vector_store_idx %arg7[%add3A_71, %broadcast_in_dim3A_144], %get3A_142 : memref<512x33xf32, #tpu.memory_space<vmem>>[vector<16xi32>, vector<16xi32>], vector<16xf32>,
          %get3A_145 = arith.constant 12 : i32
          %get3A_146 = arith.index_cast %get3A_145 : i32 to index
          %get3A_147 = arith.index_cast %multiple_of3A_74 : i32 to index
          %get3A_148 = tpu.vector_load %arg5[%get3A_146, %get3A_147] {strides = array<i32>} : memref<32x512xf32, #tpu.memory_space<vmem>>, vector<16xf32>,
          %broadcast_in_dim3A_149 = arith.constant 12 : i32
          %broadcast_in_dim3A_150 = vector.broadcast %broadcast_in_dim3A_149 : i32 to vector<16xi32>
          tpu.vector_store_idx %arg7[%add3A_71, %broadcast_in_dim3A_150], %get3A_148 : memref<512x33xf32, #tpu.memory_space<vmem>>[vector<16xi32>, vector<16xi32>], vector<16xf32>,
          %get3A_151 = arith.constant 13 : i32
          %get3A_152 = arith.index_cast %get3A_151 : i32 to index
          %get3A_153 = arith.index_cast %multiple_of3A_74 : i32 to index
          %get3A_154 = tpu.vector_load %arg5[%get3A_152, %get3A_153] {strides = array<i32>} : memref<32x512xf32, #tpu.memory_space<vmem>>, vector<16xf32>,
          %broadcast_in_dim3A_155 = arith.constant 13 : i32
          %broadcast_in_dim3A_156 = vector.broadcast %broadcast_in_dim3A_155 : i32 to vector<16xi32>
          tpu.vector_store_idx %arg7[%add3A_71, %broadcast_in_dim3A_156], %get3A_154 : memref<512x33xf32, #tpu.memory_space<vmem>>[vector<16xi32>, vector<16xi32>], vector<16xf32>,
          %get3A_157 = arith.constant 14 : i32
          %get3A_158 = arith.index_cast %get3A_157 : i32 to index
          %get3A_159 = arith.index_cast %multiple_of3A_74 : i32 to index
          %get3A_160 = tpu.vector_load %arg5[%get3A_158, %get3A_159] {strides = array<i32>} : memref<32x512xf32, #tpu.memory_space<vmem>>, vector<16xf32>,
          %broadcast_in_dim3A_161 = arith.constant 14 : i32
          %broadcast_in_dim3A_162 = vector.broadcast %broadcast_in_dim3A_161 : i32 to vector<16xi32>
          tpu.vector_store_idx %arg7[%add3A_71, %broadcast_in_dim3A_162], %get3A_160 : memref<512x33xf32, #tpu.memory_space<vmem>>[vector<16xi32>, vector<16xi32>], vector<16xf32>,
          %get3A_163 = arith.constant 15 : i32
          %get3A_164 = arith.index_cast %get3A_163 : i32 to index
          %get3A_165 = arith.index_cast %multiple_of3A_74 : i32 to index
          %get3A_166 = tpu.vector_load %arg5[%get3A_164, %get3A_165] {strides = array<i32>} : memref<32x512xf32, #tpu.memory_space<vmem>>, vector<16xf32>,
          %broadcast_in_dim3A_167 = arith.constant 15 : i32
          %broadcast_in_dim3A_168 = vector.broadcast %broadcast_in_dim3A_167 : i32 to vector<16xi32>
          tpu.vector_store_idx %arg7[%add3A_71, %broadcast_in_dim3A_168], %get3A_166 : memref<512x33xf32, #tpu.memory_space<vmem>>[vector<16xi32>, vector<16xi32>], vector<16xf32>,
          %get3A_169 = arith.constant 16 : i32
          %get3A_170 = arith.index_cast %get3A_169 : i32 to index
          %get3A_171 = arith.index_cast %multiple_of3A_74 : i32 to index
          %get3A_172 = tpu.vector_load %arg5[%get3A_170, %get3A_171] {strides = array<i32>} : memref<32x512xf32, #tpu.memory_space<vmem>>, vector<16xf32>,
          %broadcast_in_dim3A_173 = arith.constant 16 : i32
          %broadcast_in_dim3A_174 = vector.broadcast %broadcast_in_dim3A_173 : i32 to vector<16xi32>
          tpu.vector_store_idx %arg7[%add3A_71, %broadcast_in_dim3A_174], %get3A_172 : memref<512x33xf32, #tpu.memory_space<vmem>>[vector<16xi32>, vector<16xi32>], vector<16xf32>,
          %get3A_175 = arith.constant 17 : i32
          %get3A_176 = arith.index_cast %get3A_175 : i32 to index
          %get3A_177 = arith.index_cast %multiple_of3A_74 : i32 to index
          %get3A_178 = tpu.vector_load %arg5[%get3A_176, %get3A_177] {strides = array<i32>} : memref<32x512xf32, #tpu.memory_space<vmem>>, vector<16xf32>,
          %broadcast_in_dim3A_179 = arith.constant 17 : i32
          %broadcast_in_dim3A_180 = vector.broadcast %broadcast_in_dim3A_179 : i32 to vector<16xi32>
          tpu.vector_store_idx %arg7[%add3A_71, %broadcast_in_dim3A_180], %get3A_178 : memref<512x33xf32, #tpu.memory_space<vmem>>[vector<16xi32>, vector<16xi32>], vector<16xf32>,
          %get3A_181 = arith.constant 18 : i32
          %get3A_182 = arith.index_cast %get3A_181 : i32 to index
          %get3A_183 = arith.index_cast %multiple_of3A_74 : i32 to index
          %get3A_184 = tpu.vector_load %arg5[%get3A_182, %get3A_183] {strides = array<i32>} : memref<32x512xf32, #tpu.memory_space<vmem>>, vector<16xf32>,
          %broadcast_in_dim3A_185 = arith.constant 18 : i32
          %broadcast_in_dim3A_186 = vector.broadcast %broadcast_in_dim3A_185 : i32 to vector<16xi32>
          tpu.vector_store_idx %arg7[%add3A_71, %broadcast_in_dim3A_186], %get3A_184 : memref<512x33xf32, #tpu.memory_space<vmem>>[vector<16xi32>, vector<16xi32>], vector<16xf32>,
          %get3A_187 = arith.constant 19 : i32
          %get3A_188 = arith.index_cast %get3A_187 : i32 to index
          %get3A_189 = arith.index_cast %multiple_of3A_74 : i32 to index
          %get3A_190 = tpu.vector_load %arg5[%get3A_188, %get3A_189] {strides = array<i32>} : memref<32x512xf32, #tpu.memory_space<vmem>>, vector<16xf32>,
          %broadcast_in_dim3A_191 = arith.constant 19 : i32
          %broadcast_in_dim3A_192 = vector.broadcast %broadcast_in_dim3A_191 : i32 to vector<16xi32>
          tpu.vector_store_idx %arg7[%add3A_71, %broadcast_in_dim3A_192], %get3A_190 : memref<512x33xf32, #tpu.memory_space<vmem>>[vector<16xi32>, vector<16xi32>], vector<16xf32>,
          %get3A_193 = arith.constant 20 : i32
          %get3A_194 = arith.index_cast %get3A_193 : i32 to index
          %get3A_195 = arith.index_cast %multiple_of3A_74 : i32 to index
          %get3A_196 = tpu.vector_load %arg5[%get3A_194, %get3A_195] {strides = array<i32>} : memref<32x512xf32, #tpu.memory_space<vmem>>, vector<16xf32>,
          %broadcast_in_dim3A_197 = arith.constant 20 : i32
          %broadcast_in_dim3A_198 = vector.broadcast %broadcast_in_dim3A_197 : i32 to vector<16xi32>
          tpu.vector_store_idx %arg7[%add3A_71, %broadcast_in_dim3A_198], %get3A_196 : memref<512x33xf32, #tpu.memory_space<vmem>>[vector<16xi32>, vector<16xi32>], vector<16xf32>,
          %get3A_199 = arith.constant 21 : i32
          %get3A_200 = arith.index_cast %get3A_199 : i32 to index
          %get3A_201 = arith.index_cast %multiple_of3A_74 : i32 to index
          %get3A_202 = tpu.vector_load %arg5[%get3A_200, %get3A_201] {strides = array<i32>} : memref<32x512xf32, #tpu.memory_space<vmem>>, vector<16xf32>,
          %broadcast_in_dim3A_203 = arith.constant 21 : i32
          %broadcast_in_dim3A_204 = vector.broadcast %broadcast_in_dim3A_203 : i32 to vector<16xi32>
          tpu.vector_store_idx %arg7[%add3A_71, %broadcast_in_dim3A_204], %get3A_202 : memref<512x33xf32, #tpu.memory_space<vmem>>[vector<16xi32>, vector<16xi32>], vector<16xf32>,
          %get3A_205 = arith.constant 22 : i32
          %get3A_206 = arith.index_cast %get3A_205 : i32 to index
          %get3A_207 = arith.index_cast %multiple_of3A_74 : i32 to index
          %get3A_208 = tpu.vector_load %arg5[%get3A_206, %get3A_207] {strides = array<i32>} : memref<32x512xf32, #tpu.memory_space<vmem>>, vector<16xf32>,
          %broadcast_in_dim3A_209 = arith.constant 22 : i32
          %broadcast_in_dim3A_210 = vector.broadcast %broadcast_in_dim3A_209 : i32 to vector<16xi32>
          tpu.vector_store_idx %arg7[%add3A_71, %broadcast_in_dim3A_210], %get3A_208 : memref<512x33xf32, #tpu.memory_space<vmem>>[vector<16xi32>, vector<16xi32>], vector<16xf32>,
          %get3A_211 = arith.constant 23 : i32
          %get3A_212 = arith.index_cast %get3A_211 : i32 to index
          %get3A_213 = arith.index_cast %multiple_of3A_74 : i32 to index
          %get3A_214 = tpu.vector_load %arg5[%get3A_212, %get3A_213] {strides = array<i32>} : memref<32x512xf32, #tpu.memory_space<vmem>>, vector<16xf32>,
          %broadcast_in_dim3A_215 = arith.constant 23 : i32
          %broadcast_in_dim3A_216 = vector.broadcast %broadcast_in_dim3A_215 : i32 to vector<16xi32>
          tpu.vector_store_idx %arg7[%add3A_71, %broadcast_in_dim3A_216], %get3A_214 : memref<512x33xf32, #tpu.memory_space<vmem>>[vector<16xi32>, vector<16xi32>], vector<16xf32>,
          %get3A_217 = arith.constant 24 : i32
          %get3A_218 = arith.index_cast %get3A_217 : i32 to index
          %get3A_219 = arith.index_cast %multiple_of3A_74 : i32 to index
          %get3A_220 = tpu.vector_load %arg5[%get3A_218, %get3A_219] {strides = array<i32>} : memref<32x512xf32, #tpu.memory_space<vmem>>, vector<16xf32>,
          %broadcast_in_dim3A_221 = arith.constant 24 : i32
          %broadcast_in_dim3A_222 = vector.broadcast %broadcast_in_dim3A_221 : i32 to vector<16xi32>
          tpu.vector_store_idx %arg7[%add3A_71, %broadcast_in_dim3A_222], %get3A_220 : memref<512x33xf32, #tpu.memory_space<vmem>>[vector<16xi32>, vector<16xi32>], vector<16xf32>,
          %get3A_223 = arith.constant 25 : i32
          %get3A_224 = arith.index_cast %get3A_223 : i32 to index
          %get3A_225 = arith.index_cast %multiple_of3A_74 : i32 to index
          %get3A_226 = tpu.vector_load %arg5[%get3A_224, %get3A_225] {strides = array<i32>} : memref<32x512xf32, #tpu.memory_space<vmem>>, vector<16xf32>,
          %broadcast_in_dim3A_227 = arith.constant 25 : i32
          %broadcast_in_dim3A_228 = vector.broadcast %broadcast_in_dim3A_227 : i32 to vector<16xi32>
          tpu.vector_store_idx %arg7[%add3A_71, %broadcast_in_dim3A_228], %get3A_226 : memref<512x33xf32, #tpu.memory_space<vmem>>[vector<16xi32>, vector<16xi32>], vector<16xf32>,
          %get3A_229 = arith.constant 26 : i32
          %get3A_230 = arith.index_cast %get3A_229 : i32 to index
          %get3A_231 = arith.index_cast %multiple_of3A_74 : i32 to index
          %get3A_232 = tpu.vector_load %arg5[%get3A_230, %get3A_231] {strides = array<i32>} : memref<32x512xf32, #tpu.memory_space<vmem>>, vector<16xf32>,
          %broadcast_in_dim3A_233 = arith.constant 26 : i32
          %broadcast_in_dim3A_234 = vector.broadcast %broadcast_in_dim3A_233 : i32 to vector<16xi32>
          tpu.vector_store_idx %arg7[%add3A_71, %broadcast_in_dim3A_234], %get3A_232 : memref<512x33xf32, #tpu.memory_space<vmem>>[vector<16xi32>, vector<16xi32>], vector<16xf32>,
          %get3A_235 = arith.constant 27 : i32
          %get3A_236 = arith.index_cast %get3A_235 : i32 to index
          %get3A_237 = arith.index_cast %multiple_of3A_74 : i32 to index
          %get3A_238 = tpu.vector_load %arg5[%get3A_236, %get3A_237] {strides = array<i32>} : memref<32x512xf32, #tpu.memory_space<vmem>>, vector<16xf32>,
          %broadcast_in_dim3A_239 = arith.constant 27 : i32
          %broadcast_in_dim3A_240 = vector.broadcast %broadcast_in_dim3A_239 : i32 to vector<16xi32>
          tpu.vector_store_idx %arg7[%add3A_71, %broadcast_in_dim3A_240], %get3A_238 : memref<512x33xf32, #tpu.memory_space<vmem>>[vector<16xi32>, vector<16xi32>], vector<16xf32>,
          %get3A_241 = arith.constant 28 : i32
          %get3A_242 = arith.index_cast %get3A_241 : i32 to index
          %get3A_243 = arith.index_cast %multiple_of3A_74 : i32 to index
          %get3A_244 = tpu.vector_load %arg5[%get3A_242, %get3A_243] {strides = array<i32>} : memref<32x512xf32, #tpu.memory_space<vmem>>, vector<16xf32>,
          %broadcast_in_dim3A_245 = arith.constant 28 : i32
          %broadcast_in_dim3A_246 = vector.broadcast %broadcast_in_dim3A_245 : i32 to vector<16xi32>
          tpu.vector_store_idx %arg7[%add3A_71, %broadcast_in_dim3A_246], %get3A_244 : memref<512x33xf32, #tpu.memory_space<vmem>>[vector<16xi32>, vector<16xi32>], vector<16xf32>,
          %get3A_247 = arith.constant 29 : i32
          %get3A_248 = arith.index_cast %get3A_247 : i32 to index
          %get3A_249 = arith.index_cast %multiple_of3A_74 : i32 to index
          %get3A_250 = tpu.vector_load %arg5[%get3A_248, %get3A_249] {strides = array<i32>} : memref<32x512xf32, #tpu.memory_space<vmem>>, vector<16xf32>,
          %broadcast_in_dim3A_251 = arith.constant 29 : i32
          %broadcast_in_dim3A_252 = vector.broadcast %broadcast_in_dim3A_251 : i32 to vector<16xi32>
          tpu.vector_store_idx %arg7[%add3A_71, %broadcast_in_dim3A_252], %get3A_250 : memref<512x33xf32, #tpu.memory_space<vmem>>[vector<16xi32>, vector<16xi32>], vector<16xf32>,
          %get3A_253 = arith.constant 30 : i32
          %get3A_254 = arith.index_cast %get3A_253 : i32 to index
          %get3A_255 = arith.index_cast %multiple_of3A_74 : i32 to index
          %get3A_256 = tpu.vector_load %arg5[%get3A_254, %get3A_255] {strides = array<i32>} : memref<32x512xf32, #tpu.memory_space<vmem>>, vector<16xf32>,
          %broadcast_in_dim3A_257 = arith.constant 30 : i32
          %broadcast_in_dim3A_258 = vector.broadcast %broadcast_in_dim3A_257 : i32 to vector<16xi32>
          tpu.vector_store_idx %arg7[%add3A_71, %broadcast_in_dim3A_258], %get3A_256 : memref<512x33xf32, #tpu.memory_space<vmem>>[vector<16xi32>, vector<16xi32>], vector<16xf32>,
          %get3A_259 = arith.constant 31 : i32
          %get3A_260 = arith.index_cast %get3A_259 : i32 to index
          %get3A_261 = arith.index_cast %multiple_of3A_74 : i32 to index
          %get3A_262 = tpu.vector_load %arg5[%get3A_260, %get3A_261] {strides = array<i32>} : memref<32x512xf32, #tpu.memory_space<vmem>>, vector<16xf32>,
          %broadcast_in_dim3A_263 = arith.constant 31 : i32
          %broadcast_in_dim3A_264 = vector.broadcast %broadcast_in_dim3A_263 : i32 to vector<16xi32>
          tpu.vector_store_idx %arg7[%add3A_71, %broadcast_in_dim3A_264], %get3A_262 : memref<512x33xf32, #tpu.memory_space<vmem>>[vector<16xi32>, vector<16xi32>], vector<16xf32>,
        }
        %scan3A_48 = arith.constant 32 : i32
        %mul3A_49 = arith.constant 512 : i32
        %mul3A_50 = arith.muli %add3A_25, %mul3A_49 : i32
        %add3A_51 = arith.addi %mul3A_2, %mul3A_50 : i32
        %multiple_of3A = tpu.assume_multiple %add3A_51, 512 : i32
        %dma_start3A = arith.constant 0 : i32
        %dma_start3A_52 = arith.constant 0 : i32
        %dma_start3A_53 = tpu.memref_slice %arg7[%dma_start3A, %dma_start3A_52] : memref<512x33xf32, #tpu.memory_space<vmem>> -> memref<512x32xf32, #tpu.memory_space<vmem>>
        %dma_start3A_54 = arith.constant 0 : i32
        %dma_start3A_55 = tpu.memref_slice %arg3[%multiple_of3A, %dma_start3A_54] : memref<1000000x32xf32, #tpu.memory_space<hbm>> -> memref<512x32xf32, #tpu.memory_space<hbm>>
        %dma_start3A_56 = arith.constant 0 : i32
        %dma_start3A_57 = tpu.memref_slice %arg3[%multiple_of3A, %dma_start3A_56] : memref<1000000x32xf32, #tpu.memory_space<hbm>> -> memref<512x32xf32, #tpu.memory_space<hbm>>
        %dma_start3A_58 = arith.constant 0 : i32
        %dma_start3A_59 = arith.constant 0 : i32
        %dma_start3A_60 = tpu.memref_slice %arg7[%dma_start3A_58, %dma_start3A_59] : memref<512x33xf32, #tpu.memory_space<vmem>> -> memref<512x32xf32, #tpu.memory_space<vmem>>
        tpu.enqueue_dma source(%dma_start3A_60 : memref<512x32xf32, #tpu.memory_space<vmem>>) target(%dma_start3A_57 : memref<512x32xf32, #tpu.memory_space<hbm>>) target_semaphore(%arg13 : memref<!tpu.dma_semaphore, #tpu.memory_space<semaphore_mem>>)
        %add3A_61 = arith.constant 2 : i32
        %add3A_62 = arith.addi %add3A_25, %add3A_61 : i32
        %lt3A_63 = arith.cmpi slt, %add3A_62, %select_n3A : i32
        %convert_element_type3A_64 = arith.extui %lt3A_63 : i1 to i32
        %cond3A_65 = arith.constant 0 : i32
        %cond3A_66 = arith.cmpi ne, %convert_element_type3A_64, %cond3A_65 : i32
        scf.if %cond3A_66 {
          %add3A_67 = arith.constant 2 : i32
          %add3A_68 = arith.addi %add3A_25, %add3A_67 : i32
          %mul3A_69 = arith.constant 512 : i32
          %mul3A_70 = arith.muli %add3A_68, %mul3A_69 : i32
          %add3A_71 = arith.addi %mul3A_2, %mul3A_70 : i32
          %multiple_of3A_72 = tpu.assume_multiple %add3A_71, 512 : i32
          %dma_start3A_73 = arith.constant 0 : i32
          %dma_start3A_74 = tpu.memref_slice %arg2[%dma_start3A_73, %multiple_of3A_72] : memref<32x1000000xf32, #tpu.memory_space<hbm>> -> memref<32x512xf32, #tpu.memory_space<hbm>>
          %dma_start3A_75 = arith.constant 0 : i32
          %dma_start3A_76 = tpu.memref_slice %arg2[%dma_start3A_75, %multiple_of3A_72] : memref<32x1000000xf32, #tpu.memory_space<hbm>> -> memref<32x512xf32, #tpu.memory_space<hbm>>
          tpu.enqueue_dma source(%dma_start3A_76 : memref<32x512xf32, #tpu.memory_space<hbm>>) target(%arg5 : memref<32x512xf32, #tpu.memory_space<vmem>>) target_semaphore(%arg11 : memref<!tpu.dma_semaphore, #tpu.memory_space<semaphore_mem>>)
        } else {
        }
      } else {
      }
    }
    %scan3A_11 = arith.constant 32 : i32
    %gt3A_12 = arith.constant 0 : i32
    %gt3A_13 = arith.cmpi sgt, %select_n3A, %gt3A_12 : i32
    %convert_element_type3A_14 = arith.extui %gt3A_13 : i1 to i32
    %cond3A_15 = arith.constant 0 : i32
    %cond3A_16 = arith.cmpi ne, %convert_element_type3A_14, %cond3A_15 : i32
    scf.if %cond3A_16 {
      %dma_wait3A = arith.constant 0 : i32
      %dma_wait3A_21 = arith.constant 0 : i32
      %dma_wait3A_22 = tpu.memref_slice %arg6[%dma_wait3A, %dma_wait3A_21] : memref<512x33xf32, #tpu.memory_space<vmem>> -> memref<512x32xf32, #tpu.memory_space<vmem>>
      %dma_wait3A_23 = arith.constant 0 : i32
      %dma_wait3A_24 = arith.constant 0 : i32
      %dma_wait3A_25 = tpu.memref_slice %arg3[%dma_wait3A_23, %dma_wait3A_24] : memref<1000000x32xf32, #tpu.memory_space<hbm>> -> memref<512x32xf32, #tpu.memory_space<hbm>>
      %dma_wait3A_26 = arith.constant 0 : i32
      %dma_wait3A_27 = arith.constant 0 : i32
      %dma_wait3A_28 = tpu.memref_slice %arg6[%dma_wait3A_26, %dma_wait3A_27] : memref<512x33xf32, #tpu.memory_space<vmem>> -> memref<512x32xf32, #tpu.memory_space<vmem>>
      %dma_wait3A_29 = arith.constant 0 : i32
      %dma_wait3A_30 = arith.constant 0 : i32
      %dma_wait3A_31 = tpu.memref_slice %arg3[%dma_wait3A_29, %dma_wait3A_30] : memref<1000000x32xf32, #tpu.memory_space<hbm>> -> memref<512x32xf32, #tpu.memory_space<hbm>>
      tpu.wait_dma2 semaphore(%arg12 : memref<!tpu.dma_semaphore, #tpu.memory_space<semaphore_mem>>) src(%dma_wait3A_31 : memref<512x32xf32, #tpu.memory_space<hbm>>) dst(%dma_wait3A_28 : memref<512x32xf32, #tpu.memory_space<vmem>>)
      %dma_wait3A_32 = arith.constant 0 : i32
      %dma_wait3A_33 = arith.constant 0 : i32
      %dma_wait3A_34 = tpu.memref_slice %arg7[%dma_wait3A_32, %dma_wait3A_33] : memref<512x33xf32, #tpu.memory_space<vmem>> -> memref<512x32xf32, #tpu.memory_space<vmem>>
      %dma_wait3A_35 = arith.constant 0 : i32
      %dma_wait3A_36 = arith.constant 0 : i32
      %dma_wait3A_37 = tpu.memref_slice %arg3[%dma_wait3A_35, %dma_wait3A_36] : memref<1000000x32xf32, #tpu.memory_space<hbm>> -> memref<512x32xf32, #tpu.memory_space<hbm>>
      %dma_wait3A_38 = arith.constant 0 : i32
      %dma_wait3A_39 = arith.constant 0 : i32
      %dma_wait3A_40 = tpu.memref_slice %arg7[%dma_wait3A_38, %dma_wait3A_39] : memref<512x33xf32, #tpu.memory_space<vmem>> -> memref<512x32xf32, #tpu.memory_space<vmem>>
      %dma_wait3A_41 = arith.constant 0 : i32
      %dma_wait3A_42 = arith.constant 0 : i32
      %dma_wait3A_43 = tpu.memref_slice %arg3[%dma_wait3A_41, %dma_wait3A_42] : memref<1000000x32xf32, #tpu.memory_space<hbm>> -> memref<512x32xf32, #tpu.memory_space<hbm>>
      tpu.wait_dma2 semaphore(%arg13 : memref<!tpu.dma_semaphore, #tpu.memory_space<semaphore_mem>>) src(%dma_wait3A_43 : memref<512x32xf32, #tpu.memory_space<hbm>>) dst(%dma_wait3A_40 : memref<512x32xf32, #tpu.memory_space<vmem>>)
    } else {
    }
    %eq3A = arith.constant 31 : i32
    %eq3A_17 = arith.cmpi eq, %add3A, %eq3A : i32
    %convert_element_type3A_18 = arith.extui %eq3A_17 : i1 to i32
    %cond3A_19 = arith.constant 0 : i32
    %cond3A_20 = arith.cmpi ne, %convert_element_type3A_18, %cond3A_19 : i32
    scf.if %cond3A_20 {
      %scan3A_21 = arith.constant 0 : i32
      %scan3A_22 = arith.constant 0 : i32
      %scan3A_23 = arith.constant 4 : i32
      %scan3A_24 = arith.addi %scan3A_22, %scan3A_23 : i32
      %scan3A_25 = arith.constant 1 : i32
      scf.for %scan3A_27 = %scan3A_22 to %scan3A_24 step %scan3A_25  : i32 {
        %mul3A_28 = arith.constant 16 : i32
        %mul3A_29 = arith.muli %scan3A_27, %mul3A_28 : i32
        %add3A_30 = arith.constant 999936 : i32
        %add3A_31 = arith.addi %add3A_30, %mul3A_29 : i32
        %multiple_of3A = tpu.assume_multiple %add3A_31, 16 : i32
        "tpu.region"() ({
          %run_scoped3A = tpu.sem_alloc : memref<!tpu.dma_semaphore, #tpu.memory_space<semaphore_mem>>
          %dma_start3A = arith.constant 0 : i32
          %dma_start3A_222 = tpu.memref_slice %arg2[%dma_start3A, %multiple_of3A] : memref<32x1000000xf32, #tpu.memory_space<hbm>> -> memref<32x16xf32, #tpu.memory_space<hbm>>
          %dma_start3A_223 = arith.constant 0 : i32
          %dma_start3A_224 = tpu.memref_slice %arg2[%dma_start3A_223, %multiple_of3A] : memref<32x1000000xf32, #tpu.memory_space<hbm>> -> memref<32x16xf32, #tpu.memory_space<hbm>>
          tpu.enqueue_dma source(%dma_start3A_224 : memref<32x16xf32, #tpu.memory_space<hbm>>) target(%arg8 : memref<32x16xf32, #tpu.memory_space<vmem>>) target_semaphore(%run_scoped3A : memref<!tpu.dma_semaphore, #tpu.memory_space<semaphore_mem>>)
          %dma_wait3A = arith.constant 0 : i32
          %dma_wait3A_225 = tpu.memref_slice %arg2[%dma_wait3A, %multiple_of3A] : memref<32x1000000xf32, #tpu.memory_space<hbm>> -> memref<32x16xf32, #tpu.memory_space<hbm>>
          %dma_wait3A_226 = arith.constant 0 : i32
          %dma_wait3A_227 = tpu.memref_slice %arg2[%dma_wait3A_226, %multiple_of3A] : memref<32x1000000xf32, #tpu.memory_space<hbm>> -> memref<32x16xf32, #tpu.memory_space<hbm>>
          tpu.wait_dma2 semaphore(%run_scoped3A : memref<!tpu.dma_semaphore, #tpu.memory_space<semaphore_mem>>) src(%dma_wait3A_227 : memref<32x16xf32, #tpu.memory_space<hbm>>) dst(%arg8 : memref<32x16xf32, #tpu.memory_space<vmem>>)
          tpu.yield
        }) : () -> ()
        %get3A = arith.constant 0 : i32
        %get3A_32 = arith.index_cast %get3A : i32 to index
        %get3A_33 = arith.constant 0 : index
        %get3A_34 = tpu.vector_load %arg8[%get3A_32, %get3A_33] {strides = array<i32>} : memref<32x16xf32, #tpu.memory_space<vmem>>, vector<16xf32>,
        %broadcast_in_dim3A = arith.constant 0 : i32
        %broadcast_in_dim3A_35 = vector.broadcast %broadcast_in_dim3A : i32 to vector<16xi32>
        tpu.vector_store_idx %arg9[%iota3A, %broadcast_in_dim3A_35], %get3A_34 : memref<16x33xf32, #tpu.memory_space<vmem>>[vector<16xi32>, vector<16xi32>], vector<16xf32>,
        %get3A_36 = arith.constant 1 : i32
        %get3A_37 = arith.index_cast %get3A_36 : i32 to index
        %get3A_38 = arith.constant 0 : index
        %get3A_39 = tpu.vector_load %arg8[%get3A_37, %get3A_38] {strides = array<i32>} : memref<32x16xf32, #tpu.memory_space<vmem>>, vector<16xf32>,
        %broadcast_in_dim3A_40 = arith.constant 1 : i32
        %broadcast_in_dim3A_41 = vector.broadcast %broadcast_in_dim3A_40 : i32 to vector<16xi32>
        tpu.vector_store_idx %arg9[%iota3A, %broadcast_in_dim3A_41], %get3A_39 : memref<16x33xf32, #tpu.memory_space<vmem>>[vector<16xi32>, vector<16xi32>], vector<16xf32>,
        %get3A_42 = arith.constant 2 : i32
        %get3A_43 = arith.index_cast %get3A_42 : i32 to index
        %get3A_44 = arith.constant 0 : index
        %get3A_45 = tpu.vector_load %arg8[%get3A_43, %get3A_44] {strides = array<i32>} : memref<32x16xf32, #tpu.memory_space<vmem>>, vector<16xf32>,
        %broadcast_in_dim3A_46 = arith.constant 2 : i32
        %broadcast_in_dim3A_47 = vector.broadcast %broadcast_in_dim3A_46 : i32 to vector<16xi32>
        tpu.vector_store_idx %arg9[%iota3A, %broadcast_in_dim3A_47], %get3A_45 : memref<16x33xf32, #tpu.memory_space<vmem>>[vector<16xi32>, vector<16xi32>], vector<16xf32>,
        %get3A_48 = arith.constant 3 : i32
        %get3A_49 = arith.index_cast %get3A_48 : i32 to index
        %get3A_50 = arith.constant 0 : index
        %get3A_51 = tpu.vector_load %arg8[%get3A_49, %get3A_50] {strides = array<i32>} : memref<32x16xf32, #tpu.memory_space<vmem>>, vector<16xf32>,
        %broadcast_in_dim3A_52 = arith.constant 3 : i32
        %broadcast_in_dim3A_53 = vector.broadcast %broadcast_in_dim3A_52 : i32 to vector<16xi32>
        tpu.vector_store_idx %arg9[%iota3A, %broadcast_in_dim3A_53], %get3A_51 : memref<16x33xf32, #tpu.memory_space<vmem>>[vector<16xi32>, vector<16xi32>], vector<16xf32>,
        %get3A_54 = arith.constant 4 : i32
        %get3A_55 = arith.index_cast %get3A_54 : i32 to index
        %get3A_56 = arith.constant 0 : index
        %get3A_57 = tpu.vector_load %arg8[%get3A_55, %get3A_56] {strides = array<i32>} : memref<32x16xf32, #tpu.memory_space<vmem>>, vector<16xf32>,
        %broadcast_in_dim3A_58 = arith.constant 4 : i32
        %broadcast_in_dim3A_59 = vector.broadcast %broadcast_in_dim3A_58 : i32 to vector<16xi32>
        tpu.vector_store_idx %arg9[%iota3A, %broadcast_in_dim3A_59], %get3A_57 : memref<16x33xf32, #tpu.memory_space<vmem>>[vector<16xi32>, vector<16xi32>], vector<16xf32>,
        %get3A_60 = arith.constant 5 : i32
        %get3A_61 = arith.index_cast %get3A_60 : i32 to index
        %get3A_62 = arith.constant 0 : index
        %get3A_63 = tpu.vector_load %arg8[%get3A_61, %get3A_62] {strides = array<i32>} : memref<32x16xf32, #tpu.memory_space<vmem>>, vector<16xf32>,
        %broadcast_in_dim3A_64 = arith.constant 5 : i32
        %broadcast_in_dim3A_65 = vector.broadcast %broadcast_in_dim3A_64 : i32 to vector<16xi32>
        tpu.vector_store_idx %arg9[%iota3A, %broadcast_in_dim3A_65], %get3A_63 : memref<16x33xf32, #tpu.memory_space<vmem>>[vector<16xi32>, vector<16xi32>], vector<16xf32>,
        %get3A_66 = arith.constant 6 : i32
        %get3A_67 = arith.index_cast %get3A_66 : i32 to index
        %get3A_68 = arith.constant 0 : index
        %get3A_69 = tpu.vector_load %arg8[%get3A_67, %get3A_68] {strides = array<i32>} : memref<32x16xf32, #tpu.memory_space<vmem>>, vector<16xf32>,
        %broadcast_in_dim3A_70 = arith.constant 6 : i32
        %broadcast_in_dim3A_71 = vector.broadcast %broadcast_in_dim3A_70 : i32 to vector<16xi32>
        tpu.vector_store_idx %arg9[%iota3A, %broadcast_in_dim3A_71], %get3A_69 : memref<16x33xf32, #tpu.memory_space<vmem>>[vector<16xi32>, vector<16xi32>], vector<16xf32>,
        %get3A_72 = arith.constant 7 : i32
        %get3A_73 = arith.index_cast %get3A_72 : i32 to index
        %get3A_74 = arith.constant 0 : index
        %get3A_75 = tpu.vector_load %arg8[%get3A_73, %get3A_74] {strides = array<i32>} : memref<32x16xf32, #tpu.memory_space<vmem>>, vector<16xf32>,
        %broadcast_in_dim3A_76 = arith.constant 7 : i32
        %broadcast_in_dim3A_77 = vector.broadcast %broadcast_in_dim3A_76 : i32 to vector<16xi32>
        tpu.vector_store_idx %arg9[%iota3A, %broadcast_in_dim3A_77], %get3A_75 : memref<16x33xf32, #tpu.memory_space<vmem>>[vector<16xi32>, vector<16xi32>], vector<16xf32>,
        %get3A_78 = arith.constant 8 : i32
        %get3A_79 = arith.index_cast %get3A_78 : i32 to index
        %get3A_80 = arith.constant 0 : index
        %get3A_81 = tpu.vector_load %arg8[%get3A_79, %get3A_80] {strides = array<i32>} : memref<32x16xf32, #tpu.memory_space<vmem>>, vector<16xf32>,
        %broadcast_in_dim3A_82 = arith.constant 8 : i32
        %broadcast_in_dim3A_83 = vector.broadcast %broadcast_in_dim3A_82 : i32 to vector<16xi32>
        tpu.vector_store_idx %arg9[%iota3A, %broadcast_in_dim3A_83], %get3A_81 : memref<16x33xf32, #tpu.memory_space<vmem>>[vector<16xi32>, vector<16xi32>], vector<16xf32>,
        %get3A_84 = arith.constant 9 : i32
        %get3A_85 = arith.index_cast %get3A_84 : i32 to index
        %get3A_86 = arith.constant 0 : index
        %get3A_87 = tpu.vector_load %arg8[%get3A_85, %get3A_86] {strides = array<i32>} : memref<32x16xf32, #tpu.memory_space<vmem>>, vector<16xf32>,
        %broadcast_in_dim3A_88 = arith.constant 9 : i32
        %broadcast_in_dim3A_89 = vector.broadcast %broadcast_in_dim3A_88 : i32 to vector<16xi32>
        tpu.vector_store_idx %arg9[%iota3A, %broadcast_in_dim3A_89], %get3A_87 : memref<16x33xf32, #tpu.memory_space<vmem>>[vector<16xi32>, vector<16xi32>], vector<16xf32>,
        %get3A_90 = arith.constant 10 : i32
        %get3A_91 = arith.index_cast %get3A_90 : i32 to index
        %get3A_92 = arith.constant 0 : index
        %get3A_93 = tpu.vector_load %arg8[%get3A_91, %get3A_92] {strides = array<i32>} : memref<32x16xf32, #tpu.memory_space<vmem>>, vector<16xf32>,
        %broadcast_in_dim3A_94 = arith.constant 10 : i32
        %broadcast_in_dim3A_95 = vector.broadcast %broadcast_in_dim3A_94 : i32 to vector<16xi32>
        tpu.vector_store_idx %arg9[%iota3A, %broadcast_in_dim3A_95], %get3A_93 : memref<16x33xf32, #tpu.memory_space<vmem>>[vector<16xi32>, vector<16xi32>], vector<16xf32>,
        %get3A_96 = arith.constant 11 : i32
        %get3A_97 = arith.index_cast %get3A_96 : i32 to index
        %get3A_98 = arith.constant 0 : index
        %get3A_99 = tpu.vector_load %arg8[%get3A_97, %get3A_98] {strides = array<i32>} : memref<32x16xf32, #tpu.memory_space<vmem>>, vector<16xf32>,
        %broadcast_in_dim3A_100 = arith.constant 11 : i32
        %broadcast_in_dim3A_101 = vector.broadcast %broadcast_in_dim3A_100 : i32 to vector<16xi32>
        tpu.vector_store_idx %arg9[%iota3A, %broadcast_in_dim3A_101], %get3A_99 : memref<16x33xf32, #tpu.memory_space<vmem>>[vector<16xi32>, vector<16xi32>], vector<16xf32>,
        %get3A_102 = arith.constant 12 : i32
        %get3A_103 = arith.index_cast %get3A_102 : i32 to index
        %get3A_104 = arith.constant 0 : index
        %get3A_105 = tpu.vector_load %arg8[%get3A_103, %get3A_104] {strides = array<i32>} : memref<32x16xf32, #tpu.memory_space<vmem>>, vector<16xf32>,
        %broadcast_in_dim3A_106 = arith.constant 12 : i32
        %broadcast_in_dim3A_107 = vector.broadcast %broadcast_in_dim3A_106 : i32 to vector<16xi32>
        tpu.vector_store_idx %arg9[%iota3A, %broadcast_in_dim3A_107], %get3A_105 : memref<16x33xf32, #tpu.memory_space<vmem>>[vector<16xi32>, vector<16xi32>], vector<16xf32>,
        %get3A_108 = arith.constant 13 : i32
        %get3A_109 = arith.index_cast %get3A_108 : i32 to index
        %get3A_110 = arith.constant 0 : index
        %get3A_111 = tpu.vector_load %arg8[%get3A_109, %get3A_110] {strides = array<i32>} : memref<32x16xf32, #tpu.memory_space<vmem>>, vector<16xf32>,
        %broadcast_in_dim3A_112 = arith.constant 13 : i32
        %broadcast_in_dim3A_113 = vector.broadcast %broadcast_in_dim3A_112 : i32 to vector<16xi32>
        tpu.vector_store_idx %arg9[%iota3A, %broadcast_in_dim3A_113], %get3A_111 : memref<16x33xf32, #tpu.memory_space<vmem>>[vector<16xi32>, vector<16xi32>], vector<16xf32>,
        %get3A_114 = arith.constant 14 : i32
        %get3A_115 = arith.index_cast %get3A_114 : i32 to index
        %get3A_116 = arith.constant 0 : index
        %get3A_117 = tpu.vector_load %arg8[%get3A_115, %get3A_116] {strides = array<i32>} : memref<32x16xf32, #tpu.memory_space<vmem>>, vector<16xf32>,
        %broadcast_in_dim3A_118 = arith.constant 14 : i32
        %broadcast_in_dim3A_119 = vector.broadcast %broadcast_in_dim3A_118 : i32 to vector<16xi32>
        tpu.vector_store_idx %arg9[%iota3A, %broadcast_in_dim3A_119], %get3A_117 : memref<16x33xf32, #tpu.memory_space<vmem>>[vector<16xi32>, vector<16xi32>], vector<16xf32>,
        %get3A_120 = arith.constant 15 : i32
        %get3A_121 = arith.index_cast %get3A_120 : i32 to index
        %get3A_122 = arith.constant 0 : index
        %get3A_123 = tpu.vector_load %arg8[%get3A_121, %get3A_122] {strides = array<i32>} : memref<32x16xf32, #tpu.memory_space<vmem>>, vector<16xf32>,
        %broadcast_in_dim3A_124 = arith.constant 15 : i32
        %broadcast_in_dim3A_125 = vector.broadcast %broadcast_in_dim3A_124 : i32 to vector<16xi32>
        tpu.vector_store_idx %arg9[%iota3A, %broadcast_in_dim3A_125], %get3A_123 : memref<16x33xf32, #tpu.memory_space<vmem>>[vector<16xi32>, vector<16xi32>], vector<16xf32>,
        %get3A_126 = arith.constant 16 : i32
        %get3A_127 = arith.index_cast %get3A_126 : i32 to index
        %get3A_128 = arith.constant 0 : index
        %get3A_129 = tpu.vector_load %arg8[%get3A_127, %get3A_128] {strides = array<i32>} : memref<32x16xf32, #tpu.memory_space<vmem>>, vector<16xf32>,
        %broadcast_in_dim3A_130 = arith.constant 16 : i32
        %broadcast_in_dim3A_131 = vector.broadcast %broadcast_in_dim3A_130 : i32 to vector<16xi32>
        tpu.vector_store_idx %arg9[%iota3A, %broadcast_in_dim3A_131], %get3A_129 : memref<16x33xf32, #tpu.memory_space<vmem>>[vector<16xi32>, vector<16xi32>], vector<16xf32>,
        %get3A_132 = arith.constant 17 : i32
        %get3A_133 = arith.index_cast %get3A_132 : i32 to index
        %get3A_134 = arith.constant 0 : index
        %get3A_135 = tpu.vector_load %arg8[%get3A_133, %get3A_134] {strides = array<i32>} : memref<32x16xf32, #tpu.memory_space<vmem>>, vector<16xf32>,
        %broadcast_in_dim3A_136 = arith.constant 17 : i32
        %broadcast_in_dim3A_137 = vector.broadcast %broadcast_in_dim3A_136 : i32 to vector<16xi32>
        tpu.vector_store_idx %arg9[%iota3A, %broadcast_in_dim3A_137], %get3A_135 : memref<16x33xf32, #tpu.memory_space<vmem>>[vector<16xi32>, vector<16xi32>], vector<16xf32>,
        %get3A_138 = arith.constant 18 : i32
        %get3A_139 = arith.index_cast %get3A_138 : i32 to index
        %get3A_140 = arith.constant 0 : index
        %get3A_141 = tpu.vector_load %arg8[%get3A_139, %get3A_140] {strides = array<i32>} : memref<32x16xf32, #tpu.memory_space<vmem>>, vector<16xf32>,
        %broadcast_in_dim3A_142 = arith.constant 18 : i32
        %broadcast_in_dim3A_143 = vector.broadcast %broadcast_in_dim3A_142 : i32 to vector<16xi32>
        tpu.vector_store_idx %arg9[%iota3A, %broadcast_in_dim3A_143], %get3A_141 : memref<16x33xf32, #tpu.memory_space<vmem>>[vector<16xi32>, vector<16xi32>], vector<16xf32>,
        %get3A_144 = arith.constant 19 : i32
        %get3A_145 = arith.index_cast %get3A_144 : i32 to index
        %get3A_146 = arith.constant 0 : index
        %get3A_147 = tpu.vector_load %arg8[%get3A_145, %get3A_146] {strides = array<i32>} : memref<32x16xf32, #tpu.memory_space<vmem>>, vector<16xf32>,
        %broadcast_in_dim3A_148 = arith.constant 19 : i32
        %broadcast_in_dim3A_149 = vector.broadcast %broadcast_in_dim3A_148 : i32 to vector<16xi32>
        tpu.vector_store_idx %arg9[%iota3A, %broadcast_in_dim3A_149], %get3A_147 : memref<16x33xf32, #tpu.memory_space<vmem>>[vector<16xi32>, vector<16xi32>], vector<16xf32>,
        %get3A_150 = arith.constant 20 : i32
        %get3A_151 = arith.index_cast %get3A_150 : i32 to index
        %get3A_152 = arith.constant 0 : index
        %get3A_153 = tpu.vector_load %arg8[%get3A_151, %get3A_152] {strides = array<i32>} : memref<32x16xf32, #tpu.memory_space<vmem>>, vector<16xf32>,
        %broadcast_in_dim3A_154 = arith.constant 20 : i32
        %broadcast_in_dim3A_155 = vector.broadcast %broadcast_in_dim3A_154 : i32 to vector<16xi32>
        tpu.vector_store_idx %arg9[%iota3A, %broadcast_in_dim3A_155], %get3A_153 : memref<16x33xf32, #tpu.memory_space<vmem>>[vector<16xi32>, vector<16xi32>], vector<16xf32>,
        %get3A_156 = arith.constant 21 : i32
        %get3A_157 = arith.index_cast %get3A_156 : i32 to index
        %get3A_158 = arith.constant 0 : index
        %get3A_159 = tpu.vector_load %arg8[%get3A_157, %get3A_158] {strides = array<i32>} : memref<32x16xf32, #tpu.memory_space<vmem>>, vector<16xf32>,
        %broadcast_in_dim3A_160 = arith.constant 21 : i32
        %broadcast_in_dim3A_161 = vector.broadcast %broadcast_in_dim3A_160 : i32 to vector<16xi32>
        tpu.vector_store_idx %arg9[%iota3A, %broadcast_in_dim3A_161], %get3A_159 : memref<16x33xf32, #tpu.memory_space<vmem>>[vector<16xi32>, vector<16xi32>], vector<16xf32>,
        %get3A_162 = arith.constant 22 : i32
        %get3A_163 = arith.index_cast %get3A_162 : i32 to index
        %get3A_164 = arith.constant 0 : index
        %get3A_165 = tpu.vector_load %arg8[%get3A_163, %get3A_164] {strides = array<i32>} : memref<32x16xf32, #tpu.memory_space<vmem>>, vector<16xf32>,
        %broadcast_in_dim3A_166 = arith.constant 22 : i32
        %broadcast_in_dim3A_167 = vector.broadcast %broadcast_in_dim3A_166 : i32 to vector<16xi32>
        tpu.vector_store_idx %arg9[%iota3A, %broadcast_in_dim3A_167], %get3A_165 : memref<16x33xf32, #tpu.memory_space<vmem>>[vector<16xi32>, vector<16xi32>], vector<16xf32>,
        %get3A_168 = arith.constant 23 : i32
        %get3A_169 = arith.index_cast %get3A_168 : i32 to index
        %get3A_170 = arith.constant 0 : index
        %get3A_171 = tpu.vector_load %arg8[%get3A_169, %get3A_170] {strides = array<i32>} : memref<32x16xf32, #tpu.memory_space<vmem>>, vector<16xf32>,
        %broadcast_in_dim3A_172 = arith.constant 23 : i32
        %broadcast_in_dim3A_173 = vector.broadcast %broadcast_in_dim3A_172 : i32 to vector<16xi32>
        tpu.vector_store_idx %arg9[%iota3A, %broadcast_in_dim3A_173], %get3A_171 : memref<16x33xf32, #tpu.memory_space<vmem>>[vector<16xi32>, vector<16xi32>], vector<16xf32>,
        %get3A_174 = arith.constant 24 : i32
        %get3A_175 = arith.index_cast %get3A_174 : i32 to index
        %get3A_176 = arith.constant 0 : index
        %get3A_177 = tpu.vector_load %arg8[%get3A_175, %get3A_176] {strides = array<i32>} : memref<32x16xf32, #tpu.memory_space<vmem>>, vector<16xf32>,
        %broadcast_in_dim3A_178 = arith.constant 24 : i32
        %broadcast_in_dim3A_179 = vector.broadcast %broadcast_in_dim3A_178 : i32 to vector<16xi32>
        tpu.vector_store_idx %arg9[%iota3A, %broadcast_in_dim3A_179], %get3A_177 : memref<16x33xf32, #tpu.memory_space<vmem>>[vector<16xi32>, vector<16xi32>], vector<16xf32>,
        %get3A_180 = arith.constant 25 : i32
        %get3A_181 = arith.index_cast %get3A_180 : i32 to index
        %get3A_182 = arith.constant 0 : index
        %get3A_183 = tpu.vector_load %arg8[%get3A_181, %get3A_182] {strides = array<i32>} : memref<32x16xf32, #tpu.memory_space<vmem>>, vector<16xf32>,
        %broadcast_in_dim3A_184 = arith.constant 25 : i32
        %broadcast_in_dim3A_185 = vector.broadcast %broadcast_in_dim3A_184 : i32 to vector<16xi32>
        tpu.vector_store_idx %arg9[%iota3A, %broadcast_in_dim3A_185], %get3A_183 : memref<16x33xf32, #tpu.memory_space<vmem>>[vector<16xi32>, vector<16xi32>], vector<16xf32>,
        %get3A_186 = arith.constant 26 : i32
        %get3A_187 = arith.index_cast %get3A_186 : i32 to index
        %get3A_188 = arith.constant 0 : index
        %get3A_189 = tpu.vector_load %arg8[%get3A_187, %get3A_188] {strides = array<i32>} : memref<32x16xf32, #tpu.memory_space<vmem>>, vector<16xf32>,
        %broadcast_in_dim3A_190 = arith.constant 26 : i32
        %broadcast_in_dim3A_191 = vector.broadcast %broadcast_in_dim3A_190 : i32 to vector<16xi32>
        tpu.vector_store_idx %arg9[%iota3A, %broadcast_in_dim3A_191], %get3A_189 : memref<16x33xf32, #tpu.memory_space<vmem>>[vector<16xi32>, vector<16xi32>], vector<16xf32>,
        %get3A_192 = arith.constant 27 : i32
        %get3A_193 = arith.index_cast %get3A_192 : i32 to index
        %get3A_194 = arith.constant 0 : index
        %get3A_195 = tpu.vector_load %arg8[%get3A_193, %get3A_194] {strides = array<i32>} : memref<32x16xf32, #tpu.memory_space<vmem>>, vector<16xf32>,
        %broadcast_in_dim3A_196 = arith.constant 27 : i32
        %broadcast_in_dim3A_197 = vector.broadcast %broadcast_in_dim3A_196 : i32 to vector<16xi32>
        tpu.vector_store_idx %arg9[%iota3A, %broadcast_in_dim3A_197], %get3A_195 : memref<16x33xf32, #tpu.memory_space<vmem>>[vector<16xi32>, vector<16xi32>], vector<16xf32>,
        %get3A_198 = arith.constant 28 : i32
        %get3A_199 = arith.index_cast %get3A_198 : i32 to index
        %get3A_200 = arith.constant 0 : index
        %get3A_201 = tpu.vector_load %arg8[%get3A_199, %get3A_200] {strides = array<i32>} : memref<32x16xf32, #tpu.memory_space<vmem>>, vector<16xf32>,
        %broadcast_in_dim3A_202 = arith.constant 28 : i32
        %broadcast_in_dim3A_203 = vector.broadcast %broadcast_in_dim3A_202 : i32 to vector<16xi32>
        tpu.vector_store_idx %arg9[%iota3A, %broadcast_in_dim3A_203], %get3A_201 : memref<16x33xf32, #tpu.memory_space<vmem>>[vector<16xi32>, vector<16xi32>], vector<16xf32>,
        %get3A_204 = arith.constant 29 : i32
        %get3A_205 = arith.index_cast %get3A_204 : i32 to index
        %get3A_206 = arith.constant 0 : index
        %get3A_207 = tpu.vector_load %arg8[%get3A_205, %get3A_206] {strides = array<i32>} : memref<32x16xf32, #tpu.memory_space<vmem>>, vector<16xf32>,
        %broadcast_in_dim3A_208 = arith.constant 29 : i32
        %broadcast_in_dim3A_209 = vector.broadcast %broadcast_in_dim3A_208 : i32 to vector<16xi32>
        tpu.vector_store_idx %arg9[%iota3A, %broadcast_in_dim3A_209], %get3A_207 : memref<16x33xf32, #tpu.memory_space<vmem>>[vector<16xi32>, vector<16xi32>], vector<16xf32>,
        %get3A_210 = arith.constant 30 : i32
        %get3A_211 = arith.index_cast %get3A_210 : i32 to index
        %get3A_212 = arith.constant 0 : index
        %get3A_213 = tpu.vector_load %arg8[%get3A_211, %get3A_212] {strides = array<i32>} : memref<32x16xf32, #tpu.memory_space<vmem>>, vector<16xf32>,
        %broadcast_in_dim3A_214 = arith.constant 30 : i32
        %broadcast_in_dim3A_215 = vector.broadcast %broadcast_in_dim3A_214 : i32 to vector<16xi32>
        tpu.vector_store_idx %arg9[%iota3A, %broadcast_in_dim3A_215], %get3A_213 : memref<16x33xf32, #tpu.memory_space<vmem>>[vector<16xi32>, vector<16xi32>], vector<16xf32>,
        %get3A_216 = arith.constant 31 : i32
        %get3A_217 = arith.index_cast %get3A_216 : i32 to index
        %get3A_218 = arith.constant 0 : index
        %get3A_219 = tpu.vector_load %arg8[%get3A_217, %get3A_218] {strides = array<i32>} : memref<32x16xf32, #tpu.memory_space<vmem>>, vector<16xf32>,
        %broadcast_in_dim3A_220 = arith.constant 31 : i32
        %broadcast_in_dim3A_221 = vector.broadcast %broadcast_in_dim3A_220 : i32 to vector<16xi32>
        tpu.vector_store_idx %arg9[%iota3A, %broadcast_in_dim3A_221], %get3A_219 : memref<16x33xf32, #tpu.memory_space<vmem>>[vector<16xi32>, vector<16xi32>], vector<16xf32>,
        "tpu.region"() ({
          %run_scoped3A = tpu.sem_alloc : memref<!tpu.dma_semaphore, #tpu.memory_space<semaphore_mem>>
          %dma_start3A = arith.constant 0 : i32
          %dma_start3A_222 = arith.constant 0 : i32
          %dma_start3A_223 = tpu.memref_slice %arg9[%dma_start3A, %dma_start3A_222] : memref<16x33xf32, #tpu.memory_space<vmem>> -> memref<16x32xf32, #tpu.memory_space<vmem>>
          %dma_start3A_224 = arith.constant 0 : i32
          %dma_start3A_225 = tpu.memref_slice %arg3[%multiple_of3A, %dma_start3A_224] : memref<1000000x32xf32, #tpu.memory_space<hbm>> -> memref<16x32xf32, #tpu.memory_space<hbm>>
          %dma_start3A_226 = arith.constant 0 : i32
          %dma_start3A_227 = tpu.memref_slice %arg3[%multiple_of3A, %dma_start3A_226] : memref<1000000x32xf32, #tpu.memory_space<hbm>> -> memref<16x32xf32, #tpu.memory_space<hbm>>
          %dma_start3A_228 = arith.constant 0 : i32
          %dma_start3A_229 = arith.constant 0 : i32
          %dma_start3A_230 = tpu.memref_slice %arg9[%dma_start3A_228, %dma_start3A_229] : memref<16x33xf32, #tpu.memory_space<vmem>> -> memref<16x32xf32, #tpu.memory_space<vmem>>
          tpu.enqueue_dma source(%dma_start3A_230 : memref<16x32xf32, #tpu.memory_space<vmem>>) target(%dma_start3A_227 : memref<16x32xf32, #tpu.memory_space<hbm>>) target_semaphore(%run_scoped3A : memref<!tpu.dma_semaphore, #tpu.memory_space<semaphore_mem>>)
          %dma_wait3A = arith.constant 0 : i32
          %dma_wait3A_231 = arith.constant 0 : i32
          %dma_wait3A_232 = tpu.memref_slice %arg9[%dma_wait3A, %dma_wait3A_231] : memref<16x33xf32, #tpu.memory_space<vmem>> -> memref<16x32xf32, #tpu.memory_space<vmem>>
          %dma_wait3A_233 = arith.constant 0 : i32
          %dma_wait3A_234 = tpu.memref_slice %arg3[%multiple_of3A, %dma_wait3A_233] : memref<1000000x32xf32, #tpu.memory_space<hbm>> -> memref<16x32xf32, #tpu.memory_space<hbm>>
          %dma_wait3A_235 = arith.constant 0 : i32
          %dma_wait3A_236 = tpu.memref_slice %arg3[%multiple_of3A, %dma_wait3A_235] : memref<1000000x32xf32, #tpu.memory_space<hbm>> -> memref<16x32xf32, #tpu.memory_space<hbm>>
          %dma_wait3A_237 = arith.constant 0 : i32
          %dma_wait3A_238 = arith.constant 0 : i32
          %dma_wait3A_239 = tpu.memref_slice %arg9[%dma_wait3A_237, %dma_wait3A_238] : memref<16x33xf32, #tpu.memory_space<vmem>> -> memref<16x32xf32, #tpu.memory_space<vmem>>
          tpu.wait_dma2 semaphore(%run_scoped3A : memref<!tpu.dma_semaphore, #tpu.memory_space<semaphore_mem>>) src(%dma_wait3A_239 : memref<16x32xf32, #tpu.memory_space<vmem>>) dst(%dma_wait3A_236 : memref<16x32xf32, #tpu.memory_space<hbm>>)
          tpu.yield
        }) : () -> ()
      }
      %scan3A_26 = arith.constant 4 : i32
    } else {
    }
    return
  }
}

</mosaic_0001>

<sc_bundles>
// kernel: kernel.4.cloned.1.call-start
scs
__scs_entry_jumppad:
0x0: {  	(pc) =	sbr.rel $0x88, $3  }
0x1: {  	(tag) =	ssettag $0x0;
	lr =	simm.s32 $0x1  }
0x2: {  	[smem:$0x3F9C] =	sst lr;
	_ =	strace $0xD0000000  }
0x3: {  	_ = 	snop  }
0x4: {  	_ = 	snop  }
0x5: {  	_ = 	snop  }
0x6: {  	_ = 	snop  }
0x7: {  	_ = 	snop  }
__scs_overlays_trampoline_lowered:
0x8: {  	[smem:$0x3FAB] =	sst s0  }
0x9: {  	[smem:$0x3FAC] =	sst s1  }
0xa: {  	[smem:$0x3FAD] =	sst s2  }
0xb: {  	[smem:$0x3FAE] =	sst s3  }
0xc: {  	[smem:$0x3FAF] =	sst s4  }
0xd: {  	[smem:$0x3FB0] =	sst s5  }
0xe: {  	[smem:$0x3FB1] =	sst s6  }
0xf: {  	[smem:$0x3FB2] =	sst s7  }
0x10: {  	[smem:$0x3FB3] =	sst s8  }
0x11: {  	[smem:$0x3FB4] =	sst s9;
	s0 =	simm.s32 @!p0 $0x0  }
0x12: {  	s1 =	sld [smem:$0x3F9A];
	s0 =	simm.s32 @p0 $0x1  }
0x13: {  	[smem:$0x3FB5] =	sst s0;
	s0 =	simm.s32 @!p1 $0x0  }
0x14: {  	s2 =	sld [smem:$0x3F99];
	s0 =	simm.s32 @p1 $0x1  }
0x15: {  	[smem:$0x3FB6] =	sst s0;
	s0 =	simm.s32 @!p2 $0x0  }
0x16: {  	s3 =	sld [smem:$0x3FDB];
	s0 =	simm.s32 @p2 $0x1  }
0x17: {  	s4 =	simm.s32 $0x1BF5;
	[smem:$0x3FB8] =	sst s0  }
0x18: {  	s0 =	sld [smem:$0x3F9B];
	_ =	swait.ge [sflag:s4], $0x0  }
0x19: {  	s7 =	sld [smem:$0x3F9C]  }
0x1a: {  	s8 =	sadd.s32 $0xFFFFE003, lr  }
0x1b: {  	s9 =	sadd.s32 $0xFFFFFEF7, lr;
	s5 =	simm.s32 $0xFFFFFFFF;
	p2 =	slt.u32 s8, $0xFFFFF086  }
0x1c: {  	p1 =	slt.u32 s9, $0xF7A;
	s5 =	simm.s32 @!p2 $0x0  }
0x1d: {  	s5 =	simm.s32 @p1 $0x1;
	p0 =	seq.s32 s7, s2  }
0x1e: {  	s7 =	smul.u32 @!p0 $0xF7A, s2;
	p2 =	seq.s32 @!p0 s5, $0x0  }
0x1f: {  	s9 =	smul.u32 $0xF7A, s1;
	s8 =	simm.s32 @!p0 $0x1BF5;
	p2 =	por !p2, p0  }
0x20: {  	[sflag:s8] =	ssyncset.s32 @!p0 $0xFFFFF086;
	s6 =	sadd.s32 @!p0 s3, s7;
	s7 =	simm.s32 @!p0 $0x108  }
0x21: {  	s3 =	sadd.s32 s3, s9;
	s6 =	sadd.s32 @!p0 $0x88, s6;
	s7 =	simm.s32 @p2 $0x1082  }
0x22: {  	[simem:s7], [sflag:s8] =	dma.local @!p0 [hbm:s6], $0xF7A  }
0x23: {  	s9 =	sor.u32 $0xD0000000, s2;
	s6 =	simm.s32 $0x108;
	_ =	swait.ge @!p0 [sflag:s8], $0x0  }
0x24: {  	s3 =	sadd.s32 $0x88, s3;
	s6 =	simm.s32 @!p1 $0x1082;
	[sflag:s4] =	ssyncset.s32 $0xFFFFF086  }
0x25: {  	[simem:s6], [sflag:s4] =	dma.local [hbm:s3], $0xF7A  }
0x26: {  	[smem:$0x3F9C] =	sst s1;
	(tag) =	ssettag s2;
	_ =	strace s9  }
0x27: {  	s1 =	sld [smem:$0x3FAC]  }
0x28: {  	s2 =	sld [smem:$0x3FAD]  }
0x29: {  	s4 =	sld [smem:$0x3FAF]  }
0x2a: {  	p0 =	seq.s32 s5, $0x0;
	s5 =	sld [smem:$0x3FB0]  }
0x2b: {  	s6 =	sld [smem:$0x3FB1]  }
0x2c: {  	s7 =	sld [smem:$0x3FB2]  }
0x2d: {  	s3 =	simm.s32 $0x108;
	s8 =	sld [smem:$0x3FB3]  }
0x2e: {  	s3 =	simm.s32 @!p0 $0x1082;
	s9 =	sld [smem:$0x3FB4]  }
0x2f: {  	lr =	sadd.s32 s0, s3;
	s0 =	sld [smem:$0x3FAB]  }
0x30: {  	s3 =	sld [smem:$0x3FAE]  }
0x31: {  	[smem:$0x3FB7] =	sst s10  }
0x32: {  	s10 =	sld [smem:$0x3FB5];
	_ =	sdelay $0x3  }
0x33: {  	p0 =	seq.s32 s10, $0x1;
	s10 =	sld [smem:$0x3FB7];
	_ =	sdelay $0x3  }
0x34: {  	[smem:$0x3FB7] =	sst s10  }
0x35: {  	s10 =	sld [smem:$0x3FB6];
	_ =	sdelay $0x3  }
0x36: {  	p1 =	seq.s32 s10, $0x1;
	s10 =	sld [smem:$0x3FB7];
	_ =	sdelay $0x3  }
0x37: {  	[smem:$0x3FB7] =	sst s10  }
0x38: {  	s10 =	sld [smem:$0x3FB8]  }
0x39: {  	_ = 	snop;
	(pc) =	sbr.ind lr, $3  }
0x3a: {  	_ = 	snop  }
0x3b: {  	_ = 	snop  }
0x3c: {  	p2 =	seq.s32 s10, $0x1;
	s10 =	sld [smem:$0x3FB7]  }
0x3d: {  	_ =	shalt  }
0x3e: {  	_ =	shalt  }
0x3f: {  	_ =	shalt  }
0x40: {  	_ =	shalt  }
0x41: {  	_ =	shalt  }
0x42: {  	_ =	shalt  }
0x43: {  	_ =	shalt  }
0x44: {  	_ =	shalt  }
0x45: {  	_ =	shalt  }
0x46: {  	_ =	shalt  }
0x47: {  	_ =	shalt  }
0x48: {  	_ =	shalt  }
0x49: {  	_ =	shalt  }
0x4a: {  	_ =	shalt  }
0x4b: {  	_ =	shalt  }
0x4c: {  	_ =	shalt  }
0x4d: {  	_ =	shalt  }
0x4e: {  	_ =	shalt  }
0x4f: {  	_ =	shalt  }
0x50: {  	_ =	shalt  }
0x51: {  	_ =	shalt  }
0x52: {  	_ =	shalt  }
0x53: {  	_ =	shalt  }
0x54: {  	_ =	shalt  }
0x55: {  	_ =	shalt  }
0x56: {  	_ =	shalt  }
0x57: {  	_ =	shalt  }
0x58: {  	_ =	shalt  }
0x59: {  	_ =	shalt  }
0x5a: {  	_ =	shalt  }
0x5b: {  	_ =	shalt  }
0x5c: {  	_ =	shalt  }
0x5d: {  	_ =	shalt  }
0x5e: {  	_ =	shalt  }
0x5f: {  	_ =	shalt  }
0x60: {  	_ =	shalt  }
0x61: {  	_ =	shalt  }
0x62: {  	_ =	shalt  }
0x63: {  	_ =	shalt  }
0x64: {  	_ =	shalt  }
0x65: {  	_ =	shalt  }
0x66: {  	_ =	shalt  }
0x67: {  	_ =	shalt  }
0x68: {  	_ =	shalt  }
0x69: {  	_ =	shalt  }
0x6a: {  	_ =	shalt  }
0x6b: {  	_ =	shalt  }
0x6c: {  	_ =	shalt  }
0x6d: {  	_ =	shalt  }
0x6e: {  	_ =	shalt  }
0x6f: {  	_ =	shalt  }
0x70: {  	_ =	shalt  }
0x71: {  	_ =	shalt  }
0x72: {  	_ =	shalt  }
0x73: {  	_ =	shalt  }
0x74: {  	_ =	shalt  }
0x75: {  	_ =	shalt  }
0x76: {  	_ =	shalt  }
0x77: {  	_ =	shalt  }
0x78: {  	_ =	shalt  }
0x79: {  	_ =	shalt  }
0x7a: {  	_ =	shalt  }
0x7b: {  	_ =	shalt  }
0x7c: {  	_ =	shalt  }
0x7d: {  	_ =	shalt  }
0x7e: {  	_ =	shalt  }
0x7f: {  	_ =	shalt  }
0x80: {  	_ =	shalt  }
0x81: {  	_ =	shalt  }
0x82: {  	_ =	shalt  }
0x83: {  	_ =	shalt  }
0x84: {  	_ =	shalt  }
0x85: {  	_ =	shalt  }
0x86: {  	_ =	shalt  }
0x87: {  	_ =	shalt  }
.Lfunc_end0:
.L_simem_size_0:
called_computation_lowered:
.L_overlay_start_0:
0x88: {  	s2 =	sld [smem:$0x3FD9]  }
0x89: {  	s3 =	sld [smem:$0x3FFE];
	_ =	sdelay $0x1  }
0x8a: {  	s1 =	srdreg.scid  }
0x8b: {  	s0 =	sand.u32 $0x1, s1  }
0x8c: {  	s16 =	sshll.u32 s0, $0xA;
	s2 =	sadd.s32 s3, s2  }
0x8d: {  	s2 =	sadd.s32 s2, s16  }
0x8e: {  	[smem:$0x3FC3] =	sst s2  }
0x8f: {  	_ = 	snop  }
0x90: {  	(tm) =	ssettm $0x1  }
0x91: {  	s17 =	sld [smem:$0x3FFB];
	_ =	sdelay $0x3  }
0x92: {  	_ =	strace s17  }
0x93: {  	s2 =	sld [smem:$0x3FFC];
	_ =	sdelay $0x3  }
0x94: {  	_ =	strace s2  }
0x95: {  	s2 =	sld [smem:$0x3FFD];
	_ =	sdelay $0x3  }
0x96: {  	_ =	strace s2  }
0x97: {  	_ =	strace $0x8FFFFFFF  }
0x98: {  	s18 =	sld [smem:$0x3FDB];
	_ =	sdelay $0x1  }
0x99: {  	s19 =	simm.s32 $_scs_section_size  }
0x9a: {  	s4 =	simm.s32 $_size__tile_overlayer_lowered;
	s5 =	simm.s32 $_tile_overlayer_lowered  }
0x9b: {  	s22 =	simm.s32 $0x1BFF;
	s21 =	sshll.u32 s5, $0x1;
	s2 =	sadd.s32 s19, s18  }
0x9c: {  	s6 =	simm.s32 $0x0;
	s20 =	sshll.u32 s4, $0x1;
	s4 =	sadd.s32 s21, s2  }
0x9d: {  	[timem:s6], [sflag:s22] =	dma.local [hbm:s4], s20  }
0x9e: {  	_ =	swait.ge [sflag:s22], s20  }
0x9f: {  	s3 =	ssub.s32 $0x0, s20;
	[sflag:s22] =	ssyncset.done $0x0  }
0xa0: {  	[sflag:s22] =	ssyncadd.s32 s3;
	_ =	sdelay $0x1  }
0xa1: {  	s23 =	simm.s32 $0x1B8B  }
0xa2: {  	_ =	swait.ge [sflag:s23], $0x1  }
0xa3: {  	[sflag:s23] =	ssyncset.done $0x0  }
0xa4: {  	s25 =	simm.s32 $0x1B8E;
	s24 =	sld [smem:$0x3FFE];
	[sflag:s23] =	ssyncadd.s32 $0xFFFFFFFF  }
0xa5: {  	s26 =	simm.s32 $execute0_lowered;
	[smem:$0x3FD2] =	sst s25  }
0xa6: {  	s4 =	sshll.u32 s26, $0x1;
	_ =	strace $0x80000046;
	[dreg:$0x1] =	wrdreg $0xFFFFFFFF  }
0xa7: {  	s28 =	simm.s32 $_size_execute0_lowered;
	s2 =	sadd.s32 s2, s4;
	[dreg:$0x0] =	wrdreg $0x0  }
0xa8: {  	s4 =	sshll.u32 s28, $0x1;
	[dreg:$0x2] =	wrdreg s2  }
0xa9: {  	[dreg:$0x3] =	wrdreg s4  }
0xaa: {  	[dreg:$0x4] =	wrdreg $0xC0  }
0xab: {  	_ =	task [dreg:s6], $0x5FFFF  }
0xac: {  	[dreg:$0x1] =	wrdreg $0xFFFFFFFF  }
0xad: {  	[dreg:$0x0] =	wrdreg $0x60  }
0xae: {  	[dreg:$0x2] =	wrdreg s24  }
0xaf: {  	[dreg:$0x3] =	wrdreg $0x9  }
0xb0: {  	_ =	task.clear_ibuf [dreg:s6], $0x4FFFF;
	_ =	strace $0x90000046  }
0xb1: {  	s29 =	simm.s32 $0x9;
	_ =	strace $0x80000048  }
0xb2: {  	_ =	swait.ge [sflag:s29], $0x1  }
0xb3: {  	[sflag:s29] =	ssyncadd.s32 $0xFFFFFFFF  }
0xb4: {  	_ =	strace $0x90000048  }
0xb5: {  	_ =	sfence  }
0xb6: {  	s30 =	sld [smem:$0x0];
	_ =	sdelay $0x2  }
0xb7: {  	s31 =	sshll.u32 s1, $0xD;
	s1 =	sshrl.u32 s1, $0x2  }
0xb8: {  	s3 =	sand.u32 $0x4000, s31;
	s1 =	sadd.s32 s1, s30  }
0xb9: {  	s0 =	sor.u32 s3, s0;
	s1 =	sshll.u32 s1, $0x11  }
0xba: {  	s0 =	sor.u32 s1, s0  }
0xbb: {  	s0 =	sadd.s32 $0x8F2B, s0  }
0xbc: {  	[sflag:s0] =	ssyncadd.remote.s32 $0x1  }
0xbd: {  	_ =	sfence.sel $0xFFFF  }
0xbe: {  	[dreg:$0x0] =	wrdreg $0xFFFFFFFF;
	(pc) =	sbr.abs _section_cstart, $3  }
0xbf: {  	[dreg:$0x1] =	wrdreg $0xFFFFFFFF  }
0xc0: {  	_ =	task.clear_ibuf [dreg:s6], $0x2FFFF;
	_ =	strace $0x9FFFFFFF  }
0xc1: {  	(tm) =	ssettm $0x7FFFFFFF  }
tec
execute0_lowered:
.L_overlay_start_1:
0x0: {  	(tag) =	ssettag $0x1  }
0x1: {  	s0 =	srdreg.scid  }
0x2: {  	s2 =	stileid.u32;
	s1 =	rddreg [dreg:$0x0]  }
0x3: {  	s12 =	simm.s32 $0x1;
	s22 =	simm.s32 $0x10;
	s13 =	simm.s32 $0x8000  }
0x4: {  	s23 =	simm.s32 $0xF4240;
	s14 =	simm.s32 $0x2;
	s24 =	simm.s32 $0x12000  }
0x5: {  	s15 =	simm.s32 $0xD000;
	s25 =	simm.s32 $0x12228;
	s26 =	simm.s32 $0x12250  }
0x6: {  	s16 =	simm.s32 $0x5;
	s30 =	simm.s32 $0x12278;
	s17 =	simm.s32 $0x12200  }
0x7: {  	s31 =	simm.s32 $0x122A0;
	s18 =	simm.s32 $0x122C8;
	s19 =	simm.s32 $0x122F0  }
0x8: {  	s20 =	simm.s32 $0x12318;
	s3 =	sshll.u32 s2, $0x1;
	s2 =	simm.s32 $0x0  }
0x9: {  	v0 =	vlaneseq.u32;
	s28 =	simm.s32 $0x12430;
	s21 =	sadd.s32 $0x1F040, s1;
	[smem:$0x7FF] =	sst s2  }
0xa: {  	s29 =	simm.s32 $0x12458;
	v0 =	vmul.u32 $0x28, v0;
	_ =	strace $0x80000047;
	[dreg:$0x2] =	wrdreg s21  }
0xb: {  	s0 =	sand.u32 $0x1, s0;
	s4 =	sadd.s32 $0x800, s1;
	[dreg:$0x3] =	wrdreg s22  }
0xc: {  	s5 =	sadd.s32 $0x3D1200, s1;
	s11 =	sadd.s32 $0x7A1A00, s1;
	v1 =	vor.u32 $0x1, v0;
	[dreg:$0x4] =	wrdreg s23  }
0xd: {  	s1 =	simm.s32 $0x0;
	s7 =	sor.u32 s0, s3;
	v2 =	vor.u32 $0x2, v0;
	v3 =	vor.u32 $0x3, v0;
	v4 =	vor.u32 $0x4, v0;
	[dreg:$0x5] =	wrdreg s24  }
0xe: {  	s0 =	ssub.s32 $0x2, s0;
	s3 =	smul.u32 $0x7E00, s7;
	v5 =	vor.u32 $0x5, v0;
	v6 =	vor.u32 $0x6, v0;
	v7 =	vor.u32 $0x7, v0;
	[dreg:$0x6] =	wrdreg s25  }
0xf: {  	s6 =	sshrl.u32 s0, $0x1;
	p0 =	seq.s32 s7, $0x1F;
	v8 =	vadd.s32 $0x8, v0;
	v9 =	vadd.s32 $0x9, v0;
	v10 =	vadd.s32 $0xA, v0;
	[dreg:$0x7] =	wrdreg s26  }
0x10: {  	s9 =	smul.u32 $0xFC000, s7;
	p1 =	sne.s32 s7, $0x1F;
	v11 =	vadd.s32 $0xB, v0;
	v12 =	vadd.s32 $0xC, v0;
	v13 =	vadd.s32 $0xD, v0;
	[dreg:$0x8] =	wrdreg s30  }
0x11: {  	v14 =	vadd.s32 $0xE, v0;
	v15 =	vadd.s32 $0xF, v0;
	v16 =	vadd.s32 $0x10, v0;
	[dreg:$0x9] =	wrdreg s31;
	s21 =	simm.s32 $0x12340;
	s22 =	simm.s32 $0x12368  }
.Ltmp0:
0x12: {  	v17 =	vadd.s32 $0x11, v0;
	v18 =	vadd.s32 $0x12, v0;
	v19 =	vadd.s32 $0x13, v0;
	s23 =	simm.s32 $0x12390;
	s0 =	ssub.s32 s0, s6;
	(pc) =	sbr.rel .LBB2_1-.Ltmp0, $4  }
0x13: {  	v20 =	vadd.s32 $0x14, v0;
	v21 =	vadd.s32 $0x15, v0;
	v22 =	vadd.s32 $0x16, v0;
	s24 =	simm.s32 $0x123B8;
	s8 =	sshrl.u32 s3, $0x3;
	s0 =	smax.u32 s0, $0x1  }
0x14: {  	v23 =	vadd.s32 $0x17, v0;
	v24 =	vadd.s32 $0x18, v0;
	v25 =	vadd.s32 $0x19, v0;
	s25 =	simm.s32 $0x123E0;
	s8 =	sadd.s32 s4, s8;
	[dreg:$0xc] =	wrdreg s0  }
0x15: {  	v26 =	vadd.s32 $0x1A, v0;
	v27 =	vadd.s32 $0x1B, v0;
	v28 =	vadd.s32 $0x1C, v0;
	s6 =	simm.s32 $0x0;
	[dreg:$0xa] =	wrdreg s8;
	s8 =	sadd.s32 $0x40, s8  }
0x16: {  	s26 =	simm.s32 $0x12408;
	v29 =	vadd.s32 $0x1D, v0;
	v30 =	vadd.s32 $0x1E, v0;
	v31 =	vadd.s32 $0x1F, v0;
	s6 =	simm.s32 @!p0 $0x3F;
	[dreg:$0xb] =	wrdreg s8  }
.LBB2_16:
0x17: {  	s0 =	simm.s32 $0x3  }
0x18: {  	_ =	swait.ge [sflag:s0], $0x4000  }
0x19: {  	[sflag:s0] =	ssyncset.done $0x0  }
0x1a: {  	s31 =	simm.s32 $0x4;
	[sflag:s0] =	ssyncadd.s32 $0xFFFFC000  }
0x1b: {  	_ =	swait.ge [sflag:s31], $0x4000  }
0x1c: {  	[sflag:s31] =	ssyncset.done $0x0  }
0x1d: {  	s1 =	rddreg [dreg:$0xd];
	[sflag:s31] =	ssyncadd.s32 $0xFFFFC000  }
.LBB2_20:
0x1e: {  	s1 =	sadd.s32 $0x1, s1;
	s0 =	rddreg [dreg:$0xc]  }
0x1f: {  	p2 =	sne.s32 s1, s0  }
.Ltmp1:
0x20: {  	_ = 	snop;
	(pc) =	sbr.rel @!p2 .LBB2_21-.Ltmp1, $1  }
0x21: {  	_ =	sdelay $0x3  }
.LBB2_1:
0x22: {  	[dreg:$0xd] =	wrdreg s1;
	s0 =	simm.s32 @!p0 $0x200;
	s1 =	simm.s32 @!p0 $0xF4240  }
.Ltmp2:
0x23: {  	s7 =	simm.s32 @!p0 $0x0;
	s8 =	rddreg [dreg:$0xa];
	(pc) =	sbr.rel .LBB2_2-.Ltmp2, $4  }
0x24: {  	[tilespmem:s7], [sflag:$0x1] =	stream.strided.gather @!p0 [hbm4b:s8+s0], $0x4000, s1, s0, $0x38;
	[tilespmem:$0x12480] =	vst v63  }
0x25: {  	s7 =	simm.s32 @!p0 $0x4000;
	s8 =	rddreg [dreg:$0xb]  }
0x26: {  	[tilespmem:s7], [sflag:$0x2] =	stream.strided.gather @!p0 [hbm4b:s8+s0], $0x4000, s1, s0, $0x38;
	[tilespmem:$0x12480] =	vst v63  }
0x27: {  	s0 =	simm.s32 $0x0  }
.LBB2_14:
0x28: {  	s0 =	sadd.s32 $0x1, s0  }
0x29: {  	p2 =	sne.s32 s0, $0x20  }
.Ltmp3:
0x2a: {  	_ = 	snop;
	(pc) =	sbr.rel @!p2 .LBB2_15-.Ltmp3, $1  }
0x2b: {  	_ =	sdelay $0x3  }
.LBB2_2:
0x2c: {  	s30 =	sshll.u32 s0, $0x1  }
0x2d: {  	p3 =	sge.u32 s30, s6  }
.Ltmp4:
0x2e: {  	_ = 	snop;
	(pc) =	sbr.rel @p3 .LBB2_8-.Ltmp4, $2  }
0x2f: {  	_ =	sdelay $0x2  }
0x30: {  	p2 =	seq.s32 s0, $0x0  }
0x31: {  	_ =	swait.ge [sflag:s12], $0x4000;
	s1 =	simm.s32 $0x0  }
0x32: {  	[sflag:s12] =	ssyncset.done $0x0;
	v32 =	vmov s1  }
0x33: {  	s1 =	simm.s32 @!p2 $0x3;
	[sflag:s12] =	ssyncadd.s32 $0xFFFFC000;
	v32 =	vmul.u32 $0x28, v32  }
0x34: {  	_ =	swait.ge @!p2 [sflag:s1], $0x4000  }
0x35: {  	[sflag:s1] =	ssyncset.done @!p2 $0x0;
	v32 =	vbroadcast v32, $0x0  }
0x36: {  	s31 =	simm.s32 $0x2000;
	[sflag:s1] =	ssyncadd.s32 @!p2 $0xFFFFC000  }
0x37: {  	v33 =	vld [tilespmem:s31+$0xFFFFE000];
	v34 =	vadd.s32 v0, v32;
	_ =	sdelay $0x4  }
0x38: {  	[tilespmem:v34+s13+$0x0] =	vst.idx.msk $0xffff, v33  }
0x39: {  	v62 =	vadd.s32 v1, v32;
	v33 =	vld [tilespmem:s31+$0xFFFFE200];
	_ =	sdelay $0x4  }
0x3a: {  	[tilespmem:v62+s13+$0x0] =	vst.idx.msk $0xffff, v33  }
0x3b: {  	v63 =	vadd.s32 v2, v32;
	v33 =	vld [tilespmem:s31+$0xFFFFE400];
	_ =	sdelay $0x4  }
0x3c: {  	[tilespmem:v63+s13+$0x0] =	vst.idx.msk $0xffff, v33  }
0x3d: {  	v36 =	vadd.s32 v3, v32;
	v33 =	vld [tilespmem:s31+$0xFFFFE600];
	_ =	sdelay $0x4  }
0x3e: {  	[tilespmem:v36+s13+$0x0] =	vst.idx.msk $0xffff, v33  }
0x3f: {  	v37 =	vadd.s32 v4, v32;
	v33 =	vld [tilespmem:s31+$0xFFFFE800];
	_ =	sdelay $0x4  }
0x40: {  	[tilespmem:v37+s13+$0x0] =	vst.idx.msk $0xffff, v33  }
0x41: {  	v38 =	vadd.s32 v5, v32;
	v33 =	vld [tilespmem:s31+$0xFFFFEA00];
	_ =	sdelay $0x4  }
0x42: {  	[tilespmem:v38+s13+$0x0] =	vst.idx.msk $0xffff, v33  }
0x43: {  	v39 =	vadd.s32 v6, v32;
	v33 =	vld [tilespmem:s31+$0xFFFFEC00];
	_ =	sdelay $0x4  }
0x44: {  	[tilespmem:v39+s13+$0x0] =	vst.idx.msk $0xffff, v33  }
0x45: {  	v40 =	vadd.s32 v7, v32;
	v33 =	vld [tilespmem:s31+$0xFFFFEE00];
	_ =	sdelay $0x4  }
0x46: {  	[tilespmem:v40+s13+$0x0] =	vst.idx.msk $0xffff, v33  }
0x47: {  	v41 =	vadd.s32 v8, v32;
	v33 =	vld [tilespmem:s31+$0xFFFFF000];
	_ =	sdelay $0x4  }
0x48: {  	[tilespmem:v41+s13+$0x0] =	vst.idx.msk $0xffff, v33  }
0x49: {  	v42 =	vadd.s32 v9, v32;
	v33 =	vld [tilespmem:s31+$0xFFFFF200];
	_ =	sdelay $0x4  }
0x4a: {  	[tilespmem:v42+s13+$0x0] =	vst.idx.msk $0xffff, v33  }
0x4b: {  	v43 =	vadd.s32 v10, v32;
	v33 =	vld [tilespmem:s31+$0xFFFFF400];
	_ =	sdelay $0x4  }
0x4c: {  	[tilespmem:v43+s13+$0x0] =	vst.idx.msk $0xffff, v33  }
0x4d: {  	v44 =	vadd.s32 v11, v32;
	v33 =	vld [tilespmem:s31+$0xFFFFF600];
	_ =	sdelay $0x4  }
0x4e: {  	[tilespmem:v44+s13+$0x0] =	vst.idx.msk $0xffff, v33  }
0x4f: {  	v45 =	vadd.s32 v12, v32;
	v33 =	vld [tilespmem:s31+$0xFFFFF800];
	_ =	sdelay $0x4  }
0x50: {  	[tilespmem:v45+s13+$0x0] =	vst.idx.msk $0xffff, v33  }
0x51: {  	v46 =	vadd.s32 v13, v32;
	v33 =	vld [tilespmem:s31+$0xFFFFFA00];
	_ =	sdelay $0x4  }
0x52: {  	[tilespmem:v46+s13+$0x0] =	vst.idx.msk $0xffff, v33  }
0x53: {  	v47 =	vadd.s32 v14, v32;
	v33 =	vld [tilespmem:s31+$0xFFFFFC00];
	_ =	sdelay $0x4  }
0x54: {  	[tilespmem:v47+s13+$0x0] =	vst.idx.msk $0xffff, v33  }
0x55: {  	v48 =	vadd.s32 v15, v32;
	v33 =	vld [tilespmem:s31+$0xFFFFFE00];
	_ =	sdelay $0x4  }
0x56: {  	[tilespmem:v48+s13+$0x0] =	vst.idx.msk $0xffff, v33  }
0x57: {  	v49 =	vadd.s32 v16, v32;
	v33 =	vld [tilespmem:s31+$0x0];
	_ =	sdelay $0x4  }
0x58: {  	[tilespmem:v49+s13+$0x0] =	vst.idx.msk $0xffff, v33  }
0x59: {  	v50 =	vadd.s32 v17, v32;
	v33 =	vld [tilespmem:s31+$0x200];
	_ =	sdelay $0x4  }
0x5a: {  	[tilespmem:v50+s13+$0x0] =	vst.idx.msk $0xffff, v33  }
0x5b: {  	v51 =	vadd.s32 v18, v32;
	v33 =	vld [tilespmem:s31+$0x400];
	_ =	sdelay $0x4  }
0x5c: {  	[tilespmem:v51+s13+$0x0] =	vst.idx.msk $0xffff, v33  }
0x5d: {  	v52 =	vadd.s32 v19, v32;
	v33 =	vld [tilespmem:s31+$0x600];
	_ =	sdelay $0x4  }
0x5e: {  	[tilespmem:v52+s13+$0x0] =	vst.idx.msk $0xffff, v33  }
0x5f: {  	v53 =	vadd.s32 v20, v32;
	v33 =	vld [tilespmem:s31+$0x800];
	_ =	sdelay $0x4  }
0x60: {  	[tilespmem:v53+s13+$0x0] =	vst.idx.msk $0xffff, v33  }
0x61: {  	v54 =	vadd.s32 v21, v32;
	v33 =	vld [tilespmem:s31+$0xA00];
	_ =	sdelay $0x4  }
0x62: {  	[tilespmem:v54+s13+$0x0] =	vst.idx.msk $0xffff, v33  }
0x63: {  	v55 =	vadd.s32 v22, v32;
	v33 =	vld [tilespmem:s31+$0xC00];
	_ =	sdelay $0x4  }
0x64: {  	[tilespmem:v55+s13+$0x0] =	vst.idx.msk $0xffff, v33  }
0x65: {  	v56 =	vadd.s32 v23, v32;
	v33 =	vld [tilespmem:s31+$0xE00];
	_ =	sdelay $0x4  }
0x66: {  	[tilespmem:v56+s13+$0x0] =	vst.idx.msk $0xffff, v33  }
0x67: {  	v57 =	vadd.s32 v24, v32;
	v33 =	vld [tilespmem:s31+$0x1000];
	_ =	sdelay $0x4  }
0x68: {  	[tilespmem:v57+s13+$0x0] =	vst.idx.msk $0xffff, v33  }
0x69: {  	v58 =	vadd.s32 v25, v32;
	v33 =	vld [tilespmem:s31+$0x1200];
	_ =	sdelay $0x4  }
0x6a: {  	[tilespmem:v58+s13+$0x0] =	vst.idx.msk $0xffff, v33  }
0x6b: {  	v59 =	vadd.s32 v26, v32;
	v33 =	vld [tilespmem:s31+$0x1400];
	_ =	sdelay $0x4  }
0x6c: {  	[tilespmem:v59+s13+$0x0] =	vst.idx.msk $0xffff, v33  }
0x6d: {  	v60 =	vadd.s32 v27, v32;
	v33 =	vld [tilespmem:s31+$0x1600];
	_ =	sdelay $0x4  }
0x6e: {  	[tilespmem:v60+s13+$0x0] =	vst.idx.msk $0xffff, v33  }
0x6f: {  	v61 =	vadd.s32 v28, v32;
	v33 =	vld [tilespmem:s31+$0x1800];
	_ =	sdelay $0x4  }
0x70: {  	[tilespmem:v61+s13+$0x0] =	vst.idx.msk $0xffff, v33  }
0x71: {  	v62 =	vadd.s32 v29, v32;
	v33 =	vld [tilespmem:s31+$0x1A00];
	_ =	sdelay $0x4  }
0x72: {  	[tilespmem:v62+s13+$0x0] =	vst.idx.msk $0xffff, v33  }
0x73: {  	v63 =	vadd.s32 v30, v32;
	v33 =	vld [tilespmem:s31+$0x1C00];
	_ =	sdelay $0x4  }
0x74: {  	[tilespmem:v63+s13+$0x0] =	vst.idx.msk $0xffff, v33  }
0x75: {  	s10 =	simm.s32 $0x10;
	v34 =	vadd.s32 v31, v32;
	v33 =	vld [tilespmem:s31+$0x1E00]  }
0x76: {  	s8 =	simm.s32 $0x20;
	v32 =	vmov s10  }
.LBB2_4:
0x77: {  	p3 =	sne.s32 s8, $0x1F0;
	v32 =	vmul.u32 $0x28, v32;
	_ =	sdelay $0x1  }
0x78: {  	v32 =	vbroadcast v32, $0x0  }
0x79: {  	s31 =	sadd.s32 $0x10, s31;
	[tilespmem:v34+s13+$0x0] =	vst.idx.msk $0xffff, v33  }
0x7a: {  	v33 =	vld [tilespmem:s31+$0xFFFFE000];
	v34 =	vadd.s32 v0, v32;
	_ =	sdelay $0x4  }
0x7b: {  	[tilespmem:v34+s13+$0x0] =	vst.idx.msk $0xffff, v33  }
0x7c: {  	v34 =	vadd.s32 v1, v32;
	v33 =	vld [tilespmem:s31+$0xFFFFE200];
	_ =	sdelay $0x4  }
0x7d: {  	[tilespmem:v34+s13+$0x0] =	vst.idx.msk $0xffff, v33  }
0x7e: {  	v34 =	vadd.s32 v2, v32;
	v33 =	vld [tilespmem:s31+$0xFFFFE400];
	_ =	sdelay $0x4  }
0x7f: {  	[tilespmem:v34+s13+$0x0] =	vst.idx.msk $0xffff, v33  }
0x80: {  	v34 =	vadd.s32 v3, v32;
	v33 =	vld [tilespmem:s31+$0xFFFFE600];
	_ =	sdelay $0x4  }
0x81: {  	[tilespmem:v34+s13+$0x0] =	vst.idx.msk $0xffff, v33  }
0x82: {  	v34 =	vadd.s32 v4, v32;
	v33 =	vld [tilespmem:s31+$0xFFFFE800];
	_ =	sdelay $0x4  }
0x83: {  	[tilespmem:v34+s13+$0x0] =	vst.idx.msk $0xffff, v33  }
0x84: {  	v34 =	vadd.s32 v5, v32;
	v33 =	vld [tilespmem:s31+$0xFFFFEA00];
	_ =	sdelay $0x4  }
0x85: {  	[tilespmem:v34+s13+$0x0] =	vst.idx.msk $0xffff, v33  }
0x86: {  	v34 =	vadd.s32 v6, v32;
	v33 =	vld [tilespmem:s31+$0xFFFFEC00];
	_ =	sdelay $0x4  }
0x87: {  	[tilespmem:v34+s13+$0x0] =	vst.idx.msk $0xffff, v33  }
0x88: {  	v34 =	vadd.s32 v7, v32;
	v33 =	vld [tilespmem:s31+$0xFFFFEE00];
	_ =	sdelay $0x4  }
0x89: {  	[tilespmem:v34+s13+$0x0] =	vst.idx.msk $0xffff, v33  }
0x8a: {  	v34 =	vadd.s32 v8, v32;
	v33 =	vld [tilespmem:s31+$0xFFFFF000];
	_ =	sdelay $0x4  }
0x8b: {  	[tilespmem:v34+s13+$0x0] =	vst.idx.msk $0xffff, v33  }
0x8c: {  	v34 =	vadd.s32 v9, v32;
	v33 =	vld [tilespmem:s31+$0xFFFFF200];
	_ =	sdelay $0x4  }
0x8d: {  	[tilespmem:v34+s13+$0x0] =	vst.idx.msk $0xffff, v33  }
0x8e: {  	v34 =	vadd.s32 v10, v32;
	v33 =	vld [tilespmem:s31+$0xFFFFF400];
	_ =	sdelay $0x4  }
0x8f: {  	[tilespmem:v34+s13+$0x0] =	vst.idx.msk $0xffff, v33  }
0x90: {  	v34 =	vadd.s32 v11, v32;
	v33 =	vld [tilespmem:s31+$0xFFFFF600];
	_ =	sdelay $0x4  }
0x91: {  	[tilespmem:v34+s13+$0x0] =	vst.idx.msk $0xffff, v33  }
0x92: {  	v34 =	vadd.s32 v12, v32;
	v33 =	vld [tilespmem:s31+$0xFFFFF800];
	_ =	sdelay $0x4  }
0x93: {  	[tilespmem:v34+s13+$0x0] =	vst.idx.msk $0xffff, v33  }
0x94: {  	v34 =	vadd.s32 v13, v32;
	v33 =	vld [tilespmem:s31+$0xFFFFFA00];
	_ =	sdelay $0x4  }
0x95: {  	[tilespmem:v34+s13+$0x0] =	vst.idx.msk $0xffff, v33  }
0x96: {  	v34 =	vadd.s32 v14, v32;
	v33 =	vld [tilespmem:s31+$0xFFFFFC00];
	_ =	sdelay $0x4  }
0x97: {  	[tilespmem:v34+s13+$0x0] =	vst.idx.msk $0xffff, v33  }
0x98: {  	v34 =	vadd.s32 v15, v32;
	v33 =	vld [tilespmem:s31+$0xFFFFFE00];
	_ =	sdelay $0x4  }
0x99: {  	[tilespmem:v34+s13+$0x0] =	vst.idx.msk $0xffff, v33  }
0x9a: {  	v34 =	vadd.s32 v16, v32;
	v33 =	vld [tilespmem:s31+$0x0];
	_ =	sdelay $0x4  }
0x9b: {  	[tilespmem:v34+s13+$0x0] =	vst.idx.msk $0xffff, v33  }
0x9c: {  	v34 =	vadd.s32 v17, v32;
	v33 =	vld [tilespmem:s31+$0x200];
	_ =	sdelay $0x4  }
0x9d: {  	[tilespmem:v34+s13+$0x0] =	vst.idx.msk $0xffff, v33  }
0x9e: {  	v34 =	vadd.s32 v18, v32;
	v33 =	vld [tilespmem:s31+$0x400];
	_ =	sdelay $0x4  }
0x9f: {  	[tilespmem:v34+s13+$0x0] =	vst.idx.msk $0xffff, v33  }
0xa0: {  	v34 =	vadd.s32 v19, v32;
	v33 =	vld [tilespmem:s31+$0x600];
	_ =	sdelay $0x4  }
0xa1: {  	[tilespmem:v34+s13+$0x0] =	vst.idx.msk $0xffff, v33  }
0xa2: {  	v34 =	vadd.s32 v20, v32;
	v33 =	vld [tilespmem:s31+$0x800];
	_ =	sdelay $0x4  }
0xa3: {  	[tilespmem:v34+s13+$0x0] =	vst.idx.msk $0xffff, v33  }
0xa4: {  	v34 =	vadd.s32 v21, v32;
	v33 =	vld [tilespmem:s31+$0xA00];
	_ =	sdelay $0x4  }
0xa5: {  	[tilespmem:v34+s13+$0x0] =	vst.idx.msk $0xffff, v33  }
0xa6: {  	v34 =	vadd.s32 v22, v32;
	v33 =	vld [tilespmem:s31+$0xC00];
	_ =	sdelay $0x4  }
0xa7: {  	[tilespmem:v34+s13+$0x0] =	vst.idx.msk $0xffff, v33  }
0xa8: {  	v34 =	vadd.s32 v23, v32;
	v33 =	vld [tilespmem:s31+$0xE00];
	_ =	sdelay $0x4  }
0xa9: {  	[tilespmem:v34+s13+$0x0] =	vst.idx.msk $0xffff, v33  }
0xaa: {  	v34 =	vadd.s32 v24, v32;
	v33 =	vld [tilespmem:s31+$0x1000];
	_ =	sdelay $0x4  }
0xab: {  	[tilespmem:v34+s13+$0x0] =	vst.idx.msk $0xffff, v33  }
0xac: {  	v34 =	vadd.s32 v25, v32;
	v33 =	vld [tilespmem:s31+$0x1200];
	_ =	sdelay $0x4  }
0xad: {  	[tilespmem:v34+s13+$0x0] =	vst.idx.msk $0xffff, v33  }
0xae: {  	v34 =	vadd.s32 v26, v32;
	v33 =	vld [tilespmem:s31+$0x1400];
	_ =	sdelay $0x4  }
0xaf: {  	[tilespmem:v34+s13+$0x0] =	vst.idx.msk $0xffff, v33  }
0xb0: {  	v34 =	vadd.s32 v27, v32;
	v33 =	vld [tilespmem:s31+$0x1600];
	_ =	sdelay $0x4  }
0xb1: {  	[tilespmem:v34+s13+$0x0] =	vst.idx.msk $0xffff, v33  }
0xb2: {  	v34 =	vadd.s32 v28, v32;
	v33 =	vld [tilespmem:s31+$0x1800];
	_ =	sdelay $0x4  }
0xb3: {  	[tilespmem:v34+s13+$0x0] =	vst.idx.msk $0xffff, v33  }
0xb4: {  	v34 =	vadd.s32 v29, v32;
	v33 =	vld [tilespmem:s31+$0x1A00];
	_ =	sdelay $0x4  }
0xb5: {  	[tilespmem:v34+s13+$0x0] =	vst.idx.msk $0xffff, v33  }
0xb6: {  	v34 =	vadd.s32 v30, v32;
	v33 =	vld [tilespmem:s31+$0x1C00];
	_ =	sdelay $0x2  }
.Ltmp5:
0xb7: {  	(pc) =	sbr.rel @p3 .LBB2_4-.Ltmp5, $4  }
0xb8: {  	_ = 	snop  }
0xb9: {  	[tilespmem:v34+s13+$0x0] =	vst.idx.msk $0xffff, v33  }
0xba: {  	v34 =	vadd.s32 v31, v32;
	v33 =	vld [tilespmem:s31+$0x1E00]  }
0xbb: {  	v32 =	vmov s8;
	s8 =	sadd.s32 $0x10, s8  }
0xbc: {  	_ = 	snop  }
0xbd: {  	v32 =	vmul.u32 $0x28, v32;
	_ =	sdelay $0x1  }
0xbe: {  	v32 =	vbroadcast v32, $0x0  }
0xbf: {  	s8 =	sadd.s32 $0x10, s31;
	[tilespmem:v34+s13+$0x0] =	vst.idx.msk $0xffff, v33  }
0xc0: {  	v33 =	vld [tilespmem:s8+$0xFFFFE000];
	v61 =	vadd.s32 v0, v32;
	_ =	sdelay $0x4  }
0xc1: {  	[tilespmem:v61+s13+$0x0] =	vst.idx.msk $0xffff, v33  }
0xc2: {  	v62 =	vadd.s32 v1, v32;
	v33 =	vld [tilespmem:s8+$0xFFFFE200];
	_ =	sdelay $0x4  }
0xc3: {  	[tilespmem:v62+s13+$0x0] =	vst.idx.msk $0xffff, v33  }
0xc4: {  	v63 =	vadd.s32 v2, v32;
	v33 =	vld [tilespmem:s8+$0xFFFFE400];
	_ =	sdelay $0x4  }
0xc5: {  	[tilespmem:v63+s13+$0x0] =	vst.idx.msk $0xffff, v33  }
0xc6: {  	v36 =	vadd.s32 v3, v32;
	v33 =	vld [tilespmem:s8+$0xFFFFE600];
	_ =	sdelay $0x4  }
0xc7: {  	[tilespmem:v36+s13+$0x0] =	vst.idx.msk $0xffff, v33  }
0xc8: {  	v37 =	vadd.s32 v4, v32;
	v33 =	vld [tilespmem:s8+$0xFFFFE800];
	_ =	sdelay $0x4  }
0xc9: {  	[tilespmem:v37+s13+$0x0] =	vst.idx.msk $0xffff, v33  }
0xca: {  	v38 =	vadd.s32 v5, v32;
	v33 =	vld [tilespmem:s8+$0xFFFFEA00];
	_ =	sdelay $0x4  }
0xcb: {  	[tilespmem:v38+s13+$0x0] =	vst.idx.msk $0xffff, v33  }
0xcc: {  	v39 =	vadd.s32 v6, v32;
	v33 =	vld [tilespmem:s8+$0xFFFFEC00];
	_ =	sdelay $0x4  }
0xcd: {  	[tilespmem:v39+s13+$0x0] =	vst.idx.msk $0xffff, v33  }
0xce: {  	v40 =	vadd.s32 v7, v32;
	v33 =	vld [tilespmem:s8+$0xFFFFEE00];
	_ =	sdelay $0x4  }
0xcf: {  	[tilespmem:v40+s13+$0x0] =	vst.idx.msk $0xffff, v33  }
0xd0: {  	v41 =	vadd.s32 v8, v32;
	v33 =	vld [tilespmem:s8+$0xFFFFF000];
	_ =	sdelay $0x4  }
0xd1: {  	[tilespmem:v41+s13+$0x0] =	vst.idx.msk $0xffff, v33  }
0xd2: {  	v42 =	vadd.s32 v9, v32;
	v33 =	vld [tilespmem:s8+$0xFFFFF200];
	_ =	sdelay $0x4  }
0xd3: {  	[tilespmem:v42+s13+$0x0] =	vst.idx.msk $0xffff, v33  }
0xd4: {  	v43 =	vadd.s32 v10, v32;
	v33 =	vld [tilespmem:s8+$0xFFFFF400];
	_ =	sdelay $0x4  }
0xd5: {  	[tilespmem:v43+s13+$0x0] =	vst.idx.msk $0xffff, v33  }
0xd6: {  	v44 =	vadd.s32 v11, v32;
	v33 =	vld [tilespmem:s8+$0xFFFFF600];
	_ =	sdelay $0x4  }
0xd7: {  	[tilespmem:v44+s13+$0x0] =	vst.idx.msk $0xffff, v33  }
0xd8: {  	v45 =	vadd.s32 v12, v32;
	v33 =	vld [tilespmem:s8+$0xFFFFF800];
	_ =	sdelay $0x4  }
0xd9: {  	[tilespmem:v45+s13+$0x0] =	vst.idx.msk $0xffff, v33  }
0xda: {  	v46 =	vadd.s32 v13, v32;
	v33 =	vld [tilespmem:s8+$0xFFFFFA00];
	_ =	sdelay $0x4  }
0xdb: {  	[tilespmem:v46+s13+$0x0] =	vst.idx.msk $0xffff, v33  }
0xdc: {  	v47 =	vadd.s32 v14, v32;
	v33 =	vld [tilespmem:s8+$0xFFFFFC00];
	_ =	sdelay $0x4  }
0xdd: {  	[tilespmem:v47+s13+$0x0] =	vst.idx.msk $0xffff, v33  }
0xde: {  	v48 =	vadd.s32 v15, v32;
	v33 =	vld [tilespmem:s8+$0xFFFFFE00];
	_ =	sdelay $0x4  }
0xdf: {  	[tilespmem:v48+s13+$0x0] =	vst.idx.msk $0xffff, v33  }
0xe0: {  	v49 =	vadd.s32 v16, v32;
	v33 =	vld [tilespmem:s8+$0x0];
	_ =	sdelay $0x4  }
0xe1: {  	[tilespmem:v49+s13+$0x0] =	vst.idx.msk $0xffff, v33  }
0xe2: {  	v50 =	vadd.s32 v17, v32;
	v33 =	vld [tilespmem:s8+$0x200];
	_ =	sdelay $0x4  }
0xe3: {  	[tilespmem:v50+s13+$0x0] =	vst.idx.msk $0xffff, v33  }
0xe4: {  	v51 =	vadd.s32 v18, v32;
	v33 =	vld [tilespmem:s8+$0x400];
	_ =	sdelay $0x4  }
0xe5: {  	[tilespmem:v51+s13+$0x0] =	vst.idx.msk $0xffff, v33  }
0xe6: {  	v52 =	vadd.s32 v19, v32;
	v33 =	vld [tilespmem:s8+$0x600];
	_ =	sdelay $0x4  }
0xe7: {  	[tilespmem:v52+s13+$0x0] =	vst.idx.msk $0xffff, v33  }
0xe8: {  	v53 =	vadd.s32 v20, v32;
	v33 =	vld [tilespmem:s8+$0x800];
	_ =	sdelay $0x4  }
0xe9: {  	[tilespmem:v53+s13+$0x0] =	vst.idx.msk $0xffff, v33  }
0xea: {  	v54 =	vadd.s32 v21, v32;
	v33 =	vld [tilespmem:s8+$0xA00];
	_ =	sdelay $0x4  }
0xeb: {  	[tilespmem:v54+s13+$0x0] =	vst.idx.msk $0xffff, v33  }
0xec: {  	v55 =	vadd.s32 v22, v32;
	v33 =	vld [tilespmem:s8+$0xC00];
	_ =	sdelay $0x4  }
0xed: {  	[tilespmem:v55+s13+$0x0] =	vst.idx.msk $0xffff, v33  }
0xee: {  	v56 =	vadd.s32 v23, v32;
	v33 =	vld [tilespmem:s8+$0xE00];
	_ =	sdelay $0x4  }
0xef: {  	[tilespmem:v56+s13+$0x0] =	vst.idx.msk $0xffff, v33  }
0xf0: {  	v57 =	vadd.s32 v24, v32;
	v33 =	vld [tilespmem:s8+$0x1000];
	_ =	sdelay $0x4  }
0xf1: {  	[tilespmem:v57+s13+$0x0] =	vst.idx.msk $0xffff, v33  }
0xf2: {  	v58 =	vadd.s32 v25, v32;
	v33 =	vld [tilespmem:s8+$0x1200];
	_ =	sdelay $0x4  }
0xf3: {  	[tilespmem:v58+s13+$0x0] =	vst.idx.msk $0xffff, v33  }
0xf4: {  	v59 =	vadd.s32 v26, v32;
	v33 =	vld [tilespmem:s8+$0x1400];
	_ =	sdelay $0x4  }
0xf5: {  	[tilespmem:v59+s13+$0x0] =	vst.idx.msk $0xffff, v33  }
0xf6: {  	v60 =	vadd.s32 v27, v32;
	v33 =	vld [tilespmem:s8+$0x1600];
	_ =	sdelay $0x4  }
0xf7: {  	[tilespmem:v60+s13+$0x0] =	vst.idx.msk $0xffff, v33  }
0xf8: {  	v61 =	vadd.s32 v28, v32;
	v33 =	vld [tilespmem:s8+$0x1800];
	_ =	sdelay $0x4  }
0xf9: {  	[tilespmem:v61+s13+$0x0] =	vst.idx.msk $0xffff, v33  }
0xfa: {  	v62 =	vadd.s32 v29, v32;
	v33 =	vld [tilespmem:s8+$0x1A00];
	_ =	sdelay $0x4  }
0xfb: {  	[tilespmem:v62+s13+$0x0] =	vst.idx.msk $0xffff, v33  }
0xfc: {  	v63 =	vadd.s32 v30, v32;
	v33 =	vld [tilespmem:s8+$0x1C00];
	_ =	sdelay $0x4  }
0xfd: {  	[tilespmem:v63+s13+$0x0] =	vst.idx.msk $0xffff, v33  }
0xfe: {  	v32 =	vadd.s32 v31, v32;
	v33 =	vld [tilespmem:s8+$0x1E00]  }
0xff: {  	s1 =	sshll.u32 s0, $0xF  }
0x100: {  	s1 =	sadd.s32 s9, s1  }
0x101: {  	s1 =	sshrl.u32 s1, $0x3  }
0x102: {  	s10 =	simm.s32 $0x8000;
	s8 =	sadd.s32 s5, s1  }
0x103: {  	s31 =	simm.s32 $0x4;
	s7 =	simm.s32 $0x8028;
	s1 =	sadd.s32 $0x0, s8;
	[tilespmem:v32+s13+$0x0] =	vst.idx.msk $0xffff, v33  }
.LBB2_6:
0x104: {  	[hbm4b:s1+s2] =	stream.linear.scatter [tilespmem:s10], [sflag:$0x3], $0x20, $0x38;
	[tilespmem:$0x12480] =	vst v63  }
0x105: {  	s1 =	smov.u32 s31;
	s10 =	smov.u32 s7;
	p3 =	sne.s32 s31, $0x7FC  }
.Ltmp6:
0x106: {  	s31 =	sadd.s32 $0x4, s31;
	(pc) =	sbr.rel @p3 .LBB2_6-.Ltmp6, $2  }
0x107: {  	_ =	sdelay $0x2  }
0x108: {  	s7 =	sadd.s32 $0x28, s7;
	s1 =	sadd.s32 s1, s8  }
0x109: {  	[hbm4b:s1+s2] =	stream.linear.scatter [tilespmem:s10], [sflag:$0x3], $0x20, $0x38;
	[tilespmem:$0x12480] =	vst v63  }
0x10a: {  	s1 =	sadd.s32 $0x2, s30  }
0x10b: {  	p3 =	sge.u32 s1, s6  }
0x10c: {  	s1 =	sshll.u32 @!p3 s1, $0x9  }
0x10d: {  	s1 =	sadd.s32 @!p3 s3, s1  }
0x10e: {  	s7 =	simm.s32 @!p3 $0x200;
	s1 =	sshrl.u32 @!p3 s1, $0x3  }
0x10f: {  	s8 =	simm.s32 @!p3 $0xF4240;
	s10 =	simm.s32 @!p3 $0x0;
	s1 =	sadd.s32 @!p3 s4, s1  }
0x110: {  	[tilespmem:s10], [sflag:$0x1] =	stream.strided.gather @!p3 [hbm4b:s1+s7], $0x4000, s8, s7, $0x38;
	[tilespmem:$0x12480] =	vst v63  }
.LBB2_8:
0x111: {  	s31 =	sshllo.u32 s0, $0x1  }
0x112: {  	p3 =	sge.u32 s31, s6  }
.Ltmp7:
0x113: {  	_ = 	snop;
	(pc) =	sbr.rel @p3 .LBB2_14-.Ltmp7, $1  }
0x114: {  	_ =	sdelay $0x3  }
0x115: {  	_ =	swait.ge [sflag:s14], $0x4000;
	s1 =	simm.s32 $0x0  }
0x116: {  	[sflag:s14] =	ssyncset.done $0x0;
	v32 =	vmov s1  }
0x117: {  	s1 =	simm.s32 @!p2 $0x4;
	[sflag:s14] =	ssyncadd.s32 $0xFFFFC000;
	v32 =	vmul.u32 $0x28, v32  }
0x118: {  	_ =	swait.ge @!p2 [sflag:s1], $0x4000  }
0x119: {  	[sflag:s1] =	ssyncset.done @!p2 $0x0;
	v32 =	vbroadcast v32, $0x0  }
0x11a: {  	s8 =	simm.s32 $0x6000;
	[sflag:s1] =	ssyncadd.s32 @!p2 $0xFFFFC000  }
0x11b: {  	v33 =	vld [tilespmem:s8+$0xFFFFE000];
	v34 =	vadd.s32 v0, v32;
	_ =	sdelay $0x4  }
0x11c: {  	[tilespmem:v34+s15+$0x0] =	vst.idx.msk $0xffff, v33  }
0x11d: {  	v62 =	vadd.s32 v1, v32;
	v33 =	vld [tilespmem:s8+$0xFFFFE200];
	_ =	sdelay $0x4  }
0x11e: {  	[tilespmem:v62+s15+$0x0] =	vst.idx.msk $0xffff, v33  }
0x11f: {  	v63 =	vadd.s32 v2, v32;
	v33 =	vld [tilespmem:s8+$0xFFFFE400];
	_ =	sdelay $0x4  }
0x120: {  	[tilespmem:v63+s15+$0x0] =	vst.idx.msk $0xffff, v33  }
0x121: {  	v36 =	vadd.s32 v3, v32;
	v33 =	vld [tilespmem:s8+$0xFFFFE600];
	_ =	sdelay $0x4  }
0x122: {  	[tilespmem:v36+s15+$0x0] =	vst.idx.msk $0xffff, v33  }
0x123: {  	v37 =	vadd.s32 v4, v32;
	v33 =	vld [tilespmem:s8+$0xFFFFE800];
	_ =	sdelay $0x4  }
0x124: {  	[tilespmem:v37+s15+$0x0] =	vst.idx.msk $0xffff, v33  }
0x125: {  	v38 =	vadd.s32 v5, v32;
	v33 =	vld [tilespmem:s8+$0xFFFFEA00];
	_ =	sdelay $0x4  }
0x126: {  	[tilespmem:v38+s15+$0x0] =	vst.idx.msk $0xffff, v33  }
0x127: {  	v39 =	vadd.s32 v6, v32;
	v33 =	vld [tilespmem:s8+$0xFFFFEC00];
	_ =	sdelay $0x4  }
0x128: {  	[tilespmem:v39+s15+$0x0] =	vst.idx.msk $0xffff, v33  }
0x129: {  	v40 =	vadd.s32 v7, v32;
	v33 =	vld [tilespmem:s8+$0xFFFFEE00];
	_ =	sdelay $0x4  }
0x12a: {  	[tilespmem:v40+s15+$0x0] =	vst.idx.msk $0xffff, v33  }
0x12b: {  	v41 =	vadd.s32 v8, v32;
	v33 =	vld [tilespmem:s8+$0xFFFFF000];
	_ =	sdelay $0x4  }
0x12c: {  	[tilespmem:v41+s15+$0x0] =	vst.idx.msk $0xffff, v33  }
0x12d: {  	v42 =	vadd.s32 v9, v32;
	v33 =	vld [tilespmem:s8+$0xFFFFF200];
	_ =	sdelay $0x4  }
0x12e: {  	[tilespmem:v42+s15+$0x0] =	vst.idx.msk $0xffff, v33  }
0x12f: {  	v43 =	vadd.s32 v10, v32;
	v33 =	vld [tilespmem:s8+$0xFFFFF400];
	_ =	sdelay $0x4  }
0x130: {  	[tilespmem:v43+s15+$0x0] =	vst.idx.msk $0xffff, v33  }
0x131: {  	v44 =	vadd.s32 v11, v32;
	v33 =	vld [tilespmem:s8+$0xFFFFF600];
	_ =	sdelay $0x4  }
0x132: {  	[tilespmem:v44+s15+$0x0] =	vst.idx.msk $0xffff, v33  }
0x133: {  	v45 =	vadd.s32 v12, v32;
	v33 =	vld [tilespmem:s8+$0xFFFFF800];
	_ =	sdelay $0x4  }
0x134: {  	[tilespmem:v45+s15+$0x0] =	vst.idx.msk $0xffff, v33  }
0x135: {  	v46 =	vadd.s32 v13, v32;
	v33 =	vld [tilespmem:s8+$0xFFFFFA00];
	_ =	sdelay $0x4  }
0x136: {  	[tilespmem:v46+s15+$0x0] =	vst.idx.msk $0xffff, v33  }
0x137: {  	v47 =	vadd.s32 v14, v32;
	v33 =	vld [tilespmem:s8+$0xFFFFFC00];
	_ =	sdelay $0x4  }
0x138: {  	[tilespmem:v47+s15+$0x0] =	vst.idx.msk $0xffff, v33  }
0x139: {  	v48 =	vadd.s32 v15, v32;
	v33 =	vld [tilespmem:s8+$0xFFFFFE00];
	_ =	sdelay $0x4  }
0x13a: {  	[tilespmem:v48+s15+$0x0] =	vst.idx.msk $0xffff, v33  }
0x13b: {  	v49 =	vadd.s32 v16, v32;
	v33 =	vld [tilespmem:s8+$0x0];
	_ =	sdelay $0x4  }
0x13c: {  	[tilespmem:v49+s15+$0x0] =	vst.idx.msk $0xffff, v33  }
0x13d: {  	v50 =	vadd.s32 v17, v32;
	v33 =	vld [tilespmem:s8+$0x200];
	_ =	sdelay $0x4  }
0x13e: {  	[tilespmem:v50+s15+$0x0] =	vst.idx.msk $0xffff, v33  }
0x13f: {  	v51 =	vadd.s32 v18, v32;
	v33 =	vld [tilespmem:s8+$0x400];
	_ =	sdelay $0x4  }
0x140: {  	[tilespmem:v51+s15+$0x0] =	vst.idx.msk $0xffff, v33  }
0x141: {  	v52 =	vadd.s32 v19, v32;
	v33 =	vld [tilespmem:s8+$0x600];
	_ =	sdelay $0x4  }
0x142: {  	[tilespmem:v52+s15+$0x0] =	vst.idx.msk $0xffff, v33  }
0x143: {  	v53 =	vadd.s32 v20, v32;
	v33 =	vld [tilespmem:s8+$0x800];
	_ =	sdelay $0x4  }
0x144: {  	[tilespmem:v53+s15+$0x0] =	vst.idx.msk $0xffff, v33  }
0x145: {  	v54 =	vadd.s32 v21, v32;
	v33 =	vld [tilespmem:s8+$0xA00];
	_ =	sdelay $0x4  }
0x146: {  	[tilespmem:v54+s15+$0x0] =	vst.idx.msk $0xffff, v33  }
0x147: {  	v55 =	vadd.s32 v22, v32;
	v33 =	vld [tilespmem:s8+$0xC00];
	_ =	sdelay $0x4  }
0x148: {  	[tilespmem:v55+s15+$0x0] =	vst.idx.msk $0xffff, v33  }
0x149: {  	v56 =	vadd.s32 v23, v32;
	v33 =	vld [tilespmem:s8+$0xE00];
	_ =	sdelay $0x4  }
0x14a: {  	[tilespmem:v56+s15+$0x0] =	vst.idx.msk $0xffff, v33  }
0x14b: {  	v57 =	vadd.s32 v24, v32;
	v33 =	vld [tilespmem:s8+$0x1000];
	_ =	sdelay $0x4  }
0x14c: {  	[tilespmem:v57+s15+$0x0] =	vst.idx.msk $0xffff, v33  }
0x14d: {  	v58 =	vadd.s32 v25, v32;
	v33 =	vld [tilespmem:s8+$0x1200];
	_ =	sdelay $0x4  }
0x14e: {  	[tilespmem:v58+s15+$0x0] =	vst.idx.msk $0xffff, v33  }
0x14f: {  	v59 =	vadd.s32 v26, v32;
	v33 =	vld [tilespmem:s8+$0x1400];
	_ =	sdelay $0x4  }
0x150: {  	[tilespmem:v59+s15+$0x0] =	vst.idx.msk $0xffff, v33  }
0x151: {  	v60 =	vadd.s32 v27, v32;
	v33 =	vld [tilespmem:s8+$0x1600];
	_ =	sdelay $0x4  }
0x152: {  	[tilespmem:v60+s15+$0x0] =	vst.idx.msk $0xffff, v33  }
0x153: {  	v61 =	vadd.s32 v28, v32;
	v33 =	vld [tilespmem:s8+$0x1800];
	_ =	sdelay $0x4  }
0x154: {  	[tilespmem:v61+s15+$0x0] =	vst.idx.msk $0xffff, v33  }
0x155: {  	v62 =	vadd.s32 v29, v32;
	v33 =	vld [tilespmem:s8+$0x1A00];
	_ =	sdelay $0x4  }
0x156: {  	[tilespmem:v62+s15+$0x0] =	vst.idx.msk $0xffff, v33  }
0x157: {  	v63 =	vadd.s32 v30, v32;
	v33 =	vld [tilespmem:s8+$0x1C00];
	_ =	sdelay $0x4  }
0x158: {  	[tilespmem:v63+s15+$0x0] =	vst.idx.msk $0xffff, v33  }
0x159: {  	s10 =	simm.s32 $0x10;
	v34 =	vadd.s32 v31, v32;
	v33 =	vld [tilespmem:s8+$0x1E00]  }
0x15a: {  	v32 =	vmov s10;
	s10 =	simm.s32 $0x20  }
.LBB2_10:
0x15b: {  	p2 =	sne.s32 s10, $0x1F0;
	v32 =	vmul.u32 $0x28, v32;
	_ =	sdelay $0x1  }
0x15c: {  	v32 =	vbroadcast v32, $0x0  }
0x15d: {  	s8 =	sadd.s32 $0x10, s8;
	[tilespmem:v34+s15+$0x0] =	vst.idx.msk $0xffff, v33  }
0x15e: {  	v33 =	vld [tilespmem:s8+$0xFFFFE000];
	v34 =	vadd.s32 v0, v32;
	_ =	sdelay $0x4  }
0x15f: {  	[tilespmem:v34+s15+$0x0] =	vst.idx.msk $0xffff, v33  }
0x160: {  	v34 =	vadd.s32 v1, v32;
	v33 =	vld [tilespmem:s8+$0xFFFFE200];
	_ =	sdelay $0x4  }
0x161: {  	[tilespmem:v34+s15+$0x0] =	vst.idx.msk $0xffff, v33  }
0x162: {  	v34 =	vadd.s32 v2, v32;
	v33 =	vld [tilespmem:s8+$0xFFFFE400];
	_ =	sdelay $0x4  }
0x163: {  	[tilespmem:v34+s15+$0x0] =	vst.idx.msk $0xffff, v33  }
0x164: {  	v34 =	vadd.s32 v3, v32;
	v33 =	vld [tilespmem:s8+$0xFFFFE600];
	_ =	sdelay $0x4  }
0x165: {  	[tilespmem:v34+s15+$0x0] =	vst.idx.msk $0xffff, v33  }
0x166: {  	v34 =	vadd.s32 v4, v32;
	v33 =	vld [tilespmem:s8+$0xFFFFE800];
	_ =	sdelay $0x4  }
0x167: {  	[tilespmem:v34+s15+$0x0] =	vst.idx.msk $0xffff, v33  }
0x168: {  	v34 =	vadd.s32 v5, v32;
	v33 =	vld [tilespmem:s8+$0xFFFFEA00];
	_ =	sdelay $0x4  }
0x169: {  	[tilespmem:v34+s15+$0x0] =	vst.idx.msk $0xffff, v33  }
0x16a: {  	v34 =	vadd.s32 v6, v32;
	v33 =	vld [tilespmem:s8+$0xFFFFEC00];
	_ =	sdelay $0x4  }
0x16b: {  	[tilespmem:v34+s15+$0x0] =	vst.idx.msk $0xffff, v33  }
0x16c: {  	v34 =	vadd.s32 v7, v32;
	v33 =	vld [tilespmem:s8+$0xFFFFEE00];
	_ =	sdelay $0x4  }
0x16d: {  	[tilespmem:v34+s15+$0x0] =	vst.idx.msk $0xffff, v33  }
0x16e: {  	v34 =	vadd.s32 v8, v32;
	v33 =	vld [tilespmem:s8+$0xFFFFF000];
	_ =	sdelay $0x4  }
0x16f: {  	[tilespmem:v34+s15+$0x0] =	vst.idx.msk $0xffff, v33  }
0x170: {  	v34 =	vadd.s32 v9, v32;
	v33 =	vld [tilespmem:s8+$0xFFFFF200];
	_ =	sdelay $0x4  }
0x171: {  	[tilespmem:v34+s15+$0x0] =	vst.idx.msk $0xffff, v33  }
0x172: {  	v34 =	vadd.s32 v10, v32;
	v33 =	vld [tilespmem:s8+$0xFFFFF400];
	_ =	sdelay $0x4  }
0x173: {  	[tilespmem:v34+s15+$0x0] =	vst.idx.msk $0xffff, v33  }
0x174: {  	v34 =	vadd.s32 v11, v32;
	v33 =	vld [tilespmem:s8+$0xFFFFF600];
	_ =	sdelay $0x4  }
0x175: {  	[tilespmem:v34+s15+$0x0] =	vst.idx.msk $0xffff, v33  }
0x176: {  	v34 =	vadd.s32 v12, v32;
	v33 =	vld [tilespmem:s8+$0xFFFFF800];
	_ =	sdelay $0x4  }
0x177: {  	[tilespmem:v34+s15+$0x0] =	vst.idx.msk $0xffff, v33  }
0x178: {  	v34 =	vadd.s32 v13, v32;
	v33 =	vld [tilespmem:s8+$0xFFFFFA00];
	_ =	sdelay $0x4  }
0x179: {  	[tilespmem:v34+s15+$0x0] =	vst.idx.msk $0xffff, v33  }
0x17a: {  	v34 =	vadd.s32 v14, v32;
	v33 =	vld [tilespmem:s8+$0xFFFFFC00];
	_ =	sdelay $0x4  }
0x17b: {  	[tilespmem:v34+s15+$0x0] =	vst.idx.msk $0xffff, v33  }
0x17c: {  	v34 =	vadd.s32 v15, v32;
	v33 =	vld [tilespmem:s8+$0xFFFFFE00];
	_ =	sdelay $0x4  }
0x17d: {  	[tilespmem:v34+s15+$0x0] =	vst.idx.msk $0xffff, v33  }
0x17e: {  	v34 =	vadd.s32 v16, v32;
	v33 =	vld [tilespmem:s8+$0x0];
	_ =	sdelay $0x4  }
0x17f: {  	[tilespmem:v34+s15+$0x0] =	vst.idx.msk $0xffff, v33  }
0x180: {  	v34 =	vadd.s32 v17, v32;
	v33 =	vld [tilespmem:s8+$0x200];
	_ =	sdelay $0x4  }
0x181: {  	[tilespmem:v34+s15+$0x0] =	vst.idx.msk $0xffff, v33  }
0x182: {  	v34 =	vadd.s32 v18, v32;
	v33 =	vld [tilespmem:s8+$0x400];
	_ =	sdelay $0x4  }
0x183: {  	[tilespmem:v34+s15+$0x0] =	vst.idx.msk $0xffff, v33  }
0x184: {  	v34 =	vadd.s32 v19, v32;
	v33 =	vld [tilespmem:s8+$0x600];
	_ =	sdelay $0x4  }
0x185: {  	[tilespmem:v34+s15+$0x0] =	vst.idx.msk $0xffff, v33  }
0x186: {  	v34 =	vadd.s32 v20, v32;
	v33 =	vld [tilespmem:s8+$0x800];
	_ =	sdelay $0x4  }
0x187: {  	[tilespmem:v34+s15+$0x0] =	vst.idx.msk $0xffff, v33  }
0x188: {  	v34 =	vadd.s32 v21, v32;
	v33 =	vld [tilespmem:s8+$0xA00];
	_ =	sdelay $0x4  }
0x189: {  	[tilespmem:v34+s15+$0x0] =	vst.idx.msk $0xffff, v33  }
0x18a: {  	v34 =	vadd.s32 v22, v32;
	v33 =	vld [tilespmem:s8+$0xC00];
	_ =	sdelay $0x4  }
0x18b: {  	[tilespmem:v34+s15+$0x0] =	vst.idx.msk $0xffff, v33  }
0x18c: {  	v34 =	vadd.s32 v23, v32;
	v33 =	vld [tilespmem:s8+$0xE00];
	_ =	sdelay $0x4  }
0x18d: {  	[tilespmem:v34+s15+$0x0] =	vst.idx.msk $0xffff, v33  }
0x18e: {  	v34 =	vadd.s32 v24, v32;
	v33 =	vld [tilespmem:s8+$0x1000];
	_ =	sdelay $0x4  }
0x18f: {  	[tilespmem:v34+s15+$0x0] =	vst.idx.msk $0xffff, v33  }
0x190: {  	v34 =	vadd.s32 v25, v32;
	v33 =	vld [tilespmem:s8+$0x1200];
	_ =	sdelay $0x4  }
0x191: {  	[tilespmem:v34+s15+$0x0] =	vst.idx.msk $0xffff, v33  }
0x192: {  	v34 =	vadd.s32 v26, v32;
	v33 =	vld [tilespmem:s8+$0x1400];
	_ =	sdelay $0x4  }
0x193: {  	[tilespmem:v34+s15+$0x0] =	vst.idx.msk $0xffff, v33  }
0x194: {  	v34 =	vadd.s32 v27, v32;
	v33 =	vld [tilespmem:s8+$0x1600];
	_ =	sdelay $0x4  }
0x195: {  	[tilespmem:v34+s15+$0x0] =	vst.idx.msk $0xffff, v33  }
0x196: {  	v34 =	vadd.s32 v28, v32;
	v33 =	vld [tilespmem:s8+$0x1800];
	_ =	sdelay $0x4  }
0x197: {  	[tilespmem:v34+s15+$0x0] =	vst.idx.msk $0xffff, v33  }
0x198: {  	v34 =	vadd.s32 v29, v32;
	v33 =	vld [tilespmem:s8+$0x1A00];
	_ =	sdelay $0x4  }
0x199: {  	[tilespmem:v34+s15+$0x0] =	vst.idx.msk $0xffff, v33  }
0x19a: {  	v34 =	vadd.s32 v30, v32;
	v33 =	vld [tilespmem:s8+$0x1C00];
	_ =	sdelay $0x2  }
.Ltmp8:
0x19b: {  	(pc) =	sbr.rel @p2 .LBB2_10-.Ltmp8, $4  }
0x19c: {  	_ = 	snop  }
0x19d: {  	[tilespmem:v34+s15+$0x0] =	vst.idx.msk $0xffff, v33  }
0x19e: {  	v34 =	vadd.s32 v31, v32;
	v33 =	vld [tilespmem:s8+$0x1E00]  }
0x19f: {  	v32 =	vmov s10;
	s10 =	sadd.s32 $0x10, s10  }
0x1a0: {  	_ = 	snop  }
0x1a1: {  	v32 =	vmul.u32 $0x28, v32;
	_ =	sdelay $0x1  }
0x1a2: {  	v32 =	vbroadcast v32, $0x0  }
0x1a3: {  	s8 =	sadd.s32 $0x10, s8;
	[tilespmem:v34+s15+$0x0] =	vst.idx.msk $0xffff, v33  }
0x1a4: {  	v33 =	vld [tilespmem:s8+$0xFFFFE000];
	v61 =	vadd.s32 v0, v32;
	_ =	sdelay $0x4  }
0x1a5: {  	[tilespmem:v61+s15+$0x0] =	vst.idx.msk $0xffff, v33  }
0x1a6: {  	v62 =	vadd.s32 v1, v32;
	v33 =	vld [tilespmem:s8+$0xFFFFE200];
	_ =	sdelay $0x4  }
0x1a7: {  	[tilespmem:v62+s15+$0x0] =	vst.idx.msk $0xffff, v33  }
0x1a8: {  	v63 =	vadd.s32 v2, v32;
	v33 =	vld [tilespmem:s8+$0xFFFFE400];
	_ =	sdelay $0x4  }
0x1a9: {  	[tilespmem:v63+s15+$0x0] =	vst.idx.msk $0xffff, v33  }
0x1aa: {  	v36 =	vadd.s32 v3, v32;
	v33 =	vld [tilespmem:s8+$0xFFFFE600];
	_ =	sdelay $0x4  }
0x1ab: {  	[tilespmem:v36+s15+$0x0] =	vst.idx.msk $0xffff, v33  }
0x1ac: {  	v37 =	vadd.s32 v4, v32;
	v33 =	vld [tilespmem:s8+$0xFFFFE800];
	_ =	sdelay $0x4  }
0x1ad: {  	[tilespmem:v37+s15+$0x0] =	vst.idx.msk $0xffff, v33  }
0x1ae: {  	v38 =	vadd.s32 v5, v32;
	v33 =	vld [tilespmem:s8+$0xFFFFEA00];
	_ =	sdelay $0x4  }
0x1af: {  	[tilespmem:v38+s15+$0x0] =	vst.idx.msk $0xffff, v33  }
0x1b0: {  	v39 =	vadd.s32 v6, v32;
	v33 =	vld [tilespmem:s8+$0xFFFFEC00];
	_ =	sdelay $0x4  }
0x1b1: {  	[tilespmem:v39+s15+$0x0] =	vst.idx.msk $0xffff, v33  }
0x1b2: {  	v40 =	vadd.s32 v7, v32;
	v33 =	vld [tilespmem:s8+$0xFFFFEE00];
	_ =	sdelay $0x4  }
0x1b3: {  	[tilespmem:v40+s15+$0x0] =	vst.idx.msk $0xffff, v33  }
0x1b4: {  	v41 =	vadd.s32 v8, v32;
	v33 =	vld [tilespmem:s8+$0xFFFFF000];
	_ =	sdelay $0x4  }
0x1b5: {  	[tilespmem:v41+s15+$0x0] =	vst.idx.msk $0xffff, v33  }
0x1b6: {  	v42 =	vadd.s32 v9, v32;
	v33 =	vld [tilespmem:s8+$0xFFFFF200];
	_ =	sdelay $0x4  }
0x1b7: {  	[tilespmem:v42+s15+$0x0] =	vst.idx.msk $0xffff, v33  }
0x1b8: {  	v43 =	vadd.s32 v10, v32;
	v33 =	vld [tilespmem:s8+$0xFFFFF400];
	_ =	sdelay $0x4  }
0x1b9: {  	[tilespmem:v43+s15+$0x0] =	vst.idx.msk $0xffff, v33  }
0x1ba: {  	v44 =	vadd.s32 v11, v32;
	v33 =	vld [tilespmem:s8+$0xFFFFF600];
	_ =	sdelay $0x4  }
0x1bb: {  	[tilespmem:v44+s15+$0x0] =	vst.idx.msk $0xffff, v33  }
0x1bc: {  	v45 =	vadd.s32 v12, v32;
	v33 =	vld [tilespmem:s8+$0xFFFFF800];
	_ =	sdelay $0x4  }
0x1bd: {  	[tilespmem:v45+s15+$0x0] =	vst.idx.msk $0xffff, v33  }
0x1be: {  	v46 =	vadd.s32 v13, v32;
	v33 =	vld [tilespmem:s8+$0xFFFFFA00];
	_ =	sdelay $0x4  }
0x1bf: {  	[tilespmem:v46+s15+$0x0] =	vst.idx.msk $0xffff, v33  }
0x1c0: {  	v47 =	vadd.s32 v14, v32;
	v33 =	vld [tilespmem:s8+$0xFFFFFC00];
	_ =	sdelay $0x4  }
0x1c1: {  	[tilespmem:v47+s15+$0x0] =	vst.idx.msk $0xffff, v33  }
0x1c2: {  	v48 =	vadd.s32 v15, v32;
	v33 =	vld [tilespmem:s8+$0xFFFFFE00];
	_ =	sdelay $0x4  }
0x1c3: {  	[tilespmem:v48+s15+$0x0] =	vst.idx.msk $0xffff, v33  }
0x1c4: {  	v49 =	vadd.s32 v16, v32;
	v33 =	vld [tilespmem:s8+$0x0];
	_ =	sdelay $0x4  }
0x1c5: {  	[tilespmem:v49+s15+$0x0] =	vst.idx.msk $0xffff, v33  }
0x1c6: {  	v50 =	vadd.s32 v17, v32;
	v33 =	vld [tilespmem:s8+$0x200];
	_ =	sdelay $0x4  }
0x1c7: {  	[tilespmem:v50+s15+$0x0] =	vst.idx.msk $0xffff, v33  }
0x1c8: {  	v51 =	vadd.s32 v18, v32;
	v33 =	vld [tilespmem:s8+$0x400];
	_ =	sdelay $0x4  }
0x1c9: {  	[tilespmem:v51+s15+$0x0] =	vst.idx.msk $0xffff, v33  }
0x1ca: {  	v52 =	vadd.s32 v19, v32;
	v33 =	vld [tilespmem:s8+$0x600];
	_ =	sdelay $0x4  }
0x1cb: {  	[tilespmem:v52+s15+$0x0] =	vst.idx.msk $0xffff, v33  }
0x1cc: {  	v53 =	vadd.s32 v20, v32;
	v33 =	vld [tilespmem:s8+$0x800];
	_ =	sdelay $0x4  }
0x1cd: {  	[tilespmem:v53+s15+$0x0] =	vst.idx.msk $0xffff, v33  }
0x1ce: {  	v54 =	vadd.s32 v21, v32;
	v33 =	vld [tilespmem:s8+$0xA00];
	_ =	sdelay $0x4  }
0x1cf: {  	[tilespmem:v54+s15+$0x0] =	vst.idx.msk $0xffff, v33  }
0x1d0: {  	v55 =	vadd.s32 v22, v32;
	v33 =	vld [tilespmem:s8+$0xC00];
	_ =	sdelay $0x4  }
0x1d1: {  	[tilespmem:v55+s15+$0x0] =	vst.idx.msk $0xffff, v33  }
0x1d2: {  	v56 =	vadd.s32 v23, v32;
	v33 =	vld [tilespmem:s8+$0xE00];
	_ =	sdelay $0x4  }
0x1d3: {  	[tilespmem:v56+s15+$0x0] =	vst.idx.msk $0xffff, v33  }
0x1d4: {  	v57 =	vadd.s32 v24, v32;
	v33 =	vld [tilespmem:s8+$0x1000];
	_ =	sdelay $0x4  }
0x1d5: {  	[tilespmem:v57+s15+$0x0] =	vst.idx.msk $0xffff, v33  }
0x1d6: {  	v58 =	vadd.s32 v25, v32;
	v33 =	vld [tilespmem:s8+$0x1200];
	_ =	sdelay $0x4  }
0x1d7: {  	[tilespmem:v58+s15+$0x0] =	vst.idx.msk $0xffff, v33  }
0x1d8: {  	v59 =	vadd.s32 v26, v32;
	v33 =	vld [tilespmem:s8+$0x1400];
	_ =	sdelay $0x4  }
0x1d9: {  	[tilespmem:v59+s15+$0x0] =	vst.idx.msk $0xffff, v33  }
0x1da: {  	v60 =	vadd.s32 v27, v32;
	v33 =	vld [tilespmem:s8+$0x1600];
	_ =	sdelay $0x4  }
0x1db: {  	[tilespmem:v60+s15+$0x0] =	vst.idx.msk $0xffff, v33  }
0x1dc: {  	v61 =	vadd.s32 v28, v32;
	v33 =	vld [tilespmem:s8+$0x1800];
	_ =	sdelay $0x4  }
0x1dd: {  	[tilespmem:v61+s15+$0x0] =	vst.idx.msk $0xffff, v33  }
0x1de: {  	v62 =	vadd.s32 v29, v32;
	v33 =	vld [tilespmem:s8+$0x1A00];
	_ =	sdelay $0x4  }
0x1df: {  	[tilespmem:v62+s15+$0x0] =	vst.idx.msk $0xffff, v33  }
0x1e0: {  	v63 =	vadd.s32 v30, v32;
	v33 =	vld [tilespmem:s8+$0x1C00];
	_ =	sdelay $0x4  }
0x1e1: {  	[tilespmem:v63+s15+$0x0] =	vst.idx.msk $0xffff, v33  }
0x1e2: {  	v32 =	vadd.s32 v31, v32;
	v33 =	vld [tilespmem:s8+$0x1E00]  }
0x1e3: {  	s1 =	sshll.u32 s31, $0xE  }
0x1e4: {  	s1 =	sadd.s32 s9, s1  }
0x1e5: {  	s1 =	sshrl.u32 s1, $0x3  }
0x1e6: {  	s10 =	simm.s32 $0xD000;
	s8 =	sadd.s32 s5, s1  }
0x1e7: {  	s31 =	simm.s32 $0x4;
	s7 =	simm.s32 $0xD028;
	s1 =	sadd.s32 $0x0, s8;
	[tilespmem:v32+s15+$0x0] =	vst.idx.msk $0xffff, v33  }
.LBB2_12:
0x1e8: {  	[hbm4b:s1+s2] =	stream.linear.scatter [tilespmem:s10], [sflag:$0x4], $0x20, $0x38;
	[tilespmem:$0x12480] =	vst v63  }
0x1e9: {  	s1 =	smov.u32 s31;
	s10 =	smov.u32 s7;
	p2 =	sne.s32 s31, $0x7FC  }
.Ltmp9:
0x1ea: {  	s31 =	sadd.s32 $0x4, s31;
	(pc) =	sbr.rel @p2 .LBB2_12-.Ltmp9, $2  }
0x1eb: {  	_ =	sdelay $0x2  }
0x1ec: {  	s7 =	sadd.s32 $0x28, s7;
	s1 =	sadd.s32 s1, s8  }
0x1ed: {  	[hbm4b:s1+s2] =	stream.linear.scatter [tilespmem:s10], [sflag:$0x4], $0x20, $0x38;
	[tilespmem:$0x12480] =	vst v63  }
0x1ee: {  	s1 =	sadd.s32 $0x3, s30  }
0x1ef: {  	p2 =	sge.u32 s1, s6  }
.Ltmp10:
0x1f0: {  	s1 =	sshll.u32 @!p2 s1, $0x9;
	(pc) =	sbr.rel .LBB2_14-.Ltmp10, $4  }
0x1f1: {  	s1 =	sadd.s32 @!p2 s3, s1  }
0x1f2: {  	s7 =	simm.s32 @!p2 $0x200;
	s1 =	sshrl.u32 @!p2 s1, $0x3  }
0x1f3: {  	s8 =	simm.s32 @!p2 $0xF4240;
	s10 =	simm.s32 @!p2 $0x4000;
	s1 =	sadd.s32 @!p2 s4, s1  }
0x1f4: {  	[tilespmem:s10], [sflag:$0x2] =	stream.strided.gather @!p2 [hbm4b:s1+s7], $0x4000, s8, s7, $0x38;
	[tilespmem:$0x12480] =	vst v63  }
.LBB2_15:
.Ltmp11:
0x1f5: {  	(pc) =	sbr.rel @p1 .LBB2_16-.Ltmp11, $1  }
0x1f6: {  	_ =	sdelay $0x3  }
0x1f7: {  	s0 =	rddreg [dreg:$0x4]  }
0x1f8: {  	s1 =	rddreg [dreg:$0x3]  }
0x1f9: {  	s7 =	rddreg [dreg:$0x2]  }
0x1fa: {  	s8 =	rddreg [dreg:$0x5];
	s7 =	sadd.s32 $0x0, s7  }
0x1fb: {  	[tilespmem:s8], [sflag:$0x5] =	stream.strided.gather [hbm4b:s7+s1], $0x200, s0, s1, $0x38;
	[tilespmem:$0x12480] =	vst v63  }
0x1fc: {  	_ =	swait.ge [sflag:s16], $0x200  }
0x1fd: {  	[sflag:s16] =	ssyncset.done $0x0  }
0x1fe: {  	[sflag:s16] =	ssyncadd.s32 $0xFFFFFE00  }
0x1ff: {  	v32 =	vld [tilespmem:$0x12000];
	_ =	sdelay $0x4  }
0x200: {  	[tilespmem:v0+s17+$0x0] =	vst.idx.msk $0xffff, v32  }
0x201: {  	v32 =	vld [tilespmem:$0x12010];
	_ =	sdelay $0x4  }
0x202: {  	[tilespmem:v1+s17+$0x0] =	vst.idx.msk $0xffff, v32  }
0x203: {  	v32 =	vld [tilespmem:$0x12020];
	_ =	sdelay $0x4  }
0x204: {  	[tilespmem:v2+s17+$0x0] =	vst.idx.msk $0xffff, v32  }
0x205: {  	v32 =	vld [tilespmem:$0x12030];
	_ =	sdelay $0x4  }
0x206: {  	[tilespmem:v3+s17+$0x0] =	vst.idx.msk $0xffff, v32  }
0x207: {  	v32 =	vld [tilespmem:$0x12040];
	_ =	sdelay $0x4  }
0x208: {  	[tilespmem:v4+s17+$0x0] =	vst.idx.msk $0xffff, v32  }
0x209: {  	v32 =	vld [tilespmem:$0x12050];
	_ =	sdelay $0x4  }
0x20a: {  	[tilespmem:v5+s17+$0x0] =	vst.idx.msk $0xffff, v32  }
0x20b: {  	v32 =	vld [tilespmem:$0x12060];
	_ =	sdelay $0x4  }
0x20c: {  	[tilespmem:v6+s17+$0x0] =	vst.idx.msk $0xffff, v32  }
0x20d: {  	v32 =	vld [tilespmem:$0x12070];
	_ =	sdelay $0x4  }
0x20e: {  	[tilespmem:v7+s17+$0x0] =	vst.idx.msk $0xffff, v32  }
0x20f: {  	v32 =	vld [tilespmem:$0x12080];
	_ =	sdelay $0x4  }
0x210: {  	[tilespmem:v8+s17+$0x0] =	vst.idx.msk $0xffff, v32  }
0x211: {  	v32 =	vld [tilespmem:$0x12090];
	_ =	sdelay $0x4  }
0x212: {  	[tilespmem:v9+s17+$0x0] =	vst.idx.msk $0xffff, v32  }
0x213: {  	v32 =	vld [tilespmem:$0x120A0];
	_ =	sdelay $0x4  }
0x214: {  	[tilespmem:v10+s17+$0x0] =	vst.idx.msk $0xffff, v32  }
0x215: {  	v32 =	vld [tilespmem:$0x120B0];
	_ =	sdelay $0x4  }
0x216: {  	[tilespmem:v11+s17+$0x0] =	vst.idx.msk $0xffff, v32  }
0x217: {  	v32 =	vld [tilespmem:$0x120C0];
	_ =	sdelay $0x4  }
0x218: {  	[tilespmem:v12+s17+$0x0] =	vst.idx.msk $0xffff, v32  }
0x219: {  	v32 =	vld [tilespmem:$0x120D0];
	_ =	sdelay $0x4  }
0x21a: {  	[tilespmem:v13+s17+$0x0] =	vst.idx.msk $0xffff, v32  }
0x21b: {  	v32 =	vld [tilespmem:$0x120E0];
	_ =	sdelay $0x4  }
0x21c: {  	[tilespmem:v14+s17+$0x0] =	vst.idx.msk $0xffff, v32  }
0x21d: {  	v32 =	vld [tilespmem:$0x120F0];
	_ =	sdelay $0x4  }
0x21e: {  	[tilespmem:v15+s17+$0x0] =	vst.idx.msk $0xffff, v32  }
0x21f: {  	v32 =	vld [tilespmem:$0x12100];
	_ =	sdelay $0x4  }
0x220: {  	[tilespmem:v16+s17+$0x0] =	vst.idx.msk $0xffff, v32  }
0x221: {  	v32 =	vld [tilespmem:$0x12110];
	_ =	sdelay $0x4  }
0x222: {  	[tilespmem:v17+s17+$0x0] =	vst.idx.msk $0xffff, v32  }
0x223: {  	v32 =	vld [tilespmem:$0x12120];
	_ =	sdelay $0x4  }
0x224: {  	[tilespmem:v18+s17+$0x0] =	vst.idx.msk $0xffff, v32  }
0x225: {  	v32 =	vld [tilespmem:$0x12130];
	_ =	sdelay $0x4  }
0x226: {  	[tilespmem:v19+s17+$0x0] =	vst.idx.msk $0xffff, v32  }
0x227: {  	v32 =	vld [tilespmem:$0x12140];
	_ =	sdelay $0x4  }
0x228: {  	[tilespmem:v20+s17+$0x0] =	vst.idx.msk $0xffff, v32  }
0x229: {  	v32 =	vld [tilespmem:$0x12150];
	_ =	sdelay $0x4  }
0x22a: {  	[tilespmem:v21+s17+$0x0] =	vst.idx.msk $0xffff, v32  }
0x22b: {  	v32 =	vld [tilespmem:$0x12160];
	_ =	sdelay $0x4  }
0x22c: {  	[tilespmem:v22+s17+$0x0] =	vst.idx.msk $0xffff, v32  }
0x22d: {  	v32 =	vld [tilespmem:$0x12170];
	_ =	sdelay $0x4  }
0x22e: {  	[tilespmem:v23+s17+$0x0] =	vst.idx.msk $0xffff, v32  }
0x22f: {  	v32 =	vld [tilespmem:$0x12180];
	_ =	sdelay $0x4  }
0x230: {  	[tilespmem:v24+s17+$0x0] =	vst.idx.msk $0xffff, v32  }
0x231: {  	v32 =	vld [tilespmem:$0x12190];
	_ =	sdelay $0x4  }
0x232: {  	[tilespmem:v25+s17+$0x0] =	vst.idx.msk $0xffff, v32  }
0x233: {  	v32 =	vld [tilespmem:$0x121A0];
	_ =	sdelay $0x4  }
0x234: {  	[tilespmem:v26+s17+$0x0] =	vst.idx.msk $0xffff, v32  }
0x235: {  	v32 =	vld [tilespmem:$0x121B0];
	_ =	sdelay $0x4  }
0x236: {  	[tilespmem:v27+s17+$0x0] =	vst.idx.msk $0xffff, v32  }
0x237: {  	v32 =	vld [tilespmem:$0x121C0];
	_ =	sdelay $0x4  }
0x238: {  	[tilespmem:v28+s17+$0x0] =	vst.idx.msk $0xffff, v32  }
0x239: {  	v32 =	vld [tilespmem:$0x121D0];
	_ =	sdelay $0x4  }
0x23a: {  	[tilespmem:v29+s17+$0x0] =	vst.idx.msk $0xffff, v32  }
0x23b: {  	v32 =	vld [tilespmem:$0x121E0];
	_ =	sdelay $0x4  }
0x23c: {  	[tilespmem:v30+s17+$0x0] =	vst.idx.msk $0xffff, v32  }
0x23d: {  	v32 =	vld [tilespmem:$0x121F0];
	_ =	sdelay $0x4  }
0x23e: {  	[tilespmem:v31+s17+$0x0] =	vst.idx.msk $0xffff, v32  }
0x23f: {  	[hbm4b:s11+s2] =	stream.linear.scatter [tilespmem:s17], [sflag:$0x5], $0x20, $0x38;
	[tilespmem:$0x12480] =	vst v63  }
0x240: {  	s30 =	sadd.s32 $0x4, s11;
	s10 =	rddreg [dreg:$0x6]  }
0x241: {  	[hbm4b:s30+s2] =	stream.linear.scatter [tilespmem:s10], [sflag:$0x5], $0x20, $0x38;
	[tilespmem:$0x12480] =	vst v63  }
0x242: {  	s8 =	sadd.s32 $0x8, s11;
	s31 =	rddreg [dreg:$0x7]  }
0x243: {  	[hbm4b:s8+s2] =	stream.linear.scatter [tilespmem:s31], [sflag:$0x5], $0x20, $0x38;
	[tilespmem:$0x12480] =	vst v63  }
0x244: {  	s10 =	rddreg [dreg:$0x8];
	s30 =	sadd.s32 $0xC, s11  }
0x245: {  	[hbm4b:s30+s2] =	stream.linear.scatter [tilespmem:s10], [sflag:$0x5], $0x20, $0x38;
	[tilespmem:$0x12480] =	vst v63  }
0x246: {  	s1 =	sadd.s32 $0x10, s11;
	s31 =	rddreg [dreg:$0x9]  }
0x247: {  	[hbm4b:s1+s2] =	stream.linear.scatter [tilespmem:s31], [sflag:$0x5], $0x20, $0x38;
	[tilespmem:$0x12480] =	vst v63  }
0x248: {  	s7 =	sadd.s32 $0x14, s11  }
0x249: {  	[hbm4b:s7+s2] =	stream.linear.scatter [tilespmem:s18], [sflag:$0x5], $0x20, $0x38;
	[tilespmem:$0x12480] =	vst v63  }
0x24a: {  	s8 =	sadd.s32 $0x18, s11  }
0x24b: {  	[hbm4b:s8+s2] =	stream.linear.scatter [tilespmem:s19], [sflag:$0x5], $0x20, $0x38;
	[tilespmem:$0x12480] =	vst v63  }
0x24c: {  	s10 =	sadd.s32 $0x1C, s11  }
0x24d: {  	[hbm4b:s10+s2] =	stream.linear.scatter [tilespmem:s20], [sflag:$0x5], $0x20, $0x38;
	[tilespmem:$0x12480] =	vst v63  }
0x24e: {  	s30 =	sadd.s32 $0x20, s11  }
0x24f: {  	[hbm4b:s30+s2] =	stream.linear.scatter [tilespmem:s21], [sflag:$0x5], $0x20, $0x38;
	[tilespmem:$0x12480] =	vst v63  }
0x250: {  	s31 =	sadd.s32 $0x24, s11  }
0x251: {  	[hbm4b:s31+s2] =	stream.linear.scatter [tilespmem:s22], [sflag:$0x5], $0x20, $0x38;
	[tilespmem:$0x12480] =	vst v63  }
0x252: {  	s1 =	sadd.s32 $0x28, s11  }
0x253: {  	[hbm4b:s1+s2] =	stream.linear.scatter [tilespmem:s23], [sflag:$0x5], $0x20, $0x38;
	[tilespmem:$0x12480] =	vst v63  }
0x254: {  	s7 =	sadd.s32 $0x2C, s11  }
0x255: {  	[hbm4b:s7+s2] =	stream.linear.scatter [tilespmem:s24], [sflag:$0x5], $0x20, $0x38;
	[tilespmem:$0x12480] =	vst v63  }
0x256: {  	s8 =	sadd.s32 $0x30, s11  }
0x257: {  	[hbm4b:s8+s2] =	stream.linear.scatter [tilespmem:s25], [sflag:$0x5], $0x20, $0x38;
	[tilespmem:$0x12480] =	vst v63  }
0x258: {  	s10 =	sadd.s32 $0x34, s11  }
0x259: {  	[hbm4b:s10+s2] =	stream.linear.scatter [tilespmem:s26], [sflag:$0x5], $0x20, $0x38;
	[tilespmem:$0x12480] =	vst v63  }
0x25a: {  	s30 =	sadd.s32 $0x38, s11  }
0x25b: {  	[hbm4b:s30+s2] =	stream.linear.scatter [tilespmem:s28], [sflag:$0x5], $0x20, $0x38;
	[tilespmem:$0x12480] =	vst v63  }
0x25c: {  	s31 =	sadd.s32 $0x3C, s11  }
0x25d: {  	[hbm4b:s31+s2] =	stream.linear.scatter [tilespmem:s29], [sflag:$0x5], $0x20, $0x38;
	[tilespmem:$0x12480] =	vst v63  }
0x25e: {  	s0 =	simm.s32 $0x2;
	s8 =	smov.u32 s11;
	_ =	swait.ge [sflag:s16], $0x200  }
.LBB2_18:
0x25f: {  	s1 =	rddreg [dreg:$0x4]  }
0x260: {  	s7 =	rddreg [dreg:$0x3]  }
0x261: {  	[sflag:s16] =	ssyncset.done $0x0;
	s10 =	rddreg [dreg:$0x2];
	s30 =	smov.u32 s0  }
0x262: {  	s31 =	rddreg [dreg:$0x5];
	[sflag:s16] =	ssyncadd.s32 $0xFFFFFE00;
	s10 =	sadd.s32 s30, s10  }
0x263: {  	[tilespmem:s31], [sflag:$0x5] =	stream.strided.gather [hbm4b:s10+s7], $0x200, s1, s7, $0x38;
	[tilespmem:$0x12480] =	vst v63  }
0x264: {  	_ =	swait.ge [sflag:s16], $0x200  }
0x265: {  	[sflag:s16] =	ssyncset.done $0x0  }
0x266: {  	[sflag:s16] =	ssyncadd.s32 $0xFFFFFE00  }
0x267: {  	v32 =	vld [tilespmem:$0x12000];
	_ =	sdelay $0x4  }
0x268: {  	[tilespmem:v0+s17+$0x0] =	vst.idx.msk $0xffff, v32  }
0x269: {  	v32 =	vld [tilespmem:$0x12010];
	_ =	sdelay $0x4  }
0x26a: {  	[tilespmem:v1+s17+$0x0] =	vst.idx.msk $0xffff, v32  }
0x26b: {  	v32 =	vld [tilespmem:$0x12020];
	_ =	sdelay $0x4  }
0x26c: {  	[tilespmem:v2+s17+$0x0] =	vst.idx.msk $0xffff, v32  }
0x26d: {  	v32 =	vld [tilespmem:$0x12030];
	_ =	sdelay $0x4  }
0x26e: {  	[tilespmem:v3+s17+$0x0] =	vst.idx.msk $0xffff, v32  }
0x26f: {  	v32 =	vld [tilespmem:$0x12040];
	_ =	sdelay $0x4  }
0x270: {  	[tilespmem:v4+s17+$0x0] =	vst.idx.msk $0xffff, v32  }
0x271: {  	v32 =	vld [tilespmem:$0x12050];
	_ =	sdelay $0x4  }
0x272: {  	[tilespmem:v5+s17+$0x0] =	vst.idx.msk $0xffff, v32  }
0x273: {  	v32 =	vld [tilespmem:$0x12060];
	_ =	sdelay $0x4  }
0x274: {  	[tilespmem:v6+s17+$0x0] =	vst.idx.msk $0xffff, v32  }
0x275: {  	v32 =	vld [tilespmem:$0x12070];
	_ =	sdelay $0x4  }
0x276: {  	[tilespmem:v7+s17+$0x0] =	vst.idx.msk $0xffff, v32  }
0x277: {  	v32 =	vld [tilespmem:$0x12080];
	_ =	sdelay $0x4  }
0x278: {  	[tilespmem:v8+s17+$0x0] =	vst.idx.msk $0xffff, v32  }
0x279: {  	v32 =	vld [tilespmem:$0x12090];
	_ =	sdelay $0x4  }
0x27a: {  	[tilespmem:v9+s17+$0x0] =	vst.idx.msk $0xffff, v32  }
0x27b: {  	v32 =	vld [tilespmem:$0x120A0];
	_ =	sdelay $0x4  }
0x27c: {  	[tilespmem:v10+s17+$0x0] =	vst.idx.msk $0xffff, v32  }
0x27d: {  	v32 =	vld [tilespmem:$0x120B0];
	_ =	sdelay $0x4  }
0x27e: {  	[tilespmem:v11+s17+$0x0] =	vst.idx.msk $0xffff, v32  }
0x27f: {  	v32 =	vld [tilespmem:$0x120C0];
	_ =	sdelay $0x4  }
0x280: {  	[tilespmem:v12+s17+$0x0] =	vst.idx.msk $0xffff, v32  }
0x281: {  	v32 =	vld [tilespmem:$0x120D0];
	_ =	sdelay $0x4  }
0x282: {  	[tilespmem:v13+s17+$0x0] =	vst.idx.msk $0xffff, v32  }
0x283: {  	v32 =	vld [tilespmem:$0x120E0];
	_ =	sdelay $0x4  }
0x284: {  	[tilespmem:v14+s17+$0x0] =	vst.idx.msk $0xffff, v32  }
0x285: {  	v32 =	vld [tilespmem:$0x120F0];
	_ =	sdelay $0x4  }
0x286: {  	[tilespmem:v15+s17+$0x0] =	vst.idx.msk $0xffff, v32  }
0x287: {  	v32 =	vld [tilespmem:$0x12100];
	_ =	sdelay $0x4  }
0x288: {  	[tilespmem:v16+s17+$0x0] =	vst.idx.msk $0xffff, v32  }
0x289: {  	v32 =	vld [tilespmem:$0x12110];
	_ =	sdelay $0x4  }
0x28a: {  	[tilespmem:v17+s17+$0x0] =	vst.idx.msk $0xffff, v32  }
0x28b: {  	v32 =	vld [tilespmem:$0x12120];
	_ =	sdelay $0x4  }
0x28c: {  	[tilespmem:v18+s17+$0x0] =	vst.idx.msk $0xffff, v32  }
0x28d: {  	v32 =	vld [tilespmem:$0x12130];
	_ =	sdelay $0x4  }
0x28e: {  	[tilespmem:v19+s17+$0x0] =	vst.idx.msk $0xffff, v32  }
0x28f: {  	v32 =	vld [tilespmem:$0x12140];
	_ =	sdelay $0x4  }
0x290: {  	[tilespmem:v20+s17+$0x0] =	vst.idx.msk $0xffff, v32  }
0x291: {  	v32 =	vld [tilespmem:$0x12150];
	_ =	sdelay $0x4  }
0x292: {  	[tilespmem:v21+s17+$0x0] =	vst.idx.msk $0xffff, v32  }
0x293: {  	v32 =	vld [tilespmem:$0x12160];
	_ =	sdelay $0x4  }
0x294: {  	[tilespmem:v22+s17+$0x0] =	vst.idx.msk $0xffff, v32  }
0x295: {  	v32 =	vld [tilespmem:$0x12170];
	_ =	sdelay $0x4  }
0x296: {  	[tilespmem:v23+s17+$0x0] =	vst.idx.msk $0xffff, v32  }
0x297: {  	v32 =	vld [tilespmem:$0x12180];
	_ =	sdelay $0x4  }
0x298: {  	[tilespmem:v24+s17+$0x0] =	vst.idx.msk $0xffff, v32  }
0x299: {  	v32 =	vld [tilespmem:$0x12190];
	_ =	sdelay $0x4  }
0x29a: {  	[tilespmem:v25+s17+$0x0] =	vst.idx.msk $0xffff, v32  }
0x29b: {  	v32 =	vld [tilespmem:$0x121A0];
	_ =	sdelay $0x4  }
0x29c: {  	[tilespmem:v26+s17+$0x0] =	vst.idx.msk $0xffff, v32  }
0x29d: {  	v32 =	vld [tilespmem:$0x121B0];
	_ =	sdelay $0x4  }
0x29e: {  	[tilespmem:v27+s17+$0x0] =	vst.idx.msk $0xffff, v32  }
0x29f: {  	v32 =	vld [tilespmem:$0x121C0];
	_ =	sdelay $0x4  }
0x2a0: {  	[tilespmem:v28+s17+$0x0] =	vst.idx.msk $0xffff, v32  }
0x2a1: {  	v32 =	vld [tilespmem:$0x121D0];
	_ =	sdelay $0x4  }
0x2a2: {  	[tilespmem:v29+s17+$0x0] =	vst.idx.msk $0xffff, v32  }
0x2a3: {  	v32 =	vld [tilespmem:$0x121E0];
	_ =	sdelay $0x4  }
0x2a4: {  	[tilespmem:v30+s17+$0x0] =	vst.idx.msk $0xffff, v32  }
0x2a5: {  	v32 =	vld [tilespmem:$0x121F0];
	_ =	sdelay $0x4  }
0x2a6: {  	s8 =	sadd.s32 $0x40, s8;
	[tilespmem:v31+s17+$0x0] =	vst.idx.msk $0xffff, v32  }
0x2a7: {  	[hbm4b:s8+s2] =	stream.linear.scatter [tilespmem:s17], [sflag:$0x5], $0x20, $0x38;
	[tilespmem:$0x12480] =	vst v63  }
0x2a8: {  	s10 =	sadd.s32 $0x4, s8;
	s7 =	rddreg [dreg:$0x6]  }
0x2a9: {  	[hbm4b:s10+s2] =	stream.linear.scatter [tilespmem:s7], [sflag:$0x5], $0x20, $0x38;
	[tilespmem:$0x12480] =	vst v63  }
0x2aa: {  	s31 =	sadd.s32 $0x8, s8;
	s30 =	rddreg [dreg:$0x7]  }
0x2ab: {  	[hbm4b:s31+s2] =	stream.linear.scatter [tilespmem:s30], [sflag:$0x5], $0x20, $0x38;
	[tilespmem:$0x12480] =	vst v63  }
0x2ac: {  	s7 =	rddreg [dreg:$0x8];
	s30 =	sadd.s32 $0xC, s8  }
0x2ad: {  	[hbm4b:s30+s2] =	stream.linear.scatter [tilespmem:s7], [sflag:$0x5], $0x20, $0x38;
	[tilespmem:$0x12480] =	vst v63  }
0x2ae: {  	s31 =	rddreg [dreg:$0x9];
	s7 =	sadd.s32 $0x10, s8  }
0x2af: {  	[hbm4b:s7+s2] =	stream.linear.scatter [tilespmem:s31], [sflag:$0x5], $0x20, $0x38;
	[tilespmem:$0x12480] =	vst v63  }
0x2b0: {  	s10 =	sadd.s32 $0x14, s8  }
0x2b1: {  	[hbm4b:s10+s2] =	stream.linear.scatter [tilespmem:s18], [sflag:$0x5], $0x20, $0x38;
	[tilespmem:$0x12480] =	vst v63  }
0x2b2: {  	s30 =	sadd.s32 $0x18, s8  }
0x2b3: {  	[hbm4b:s30+s2] =	stream.linear.scatter [tilespmem:s19], [sflag:$0x5], $0x20, $0x38;
	[tilespmem:$0x12480] =	vst v63  }
0x2b4: {  	s31 =	sadd.s32 $0x1C, s8  }
0x2b5: {  	[hbm4b:s31+s2] =	stream.linear.scatter [tilespmem:s20], [sflag:$0x5], $0x20, $0x38;
	[tilespmem:$0x12480] =	vst v63  }
0x2b6: {  	s7 =	sadd.s32 $0x20, s8  }
0x2b7: {  	[hbm4b:s7+s2] =	stream.linear.scatter [tilespmem:s21], [sflag:$0x5], $0x20, $0x38;
	[tilespmem:$0x12480] =	vst v63  }
0x2b8: {  	s10 =	sadd.s32 $0x24, s8  }
0x2b9: {  	[hbm4b:s10+s2] =	stream.linear.scatter [tilespmem:s22], [sflag:$0x5], $0x20, $0x38;
	[tilespmem:$0x12480] =	vst v63  }
0x2ba: {  	s30 =	sadd.s32 $0x28, s8  }
0x2bb: {  	[hbm4b:s30+s2] =	stream.linear.scatter [tilespmem:s23], [sflag:$0x5], $0x20, $0x38;
	[tilespmem:$0x12480] =	vst v63  }
0x2bc: {  	s31 =	sadd.s32 $0x2C, s8  }
0x2bd: {  	[hbm4b:s31+s2] =	stream.linear.scatter [tilespmem:s24], [sflag:$0x5], $0x20, $0x38;
	[tilespmem:$0x12480] =	vst v63  }
0x2be: {  	s7 =	sadd.s32 $0x30, s8  }
0x2bf: {  	[hbm4b:s7+s2] =	stream.linear.scatter [tilespmem:s25], [sflag:$0x5], $0x20, $0x38;
	[tilespmem:$0x12480] =	vst v63  }
0x2c0: {  	p2 =	sne.s32 s0, $0x6;
	s10 =	sadd.s32 $0x34, s8  }
0x2c1: {  	[hbm4b:s10+s2] =	stream.linear.scatter [tilespmem:s26], [sflag:$0x5], $0x20, $0x38;
	[tilespmem:$0x12480] =	vst v63  }
.Ltmp12:
0x2c2: {  	s30 =	sadd.s32 $0x38, s8;
	(pc) =	sbr.rel @p2 .LBB2_18-.Ltmp12, $4  }
0x2c3: {  	[hbm4b:s30+s2] =	stream.linear.scatter [tilespmem:s28], [sflag:$0x5], $0x20, $0x38;
	[tilespmem:$0x12480] =	vst v63  }
0x2c4: {  	s31 =	sadd.s32 $0x3C, s8  }
0x2c5: {  	[hbm4b:s31+s2] =	stream.linear.scatter [tilespmem:s29], [sflag:$0x5], $0x20, $0x38;
	[tilespmem:$0x12480] =	vst v63  }
0x2c6: {  	s0 =	sadd.s32 $0x2, s0;
	_ =	swait.ge [sflag:s16], $0x200  }
.Ltmp13:
0x2c7: {  	(pc) =	sbr.rel .LBB2_20-.Ltmp13, $3  }
0x2c8: {  	_ =	sdelay $0x1  }
0x2c9: {  	[sflag:s16] =	ssyncset.done $0x0  }
0x2ca: {  	s1 =	rddreg [dreg:$0xd];
	[sflag:s16] =	ssyncadd.s32 $0xFFFFFE00  }
.LBB2_21:
0x2cb: {  	_ =	sfence.sel $0x180000  }
0x2cc: {  	[bflag:$0x0] =	sbarrier.arrive $0xFFFF  }
0x2cd: {  	_ =	strace $0x90000047  }
0x2ce: {  	s0 =	stileid.u32;
	[bflag:$0x2] =	sbarrier.arrive $0xFFFF  }
0x2cf: {  	p0 =	sne.s32 s0, $0x0;
	s0 =	rddreg [dreg:$0x1]  }
0x2d0: {  	s0 =	sadd.s32 @!p0 $0x100000, s0  }
0x2d1: {  	[sflag:s0] =	ssyncadd.tile.s32 @!p0 $0x1;
	_ =	shalt  }
.Lfunc_end2:
_tile_overlayer_lowered:
.L_overlay_start_2:
0x2d2: {  	(tag) =	ssettag $0x2  }
0x2d3: {  	s0 =	rddreg [dreg:$0x0];
	s2 =	stileid.u32  }
0x2d4: {  	s1 =	rddreg [dreg:$0x1];
	p0 =	sne.s32 s2, $0x0  }
0x2d5: {  	s3 =	rddreg [dreg:$0x2];
	[bflag:$0x3] =	sbarrier.arrive $0xFFFF;
	s2 =	simm.s32 @!p0 $0x1C05  }
0x2d6: {  	[timem:s3], [sflag:s2] =	dma.local @!p0 [hbm:s0], s1  }
0x2d7: {  	s0 =	simm.s32 @!p0 $0x5  }
0x2d8: {  	_ =	swait.ge @!p0 [sflag:s0], s1  }
0x2d9: {  	s1 =	ssub.s32 @!p0 $0x0, s1;
	[sflag:s0] =	ssyncset.done @!p0 $0x0  }
0x2da: {  	[sflag:s0] =	ssyncadd.s32 @!p0 s1  }
0x2db: {  	[bflag:$0x3] =	sbarrier.arrive $0xFFFF  }
0x2dc: {  	_ =	shalt  }

// kernel: kernel.7.cloned.1.call-start
scs
__scs_entry_jumppad:
0x0: {  	(pc) =	sbr.rel $0x88, $3  }
0x1: {  	(tag) =	ssettag $0x0;
	lr =	simm.s32 $0x1  }
0x2: {  	[smem:$0x3F9C] =	sst lr;
	_ =	strace $0xD0000000  }
0x3: {  	_ = 	snop  }
0x4: {  	_ = 	snop  }
0x5: {  	_ = 	snop  }
0x6: {  	_ = 	snop  }
0x7: {  	_ = 	snop  }
__scs_overlays_trampoline_lowered:
0x8: {  	[smem:$0x3FAB] =	sst s0  }
0x9: {  	[smem:$0x3FAC] =	sst s1  }
0xa: {  	[smem:$0x3FAD] =	sst s2  }
0xb: {  	[smem:$0x3FAE] =	sst s3  }
0xc: {  	[smem:$0x3FAF] =	sst s4  }
0xd: {  	[smem:$0x3FB0] =	sst s5  }
0xe: {  	[smem:$0x3FB1] =	sst s6  }
0xf: {  	[smem:$0x3FB2] =	sst s7  }
0x10: {  	[smem:$0x3FB3] =	sst s8  }
0x11: {  	[smem:$0x3FB4] =	sst s9;
	s0 =	simm.s32 @!p0 $0x0  }
0x12: {  	s1 =	sld [smem:$0x3F9A];
	s0 =	simm.s32 @p0 $0x1  }
0x13: {  	[smem:$0x3FB5] =	sst s0;
	s0 =	simm.s32 @!p1 $0x0  }
0x14: {  	s2 =	sld [smem:$0x3F99];
	s0 =	simm.s32 @p1 $0x1  }
0x15: {  	[smem:$0x3FB6] =	sst s0;
	s0 =	simm.s32 @!p2 $0x0  }
0x16: {  	s3 =	sld [smem:$0x3FDB];
	s0 =	simm.s32 @p2 $0x1  }
0x17: {  	s4 =	simm.s32 $0x1BF5;
	[smem:$0x3FB8] =	sst s0  }
0x18: {  	s0 =	sld [smem:$0x3F9B];
	_ =	swait.ge [sflag:s4], $0x0  }
0x19: {  	s7 =	sld [smem:$0x3F9C]  }
0x1a: {  	s8 =	sadd.s32 $0xFFFFE003, lr  }
0x1b: {  	s9 =	sadd.s32 $0xFFFFFEF7, lr;
	s5 =	simm.s32 $0xFFFFFFFF;
	p2 =	slt.u32 s8, $0xFFFFF086  }
0x1c: {  	p1 =	slt.u32 s9, $0xF7A;
	s5 =	simm.s32 @!p2 $0x0  }
0x1d: {  	s5 =	simm.s32 @p1 $0x1;
	p0 =	seq.s32 s7, s2  }
0x1e: {  	s7 =	smul.u32 @!p0 $0xF7A, s2;
	p2 =	seq.s32 @!p0 s5, $0x0  }
0x1f: {  	s9 =	smul.u32 $0xF7A, s1;
	s8 =	simm.s32 @!p0 $0x1BF5;
	p2 =	por !p2, p0  }
0x20: {  	[sflag:s8] =	ssyncset.s32 @!p0 $0xFFFFF086;
	s6 =	sadd.s32 @!p0 s3, s7;
	s7 =	simm.s32 @!p0 $0x108  }
0x21: {  	s3 =	sadd.s32 s3, s9;
	s6 =	sadd.s32 @!p0 $0x88, s6;
	s7 =	simm.s32 @p2 $0x1082  }
0x22: {  	[simem:s7], [sflag:s8] =	dma.local @!p0 [hbm:s6], $0xF7A  }
0x23: {  	s9 =	sor.u32 $0xD0000000, s2;
	s6 =	simm.s32 $0x108;
	_ =	swait.ge @!p0 [sflag:s8], $0x0  }
0x24: {  	s3 =	sadd.s32 $0x88, s3;
	s6 =	simm.s32 @!p1 $0x1082;
	[sflag:s4] =	ssyncset.s32 $0xFFFFF086  }
0x25: {  	[simem:s6], [sflag:s4] =	dma.local [hbm:s3], $0xF7A  }
0x26: {  	[smem:$0x3F9C] =	sst s1;
	(tag) =	ssettag s2;
	_ =	strace s9  }
0x27: {  	s1 =	sld [smem:$0x3FAC]  }
0x28: {  	s2 =	sld [smem:$0x3FAD]  }
0x29: {  	s4 =	sld [smem:$0x3FAF]  }
0x2a: {  	p0 =	seq.s32 s5, $0x0;
	s5 =	sld [smem:$0x3FB0]  }
0x2b: {  	s6 =	sld [smem:$0x3FB1]  }
0x2c: {  	s7 =	sld [smem:$0x3FB2]  }
0x2d: {  	s3 =	simm.s32 $0x108;
	s8 =	sld [smem:$0x3FB3]  }
0x2e: {  	s3 =	simm.s32 @!p0 $0x1082;
	s9 =	sld [smem:$0x3FB4]  }
0x2f: {  	lr =	sadd.s32 s0, s3;
	s0 =	sld [smem:$0x3FAB]  }
0x30: {  	s3 =	sld [smem:$0x3FAE]  }
0x31: {  	[smem:$0x3FB7] =	sst s10  }
0x32: {  	s10 =	sld [smem:$0x3FB5];
	_ =	sdelay $0x3  }
0x33: {  	p0 =	seq.s32 s10, $0x1;
	s10 =	sld [smem:$0x3FB7];
	_ =	sdelay $0x3  }
0x34: {  	[smem:$0x3FB7] =	sst s10  }
0x35: {  	s10 =	sld [smem:$0x3FB6];
	_ =	sdelay $0x3  }
0x36: {  	p1 =	seq.s32 s10, $0x1;
	s10 =	sld [smem:$0x3FB7];
	_ =	sdelay $0x3  }
0x37: {  	[smem:$0x3FB7] =	sst s10  }
0x38: {  	s10 =	sld [smem:$0x3FB8]  }
0x39: {  	_ = 	snop;
	(pc) =	sbr.ind lr, $3  }
0x3a: {  	_ = 	snop  }
0x3b: {  	_ = 	snop  }
0x3c: {  	p2 =	seq.s32 s10, $0x1;
	s10 =	sld [smem:$0x3FB7]  }
0x3d: {  	_ =	shalt  }
0x3e: {  	_ =	shalt  }
0x3f: {  	_ =	shalt  }
0x40: {  	_ =	shalt  }
0x41: {  	_ =	shalt  }
0x42: {  	_ =	shalt  }
0x43: {  	_ =	shalt  }
0x44: {  	_ =	shalt  }
0x45: {  	_ =	shalt  }
0x46: {  	_ =	shalt  }
0x47: {  	_ =	shalt  }
0x48: {  	_ =	shalt  }
0x49: {  	_ =	shalt  }
0x4a: {  	_ =	shalt  }
0x4b: {  	_ =	shalt  }
0x4c: {  	_ =	shalt  }
0x4d: {  	_ =	shalt  }
0x4e: {  	_ =	shalt  }
0x4f: {  	_ =	shalt  }
0x50: {  	_ =	shalt  }
0x51: {  	_ =	shalt  }
0x52: {  	_ =	shalt  }
0x53: {  	_ =	shalt  }
0x54: {  	_ =	shalt  }
0x55: {  	_ =	shalt  }
0x56: {  	_ =	shalt  }
0x57: {  	_ =	shalt  }
0x58: {  	_ =	shalt  }
0x59: {  	_ =	shalt  }
0x5a: {  	_ =	shalt  }
0x5b: {  	_ =	shalt  }
0x5c: {  	_ =	shalt  }
0x5d: {  	_ =	shalt  }
0x5e: {  	_ =	shalt  }
0x5f: {  	_ =	shalt  }
0x60: {  	_ =	shalt  }
0x61: {  	_ =	shalt  }
0x62: {  	_ =	shalt  }
0x63: {  	_ =	shalt  }
0x64: {  	_ =	shalt  }
0x65: {  	_ =	shalt  }
0x66: {  	_ =	shalt  }
0x67: {  	_ =	shalt  }
0x68: {  	_ =	shalt  }
0x69: {  	_ =	shalt  }
0x6a: {  	_ =	shalt  }
0x6b: {  	_ =	shalt  }
0x6c: {  	_ =	shalt  }
0x6d: {  	_ =	shalt  }
0x6e: {  	_ =	shalt  }
0x6f: {  	_ =	shalt  }
0x70: {  	_ =	shalt  }
0x71: {  	_ =	shalt  }
0x72: {  	_ =	shalt  }
0x73: {  	_ =	shalt  }
0x74: {  	_ =	shalt  }
0x75: {  	_ =	shalt  }
0x76: {  	_ =	shalt  }
0x77: {  	_ =	shalt  }
0x78: {  	_ =	shalt  }
0x79: {  	_ =	shalt  }
0x7a: {  	_ =	shalt  }
0x7b: {  	_ =	shalt  }
0x7c: {  	_ =	shalt  }
0x7d: {  	_ =	shalt  }
0x7e: {  	_ =	shalt  }
0x7f: {  	_ =	shalt  }
0x80: {  	_ =	shalt  }
0x81: {  	_ =	shalt  }
0x82: {  	_ =	shalt  }
0x83: {  	_ =	shalt  }
0x84: {  	_ =	shalt  }
0x85: {  	_ =	shalt  }
0x86: {  	_ =	shalt  }
0x87: {  	_ =	shalt  }
.Lfunc_end0:
.L_simem_size_0:
called_computation.1_lowered:
.L_overlay_start_0:
0x88: {  	s2 =	sld [smem:$0x3FD9]  }
0x89: {  	s3 =	sld [smem:$0x3FFE];
	_ =	sdelay $0x1  }
0x8a: {  	s1 =	srdreg.scid  }
0x8b: {  	s0 =	sand.u32 $0x1, s1  }
0x8c: {  	s17 =	sshll.u32 s0, $0xA;
	s2 =	sadd.s32 s3, s2  }
0x8d: {  	s2 =	sadd.s32 s2, s17  }
0x8e: {  	[smem:$0x3FC3] =	sst s2  }
0x8f: {  	_ = 	snop  }
0x90: {  	s2 =	sld [smem:$0x3FC9]  }
0x91: {  	s18 =	sld [smem:$0x3FC8]  }
0x92: {  	s4 =	sld [smem:$0x3FC7]  }
0x93: {  	s5 =	sld [smem:$0x3FD0];
	(tm) =	ssettm $0x1  }
0x94: {  	s6 =	sld [smem:$0x3FFB];
	_ =	sdelay $0x3  }
0x95: {  	_ =	strace s6  }
0x96: {  	s6 =	sld [smem:$0x3FFC];
	_ =	sdelay $0x3  }
0x97: {  	_ =	strace s6  }
0x98: {  	s6 =	sld [smem:$0x3FFD];
	_ =	sdelay $0x3  }
0x99: {  	_ =	strace s6  }
0x9a: {  	_ =	strace $0x8FFFFFFF  }
0x9b: {  	s19 =	sld [smem:$0x3FDB];
	_ =	sdelay $0x1  }
0x9c: {  	s7 =	simm.s32 $_scs_section_size  }
0x9d: {  	s8 =	simm.s32 $_size__tile_overlayer_lowered;
	s9 =	simm.s32 $_tile_overlayer_lowered  }
0x9e: {  	s22 =	simm.s32 $0x1BFF;
	s21 =	sshll.u32 s9, $0x1;
	s6 =	sadd.s32 s7, s19  }
0x9f: {  	s10 =	simm.s32 $0x0;
	s20 =	sshll.u32 s8, $0x1;
	s8 =	sadd.s32 s21, s6  }
0xa0: {  	[timem:s10], [sflag:s22] =	dma.local [hbm:s8], s20  }
0xa1: {  	_ =	swait.ge [sflag:s22], s20  }
0xa2: {  	s7 =	ssub.s32 $0x0, s20;
	[sflag:s22] =	ssyncset.done $0x0  }
0xa3: {  	[sflag:s22] =	ssyncadd.s32 s7;
	_ =	sdelay $0x1  }
0xa4: {  	s23 =	simm.s32 $0x1B8B  }
0xa5: {  	_ =	swait.ge [sflag:s23], $0x1  }
0xa6: {  	[sflag:s23] =	ssyncset.done $0x0  }
0xa7: {  	s25 =	simm.s32 $0x1B8E;
	s24 =	sld [smem:$0x3FFE];
	[sflag:s23] =	ssyncadd.s32 $0xFFFFFFFF  }
0xa8: {  	s26 =	simm.s32 $execute0_lowered;
	[smem:$0x3FD2] =	sst s25  }
0xa9: {  	s8 =	sshll.u32 s26, $0x1;
	_ =	strace $0x80000049;
	[dreg:$0x1] =	wrdreg $0xFFFFFFFF  }
0xaa: {  	s28 =	simm.s32 $_size_execute0_lowered;
	s6 =	sadd.s32 s6, s8;
	[dreg:$0x0] =	wrdreg $0x0  }
0xab: {  	s8 =	sshll.u32 s28, $0x1;
	[dreg:$0x2] =	wrdreg s6  }
0xac: {  	[dreg:$0x3] =	wrdreg s8  }
0xad: {  	[dreg:$0x4] =	wrdreg $0xC0  }
0xae: {  	_ =	task [dreg:s10], $0x5FFFF  }
0xaf: {  	[dreg:$0x1] =	wrdreg $0xFFFFFFFF  }
0xb0: {  	[dreg:$0x0] =	wrdreg $0x60  }
0xb1: {  	[dreg:$0x2] =	wrdreg s2  }
0xb2: {  	[dreg:$0x3] =	wrdreg s18  }
0xb3: {  	[dreg:$0x4] =	wrdreg s4  }
0xb4: {  	[dreg:$0x5] =	wrdreg s24  }
0xb5: {  	[dreg:$0x6] =	wrdreg s5  }
0xb6: {  	[dreg:$0x7] =	wrdreg $0x9  }
0xb7: {  	_ =	task.clear_ibuf [dreg:s10], $0x8FFFF;
	_ =	strace $0x90000049  }
0xb8: {  	s29 =	simm.s32 $0x9;
	_ =	strace $0x8000004B  }
0xb9: {  	_ =	swait.ge [sflag:s29], $0x1  }
0xba: {  	[sflag:s29] =	ssyncadd.s32 $0xFFFFFFFF  }
0xbb: {  	_ =	strace $0x9000004B  }
0xbc: {  	_ =	sfence  }
0xbd: {  	s30 =	sld [smem:$0x0];
	_ =	sdelay $0x2  }
0xbe: {  	s31 =	sshll.u32 s1, $0xD;
	s1 =	sshrl.u32 s1, $0x2  }
0xbf: {  	s3 =	sand.u32 $0x4000, s31;
	s1 =	sadd.s32 s1, s30  }
0xc0: {  	s0 =	sor.u32 s3, s0;
	s1 =	sshll.u32 s1, $0x11  }
0xc1: {  	s0 =	sor.u32 s1, s0  }
0xc2: {  	s0 =	sadd.s32 $0x8F2B, s0  }
0xc3: {  	[sflag:s0] =	ssyncadd.remote.s32 $0x1  }
0xc4: {  	_ =	sfence.sel $0xFFFF  }
0xc5: {  	[dreg:$0x0] =	wrdreg $0xFFFFFFFF;
	(pc) =	sbr.abs _section_cstart, $3  }
0xc6: {  	[dreg:$0x1] =	wrdreg $0xFFFFFFFF  }
0xc7: {  	_ =	task.clear_ibuf [dreg:s10], $0x2FFFF;
	_ =	strace $0x9FFFFFFF  }
0xc8: {  	(tm) =	ssettm $0x7FFFFFFF  }
0xc9: {  	_ =	shalt  }
tec
execute0_lowered:
.L_overlay_start_1:
0x0: {  	(tag) =	ssettag $0x1  }
0x1: {  	v19 =	vlaneseq.u32  }
0x2: {  	v2 =	vimm.s32 $0x1C1B1A19;
	v4 =	vimm.s32 $0x15141312;
	v5 =	vimm.s32 $0x19181716  }
0x3: {  	vm0 =	vcmask $0x1F10;
	v7 =	vimm.s32 $0x1D1C1B1A;
	v8 =	vimm.s32 $0x16151413  }
0x4: {  	v9 =	vimm.s32 $0x1A191817;
	v10 =	vimm.s32 $0x1E1D1C1B;
	v11 =	vimm.s32 $0x201001F  }
0x5: {  	v12 =	vimm.s32 $0x3020100;
	v13 =	vimm.s32 $0x1F1E1D1C;
	v14 =	vimm.s32 $0x17161514  }
0x6: {  	v15 =	vimm.s32 $0x1B1A1918;
	v18 =	vimm.s32 $0x4030201;
	vm14 =	vcmask $0x2F10  }
0x7: {  	vm15 =	vcmask $0x3F30;
	v20 =	vmul.u32 $0x20, v19;
	v28 =	vadd.s32 $0x1, v19  }
0x8: {  	v29 =	vadd.s32 $0x2, v19;
	v30 =	vadd.s32 $0x3, v19;
	v0 =	vadd.s32 $0x5, v19  }
0x9: {  	v47 =	vadd.s32 $0x8, v19;
	v45 =	vadd.s32 $0x9, v19;
	v40 =	vadd.s32 $0xA, v19  }
0xa: {  	v36 =	vadd.s32 $0xB, v19;
	v42 =	vadd.s32 $0xC, v19;
	v24 =	vadd.s32 $0xD, v19  }
0xb: {  	v23 =	vadd.s32 $0xE, v19;
	v22 =	vadd.s32 $0xF, v19;
	v2 =	vunpack.c.0.s8.s32 v2  }
0xc: {  	v4 =	vunpack.c.0.s8.s32 v4;
	v5 =	vunpack.c.0.s8.s32 v5;
	v8 =	vunpack.c.0.s8.s32 v8  }
0xd: {  	v9 =	vunpack.c.0.s8.s32 v9;
	v10 =	vunpack.c.0.s8.s32 v10;
	[tilespmem:$0x1FE00] =	vst v0;
	v0 =	vadd.s32 $0x6, v19  }
0xe: {  	s0 =	rddreg [dreg:$0x0];
	v11 =	vunpack.c.0.s8.s32 v11;
	v12 =	vunpack.c.0.s8.s32 v12;
	[tilespmem:$0x1FE10] =	vst v0;
	v0 =	vadd.s32 $0x7, v19  }
0xf: {  	s2 =	rddreg [dreg:$0x1];
	v13 =	vunpack.c.0.s8.s32 v13;
	v14 =	vunpack.c.0.s8.s32 v14;
	[tilespmem:$0x1FE20] =	vst v0;
	v0 =	vimm.s32 $0x14131211  }
0x10: {  	s7 =	rddreg [dreg:$0x2];
	v15 =	vunpack.c.0.s8.s32 v15;
	v1 =	vunpack.c.0.s8.s32 v0;
	v0 =	vimm.s32 $0x18171615  }
0x11: {  	s4 =	rddreg [dreg:$0x3];
	s1 =	simm.s32 $0x0;
	v8 =	vsel vm0, v9, v8;
	v3 =	vunpack.c.0.s8.s32 v0;
	v0 =	vimm.s32 $0x1F1E1D  }
0x12: {  	[smem:$0x7FF] =	sst s1;
	v12 =	vsel vm0, v12, v13;
	v14 =	vsel vm0, v15, v14;
	v0 =	vunpack.c.0.s8.s32 v0  }
0x13: {  	s8 =	rddreg [dreg:$0x4];
	v17 =	vsel vm0, v11, v10;
	v25 =	vcombine.low v14, v12;
	v12 =	vunpack.c.0.s8.s32 v18;
	_ =	strace $0x8000004A;
	[tilespmem:$0x1FE30] =	vst v42  }
0x14: {  	v14 =	vimm.s32 $0x5040302;
	[tilespmem:$0x1FED0] =	vst v22;
	v1 =	vsel vm0, v3, v1;
	v6 =	vsel vm0, v0, v2  }
0x15: {  	v27 =	vcombine.low v8, v17;
	[tilespmem:$0x1FEE0] =	vst v23;
	v2 =	vsel vm0, v2, v3;
	v21 =	vcombine.low v1, v6  }
0x16: {  	[tilespmem:$0x1FEF0] =	vst v24;
	v1 =	vsel vm0, v5, v4;
	v4 =	vunpack.c.0.s8.s32 v7;
	v7 =	vimm.s32 $0x1001F1E  }
0x17: {  	[tilespmem:$0x1FF20] =	vst v36;
	v3 =	vunpack.c.0.s8.s32 v14;
	v8 =	vsel vm0, v12, v0;
	v7 =	vunpack.c.0.s8.s32 v7  }
0x18: {  	[tilespmem:$0x1FF30] =	vst v40;
	v14 =	vimm.s32 $0x6050403;
	v34 =	vcombine.low v2, v8;
	v2 =	vsel vm0, v10, v9  }
0x19: {  	[tilespmem:$0x1FF40] =	vst v45;
	v16 =	vsel vm0, v7, v4;
	v3 =	vsel vm0, v3, v7;
	v4 =	vsel vm0, v4, v5  }
0x1a: {  	[tilespmem:$0x1FF50] =	vst v47;
	v5 =	vimm.s32 $0x98765432;
	v18 =	vcombine.low v1, v16;
	v1 =	vunpack.c.0.s8.s32 v14  }
0x1b: {  	[tilespmem:$0x1FFB0] =	vst v20;
	v35 =	vcombine.low v4, v3;
	v3 =	vimm.s32 $0x76543210;
	v4 =	vimm.s32 $0x87654321  }
0x1c: {  	[tilespmem:$0x1FFC0] =	vst v28;
	v3 =	vunpack.c.l.s4.s8 v3;
	v4 =	vunpack.c.l.s4.s8 v4;
	v1 =	vsel vm0, v1, v11  }
0x1d: {  	v31 =	vadd.s32 $0x4, v19;
	[tilespmem:$0x1FFD0] =	vst v29;
	v32 =	vcombine.low v2, v1;
	v2 =	vunpack.c.l.s4.s8 v5  }
0x1e: {  	[tilespmem:$0x1FFE0] =	vst v30;
	v3 =	vunpack.c.0.s8.s32 v3;
	v4 =	vunpack.c.0.s8.s32 v4;
	v5 =	vimm.s32 $0xA9876543  }
0x1f: {  	[tilespmem:$0x1FFF0] =	vst v31;
	v8 =	vimm.s32 $0x32107654;
	v1 =	vsel vm0, v13, v15;
	v5 =	vunpack.c.l.s4.s8 v5  }
0x20: {  	[tilespmem:$0x1FF00] =	vst v25;
	v2 =	vunpack.c.0.s8.s32 v2;
	v12 =	vcombine.low v1, v3;
	v1 =	vand.u32 $0xF, v4  }
0x21: {  	[tilespmem:$0x1FF10] =	vst v27;
	v3 =	vunpack.c.l.s4.s8 v8;
	v4 =	vimm.s32 $0x54329876;
	v8 =	vimm.s32 $0xE0D0C0B  }
0x22: {  	[tilespmem:$0x1FE90] =	vst v34;
	v15 =	vcombine.low v6, v1;
	v4 =	vunpack.c.l.s4.s8 v4;
	v6 =	vimm.s32 $0xB0A0908  }
0x23: {  	s3 =	srdreg.scid;
	[tilespmem:$0x1FEC0] =	vst v21;
	v8 =	vunpack.c.0.s8.s32 v8;
	v1 =	vand.u32 $0xF, v2;
	v2 =	vunpack.c.0.s8.s32 v5  }
0x24: {  	s6 =	stileid.u32;
	s11 =	simm.s32 $0x200;
	s12 =	simm.s32 $0x400;
	[tilespmem:$0x1FE80] =	vst v18;
	v5 =	vimm.s32 $0x6543A987;
	v10 =	vcombine.low v16, v1;
	v1 =	vunpack.c.0.s8.s32 v3  }
0x25: {  	s13 =	simm.s32 $0x600;
	s14 =	simm.s32 $0x4600;
	s15 =	simm.s32 $0x8600;
	[tilespmem:$0x1FEA0] =	vst v35;
	v3 =	vimm.s32 $0x43218765;
	v5 =	vunpack.c.l.s4.s8 v5;
	v4 =	vunpack.c.0.s8.s32 v4  }
0x26: {  	s21 =	simm.s32 $0x80;
	s25 =	simm.s32 $0x6600;
	s26 =	simm.s32 $0x500;
	[tilespmem:$0x1FE60] =	vst v32;
	v6 =	vunpack.c.0.s8.s32 v6;
	v2 =	vand.u32 $0xF, v2;
	v3 =	vunpack.c.l.s4.s8 v3  }
0x27: {  	s28 =	simm.s32 $0xA600;
	s29 =	simm.s32 $0x180;
	s30 =	simm.s32 $0x3600;
	[tilespmem:$0x1FE50] =	vst v12;
	v1 =	vand.u32 $0xF, v1;
	v5 =	vunpack.c.0.s8.s32 v5;
	v4 =	vand.u32 $0xF, v4  }
0x28: {  	s31 =	simm.s32 $0x380;
	s16 =	simm.s32 $0xB600;
	s17 =	simm.s32 $0x1;
	[tilespmem:$0x1FE70] =	vst v15;
	v2 =	vcombine.low v17, v2;
	v17 =	vor.u32 $0x10, v19;
	v3 =	vunpack.c.0.s8.s32 v3  }
0x29: {  	s18 =	simm.s32 $0x2;
	s19 =	simm.s32 $0x3;
	s20 =	simm.s32 $0xC600;
	[tilespmem:$0x1FE40] =	vst v10;
	v1 =	vsel vm14, v1, v13;
	v4 =	vsel vm14, v4, v7;
	v7 =	vimm.s32 $0xD0C0B0A  }
0x2a: {  	s22 =	simm.s32 $0x0;
	s3 =	sand.u32 $0x1, s3;
	s6 =	sshll.u32 s6, $0x7;
	[tilespmem:$0x1FEB0] =	vst v17;
	v5 =	vand.u32 $0xF, v5;
	v7 =	vunpack.c.0.s8.s32 v7;
	v3 =	vand.u32 $0xF, v3  }
0x2b: {  	s5 =	ssub.s32 $0x2, s3;
	s9 =	sshll.u32 s3, $0x6;
	s3 =	sadd.s32 $0x3D1200, s4;
	v1 =	vsel vm15, v6, v1;
	[tilespmem:$0x1FF70] =	vst v2;
	v0 =	vsel vm14, v3, v0;
	v3 =	vimm.s32 $0xC0B0A09  }
0x2c: {  	s4 =	sadd.s32 $0x7A1C00, s4;
	s10 =	sshrl.u32 s5, $0x1;
	s9 =	sor.u32 s9, s6;
	v5 =	vsel vm14, v5, v11;
	[tilespmem:$0x1FF80] =	vst v1;
	v4 =	vsel vm15, v7, v4;
	v3 =	vunpack.c.0.s8.s32 v3  }
0x2d: {  	s10 =	ssub.s32 s5, s10;
	s5 =	sadd.s32 s0, s9;
	s6 =	sadd.s32 s2, s9;
	v5 =	vsel vm15, v8, v5;
	[tilespmem:$0x1FF90] =	vst v4  }
0x2e: {  	s7 =	sadd.s32 s7, s9;
	s8 =	sadd.s32 s8, s9;
	s0 =	simm.s32 $0x7600;
	[tilespmem:$0x1FFA0] =	vst v5;
	v3 =	vsel vm15, v3, v0  }
0x2f: {  	s2 =	simm.s32 $0x580;
	s9 =	smax.u32 s10, $0x1;
	s10 =	simm.s32 $0x4;
	[tilespmem:$0x1FF60] =	vst v3  }
.LBB2_1:
0x30: {  	[tilespmem:s1], [sflag:$0x4] =	stream.linear.gather [hbm4b:s5+s1], $0x200, $0x38;
	[tilespmem:$0xC800] =	vst v63  }
0x31: {  	_ =	swait.ge [sflag:s10], $0x200  }
0x32: {  	[sflag:s10] =	ssyncset.done $0x0  }
0x33: {  	[sflag:s10] =	ssyncadd.s32 $0xFFFFFE00  }
0x34: {  	[tilespmem:s11], [sflag:$0x4] =	stream.linear.gather [hbm4b:s6+s1], $0x200, $0x38;
	[tilespmem:$0xC800] =	vst v63  }
0x35: {  	_ =	swait.ge [sflag:s10], $0x200  }
0x36: {  	[sflag:s10] =	ssyncset.done $0x0  }
0x37: {  	[sflag:s10] =	ssyncadd.s32 $0xFFFFFE00  }
0x38: {  	[tilespmem:s12], [sflag:$0x4] =	stream.linear.gather [hbm4b:s7+s1], $0x200, $0x38;
	[tilespmem:$0xC800] =	vst v63  }
0x39: {  	_ =	swait.ge [sflag:s10], $0x200  }
0x3a: {  	[sflag:s10] =	ssyncset.done $0x0  }
0x3b: {  	[sflag:s10] =	ssyncadd.s32 $0xFFFFFE00  }
0x3c: {  	[tilespmem:s13], [sflag:$0x1] =	stream.indirect.gather [hbm4b:s3+s21], $0x20, s1, s21, $0xb8;
	[tilespmem:$0xC800] =	vst v63  }
0x3d: {  	_ = 	snop  }
0x3e: {  	[tilespmem:s14], [sflag:$0x2] =	stream.indirect.gather [hbm4b:s4+s21], $0x20, s11, s21, $0xb8;
	[tilespmem:$0xC800] =	vst v63  }
0x3f: {  	_ = 	snop  }
0x40: {  	[tilespmem:s15], [sflag:$0x3] =	stream.indirect.gather [hbm4b:s3+s21], $0x20, s12, s21, $0xb8;
	[tilespmem:$0xC800] =	vst v63  }
0x41: {  	s23 =	simm.s32 $0x1600  }
0x42: {  	[tilespmem:s23], [sflag:$0x1] =	stream.indirect.gather [hbm4b:s3+s21], $0x20, s21, s21, $0xb8;
	[tilespmem:$0xC800] =	vst v63  }
0x43: {  	s24 =	simm.s32 $0x5600;
	s23 =	simm.s32 $0x280  }
0x44: {  	[tilespmem:s24], [sflag:$0x2] =	stream.indirect.gather [hbm4b:s4+s21], $0x20, s23, s21, $0xb8;
	[tilespmem:$0xC800] =	vst v63  }
0x45: {  	s23 =	simm.s32 $0x480;
	s24 =	simm.s32 $0x9600  }
0x46: {  	[tilespmem:s24], [sflag:$0x3] =	stream.indirect.gather [hbm4b:s3+s21], $0x20, s23, s21, $0xb8;
	[tilespmem:$0xC800] =	vst v63  }
0x47: {  	s23 =	simm.s32 $0x2600;
	s24 =	simm.s32 $0x100  }
0x48: {  	[tilespmem:s23], [sflag:$0x1] =	stream.indirect.gather [hbm4b:s3+s21], $0x20, s24, s21, $0xb8;
	[tilespmem:$0xC800] =	vst v63  }
0x49: {  	s24 =	simm.s32 $0x300  }
0x4a: {  	[tilespmem:s25], [sflag:$0x2] =	stream.indirect.gather [hbm4b:s4+s21], $0x20, s24, s21, $0xb8;
	[tilespmem:$0xC800] =	vst v63  }
0x4b: {  	_ = 	snop  }
0x4c: {  	[tilespmem:s28], [sflag:$0x3] =	stream.indirect.gather [hbm4b:s3+s21], $0x20, s26, s21, $0xb8;
	[tilespmem:$0xC800] =	vst v63  }
0x4d: {  	_ = 	snop  }
0x4e: {  	[tilespmem:s30], [sflag:$0x1] =	stream.indirect.gather [hbm4b:s3+s21], $0x20, s29, s21, $0xb8;
	[tilespmem:$0xC800] =	vst v63  }
0x4f: {  	_ = 	snop  }
0x50: {  	[tilespmem:s0], [sflag:$0x2] =	stream.indirect.gather [hbm4b:s4+s21], $0x20, s31, s21, $0xb8;
	[tilespmem:$0xC800] =	vst v63  }
0x51: {  	_ = 	snop  }
0x52: {  	[tilespmem:s16], [sflag:$0x3] =	stream.indirect.gather [hbm4b:s3+s21], $0x20, s2, s21, $0xb8;
	[tilespmem:$0xC800] =	vst v63  }
0x53: {  	_ =	swait.ge [sflag:s17], $0x1000  }
0x54: {  	[sflag:s17] =	ssyncset.done $0x0  }
0x55: {  	[sflag:s17] =	ssyncadd.s32 $0xFFFFF000  }
0x56: {  	_ =	swait.ge [sflag:s18], $0x1000  }
0x57: {  	[sflag:s18] =	ssyncset.done $0x0  }
0x58: {  	[sflag:s18] =	ssyncadd.s32 $0xFFFFF000  }
0x59: {  	_ =	swait.ge [sflag:s19], $0x1000  }
0x5a: {  	[sflag:s19] =	ssyncset.done $0x0  }
0x5b: {  	[sflag:s19] =	ssyncadd.s32 $0xFFFFF000  }
0x5c: {  	_ =	swait.ge [sflag:s17], $0x1000  }
0x5d: {  	[sflag:s17] =	ssyncset.done $0x0  }
0x5e: {  	[sflag:s17] =	ssyncadd.s32 $0xFFFFF000  }
0x5f: {  	_ =	swait.ge [sflag:s18], $0x1000  }
0x60: {  	[sflag:s18] =	ssyncset.done $0x0  }
0x61: {  	[sflag:s18] =	ssyncadd.s32 $0xFFFFF000  }
0x62: {  	_ =	swait.ge [sflag:s19], $0x1000  }
0x63: {  	[sflag:s19] =	ssyncset.done $0x0  }
0x64: {  	[sflag:s19] =	ssyncadd.s32 $0xFFFFF000  }
0x65: {  	_ =	swait.ge [sflag:s17], $0x1000  }
0x66: {  	[sflag:s17] =	ssyncset.done $0x0  }
0x67: {  	[sflag:s17] =	ssyncadd.s32 $0xFFFFF000  }
0x68: {  	_ =	swait.ge [sflag:s18], $0x1000  }
0x69: {  	[sflag:s18] =	ssyncset.done $0x0  }
0x6a: {  	[sflag:s18] =	ssyncadd.s32 $0xFFFFF000  }
0x6b: {  	_ =	swait.ge [sflag:s19], $0x1000  }
0x6c: {  	[sflag:s19] =	ssyncset.done $0x0  }
0x6d: {  	[sflag:s19] =	ssyncadd.s32 $0xFFFFF000  }
0x6e: {  	_ =	swait.ge [sflag:s17], $0x1000  }
0x6f: {  	v0 =	vmov s1;
	[sflag:s17] =	ssyncset.done $0x0  }
0x70: {  	v0 =	vshll.u32 v0, $0x5;
	[sflag:s17] =	ssyncadd.s32 $0xFFFFF000  }
0x71: {  	v20 =	vor.u32 v20, v0;
	_ =	swait.ge [sflag:s18], $0x1000  }
0x72: {  	v16 =	vor.u32 v5, v20;
	[sflag:s18] =	ssyncset.done $0x0  }
0x73: {  	[sflag:s18] =	ssyncadd.s32 $0xFFFFF000  }
0x74: {  	_ =	swait.ge [sflag:s19], $0x1000  }
0x75: {  	[sflag:s19] =	ssyncset.done $0x0  }
0x76: {  	[sflag:s19] =	ssyncadd.s32 $0xFFFFF000  }
0x77: {  	v14 =	vor.u32 v4, v20;
	v0 =	vld.idx.msk [tilespmem:v16+s14+$0x0], $0xffff;
	_ =	sdelay $0x4  }
0x78: {  	v11 =	vor.u32 v3, v20;
	[tilespmem:$0x1FDA0] =	vst v0;
	v0 =	vld.idx.msk [tilespmem:v14+s14+$0x0], $0xffff;
	_ =	sdelay $0x4  }
0x79: {  	v9 =	vor.u32 v1, v20;
	[tilespmem:$0x1FD90] =	vst v0;
	v0 =	vld.idx.msk [tilespmem:v11+s14+$0x0], $0xffff;
	_ =	sdelay $0x4  }
0x7a: {  	v8 =	vor.u32 v2, v20;
	[tilespmem:$0x1FD80] =	vst v0;
	v0 =	vld.idx.msk [tilespmem:v9+s14+$0x0], $0xffff;
	_ =	sdelay $0x4  }
0x7b: {  	v10 =	vor.u32 v10, v20;
	[tilespmem:$0x1FD70] =	vst v0;
	v0 =	vld.idx.msk [tilespmem:v8+s14+$0x0], $0xffff;
	_ =	sdelay $0x4  }
0x7c: {  	v33 =	vor.u32 v15, v20;
	[tilespmem:$0x1FD60] =	vst v0;
	v0 =	vld.idx.msk [tilespmem:v10+s14+$0x0], $0xffff;
	_ =	sdelay $0x4  }
0x7d: {  	v12 =	vor.u32 v12, v20;
	[tilespmem:$0x1FD50] =	vst v0;
	v0 =	vld.idx.msk [tilespmem:v33+s14+$0x0], $0xffff;
	_ =	sdelay $0x1  }
0x7e: {  	v38 =	vor.u32 v25, v20  }
0x7f: {  	v19 =	vor.u32 v21, v20;
	v52 =	vor.u32 v29, v20;
	v29 =	vld [tilespmem:$0x1FE20]  }
0x80: {  	v21 =	vor.u32 v17, v20;
	v55 =	vor.u32 v28, v20;
	v28 =	vld [tilespmem:$0x1FE10]  }
0x81: {  	v13 =	vor.u32 v32, v20;
	[tilespmem:$0x1FD40] =	vst v0;
	v0 =	vld.idx.msk [tilespmem:v12+s14+$0x0], $0xffff  }
0x82: {  	v39 =	vor.u32 v27, v20;
	v32 =	vmov v23;
	v23 =	vor.u32 v23, v20;
	v27 =	vld [tilespmem:$0x1FE00]  }
0x83: {  	v15 =	vor.u32 v34, v20;
	v34 =	vmov v24;
	v24 =	vor.u32 v24, v20;
	v1 =	vld.idx.msk [tilespmem:v38+s14+$0x0], $0xffff  }
0x84: {  	v25 =	vor.u32 v42, v20;
	v41 =	vld.idx.msk [tilespmem:v19+s14+$0x0], $0xffff  }
0x85: {  	v17 =	vld.idx.msk [tilespmem:v21+s14+$0x0], $0xffff  }
0x86: {  	v37 =	vor.u32 v35, v20;
	[tilespmem:$0x1FD30] =	vst v0;
	v0 =	vld.idx.msk [tilespmem:v13+s14+$0x0], $0xffff  }
0x87: {  	v26 =	vor.u32 v36, v20;
	v46 =	vld.idx.msk [tilespmem:v23+s14+$0x0], $0xffff  }
0x88: {  	v43 =	vor.u32 v40, v20;
	v48 =	vld.idx.msk [tilespmem:v24+s14+$0x0], $0xffff  }
0x89: {  	v49 =	vld.idx.msk [tilespmem:v25+s14+$0x0], $0xffff  }
0x8a: {  	v6 =	vmov v31;
	v31 =	vmov v18;
	v18 =	vor.u32 v18, v20;
	[tilespmem:$0x1FCF0] =	vst v1;
	v1 =	vld.idx.msk [tilespmem:v39+s14+$0x0], $0xffff  }
0x8b: {  	[tilespmem:$0x1FD20] =	vst v0;
	v0 =	vld.idx.msk [tilespmem:v37+s14+$0x0], $0xffff  }
0x8c: {  	v51 =	vld.idx.msk [tilespmem:v26+s14+$0x0], $0xffff  }
0x8d: {  	v42 =	vmov v45;
	v45 =	vor.u32 v45, v20;
	v53 =	vld.idx.msk [tilespmem:v43+s14+$0x0], $0xffff  }
0x8e: {  	v59 =	vld.idx.msk [tilespmem:v52+s14+$0x0], $0xffff  }
0x8f: {  	[tilespmem:$0x1FCE0] =	vst v1;
	v1 =	vld.idx.msk [tilespmem:v18+s14+$0x0], $0xffff  }
0x90: {  	[tilespmem:$0x1FD10] =	vst v0;
	v0 =	vld.idx.msk [tilespmem:v15+s14+$0x0], $0xffff  }
0x91: {  	v60 =	vld.idx.msk [tilespmem:v52+s13+$0x0], $0xffff  }
0x92: {  	v54 =	vld.idx.msk [tilespmem:v45+s14+$0x0], $0xffff;
	v2 =	vor.u32 v29, v20  }
0x93: {  	v52 =	vld.idx.msk [tilespmem:v52+s15+$0x0], $0xffff  }
0x94: {  	v61 =	vld.idx.msk [tilespmem:v55+s14+$0x0], $0xffff;
	[tilespmem:$0x1FCD0] =	vst v1  }
0x95: {  	v62 =	vld.idx.msk [tilespmem:v55+s13+$0x0], $0xffff;
	v1 =	vor.u32 v28, v20;
	[tilespmem:$0x1FD00] =	vst v0;
	v0 =	vmov v30  }
0x96: {  	v55 =	vld.idx.msk [tilespmem:v55+s15+$0x0], $0xffff;
	v59 =	vadd.f32 v59, v60;
	v50 =	vor.u32 v0, v20;
	v0 =	vlaneseq.u32  }
0x97: {  	v7 =	vld.idx.msk [tilespmem:v2+s14+$0x0], $0xffff;
	v57 =	vor.u32 v0, v20  }
0x98: {  	v52 =	vsub.f32 v59, v52;
	v59 =	vld.idx.msk [tilespmem:v2+s13+$0x0], $0xffff  }
0x99: {  	v2 =	vld.idx.msk [tilespmem:v2+s15+$0x0], $0xffff  }
0x9a: {  	v0 =	vor.u32 v6, v20;
	v6 =	vld.idx.msk [tilespmem:v1+s14+$0x0], $0xffff  }
0x9b: {  	v58 =	vld.idx.msk [tilespmem:v50+s14+$0x0], $0xffff  }
0x9c: {  	v63 =	vld.idx.msk [tilespmem:v57+s14+$0x0], $0xffff  }
0x9d: {  	v47 =	vor.u32 v47, v20;
	v3 =	vld.idx.msk [tilespmem:v57+s13+$0x0], $0xffff  }
0x9e: {  	v30 =	vmov v22;
	v22 =	vor.u32 v22, v20;
	v20 =	vor.u32 v27, v20;
	v4 =	vld.idx.msk [tilespmem:v50+s13+$0x0], $0xffff  }
0x9f: {  	v57 =	vld.idx.msk [tilespmem:v57+s15+$0x0], $0xffff  }
0xa0: {  	v50 =	vld.idx.msk [tilespmem:v50+s15+$0x0], $0xffff  }
0xa1: {  	v35 =	vmov v5;
	v5 =	vld.idx.msk [tilespmem:v0+s14+$0x0], $0xffff  }
0xa2: {  	v61 =	vadd.f32 v61, v62;
	v62 =	vld.idx.msk [tilespmem:v0+s13+$0x0], $0xffff;
	v3 =	vadd.f32 v63, v3  }
0xa3: {  	v60 =	vld.idx.msk [tilespmem:v20+s14+$0x0], $0xffff  }
0xa4: {  	v55 =	vsub.f32 v61, v55;
	v61 =	vld.idx.msk [tilespmem:v20+s13+$0x0], $0xffff;
	v3 =	vsub.f32 v3, v57  }
0xa5: {  	v0 =	vld.idx.msk [tilespmem:v0+s15+$0x0], $0xffff  }
0xa6: {  	v55 =	vmul.f32 v55, v55;
	v20 =	vld.idx.msk [tilespmem:v20+s15+$0x0], $0xffff;
	v4 =	vadd.f32 v58, v4;
	v3 =	vmul.f32 v3, v3  }
0xa7: {  	v7 =	vadd.f32 v7, v59;
	v63 =	vld.idx.msk [tilespmem:v1+s13+$0x0], $0xffff;
	v5 =	vadd.f32 v5, v62  }
0xa8: {  	v56 =	vld.idx.msk [tilespmem:v47+s14+$0x0], $0xffff;
	v52 =	vmul.f32 v52, v52;
	v4 =	vsub.f32 v4, v50;
	v3 =	vadd.f32 v55, v3  }
0xa9: {  	v2 =	vsub.f32 v7, v2;
	v61 =	vadd.f32 v60, v61;
	v1 =	vld.idx.msk [tilespmem:v1+s15+$0x0], $0xffff  }
0xaa: {  	v7 =	vld.idx.msk [tilespmem:v25+s13+$0x0], $0xffff;
	v0 =	vsub.f32 v5, v0;
	v4 =	vmul.f32 v4, v4;
	v3 =	vadd.f32 v52, v3  }
0xab: {  	v5 =	vld.idx.msk [tilespmem:v47+s13+$0x0], $0xffff;
	v20 =	vsub.f32 v61, v20  }
0xac: {  	v0 =	vmul.f32 v0, v0;
	v6 =	vadd.f32 v6, v63;
	v3 =	vadd.f32 v4, v3;
	v4 =	vld.idx.msk [tilespmem:v45+s13+$0x0], $0xffff  }
0xad: {  	v47 =	vld.idx.msk [tilespmem:v47+s15+$0x0], $0xffff  }
0xae: {  	v62 =	vld.idx.msk [tilespmem:v43+s13+$0x0], $0xffff;
	v1 =	vsub.f32 v6, v1;
	v0 =	vadd.f32 v0, v3;
	v3 =	vmul.f32 v20, v20  }
0xaf: {  	v6 =	vld.idx.msk [tilespmem:v45+s15+$0x0], $0xffff  }
0xb0: {  	v5 =	vadd.f32 v56, v5;
	v1 =	vmul.f32 v1, v1;
	v20 =	vld.idx.msk [tilespmem:v26+s13+$0x0], $0xffff;
	v0 =	vadd.f32 v3, v0  }
0xb1: {  	v3 =	vld.idx.msk [tilespmem:v43+s15+$0x0], $0xffff;
	v4 =	vadd.f32 v54, v4  }
0xb2: {  	v44 =	vld.idx.msk [tilespmem:v22+s14+$0x0], $0xffff;
	v0 =	vadd.f32 v1, v0;
	v1 =	vmul.f32 v2, v2;
	v2 =	vsub.f32 v5, v47  }
0xb3: {  	v5 =	vld.idx.msk [tilespmem:v26+s15+$0x0], $0xffff;
	v26 =	vadd.f32 v53, v62  }
0xb4: {  	v63 =	vld.idx.msk [tilespmem:v24+s13+$0x0], $0xffff;
	v0 =	vadd.f32 v1, v0;
	v1 =	vmul.f32 v2, v2;
	v2 =	vsub.f32 v4, v6  }
0xb5: {  	v4 =	vld.idx.msk [tilespmem:v25+s15+$0x0], $0xffff;
	v6 =	vadd.f32 v51, v20  }
0xb6: {  	v20 =	vld.idx.msk [tilespmem:v23+s13+$0x0], $0xffff;
	v0 =	vadd.f32 v1, v0;
	v1 =	vmul.f32 v2, v2;
	v2 =	vsub.f32 v26, v3  }
0xb7: {  	v7 =	vadd.f32 v49, v7;
	v3 =	vld.idx.msk [tilespmem:v24+s15+$0x0], $0xffff  }
0xb8: {  	v24 =	vld.idx.msk [tilespmem:v22+s13+$0x0], $0xffff;
	v0 =	vadd.f32 v1, v0;
	v1 =	vmul.f32 v2, v2;
	v2 =	vsub.f32 v6, v5  }
0xb9: {  	v5 =	vld.idx.msk [tilespmem:v23+s15+$0x0], $0xffff;
	v6 =	vadd.f32 v48, v63  }
0xba: {  	v23 =	vld.idx.msk [tilespmem:v21+s13+$0x0], $0xffff;
	v0 =	vadd.f32 v1, v0;
	v1 =	vmul.f32 v2, v2;
	v2 =	vsub.f32 v7, v4  }
0xbb: {  	v4 =	vld.idx.msk [tilespmem:v22+s15+$0x0], $0xffff;
	v7 =	vadd.f32 v46, v20  }
0xbc: {  	v20 =	vld.idx.msk [tilespmem:v19+s13+$0x0], $0xffff;
	v0 =	vadd.f32 v1, v0;
	v1 =	vmul.f32 v2, v2;
	v2 =	vsub.f32 v6, v3  }
0xbd: {  	v3 =	vld.idx.msk [tilespmem:v21+s15+$0x0], $0xffff;
	v6 =	vadd.f32 v44, v24  }
0xbe: {  	v0 =	vadd.f32 v1, v0;
	v1 =	vmul.f32 v2, v2;
	v2 =	vsub.f32 v7, v5  }
0xbf: {  	v5 =	vld.idx.msk [tilespmem:v19+s15+$0x0], $0xffff;
	v7 =	vadd.f32 v17, v23  }
0xc0: {  	v21 =	vld.idx.msk [tilespmem:v18+s13+$0x0], $0xffff;
	v0 =	vadd.f32 v1, v0;
	v1 =	vmul.f32 v2, v2;
	v2 =	vsub.f32 v6, v4  }
0xc1: {  	v19 =	vld.idx.msk [tilespmem:v39+s13+$0x0], $0xffff;
	v6 =	vadd.f32 v41, v20  }
0xc2: {  	v0 =	vadd.f32 v1, v0;
	v1 =	vmul.f32 v2, v2;
	v2 =	vsub.f32 v7, v3;
	v7 =	vld [tilespmem:$0x1FCD0]  }
0xc3: {  	v4 =	vld.idx.msk [tilespmem:v18+s15+$0x0], $0xffff  }
0xc4: {  	v0 =	vadd.f32 v1, v0;
	v1 =	vmul.f32 v2, v2;
	v2 =	vsub.f32 v6, v5;
	v6 =	vld [tilespmem:$0x1FCE0];
	_ =	sdelay $0x1  }
0xc5: {  	v3 =	vld.idx.msk [tilespmem:v39+s15+$0x0], $0xffff  }
0xc6: {  	v18 =	vld.idx.msk [tilespmem:v38+s13+$0x0], $0xffff;
	v7 =	vadd.f32 v7, v21  }
0xc7: {  	v20 =	vld.idx.msk [tilespmem:v15+s13+$0x0], $0xffff;
	v0 =	vadd.f32 v1, v0  }
0xc8: {  	v1 =	vmul.f32 v2, v2;
	v6 =	vadd.f32 v6, v19;
	v2 =	vsub.f32 v7, v4;
	v7 =	vld [tilespmem:$0x1FCF0]  }
0xc9: {  	v5 =	vld.idx.msk [tilespmem:v38+s15+$0x0], $0xffff  }
0xca: {  	v0 =	vadd.f32 v1, v0;
	v1 =	vmul.f32 v2, v2;
	v2 =	vsub.f32 v6, v3;
	v6 =	vld [tilespmem:$0x1FD00];
	_ =	sdelay $0x1  }
0xcb: {  	v4 =	vld.idx.msk [tilespmem:v15+s15+$0x0], $0xffff  }
0xcc: {  	v19 =	vld.idx.msk [tilespmem:v37+s13+$0x0], $0xffff;
	v7 =	vadd.f32 v7, v18  }
0xcd: {  	v15 =	vld.idx.msk [tilespmem:v13+s13+$0x0], $0xffff;
	v0 =	vadd.f32 v1, v0  }
0xce: {  	v1 =	vmul.f32 v2, v2;
	v6 =	vadd.f32 v6, v20;
	v2 =	vsub.f32 v7, v5;
	v7 =	vld [tilespmem:$0x1FD10]  }
0xcf: {  	v3 =	vld.idx.msk [tilespmem:v37+s15+$0x0], $0xffff  }
0xd0: {  	v0 =	vadd.f32 v1, v0;
	v1 =	vmul.f32 v2, v2;
	v2 =	vsub.f32 v6, v4;
	v6 =	vld [tilespmem:$0x1FD20];
	_ =	sdelay $0x1  }
0xd1: {  	v5 =	vld.idx.msk [tilespmem:v13+s15+$0x0], $0xffff  }
0xd2: {  	v17 =	vld.idx.msk [tilespmem:v12+s13+$0x0], $0xffff;
	v7 =	vadd.f32 v7, v19  }
0xd3: {  	v13 =	vld.idx.msk [tilespmem:v33+s13+$0x0], $0xffff;
	v0 =	vadd.f32 v1, v0  }
0xd4: {  	v1 =	vmul.f32 v2, v2;
	v6 =	vadd.f32 v6, v15;
	v2 =	vsub.f32 v7, v3;
	v7 =	vld [tilespmem:$0x1FD30]  }
0xd5: {  	v4 =	vld.idx.msk [tilespmem:v12+s15+$0x0], $0xffff  }
0xd6: {  	v0 =	vadd.f32 v1, v0;
	v1 =	vmul.f32 v2, v2;
	v2 =	vsub.f32 v6, v5;
	v6 =	vld [tilespmem:$0x1FD40];
	_ =	sdelay $0x1  }
0xd7: {  	v3 =	vld.idx.msk [tilespmem:v33+s15+$0x0], $0xffff  }
0xd8: {  	v12 =	vld.idx.msk [tilespmem:v10+s13+$0x0], $0xffff;
	v7 =	vadd.f32 v7, v17  }
0xd9: {  	v15 =	vld.idx.msk [tilespmem:v8+s13+$0x0], $0xffff;
	v0 =	vadd.f32 v1, v0  }
0xda: {  	v1 =	vmul.f32 v2, v2;
	v6 =	vadd.f32 v6, v13;
	v2 =	vsub.f32 v7, v4;
	v7 =	vld [tilespmem:$0x1FD50]  }
0xdb: {  	v5 =	vld.idx.msk [tilespmem:v10+s15+$0x0], $0xffff  }
0xdc: {  	v0 =	vadd.f32 v1, v0;
	v1 =	vmul.f32 v2, v2;
	v2 =	vsub.f32 v6, v3;
	v6 =	vld [tilespmem:$0x1FD60];
	_ =	sdelay $0x1  }
0xdd: {  	v4 =	vld.idx.msk [tilespmem:v8+s15+$0x0], $0xffff  }
0xde: {  	v10 =	vld.idx.msk [tilespmem:v9+s13+$0x0], $0xffff;
	v7 =	vadd.f32 v7, v12  }
0xdf: {  	v8 =	vld.idx.msk [tilespmem:v11+s13+$0x0], $0xffff;
	v0 =	vadd.f32 v1, v0  }
0xe0: {  	v1 =	vmul.f32 v2, v2;
	v6 =	vadd.f32 v6, v15;
	v2 =	vsub.f32 v7, v5;
	v7 =	vld [tilespmem:$0x1FD70]  }
0xe1: {  	v3 =	vld.idx.msk [tilespmem:v9+s15+$0x0], $0xffff  }
0xe2: {  	v0 =	vadd.f32 v1, v0;
	v1 =	vmul.f32 v2, v2;
	v2 =	vsub.f32 v6, v4;
	v6 =	vld [tilespmem:$0x1FD80];
	_ =	sdelay $0x1  }
0xe3: {  	v5 =	vld.idx.msk [tilespmem:v11+s15+$0x0], $0xffff  }
0xe4: {  	v9 =	vld.idx.msk [tilespmem:v14+s13+$0x0], $0xffff;
	v7 =	vadd.f32 v7, v10  }
0xe5: {  	v4 =	vld.idx.msk [tilespmem:v14+s15+$0x0], $0xffff;
	v0 =	vadd.f32 v1, v0  }
0xe6: {  	v1 =	vmul.f32 v2, v2;
	v6 =	vadd.f32 v6, v8;
	v2 =	vsub.f32 v7, v3;
	v7 =	vld [tilespmem:$0x1FD90]  }
0xe7: {  	v10 =	vld.idx.msk [tilespmem:v16+s13+$0x0], $0xffff  }
0xe8: {  	v0 =	vadd.f32 v1, v0;
	v1 =	vmul.f32 v2, v2;
	v2 =	vsub.f32 v6, v5;
	v5 =	vld [tilespmem:$0x1FDA0];
	_ =	sdelay $0x1  }
0xe9: {  	v3 =	vld.idx.msk [tilespmem:v16+s15+$0x0], $0xffff  }
0xea: {  	v7 =	vadd.f32 v7, v9  }
0xeb: {  	v0 =	vadd.f32 v1, v0  }
0xec: {  	v1 =	vmul.f32 v2, v2;
	v5 =	vadd.f32 v5, v10;
	v2 =	vsub.f32 v7, v4;
	_ =	sdelay $0x1  }
0xed: {  	v0 =	vadd.f32 v1, v0;
	v1 =	vmul.f32 v2, v2;
	v2 =	vsub.f32 v5, v3;
	_ =	sdelay $0x1  }
0xee: {  	v0 =	vadd.f32 v1, v0;
	v1 =	vmul.f32 v2, v2;
	_ =	sdelay $0x1  }
0xef: {  	v0 =	vadd.f32 v1, v0;
	_ =	sdelay $0x1  }
0xf0: {  	v0 =	vadd.f32 $9.999999960e-13, v0;
	_ =	sdelay $0x1  }
0xf1: {  	v1 =	vshra.s32 v0, $0x1;
	v2 =	vmul.f32 $5.000000000e-01, v0  }
0xf2: {  	v1 =	vsub.s32 $0x5F3759DF, v1  }
0xf3: {  	v3 =	vmul.f32 v1, v2;
	_ =	sdelay $0x1  }
0xf4: {  	v3 =	vmul.f32 v1, v3;
	_ =	sdelay $0x1  }
0xf5: {  	v3 =	vsub.f32 $1.500000000e+00, v3;
	_ =	sdelay $0x1  }
0xf6: {  	v1 =	vmul.f32 v1, v3;
	_ =	sdelay $0x1  }
0xf7: {  	v3 =	vmul.f32 v1, v2;
	_ =	sdelay $0x1  }
0xf8: {  	v3 =	vmul.f32 v3, v1;
	_ =	sdelay $0x1  }
0xf9: {  	v3 =	vsub.f32 $1.500000000e+00, v3;
	_ =	sdelay $0x1  }
0xfa: {  	v1 =	vmul.f32 v3, v1;
	_ =	sdelay $0x1  }
0xfb: {  	v2 =	vmul.f32 v1, v2;
	_ =	sdelay $0x1  }
0xfc: {  	v2 =	vmul.f32 v2, v1;
	_ =	sdelay $0x1  }
0xfd: {  	v2 =	vsub.f32 $1.500000000e+00, v2;
	_ =	sdelay $0x1  }
0xfe: {  	v1 =	vmul.f32 v2, v1;
	v2 =	vld [tilespmem:$0x1FFB0];
	_ =	sdelay $0x1  }
0xff: {  	s24 =	simm.s32 $0x10;
	v0 =	vmul.f32 v1, v0  }
0x100: {  	v3 =	vmov s24  }
0x101: {  	v3 =	vshll.u32 v3, $0x5;
	v0 =	vsub.f32 $0.0e+00, v0  }
0x102: {  	v15 =	vor.u32 v2, v3  }
0x103: {  	v33 =	vor.u32 v35, v15;
	[tilespmem:s20+$0x0] =	vst v0;
	v0 =	vld [tilespmem:$0x1FE40];
	_ =	sdelay $0x3  }
0x104: {  	v1 =	vld [tilespmem:$0x1FF90]  }
0x105: {  	v43 =	vor.u32 v0, v15;
	v0 =	vld.idx.msk [tilespmem:v33+s14+$0x0], $0xffff;
	_ =	sdelay $0x4  }
0x106: {  	v35 =	vor.u32 v1, v15;
	[tilespmem:$0x1FDB0] =	vst v0;
	v0 =	vld [tilespmem:$0x1FE70];
	_ =	sdelay $0x3  }
0x107: {  	v1 =	vld [tilespmem:$0x1FF60]  }
0x108: {  	v45 =	vor.u32 v0, v15;
	v0 =	vld.idx.msk [tilespmem:v35+s14+$0x0], $0xffff;
	_ =	sdelay $0x4  }
0x109: {  	v37 =	vor.u32 v1, v15;
	[tilespmem:$0x1FDC0] =	vst v0;
	v0 =	vld [tilespmem:$0x1FE50];
	_ =	sdelay $0x3  }
0x10a: {  	v1 =	vld [tilespmem:$0x1FF80]  }
0x10b: {  	v47 =	vor.u32 v0, v15;
	v0 =	vld.idx.msk [tilespmem:v37+s14+$0x0], $0xffff;
	_ =	sdelay $0x4  }
0x10c: {  	v39 =	vor.u32 v1, v15;
	[tilespmem:$0x1FDD0] =	vst v0;
	v0 =	vld [tilespmem:$0x1FE60];
	_ =	sdelay $0x3  }
0x10d: {  	v1 =	vld [tilespmem:$0x1FF70]  }
0x10e: {  	v49 =	vor.u32 v0, v15;
	v0 =	vld.idx.msk [tilespmem:v39+s14+$0x0], $0xffff;
	_ =	sdelay $0x4  }
0x10f: {  	v41 =	vor.u32 v1, v15;
	[tilespmem:$0x1FDE0] =	vst v0;
	v0 =	vld [tilespmem:$0x1FEA0];
	_ =	sdelay $0x4  }
0x110: {  	v51 =	vor.u32 v0, v15;
	v0 =	vld.idx.msk [tilespmem:v41+s14+$0x0], $0xffff;
	_ =	sdelay $0x4  }
0x111: {  	[tilespmem:$0x1FDF0] =	vst v0;
	v0 =	vld [tilespmem:$0x1FE90];
	_ =	sdelay $0x2  }
0x112: {  	v23 =	vld [tilespmem:$0x1FFE0]  }
0x113: {  	v59 =	vor.u32 v31, v15  }
0x114: {  	v53 =	vor.u32 v0, v15;
	v0 =	vld [tilespmem:$0x1FF00]  }
0x115: {  	v21 =	vld [tilespmem:$0x1FFF0];
	v3 =	vor.u32 v32, v15  }
0x116: {  	v6 =	vld [tilespmem:$0x1FF50];
	v5 =	vor.u32 v34, v15  }
0x117: {  	v9 =	vor.u32 v36, v15;
	v25 =	vor.u32 v23, v15;
	v23 =	vld [tilespmem:$0x1FFD0]  }
0x118: {  	v11 =	vor.u32 v40, v15;
	v60 =	vld.idx.msk [tilespmem:v59+s14+$0x0], $0xffff  }
0x119: {  	v55 =	vor.u32 v0, v15;
	v0 =	vld [tilespmem:$0x1FF10]  }
0x11a: {  	v13 =	vor.u32 v42, v15;
	v4 =	vld.idx.msk [tilespmem:v3+s14+$0x0], $0xffff  }
0x11b: {  	v16 =	vor.u32 v6, v15;
	v6 =	vld.idx.msk [tilespmem:v5+s14+$0x0], $0xffff  }
0x11c: {  	v10 =	vld.idx.msk [tilespmem:v9+s14+$0x0], $0xffff  }
0x11d: {  	v18 =	vor.u32 v29, v15;
	v12 =	vld.idx.msk [tilespmem:v11+s14+$0x0], $0xffff  }
0x11e: {  	v57 =	vor.u32 v0, v15;
	v0 =	vld [tilespmem:$0x1FEC0]  }
0x11f: {  	v20 =	vor.u32 v28, v15;
	v14 =	vld.idx.msk [tilespmem:v13+s14+$0x0], $0xffff  }
0x120: {  	v17 =	vld.idx.msk [tilespmem:v16+s14+$0x0], $0xffff  }
0x121: {  	v22 =	vor.u32 v27, v15;
	v26 =	vor.u32 v23, v15;
	v23 =	vld [tilespmem:$0x1FFC0]  }
0x122: {  	v19 =	vld.idx.msk [tilespmem:v18+s14+$0x0], $0xffff  }
0x123: {  	v61 =	vor.u32 v0, v15;
	v0 =	vld [tilespmem:$0x1FEB0]  }
0x124: {  	v24 =	vor.u32 v21, v15;
	v21 =	vld.idx.msk [tilespmem:v20+s14+$0x0], $0xffff;
	v1 =	vor.u32 v30, v15  }
0x125: {  	v44 =	vld.idx.msk [tilespmem:v43+s14+$0x0], $0xffff  }
0x126: {  	v27 =	vor.u32 v23, v15;
	v23 =	vld.idx.msk [tilespmem:v22+s14+$0x0], $0xffff  }
0x127: {  	v46 =	vld.idx.msk [tilespmem:v45+s14+$0x0], $0xffff  }
0x128: {  	v63 =	vor.u32 v0, v15;
	v0 =	vld [tilespmem:$0x1FE30]  }
0x129: {  	v2 =	vld.idx.msk [tilespmem:v1+s14+$0x0], $0xffff  }
0x12a: {  	v48 =	vld.idx.msk [tilespmem:v47+s14+$0x0], $0xffff  }
0x12b: {  	v50 =	vld.idx.msk [tilespmem:v49+s14+$0x0], $0xffff  }
0x12c: {  	v52 =	vld.idx.msk [tilespmem:v51+s14+$0x0], $0xffff  }
0x12d: {  	v54 =	vld.idx.msk [tilespmem:v53+s14+$0x0], $0xffff;
	v7 =	vor.u32 v0, v15  }
0x12e: {  	v56 =	vld.idx.msk [tilespmem:v55+s14+$0x0], $0xffff  }
0x12f: {  	v58 =	vld.idx.msk [tilespmem:v57+s14+$0x0], $0xffff  }
0x130: {  	v62 =	vld.idx.msk [tilespmem:v61+s14+$0x0], $0xffff  }
0x131: {  	v0 =	vld.idx.msk [tilespmem:v63+s14+$0x0], $0xffff  }
0x132: {  	s23 =	simm.s32 $0xC600;
	s24 =	simm.s32 $0x20;
	v8 =	vld.idx.msk [tilespmem:v7+s14+$0x0], $0xffff  }
.LBB2_2:
0x133: {  	v28 =	vld.idx.msk [tilespmem:v24+s14+$0x0], $0xffff;
	v29 =	vlaneseq.u32  }
0x134: {  	v30 =	vld.idx.msk [tilespmem:v26+s14+$0x0], $0xffff;
	v15 =	vor.u32 v29, v15  }
0x135: {  	v31 =	vld.idx.msk [tilespmem:v26+s13+$0x0], $0xffff  }
0x136: {  	v32 =	vld.idx.msk [tilespmem:v27+s14+$0x0], $0xffff  }
0x137: {  	v34 =	vld.idx.msk [tilespmem:v27+s13+$0x0], $0xffff  }
0x138: {  	v27 =	vld.idx.msk [tilespmem:v27+s15+$0x0], $0xffff  }
0x139: {  	v36 =	vld.idx.msk [tilespmem:v15+s14+$0x0], $0xffff  }
0x13a: {  	v38 =	vld.idx.msk [tilespmem:v15+s13+$0x0], $0xffff  }
0x13b: {  	v40 =	vld.idx.msk [tilespmem:v25+s13+$0x0], $0xffff  }
0x13c: {  	v15 =	vld.idx.msk [tilespmem:v15+s15+$0x0], $0xffff  }
0x13d: {  	v29 =	vld.idx.msk [tilespmem:v25+s14+$0x0], $0xffff  }
0x13e: {  	v26 =	vld.idx.msk [tilespmem:v26+s15+$0x0], $0xffff  }
0x13f: {  	v42 =	vld.idx.msk [tilespmem:v24+s13+$0x0], $0xffff;
	v32 =	vadd.f32 v32, v34;
	v36 =	vadd.f32 v36, v38  }
0x140: {  	v25 =	vld.idx.msk [tilespmem:v25+s15+$0x0], $0xffff;
	v30 =	vadd.f32 v30, v31  }
0x141: {  	v31 =	vld.idx.msk [tilespmem:v22+s13+$0x0], $0xffff;
	v27 =	vsub.f32 v32, v27;
	v15 =	vsub.f32 v36, v15  }
0x142: {  	v24 =	vld.idx.msk [tilespmem:v24+s15+$0x0], $0xffff;
	v29 =	vadd.f32 v29, v40  }
0x143: {  	v22 =	vld.idx.msk [tilespmem:v22+s15+$0x0], $0xffff;
	v26 =	vsub.f32 v30, v26;
	v27 =	vmul.f32 v27, v27;
	v15 =	vmul.f32 v15, v15  }
0x144: {  	v28 =	vadd.f32 v28, v42;
	v38 =	vld.idx.msk [tilespmem:v20+s13+$0x0], $0xffff  }
0x145: {  	v40 =	vld.idx.msk [tilespmem:v18+s13+$0x0], $0xffff;
	v25 =	vsub.f32 v29, v25;
	v26 =	vmul.f32 v26, v26;
	v15 =	vadd.f32 v27, v15  }
0x146: {  	v23 =	vadd.f32 v23, v31;
	v20 =	vld.idx.msk [tilespmem:v20+s15+$0x0], $0xffff  }
0x147: {  	v18 =	vld.idx.msk [tilespmem:v18+s15+$0x0], $0xffff;
	v24 =	vsub.f32 v28, v24;
	v25 =	vmul.f32 v25, v25;
	v15 =	vadd.f32 v26, v15  }
0x148: {  	v22 =	vsub.f32 v23, v22;
	v27 =	vld.idx.msk [tilespmem:v16+s13+$0x0], $0xffff  }
0x149: {  	v24 =	vmul.f32 v24, v24;
	v21 =	vadd.f32 v21, v38;
	v26 =	vld.idx.msk [tilespmem:v13+s13+$0x0], $0xffff;
	v15 =	vadd.f32 v25, v15  }
0x14a: {  	v19 =	vadd.f32 v19, v40;
	v16 =	vld.idx.msk [tilespmem:v16+s15+$0x0], $0xffff  }
0x14b: {  	v23 =	vld.idx.msk [tilespmem:v11+s13+$0x0], $0xffff;
	v22 =	vmul.f32 v22, v22;
	v20 =	vsub.f32 v21, v20;
	v15 =	vadd.f32 v24, v15  }
0x14c: {  	v18 =	vsub.f32 v19, v18;
	v13 =	vld.idx.msk [tilespmem:v13+s15+$0x0], $0xffff  }
0x14d: {  	v11 =	vld.idx.msk [tilespmem:v11+s15+$0x0], $0xffff;
	v20 =	vmul.f32 v20, v20;
	v17 =	vadd.f32 v17, v27;
	v15 =	vadd.f32 v22, v15  }
0x14e: {  	v21 =	vld.idx.msk [tilespmem:v9+s13+$0x0], $0xffff;
	v14 =	vadd.f32 v14, v26  }
0x14f: {  	v19 =	vld.idx.msk [tilespmem:v7+s13+$0x0], $0xffff;
	v18 =	vmul.f32 v18, v18;
	v16 =	vsub.f32 v17, v16;
	v15 =	vadd.f32 v20, v15  }
0x150: {  	v12 =	vadd.f32 v12, v23;
	v9 =	vld.idx.msk [tilespmem:v9+s15+$0x0], $0xffff  }
0x151: {  	v7 =	vld.idx.msk [tilespmem:v7+s15+$0x0], $0xffff;
	v16 =	vmul.f32 v16, v16;
	v13 =	vsub.f32 v14, v13;
	v15 =	vadd.f32 v18, v15  }
0x152: {  	v11 =	vsub.f32 v12, v11;
	v17 =	vld.idx.msk [tilespmem:v5+s13+$0x0], $0xffff  }
0x153: {  	v10 =	vadd.f32 v10, v21;
	v14 =	vld.idx.msk [tilespmem:v3+s13+$0x0], $0xffff;
	v13 =	vmul.f32 v13, v13;
	v15 =	vadd.f32 v16, v15  }
0x154: {  	v8 =	vadd.f32 v8, v19;
	v5 =	vld.idx.msk [tilespmem:v5+s15+$0x0], $0xffff  }
0x155: {  	v12 =	vld.idx.msk [tilespmem:v1+s13+$0x0], $0xffff;
	v11 =	vmul.f32 v11, v11;
	v9 =	vsub.f32 v10, v9;
	v13 =	vadd.f32 v13, v15  }
0x156: {  	v7 =	vsub.f32 v8, v7;
	v3 =	vld.idx.msk [tilespmem:v3+s15+$0x0], $0xffff  }
0x157: {  	v10 =	vld.idx.msk [tilespmem:v63+s13+$0x0], $0xffff;
	v9 =	vmul.f32 v9, v9;
	v6 =	vadd.f32 v6, v17;
	v11 =	vadd.f32 v11, v13  }
0x158: {  	v1 =	vld.idx.msk [tilespmem:v1+s15+$0x0], $0xffff;
	v4 =	vadd.f32 v4, v14  }
0x159: {  	v7 =	vmul.f32 v7, v7;
	v5 =	vsub.f32 v6, v5;
	v6 =	vld.idx.msk [tilespmem:v63+s15+$0x0], $0xffff;
	v9 =	vadd.f32 v9, v11  }
0x15a: {  	v8 =	vld.idx.msk [tilespmem:v61+s13+$0x0], $0xffff;
	v2 =	vadd.f32 v2, v12  }
0x15b: {  	v5 =	vmul.f32 v5, v5;
	v3 =	vsub.f32 v4, v3;
	v11 =	vld.idx.msk [tilespmem:v59+s13+$0x0], $0xffff;
	v7 =	vadd.f32 v7, v9  }
0x15c: {  	v0 =	vadd.f32 v0, v10;
	v4 =	vld.idx.msk [tilespmem:v61+s15+$0x0], $0xffff  }
0x15d: {  	v1 =	vsub.f32 v2, v1;
	v2 =	vld.idx.msk [tilespmem:v59+s15+$0x0], $0xffff;
	v3 =	vmul.f32 v3, v3;
	v5 =	vadd.f32 v5, v7  }
0x15e: {  	v0 =	vsub.f32 v0, v6;
	v9 =	vld.idx.msk [tilespmem:v57+s13+$0x0], $0xffff  }
0x15f: {  	v1 =	vmul.f32 v1, v1;
	v7 =	vadd.f32 v62, v8;
	v8 =	vld.idx.msk [tilespmem:v55+s13+$0x0], $0xffff;
	v3 =	vadd.f32 v3, v5  }
0x160: {  	v6 =	vadd.f32 v60, v11;
	v5 =	vld.idx.msk [tilespmem:v57+s15+$0x0], $0xffff  }
0x161: {  	v10 =	vld.idx.msk [tilespmem:v53+s13+$0x0], $0xffff;
	v0 =	vmul.f32 v0, v0;
	v1 =	vadd.f32 v1, v3;
	v3 =	vsub.f32 v7, v4  }
0x162: {  	v2 =	vsub.f32 v6, v2;
	v4 =	vld.idx.msk [tilespmem:v55+s15+$0x0], $0xffff  }
0x163: {  	v7 =	vadd.f32 v58, v9;
	v9 =	vld.idx.msk [tilespmem:v51+s13+$0x0], $0xffff;
	v0 =	vadd.f32 v0, v1;
	v1 =	vmul.f32 v3, v3  }
0x164: {  	v6 =	vadd.f32 v56, v8;
	v3 =	vld.idx.msk [tilespmem:v53+s15+$0x0], $0xffff  }
0x165: {  	v8 =	vld.idx.msk [tilespmem:v49+s13+$0x0], $0xffff;
	v0 =	vadd.f32 v1, v0;
	v1 =	vmul.f32 v2, v2;
	v2 =	vsub.f32 v7, v5  }
0x166: {  	v5 =	vld.idx.msk [tilespmem:v51+s15+$0x0], $0xffff;
	v7 =	vadd.f32 v54, v10  }
0x167: {  	v10 =	vld.idx.msk [tilespmem:v47+s13+$0x0], $0xffff;
	v0 =	vadd.f32 v1, v0;
	v1 =	vmul.f32 v2, v2;
	v2 =	vsub.f32 v6, v4  }
0x168: {  	v4 =	vld.idx.msk [tilespmem:v49+s15+$0x0], $0xffff;
	v6 =	vadd.f32 v52, v9  }
0x169: {  	v9 =	vld.idx.msk [tilespmem:v45+s13+$0x0], $0xffff;
	v0 =	vadd.f32 v1, v0;
	v1 =	vmul.f32 v2, v2;
	v2 =	vsub.f32 v7, v3  }
0x16a: {  	v3 =	vld.idx.msk [tilespmem:v47+s15+$0x0], $0xffff;
	v7 =	vadd.f32 v50, v8  }
0x16b: {  	v0 =	vadd.f32 v1, v0;
	v1 =	vmul.f32 v2, v2;
	v2 =	vsub.f32 v6, v5  }
0x16c: {  	v5 =	vld.idx.msk [tilespmem:v45+s15+$0x0], $0xffff;
	v6 =	vadd.f32 v48, v10  }
0x16d: {  	v0 =	vadd.f32 v1, v0;
	v1 =	vmul.f32 v2, v2;
	v2 =	vsub.f32 v7, v4  }
0x16e: {  	v8 =	vld.idx.msk [tilespmem:v43+s13+$0x0], $0xffff;
	v7 =	vadd.f32 v46, v9  }
0x16f: {  	v10 =	vld.idx.msk [tilespmem:v41+s13+$0x0], $0xffff;
	v0 =	vadd.f32 v1, v0;
	v1 =	vmul.f32 v2, v2;
	v2 =	vsub.f32 v6, v3  }
0x170: {  	v4 =	vld.idx.msk [tilespmem:v43+s15+$0x0], $0xffff  }
0x171: {  	v0 =	vadd.f32 v1, v0;
	v1 =	vmul.f32 v2, v2;
	v2 =	vsub.f32 v7, v5;
	v7 =	vld [tilespmem:$0x1FDF0];
	_ =	sdelay $0x1  }
0x172: {  	v3 =	vld.idx.msk [tilespmem:v41+s15+$0x0], $0xffff  }
0x173: {  	v9 =	vld.idx.msk [tilespmem:v39+s13+$0x0], $0xffff;
	v6 =	vadd.f32 v44, v8  }
0x174: {  	v8 =	vld.idx.msk [tilespmem:v37+s13+$0x0], $0xffff;
	v0 =	vadd.f32 v1, v0  }
0x175: {  	v1 =	vmul.f32 v2, v2;
	v2 =	vsub.f32 v6, v4;
	v6 =	vld [tilespmem:$0x1FDE0];
	v7 =	vadd.f32 v7, v10  }
0x176: {  	v5 =	vld.idx.msk [tilespmem:v39+s15+$0x0], $0xffff  }
0x177: {  	v0 =	vadd.f32 v1, v0;
	v1 =	vmul.f32 v2, v2;
	v2 =	vsub.f32 v7, v3;
	v7 =	vld [tilespmem:$0x1FDD0];
	_ =	sdelay $0x1  }
0x178: {  	v4 =	vld.idx.msk [tilespmem:v37+s15+$0x0], $0xffff  }
0x179: {  	v10 =	vld.idx.msk [tilespmem:v35+s13+$0x0], $0xffff;
	v6 =	vadd.f32 v6, v9  }
0x17a: {  	v0 =	vadd.f32 v1, v0;
	v9 =	vld.idx.msk [tilespmem:v33+s13+$0x0], $0xffff  }
0x17b: {  	v1 =	vmul.f32 v2, v2;
	v2 =	vsub.f32 v6, v5;
	v6 =	vld [tilespmem:$0x1FDC0];
	v7 =	vadd.f32 v7, v8  }
0x17c: {  	v3 =	vld.idx.msk [tilespmem:v35+s15+$0x0], $0xffff  }
0x17d: {  	v0 =	vadd.f32 v1, v0;
	v1 =	vmul.f32 v2, v2;
	v2 =	vsub.f32 v7, v4;
	v4 =	vld [tilespmem:$0x1FDB0];
	_ =	sdelay $0x1  }
0x17e: {  	v5 =	vld.idx.msk [tilespmem:v33+s15+$0x0], $0xffff  }
0x17f: {  	v6 =	vadd.f32 v6, v10  }
0x180: {  	v0 =	vadd.f32 v1, v0  }
0x181: {  	v1 =	vmul.f32 v2, v2;
	v2 =	vsub.f32 v6, v3;
	v4 =	vadd.f32 v4, v9;
	_ =	sdelay $0x1  }
0x182: {  	v0 =	vadd.f32 v1, v0;
	v1 =	vmul.f32 v2, v2;
	v2 =	vsub.f32 v4, v5;
	_ =	sdelay $0x1  }
0x183: {  	v0 =	vadd.f32 v1, v0;
	v1 =	vmul.f32 v2, v2;
	_ =	sdelay $0x1  }
0x184: {  	v0 =	vadd.f32 v1, v0;
	_ =	sdelay $0x1  }
0x185: {  	v0 =	vadd.f32 $9.999999960e-13, v0;
	_ =	sdelay $0x1  }
0x186: {  	v1 =	vshra.s32 v0, $0x1;
	v2 =	vmul.f32 $5.000000000e-01, v0  }
0x187: {  	v1 =	vsub.s32 $0x5F3759DF, v1  }
0x188: {  	v3 =	vmul.f32 v1, v2;
	_ =	sdelay $0x1  }
0x189: {  	v3 =	vmul.f32 v1, v3;
	_ =	sdelay $0x1  }
0x18a: {  	v3 =	vsub.f32 $1.500000000e+00, v3;
	_ =	sdelay $0x1  }
0x18b: {  	v1 =	vmul.f32 v1, v3;
	_ =	sdelay $0x1  }
0x18c: {  	v3 =	vmul.f32 v1, v2;
	_ =	sdelay $0x1  }
0x18d: {  	v3 =	vmul.f32 v3, v1;
	_ =	sdelay $0x1  }
0x18e: {  	v3 =	vsub.f32 $1.500000000e+00, v3;
	_ =	sdelay $0x1  }
0x18f: {  	v1 =	vmul.f32 v3, v1;
	_ =	sdelay $0x1  }
0x190: {  	v2 =	vmul.f32 v1, v2;
	_ =	sdelay $0x1  }
0x191: {  	v2 =	vmul.f32 v2, v1;
	_ =	sdelay $0x1  }
0x192: {  	v2 =	vsub.f32 $1.500000000e+00, v2;
	_ =	sdelay $0x1  }
0x193: {  	v1 =	vmul.f32 v2, v1;
	v2 =	vld [tilespmem:$0x1FFB0];
	_ =	sdelay $0x2  }
0x194: {  	v3 =	vmov s24  }
0x195: {  	v3 =	vshll.u32 v3, $0x5  }
0x196: {  	v15 =	vor.u32 v2, v3;
	v2 =	vld [tilespmem:$0x1FFA0]  }
0x197: {  	v0 =	vmul.f32 v1, v0;
	_ =	sdelay $0x1  }
0x198: {  	v0 =	vsub.f32 $0.0e+00, v0  }
0x199: {  	s23 =	sadd.s32 $0x10, s23  }
0x19a: {  	[tilespmem:s23+$0x0] =	vst v0;
	v0 =	vld [tilespmem:$0x1FE40];
	v33 =	vor.u32 v2, v15;
	_ =	sdelay $0x3  }
0x19b: {  	v1 =	vld [tilespmem:$0x1FF90]  }
0x19c: {  	v43 =	vor.u32 v0, v15;
	v0 =	vld.idx.msk [tilespmem:v33+s14+$0x0], $0xffff;
	_ =	sdelay $0x4  }
0x19d: {  	v35 =	vor.u32 v1, v15;
	[tilespmem:$0x1FDB0] =	vst v0;
	v0 =	vld [tilespmem:$0x1FE70];
	_ =	sdelay $0x3  }
0x19e: {  	v1 =	vld [tilespmem:$0x1FF60]  }
0x19f: {  	v45 =	vor.u32 v0, v15;
	v0 =	vld.idx.msk [tilespmem:v35+s14+$0x0], $0xffff;
	_ =	sdelay $0x4  }
0x1a0: {  	v37 =	vor.u32 v1, v15;
	[tilespmem:$0x1FDC0] =	vst v0;
	v0 =	vld [tilespmem:$0x1FE50];
	_ =	sdelay $0x3  }
0x1a1: {  	v1 =	vld [tilespmem:$0x1FF80]  }
0x1a2: {  	v47 =	vor.u32 v0, v15;
	v0 =	vld.idx.msk [tilespmem:v37+s14+$0x0], $0xffff;
	_ =	sdelay $0x4  }
0x1a3: {  	v39 =	vor.u32 v1, v15;
	[tilespmem:$0x1FDD0] =	vst v0;
	v0 =	vld [tilespmem:$0x1FE60];
	_ =	sdelay $0x3  }
0x1a4: {  	v1 =	vld [tilespmem:$0x1FF70]  }
0x1a5: {  	v49 =	vor.u32 v0, v15;
	v0 =	vld.idx.msk [tilespmem:v39+s14+$0x0], $0xffff;
	_ =	sdelay $0x4  }
0x1a6: {  	v41 =	vor.u32 v1, v15;
	[tilespmem:$0x1FDE0] =	vst v0;
	v0 =	vld [tilespmem:$0x1FEA0];
	_ =	sdelay $0x4  }
0x1a7: {  	v51 =	vor.u32 v0, v15;
	v0 =	vld.idx.msk [tilespmem:v41+s14+$0x0], $0xffff;
	_ =	sdelay $0x4  }
0x1a8: {  	[tilespmem:$0x1FDF0] =	vst v0;
	v0 =	vld [tilespmem:$0x1FE90];
	_ =	sdelay $0x4  }
0x1a9: {  	v53 =	vor.u32 v0, v15;
	v0 =	vld [tilespmem:$0x1FF00];
	_ =	sdelay $0x4  }
0x1aa: {  	v55 =	vor.u32 v0, v15;
	v0 =	vld [tilespmem:$0x1FF10];
	_ =	sdelay $0x4  }
0x1ab: {  	v57 =	vor.u32 v0, v15;
	v0 =	vld [tilespmem:$0x1FE80];
	_ =	sdelay $0x1  }
0x1ac: {  	v42 =	vld [tilespmem:$0x1FE30]  }
0x1ad: {  	v23 =	vld [tilespmem:$0x1FFC0]  }
0x1ae: {  	v19 =	vld [tilespmem:$0x1FFD0]  }
0x1af: {  	v59 =	vor.u32 v0, v15;
	v0 =	vld [tilespmem:$0x1FEC0]  }
0x1b0: {  	v12 =	vld [tilespmem:$0x1FE00]  }
0x1b1: {  	v4 =	vld [tilespmem:$0x1FF40]  }
0x1b2: {  	v6 =	vld [tilespmem:$0x1FF50]  }
0x1b3: {  	v8 =	vld [tilespmem:$0x1FE20]  }
0x1b4: {  	v61 =	vor.u32 v0, v15;
	v0 =	vld [tilespmem:$0x1FEB0]  }
0x1b5: {  	v10 =	vld [tilespmem:$0x1FE10];
	v7 =	vor.u32 v42, v15  }
0x1b6: {  	v14 =	vld [tilespmem:$0x1FFF0];
	v13 =	vor.u32 v4, v15  }
0x1b7: {  	v17 =	vld [tilespmem:$0x1FFE0];
	v16 =	vor.u32 v6, v15  }
0x1b8: {  	v18 =	vor.u32 v8, v15;
	v2 =	vld [tilespmem:$0x1FF30]  }
0x1b9: {  	v63 =	vor.u32 v0, v15;
	v0 =	vld [tilespmem:$0x1FED0]  }
0x1ba: {  	v20 =	vor.u32 v10, v15;
	v8 =	vld.idx.msk [tilespmem:v7+s14+$0x0], $0xffff  }
0x1bb: {  	v22 =	vor.u32 v12, v15;
	v24 =	vor.u32 v14, v15;
	v14 =	vld.idx.msk [tilespmem:v13+s14+$0x0], $0xffff  }
0x1bc: {  	v25 =	vor.u32 v17, v15;
	v17 =	vld.idx.msk [tilespmem:v16+s14+$0x0], $0xffff  }
0x1bd: {  	v26 =	vor.u32 v19, v15;
	v19 =	vld.idx.msk [tilespmem:v18+s14+$0x0], $0xffff;
	v11 =	vor.u32 v2, v15  }
0x1be: {  	v1 =	vor.u32 v0, v15;
	v0 =	vld [tilespmem:$0x1FEE0]  }
0x1bf: {  	v21 =	vld.idx.msk [tilespmem:v20+s14+$0x0], $0xffff  }
0x1c0: {  	v27 =	vor.u32 v23, v15;
	v23 =	vld.idx.msk [tilespmem:v22+s14+$0x0], $0xffff  }
0x1c1: {  	v44 =	vld.idx.msk [tilespmem:v43+s14+$0x0], $0xffff  }
0x1c2: {  	v12 =	vld.idx.msk [tilespmem:v11+s14+$0x0], $0xffff  }
0x1c3: {  	v3 =	vor.u32 v0, v15;
	v0 =	vld [tilespmem:$0x1FEF0]  }
0x1c4: {  	v46 =	vld.idx.msk [tilespmem:v45+s14+$0x0], $0xffff  }
0x1c5: {  	v48 =	vld.idx.msk [tilespmem:v47+s14+$0x0], $0xffff  }
0x1c6: {  	v50 =	vld.idx.msk [tilespmem:v49+s14+$0x0], $0xffff  }
0x1c7: {  	v52 =	vld.idx.msk [tilespmem:v51+s14+$0x0], $0xffff  }
0x1c8: {  	v5 =	vor.u32 v0, v15;
	v0 =	vld [tilespmem:$0x1FF20]  }
0x1c9: {  	v54 =	vld.idx.msk [tilespmem:v53+s14+$0x0], $0xffff  }
0x1ca: {  	v56 =	vld.idx.msk [tilespmem:v55+s14+$0x0], $0xffff  }
0x1cb: {  	v58 =	vld.idx.msk [tilespmem:v57+s14+$0x0], $0xffff  }
0x1cc: {  	v60 =	vld.idx.msk [tilespmem:v59+s14+$0x0], $0xffff  }
0x1cd: {  	p0 =	sne.s32 s24, $0x1F0;
	v62 =	vld.idx.msk [tilespmem:v61+s14+$0x0], $0xffff;
	v9 =	vor.u32 v0, v15  }
.Ltmp0:
0x1ce: {  	v2 =	vld.idx.msk [tilespmem:v1+s14+$0x0], $0xffff;
	(pc) =	sbr.rel @p0 .LBB2_2-.Ltmp0, $4  }
0x1cf: {  	v4 =	vld.idx.msk [tilespmem:v3+s14+$0x0], $0xffff  }
0x1d0: {  	v0 =	vld.idx.msk [tilespmem:v63+s14+$0x0], $0xffff  }
0x1d1: {  	v6 =	vld.idx.msk [tilespmem:v5+s14+$0x0], $0xffff  }
0x1d2: {  	s24 =	sadd.s32 $0x10, s24;
	v10 =	vld.idx.msk [tilespmem:v9+s14+$0x0], $0xffff  }
0x1d3: {  	_ =	sdelay $0x3  }
0x1d4: {  	v28 =	vlaneseq.u32;
	v29 =	vld.idx.msk [tilespmem:v27+s14+$0x0], $0xffff  }
0x1d5: {  	v30 =	vld.idx.msk [tilespmem:v27+s13+$0x0], $0xffff;
	v15 =	vor.u32 v28, v15  }
0x1d6: {  	v27 =	vld.idx.msk [tilespmem:v27+s15+$0x0], $0xffff  }
0x1d7: {  	v34 =	vld.idx.msk [tilespmem:v26+s13+$0x0], $0xffff  }
0x1d8: {  	v36 =	vld.idx.msk [tilespmem:v25+s14+$0x0], $0xffff  }
0x1d9: {  	v38 =	vld.idx.msk [tilespmem:v25+s13+$0x0], $0xffff  }
0x1da: {  	v31 =	vld.idx.msk [tilespmem:v15+s14+$0x0], $0xffff  }
0x1db: {  	v32 =	vld.idx.msk [tilespmem:v15+s13+$0x0], $0xffff  }
0x1dc: {  	v28 =	vld.idx.msk [tilespmem:v26+s14+$0x0], $0xffff  }
0x1dd: {  	v15 =	vld.idx.msk [tilespmem:v15+s15+$0x0], $0xffff  }
0x1de: {  	v26 =	vld.idx.msk [tilespmem:v26+s15+$0x0], $0xffff  }
0x1df: {  	v40 =	vld.idx.msk [tilespmem:v24+s14+$0x0], $0xffff  }
0x1e0: {  	v29 =	vadd.f32 v29, v30;
	v30 =	vld.idx.msk [tilespmem:v24+s13+$0x0], $0xffff;
	v31 =	vadd.f32 v31, v32  }
0x1e1: {  	v25 =	vld.idx.msk [tilespmem:v25+s15+$0x0], $0xffff;
	v28 =	vadd.f32 v28, v34  }
0x1e2: {  	v27 =	vsub.f32 v29, v27;
	v29 =	vld.idx.msk [tilespmem:v22+s13+$0x0], $0xffff;
	v15 =	vsub.f32 v31, v15  }
0x1e3: {  	v24 =	vld.idx.msk [tilespmem:v24+s15+$0x0], $0xffff;
	v26 =	vsub.f32 v28, v26  }
0x1e4: {  	v28 =	vld.idx.msk [tilespmem:v20+s13+$0x0], $0xffff;
	v27 =	vmul.f32 v27, v27;
	v31 =	vadd.f32 v36, v38;
	v15 =	vmul.f32 v15, v15  }
0x1e5: {  	v22 =	vld.idx.msk [tilespmem:v22+s15+$0x0], $0xffff;
	v30 =	vadd.f32 v40, v30  }
0x1e6: {  	v20 =	vld.idx.msk [tilespmem:v20+s15+$0x0], $0xffff;
	v26 =	vmul.f32 v26, v26;
	v25 =	vsub.f32 v31, v25;
	v15 =	vadd.f32 v27, v15  }
0x1e7: {  	v23 =	vadd.f32 v23, v29;
	v27 =	vld.idx.msk [tilespmem:v18+s13+$0x0], $0xffff  }
0x1e8: {  	v24 =	vsub.f32 v30, v24;
	v25 =	vmul.f32 v25, v25;
	v15 =	vadd.f32 v26, v15;
	v26 =	vld.idx.msk [tilespmem:v16+s13+$0x0], $0xffff  }
0x1e9: {  	v21 =	vadd.f32 v21, v28;
	v18 =	vld.idx.msk [tilespmem:v18+s15+$0x0], $0xffff  }
0x1ea: {  	v22 =	vsub.f32 v23, v22;
	v23 =	vld.idx.msk [tilespmem:v13+s13+$0x0], $0xffff;
	v24 =	vmul.f32 v24, v24;
	v15 =	vadd.f32 v25, v15  }
0x1eb: {  	v20 =	vsub.f32 v21, v20;
	v16 =	vld.idx.msk [tilespmem:v16+s15+$0x0], $0xffff  }
0x1ec: {  	v21 =	vld.idx.msk [tilespmem:v11+s13+$0x0], $0xffff;
	v22 =	vmul.f32 v22, v22;
	v19 =	vadd.f32 v19, v27;
	v15 =	vadd.f32 v24, v15  }
0x1ed: {  	v13 =	vld.idx.msk [tilespmem:v13+s15+$0x0], $0xffff;
	v17 =	vadd.f32 v17, v26  }
0x1ee: {  	v11 =	vld.idx.msk [tilespmem:v11+s15+$0x0], $0xffff;
	v20 =	vmul.f32 v20, v20;
	v18 =	vsub.f32 v19, v18;
	v15 =	vadd.f32 v22, v15  }
0x1ef: {  	v14 =	vadd.f32 v14, v23;
	v19 =	vld.idx.msk [tilespmem:v9+s13+$0x0], $0xffff  }
0x1f0: {  	v16 =	vsub.f32 v17, v16;
	v17 =	vld.idx.msk [tilespmem:v7+s13+$0x0], $0xffff;
	v18 =	vmul.f32 v18, v18;
	v15 =	vadd.f32 v20, v15  }
0x1f1: {  	v12 =	vadd.f32 v12, v21;
	v9 =	vld.idx.msk [tilespmem:v9+s15+$0x0], $0xffff  }
0x1f2: {  	v13 =	vsub.f32 v14, v13;
	v14 =	vld.idx.msk [tilespmem:v5+s13+$0x0], $0xffff;
	v16 =	vmul.f32 v16, v16;
	v15 =	vadd.f32 v18, v15  }
0x1f3: {  	v11 =	vsub.f32 v12, v11;
	v7 =	vld.idx.msk [tilespmem:v7+s15+$0x0], $0xffff  }
0x1f4: {  	v12 =	vld.idx.msk [tilespmem:v3+s13+$0x0], $0xffff;
	v13 =	vmul.f32 v13, v13;
	v10 =	vadd.f32 v10, v19;
	v15 =	vadd.f32 v16, v15  }
0x1f5: {  	v5 =	vld.idx.msk [tilespmem:v5+s15+$0x0], $0xffff;
	v8 =	vadd.f32 v8, v17  }
0x1f6: {  	v11 =	vmul.f32 v11, v11;
	v9 =	vsub.f32 v10, v9;
	v10 =	vld.idx.msk [tilespmem:v1+s13+$0x0], $0xffff;
	v13 =	vadd.f32 v13, v15  }
0x1f7: {  	v3 =	vld.idx.msk [tilespmem:v3+s15+$0x0], $0xffff;
	v6 =	vadd.f32 v6, v14  }
0x1f8: {  	v7 =	vsub.f32 v8, v7;
	v8 =	vld.idx.msk [tilespmem:v63+s13+$0x0], $0xffff;
	v9 =	vmul.f32 v9, v9;
	v11 =	vadd.f32 v11, v13  }
0x1f9: {  	v4 =	vadd.f32 v4, v12;
	v1 =	vld.idx.msk [tilespmem:v1+s15+$0x0], $0xffff  }
0x1fa: {  	v5 =	vsub.f32 v6, v5;
	v6 =	vld.idx.msk [tilespmem:v61+s13+$0x0], $0xffff;
	v7 =	vmul.f32 v7, v7;
	v9 =	vadd.f32 v9, v11  }
0x1fb: {  	v2 =	vadd.f32 v2, v10;
	v10 =	vld.idx.msk [tilespmem:v63+s15+$0x0], $0xffff  }
0x1fc: {  	v3 =	vsub.f32 v4, v3;
	v4 =	vld.idx.msk [tilespmem:v59+s13+$0x0], $0xffff;
	v5 =	vmul.f32 v5, v5;
	v7 =	vadd.f32 v7, v9  }
0x1fd: {  	v0 =	vadd.f32 v0, v8;
	v8 =	vld.idx.msk [tilespmem:v61+s15+$0x0], $0xffff  }
0x1fe: {  	v3 =	vmul.f32 v3, v3;
	v1 =	vsub.f32 v2, v1;
	v2 =	vld.idx.msk [tilespmem:v57+s13+$0x0], $0xffff;
	v5 =	vadd.f32 v5, v7  }
0x1ff: {  	v6 =	vadd.f32 v62, v6;
	v7 =	vld.idx.msk [tilespmem:v59+s15+$0x0], $0xffff  }
0x200: {  	v9 =	vld.idx.msk [tilespmem:v57+s15+$0x0], $0xffff;
	v1 =	vmul.f32 v1, v1;
	v0 =	vsub.f32 v0, v10;
	v3 =	vadd.f32 v3, v5  }
0x201: {  	v4 =	vadd.f32 v60, v4;
	v5 =	vld.idx.msk [tilespmem:v55+s13+$0x0], $0xffff  }
0x202: {  	v0 =	vmul.f32 v0, v0;
	v1 =	vadd.f32 v1, v3;
	v3 =	vsub.f32 v6, v8;
	v6 =	vld.idx.msk [tilespmem:v53+s13+$0x0], $0xffff  }
0x203: {  	v2 =	vadd.f32 v58, v2;
	v8 =	vld.idx.msk [tilespmem:v55+s15+$0x0], $0xffff  }
0x204: {  	v0 =	vadd.f32 v0, v1;
	v1 =	vsub.f32 v4, v7;
	v4 =	vld.idx.msk [tilespmem:v51+s13+$0x0], $0xffff;
	v3 =	vmul.f32 v3, v3  }
0x205: {  	v2 =	vsub.f32 v2, v9;
	v7 =	vld.idx.msk [tilespmem:v53+s15+$0x0], $0xffff  }
0x206: {  	v5 =	vadd.f32 v56, v5;
	v0 =	vadd.f32 v3, v0;
	v3 =	vld.idx.msk [tilespmem:v49+s13+$0x0], $0xffff;
	v1 =	vmul.f32 v1, v1  }
0x207: {  	v9 =	vld.idx.msk [tilespmem:v51+s15+$0x0], $0xffff;
	v6 =	vadd.f32 v54, v6  }
0x208: {  	v2 =	vmul.f32 v2, v2;
	v0 =	vadd.f32 v1, v0;
	v1 =	vsub.f32 v5, v8  }
0x209: {  	v8 =	vld.idx.msk [tilespmem:v49+s15+$0x0], $0xffff;
	v4 =	vadd.f32 v52, v4  }
0x20a: {  	v5 =	vld.idx.msk [tilespmem:v47+s13+$0x0], $0xffff;
	v0 =	vadd.f32 v2, v0;
	v2 =	vsub.f32 v6, v7;
	v1 =	vmul.f32 v1, v1  }
0x20b: {  	v6 =	vld.idx.msk [tilespmem:v45+s13+$0x0], $0xffff;
	v3 =	vadd.f32 v50, v3  }
0x20c: {  	v7 =	vld.idx.msk [tilespmem:v47+s15+$0x0], $0xffff;
	v0 =	vadd.f32 v1, v0;
	v1 =	vsub.f32 v4, v9;
	v2 =	vmul.f32 v2, v2  }
0x20d: {  	v9 =	vld.idx.msk [tilespmem:v45+s15+$0x0], $0xffff  }
0x20e: {  	v0 =	vadd.f32 v2, v0;
	v2 =	vsub.f32 v3, v8;
	v1 =	vmul.f32 v1, v1  }
0x20f: {  	v4 =	vld.idx.msk [tilespmem:v43+s13+$0x0], $0xffff;
	v5 =	vadd.f32 v48, v5  }
0x210: {  	v3 =	vld.idx.msk [tilespmem:v41+s13+$0x0], $0xffff;
	v6 =	vadd.f32 v46, v6;
	v0 =	vadd.f32 v1, v0;
	v2 =	vmul.f32 v2, v2  }
0x211: {  	v8 =	vld.idx.msk [tilespmem:v43+s15+$0x0], $0xffff;
	v1 =	vsub.f32 v5, v7  }
0x212: {  	v0 =	vadd.f32 v2, v0;
	v2 =	vsub.f32 v6, v9;
	v9 =	vld [tilespmem:$0x1FDF0];
	_ =	sdelay $0x1  }
0x213: {  	v7 =	vld.idx.msk [tilespmem:v41+s15+$0x0], $0xffff;
	v4 =	vadd.f32 v44, v4;
	v1 =	vmul.f32 v1, v1  }
0x214: {  	v5 =	vld.idx.msk [tilespmem:v39+s13+$0x0], $0xffff  }
0x215: {  	v0 =	vadd.f32 v1, v0;
	v1 =	vsub.f32 v4, v8;
	v8 =	vld [tilespmem:$0x1FDE0]  }
0x216: {  	v6 =	vld.idx.msk [tilespmem:v37+s13+$0x0], $0xffff;
	v2 =	vmul.f32 v2, v2;
	v3 =	vadd.f32 v9, v3  }
0x217: {  	v9 =	vld.idx.msk [tilespmem:v39+s15+$0x0], $0xffff  }
0x218: {  	v0 =	vadd.f32 v2, v0;
	v2 =	vsub.f32 v3, v7;
	v7 =	vld [tilespmem:$0x1FDD0];
	_ =	sdelay $0x1  }
0x219: {  	v1 =	vmul.f32 v1, v1;
	v5 =	vadd.f32 v8, v5;
	v8 =	vld.idx.msk [tilespmem:v37+s15+$0x0], $0xffff  }
0x21a: {  	v4 =	vld.idx.msk [tilespmem:v35+s13+$0x0], $0xffff  }
0x21b: {  	v0 =	vadd.f32 v1, v0;
	v1 =	vsub.f32 v5, v9;
	v5 =	vld [tilespmem:$0x1FDC0]  }
0x21c: {  	v3 =	vld.idx.msk [tilespmem:v33+s13+$0x0], $0xffff;
	v2 =	vmul.f32 v2, v2;
	v6 =	vadd.f32 v7, v6  }
0x21d: {  	v7 =	vld.idx.msk [tilespmem:v35+s15+$0x0], $0xffff  }
0x21e: {  	v0 =	vadd.f32 v2, v0;
	v2 =	vsub.f32 v6, v8;
	v6 =	vld [tilespmem:$0x1FDB0];
	_ =	sdelay $0x1  }
0x21f: {  	v1 =	vmul.f32 v1, v1;
	v4 =	vadd.f32 v5, v4;
	v5 =	vld.idx.msk [tilespmem:v33+s15+$0x0], $0xffff;
	_ =	sdelay $0x1  }
0x220: {  	v0 =	vadd.f32 v1, v0  }
0x221: {  	v2 =	vmul.f32 v2, v2;
	v1 =	vsub.f32 v4, v7;
	v3 =	vadd.f32 v6, v3;
	_ =	sdelay $0x1  }
0x222: {  	v0 =	vadd.f32 v2, v0;
	v1 =	vmul.f32 v1, v1;
	v2 =	vsub.f32 v3, v5;
	_ =	sdelay $0x1  }
0x223: {  	v0 =	vadd.f32 v1, v0;
	v1 =	vmul.f32 v2, v2;
	_ =	sdelay $0x1  }
0x224: {  	v0 =	vadd.f32 v1, v0;
	_ =	sdelay $0x1  }
0x225: {  	v0 =	vadd.f32 $9.999999960e-13, v0;
	_ =	sdelay $0x1  }
0x226: {  	v1 =	vshra.s32 v0, $0x1;
	v2 =	vmul.f32 $5.000000000e-01, v0  }
0x227: {  	v1 =	vsub.s32 $0x5F3759DF, v1  }
0x228: {  	v3 =	vmul.f32 v1, v2;
	_ =	sdelay $0x1  }
0x229: {  	v3 =	vmul.f32 v1, v3;
	_ =	sdelay $0x1  }
0x22a: {  	v3 =	vsub.f32 $1.500000000e+00, v3;
	_ =	sdelay $0x1  }
0x22b: {  	v1 =	vmul.f32 v1, v3;
	_ =	sdelay $0x1  }
0x22c: {  	v3 =	vmul.f32 v1, v2;
	_ =	sdelay $0x1  }
0x22d: {  	v3 =	vmul.f32 v3, v1;
	_ =	sdelay $0x1  }
0x22e: {  	v3 =	vsub.f32 $1.500000000e+00, v3;
	_ =	sdelay $0x1  }
0x22f: {  	v1 =	vmul.f32 v3, v1;
	_ =	sdelay $0x1  }
0x230: {  	v2 =	vmul.f32 v1, v2;
	_ =	sdelay $0x1  }
0x231: {  	v2 =	vmul.f32 v2, v1;
	_ =	sdelay $0x1  }
0x232: {  	v2 =	vsub.f32 $1.500000000e+00, v2;
	_ =	sdelay $0x1  }
0x233: {  	v1 =	vmul.f32 v2, v1;
	_ =	sdelay $0x1  }
0x234: {  	v0 =	vmul.f32 v1, v0;
	_ =	sdelay $0x1  }
0x235: {  	v0 =	vsub.f32 $0.0e+00, v0  }
0x236: {  	s23 =	sadd.s32 $0x10, s23  }
0x237: {  	[tilespmem:s23+$0x0] =	vst v0  }
0x238: {  	[hbm4b:s8+s1] =	stream.linear.scatter [tilespmem:s20], [sflag:$0x4], $0x200, $0x38;
	[tilespmem:$0xC800] =	vst v63  }
0x239: {  	_ =	swait.ge [sflag:s10], $0x200  }
0x23a: {  	v20 =	vld [tilespmem:$0x1FFB0]  }
0x23b: {  	v28 =	vld [tilespmem:$0x1FFC0]  }
0x23c: {  	v29 =	vld [tilespmem:$0x1FFD0]  }
0x23d: {  	v30 =	vld [tilespmem:$0x1FFE0]  }
0x23e: {  	v31 =	vld [tilespmem:$0x1FFF0]  }
0x23f: {  	v47 =	vld [tilespmem:$0x1FF50]  }
0x240: {  	v45 =	vld [tilespmem:$0x1FF40]  }
0x241: {  	v40 =	vld [tilespmem:$0x1FF30]  }
0x242: {  	v36 =	vld [tilespmem:$0x1FF20]  }
0x243: {  	v24 =	vld [tilespmem:$0x1FEF0]  }
0x244: {  	v23 =	vld [tilespmem:$0x1FEE0]  }
0x245: {  	v22 =	vld [tilespmem:$0x1FED0]  }
0x246: {  	v21 =	vld [tilespmem:$0x1FEC0]  }
0x247: {  	v25 =	vld [tilespmem:$0x1FF00]  }
0x248: {  	v18 =	vld [tilespmem:$0x1FE80]  }
0x249: {  	v27 =	vld [tilespmem:$0x1FF10]  }
0x24a: {  	v34 =	vld [tilespmem:$0x1FE90]  }
0x24b: {  	v35 =	vld [tilespmem:$0x1FEA0]  }
0x24c: {  	v32 =	vld [tilespmem:$0x1FE60]  }
0x24d: {  	v12 =	vld [tilespmem:$0x1FE50]  }
0x24e: {  	v15 =	vld [tilespmem:$0x1FE70]  }
0x24f: {  	s22 =	sadd.s32 $0x1, s22;
	v10 =	vld [tilespmem:$0x1FE40]  }
0x250: {  	p0 =	sne.s32 s22, s9;
	v2 =	vld [tilespmem:$0x1FF70]  }
.Ltmp1:
0x251: {  	v17 =	vld [tilespmem:$0x1FEB0];
	(pc) =	sbr.rel @p0 .LBB2_1-.Ltmp1, $4  }
0x252: {  	v1 =	vld [tilespmem:$0x1FF80]  }
0x253: {  	v3 =	vld [tilespmem:$0x1FF60]  }
0x254: {  	[sflag:s10] =	ssyncset.done $0x0;
	v4 =	vld [tilespmem:$0x1FF90]  }
0x255: {  	v5 =	vld [tilespmem:$0x1FFA0];
	[sflag:s10] =	ssyncadd.s32 $0xFFFFFE00  }
0x256: {  	_ =	sfence.sel $0x180000  }
0x257: {  	[bflag:$0x0] =	sbarrier.arrive $0xFFFF  }
0x258: {  	_ =	strace $0x9000004A  }
0x259: {  	s0 =	stileid.u32;
	[bflag:$0x2] =	sbarrier.arrive $0xFFFF  }
0x25a: {  	p0 =	sne.s32 s0, $0x0;
	s0 =	rddreg [dreg:$0x5]  }
0x25b: {  	s0 =	sadd.s32 @!p0 $0x100000, s0  }
0x25c: {  	[sflag:s0] =	ssyncadd.tile.s32 @!p0 $0x1;
	_ =	shalt  }
.Lfunc_end2:
_tile_overlayer_lowered:
.L_overlay_start_2:
0x25d: {  	(tag) =	ssettag $0x2  }
0x25e: {  	s0 =	rddreg [dreg:$0x0];
	s2 =	stileid.u32  }
0x25f: {  	s1 =	rddreg [dreg:$0x1];
	p0 =	sne.s32 s2, $0x0  }
0x260: {  	s3 =	rddreg [dreg:$0x2];
	[bflag:$0x3] =	sbarrier.arrive $0xFFFF;
	s2 =	simm.s32 @!p0 $0x1C04  }
0x261: {  	[timem:s3], [sflag:s2] =	dma.local @!p0 [hbm:s0], s1  }
0x262: {  	s0 =	simm.s32 @!p0 $0x4  }
0x263: {  	_ =	swait.ge @!p0 [sflag:s0], s1  }
0x264: {  	s1 =	ssub.s32 @!p0 $0x0, s1;
	[sflag:s0] =	ssyncset.done @!p0 $0x0  }
0x265: {  	[sflag:s0] =	ssyncadd.s32 @!p0 s1  }
0x266: {  	[bflag:$0x3] =	sbarrier.arrive $0xFFFF  }
0x267: {  	_ =	shalt  }

</sc_bundles>
